<compile_context>
chip_gen: v7x
topology: tpu7x:2x2x1
jax: 0.10.2.dev20260603
libtpu: 0.0.44.dev20260713+nightly
codegen_flags: <defaults>
</compile_context>

<pallas_src>
import functools

import jax
import jax.numpy as jnp
from jax import lax
from jax.experimental import pallas as pl
from jax.experimental.pallas import tpu as pltpu
from jax.experimental.pallas import tpu_sc as plsc

N = 10000
D = 256
DH = 128
NS = 16
NC = 2
L = 16
EC = 64
NPT = 640
NPAD = NS * NPT
NB = 624
SB = 16
PB = 14
PM = (1 << PB) - 1

_MESH = plsc.VectorSubcoreMesh(core_axis_name="c", subcore_axis_name="s")


def _rsqrt_newton(d):
    safe = jnp.where(d > 0.0, d, 1.0)
    y = 1.0 / safe
    for _ in range(22):
        y = 0.5 * y * (3.0 - safe * y * y)
    return jnp.where(d > 0.0, y, 0.0)


def _splat(val):
    return jnp.full((L,), val, jnp.int32)


def _prep_body(ch, pk_hbm, w_hbm, dinv_hbm, norm_hbm,
               pk_v, w_v, col_v, norm_v, slab_v, dinv_v, deg_sh, dinv_sh):
    c = lax.axis_index("c")
    s = lax.axis_index("s")

    @pl.when(c == 0)
    def _():
        pltpu.sync_copy(pk_hbm.at[s], pk_v)
        pltpu.sync_copy(w_hbm.at[s], w_v)

        @pl.when(s == 0)
        def _():
            def zb(i, carry):
                slab_v[pl.ds(i * L, L)] = jnp.zeros((L,), jnp.float32)
                return carry
            lax.fori_loop(0, NPT // L, zb, 0)

            def zcopy(t, carry):
                pltpu.sync_copy(slab_v, deg_sh.at[pl.ds(t * NPT, NPT)])
                return carry
            lax.fori_loop(0, NS, zcopy, 0)

        def upk(j, carry):
            for k in range(128 // L):
                sl = pl.ds(k * L, L)
                col_v[j, sl] = pk_v[j, sl] & PM
            return carry
        lax.fori_loop(0, ch, upk, 0)

        plsc.subcore_barrier()

        def addj(j, carry):
            pltpu.sync_copy(w_v.at[j], deg_sh.at[col_v.at[j]], add=True)
            return carry
        lax.fori_loop(0, ch, addj, 0)

        plsc.subcore_barrier()

        pltpu.sync_copy(deg_sh.at[pl.ds(s * NPT, NPT)], slab_v)

        def rs(i, carry):
            slab_v[pl.ds(i * L, L)] = _rsqrt_newton(slab_v[pl.ds(i * L, L)])
            return carry
        lax.fori_loop(0, NPT // L, rs, 0)

        pltpu.sync_copy(slab_v, dinv_hbm.at[pl.ds(s * NPT, NPT)])
        pltpu.sync_copy(slab_v, dinv_sh.at[pl.ds(s * NPT, NPT)])

        plsc.subcore_barrier()

        pltpu.sync_copy(dinv_sh, dinv_v)

        def nj(j, carry):
            for k in range(128 // L):
                sl = pl.ds(k * L, L)
                rv = lax.shift_right_logical(pk_v[j, sl], PB)
                g = plsc.load_gather(dinv_v, [rv])
                norm_v[j, sl] = g * w_v[j, sl]
            return carry
        lax.fori_loop(0, ch, nj, 0)

        pltpu.sync_copy(norm_v, norm_hbm.at[s])


def _prep(pk3, w3, ch):
    kfn = functools.partial(_prep_body, ch)
    return pl.kernel(
        kfn,
        out_type=(
            jax.ShapeDtypeStruct((NPAD,), jnp.float32),
            jax.ShapeDtypeStruct((NS, ch, 128), jnp.float32),
        ),
        mesh=_MESH,
        compiler_params=pltpu.CompilerParams(needs_layout_passes=False),
        scratch_types=[
            pltpu.VMEM((ch, 128), jnp.int32),
            pltpu.VMEM((ch, 128), jnp.float32),
            pltpu.VMEM((ch, 128), jnp.int32),
            pltpu.VMEM((ch, 128), jnp.float32),
            pltpu.VMEM((NPT,), jnp.float32),
            pltpu.VMEM((NPAD,), jnp.float32),
            pltpu.VMEM_SHARED((NPAD,), jnp.float32),
            pltpu.VMEM_SHARED((NPAD,), jnp.float32),
        ],
    )(pk3, w3)


def _mm_body(x_ref, w_ref, o_ref):
    o_ref[...] = jnp.dot(x_ref[...], w_ref[...],
                         preferred_element_type=jnp.float32)


def _matmul_half(x, wh):
    n = x.shape[0]
    blk = 400
    return pl.pallas_call(
        _mm_body,
        grid=(n // blk,),
        in_specs=[
            pl.BlockSpec((blk, D), lambda i: (i, 0)),
            pl.BlockSpec((D, DH), lambda i: (0, 0)),
        ],
        out_specs=pl.BlockSpec((blk, DH), lambda i: (i, 0)),
        out_shape=jax.ShapeDtypeStruct((n, DH), jnp.float32),
    )(x, wh)


def _agg_body(ch, h0, h1, pk_hbm, norm_hbm, dinv_hbm, b_hbm, out_hbm,
              pk_v, norm_v, b0, b1, b2, ri, ci, dinv_v, bv, acc_sh,
              g0, g1, g2, s0, s1, s2):
    c = lax.axis_index("c")
    s = lax.axis_index("s")
    bufs = (b0, b1, b2)
    gsems = (g0, g1, g2)
    ssems = (s0, s1, s2)
    base = s * NB
    nslab = jnp.where(s == NS - 1, (NB + N - NS * NB) // SB, NB // SB)

    def zr(r, carry):
        for k in range(DH // L):
            b0[r, pl.ds(k * L, L)] = jnp.zeros((L,), jnp.float32)
        return carry
    lax.fori_loop(0, SB, zr, 0)

    def zs(t, carry):
        pltpu.sync_copy(b0.at[pl.ds(0, SB)],
                        acc_sh.at[pl.ds(base + t * SB, SB)])
        return carry
    lax.fori_loop(0, nslab, zs, 0)

    plsc.subcore_barrier()

    pltpu.sync_copy(pk_hbm.at[s], pk_v)
    pltpu.sync_copy(norm_hbm.at[s], norm_v)

    def unpack(j, u):
        jrow = j // 2
        joff = (j % 2) * EC
        for k in range(EC // L):
            sl = pl.ds(k * L, L)
            v = pk_v[jrow, pl.ds(joff + k * L, L)]
            ri[u, sl] = lax.shift_right_logical(v, PB)
            ci[u, sl] = v & PM

    def gstart(u):
        @pl.when(c == 0)
        def _():
            pltpu.async_copy(h0.at[ri.at[u]], bufs[u], gsems[u])

        @pl.when(c == 1)
        def _():
            pltpu.async_copy(h1.at[ri.at[u]], bufs[u], gsems[u])

    def gwait(u):
        pltpu.make_async_copy(h0.at[ri.at[u]], bufs[u], gsems[u]).wait()

    def sstart(u):
        pltpu.async_copy(bufs[u], acc_sh.at[ci.at[u]], ssems[u], add=True)

    def swait(u):
        pltpu.make_async_copy(bufs[u], acc_sh.at[ci.at[u]], ssems[u]).wait()

    for u in range(3):
        unpack(u, u)
        gstart(u)

    nu = 2 * ch // 3

    vone = jnp.full((L,), 1, jnp.int32)

    def trip(t, carry):
        j = 3 * t
        for u in range(3):
            gwait(u)
            jj = j + u
            vjrow = _splat(jj // 2)
            vr0 = _splat((jj % 2) * EC)

            def rowb(i8, vr, u=u, vjrow=vjrow):
                for q in range(8):
                    r = i8 * 8 + q
                    nv = plsc.load_gather(norm_v, [vjrow, vr])
                    for k in range(DH // L):
                        sl = pl.ds(k * L, L)
                        bufs[u][r, sl] = bufs[u][r, sl] * nv
                    vr = vr + vone
                return vr
            lax.fori_loop(0, EC // 8, rowb, vr0)

            sstart(u)

        @pl.when(t + 1 < nu)
        def _():
            for u in range(3):
                swait(u)
                unpack(j + 3 + u, u)
                gstart(u)
        return carry
    lax.fori_loop(0, nu, trip, 0)

    for u in range(3):
        swait(u)

    plsc.subcore_barrier()

    pltpu.sync_copy(dinv_hbm.at[pl.ds(base, NPT)], dinv_v)
    pltpu.sync_copy(b_hbm.at[pl.ds(c * DH, DH)], bv)

    def eslab(t, carry):
        loff = t * SB
        off = base + loff
        pltpu.sync_copy(acc_sh.at[pl.ds(off, SB)], b0.at[pl.ds(0, SB)])

        def rowe(r, rcarry):
            dv = plsc.load_gather(dinv_v, [_splat(loff + r)])
            for k in range(DH // L):
                sl = pl.ds(k * L, L)
                b0[r, sl] = b0[r, sl] * dv + bv[sl]
            return rcarry
        lax.fori_loop(0, SB, rowe, 0)

        pltpu.sync_copy(b0.at[pl.ds(0, SB)],
                        out_hbm.at[pl.ds(off, SB), pl.ds(c * DH, DH)])
        return carry
    lax.fori_loop(0, nslab, eslab, 0)


def _agg(h0, h1, pk3, norm3, dinv, b, ch):
    kfn = functools.partial(_agg_body, ch)
    return pl.kernel(
        kfn,
        out_type=jax.ShapeDtypeStruct((N, D), jnp.float32),
        mesh=_MESH,
        compiler_params=pltpu.CompilerParams(needs_layout_passes=False),
        scratch_types=[
            pltpu.VMEM((ch, 128), jnp.int32),
            pltpu.VMEM((ch, 128), jnp.float32),
            pltpu.VMEM((EC, DH), jnp.float32),
            pltpu.VMEM((EC, DH), jnp.float32),
            pltpu.VMEM((EC, DH), jnp.float32),
            pltpu.VMEM((3, EC), jnp.int32),
            pltpu.VMEM((3, EC), jnp.int32),
            pltpu.VMEM((NPT,), jnp.float32),
            pltpu.VMEM((DH,), jnp.float32),
            pltpu.VMEM_SHARED((N, DH), jnp.float32),
            pltpu.SemaphoreType.DMA,
            pltpu.SemaphoreType.DMA,
            pltpu.SemaphoreType.DMA,
            pltpu.SemaphoreType.DMA,
            pltpu.SemaphoreType.DMA,
            pltpu.SemaphoreType.DMA,
        ],
    )(h0, h1, pk3, norm3, dinv, b)


def kernel(x, edge_idx, edge_weights, W, b):
    e = edge_weights.shape[0]
    etot = e + N
    blkw = NS * 128
    ch = -(-etot // blkw)
    ch = -(-ch // 3) * 3
    epad = ch * blkw - etot

    row = edge_idx[0].astype(jnp.int32)
    col = edge_idx[1].astype(jnp.int32)
    loop = jnp.arange(N, dtype=jnp.int32)
    zpad_i = jnp.zeros((epad,), jnp.int32)
    packed = jnp.concatenate([row * (PM + 1) + col,
                              loop * (PM + 1) + loop,
                              zpad_i]).reshape(NS, ch, 128)
    ws = jnp.concatenate([
        edge_weights.astype(jnp.float32),
        jnp.ones((N,), jnp.float32),
        jnp.zeros((epad,), jnp.float32),
    ]).reshape(NS, ch, 128)

    dinv, norm3 = _prep(packed, ws, ch)
    h0 = _matmul_half(x, W[:, :DH])
    h1 = _matmul_half(x, W[:, DH:])
    return _agg(h0, h1, packed, norm3, dinv, b, ch)

# --- scband reference (transcript-rebuilt; emitter-appended) ---
"""Pipeline reference for scband-gcnn-6279242187138 (READ-ONLY COPY).

The authoritative reference and input builder live on the scoring server;
editing this copy changes nothing except your own understanding.
"""

import jax, jax.numpy as jnp
import numpy as np

N_NODES = 10000
N_EDGES = 160000
D_IN = 256
D_OUT = 256

def setup_inputs(seed: int = 0) -> dict:
    key = jax.random.key(seed)
    k1, k2, k3, k4 = jax.random.split(key, 4)
    x = jax.random.normal(k1, (N_NODES, D_IN), dtype=jnp.float32)
    edge_idx = jax.random.randint(k2, (2, N_EDGES), 0, N_NODES, dtype=jnp.int64)
    edge_weights = jax.random.uniform(k3, (N_EDGES,), dtype=jnp.float32)
    # GCNConv linear weight (glorot) and bias (zeros), as in pyg.nn.GCNConv
    limit = float(np.sqrt(6.0 / (D_IN + D_OUT)))
    W = jax.random.uniform(k4, (D_IN, D_OUT), dtype=jnp.float32, minval=-limit, maxval=limit)
    b = jnp.zeros((D_OUT,), dtype=jnp.float32)
    return {"x": x, "edge_idx": edge_idx, "edge_weights": edge_weights, "W": W, "b": b}

def reference(x, edge_idx, edge_weights, W, b):
    # Faithful GCNConv: gcn_norm (add self-loops, symmetric normalization),
    # linear transform, scatter-add aggregation, bias.
    N = x.shape[0]
    row = edge_idx[0]
    col = edge_idx[1]
    loop = jnp.arange(N, dtype=edge_idx.dtype)
    row = jnp.concatenate([row, loop])
    col = jnp.concatenate([col, loop])
    w = jnp.concatenate([edge_weights, jnp.ones((N,), dtype=edge_weights.dtype)])
    # degree computed on destination (col) for flow source_to_target
    deg = jnp.zeros((N,), dtype=x.dtype).at[col].add(w)
    deg_inv_sqrt = jnp.where(deg > 0, deg ** -0.5, 0.0)
    norm = deg_inv_sqrt[row] * w * deg_inv_sqrt[col]
    h = x @ W
    msg = norm[:, None] * jnp.take(h, row, axis=0)
    out = jnp.zeros((N, h.shape[1]), dtype=x.dtype).at[col].add(msg)
    return out + b

if __name__ == "__main__":
    import jax
    _d = setup_inputs()
    print(jax.jit(kernel)(*tuple(_d.values())))

</pallas_src>

<mosaic_0001>
#map = affine_map<(d0, d1) -> (0, 0, 0)>
#map1 = affine_map<(d0, d1) -> (0)>
module attributes {stable_mosaic.version = 14 : i64} {
  func.func @_prep_body(%arg0: i32, %arg1: i32, %arg2: memref<16x84x128xi32, #tpu.memory_space<hbm>>, %arg3: memref<16x84x128xf32, #tpu.memory_space<hbm>>, %arg4: memref<10240xf32, #tpu.memory_space<hbm>>, %arg5: memref<16x84x128xf32, #tpu.memory_space<hbm>>, %arg6: memref<84x128xi32, #tpu.memory_space<vmem>>, %arg7: memref<84x128xf32, #tpu.memory_space<vmem>>, %arg8: memref<84x128xi32, #tpu.memory_space<vmem>>, %arg9: memref<84x128xf32, #tpu.memory_space<vmem>>, %arg10: memref<640xf32, #tpu.memory_space<vmem>>, %arg11: memref<10240xf32, #tpu.memory_space<vmem>>, %arg12: memref<10240xf32, #tpu.memory_space<vmem_shared>>, %arg13: memref<10240xf32, #tpu.memory_space<vmem_shared>>) attributes {dimension_semantics = [#tpu.dimension_semantics<core_parallel>, #tpu.dimension_semantics<subcore_parallel>], iteration_bounds = array<i64: 2, 16>, scalar_prefetch = 0 : i64, scratch_operands = 8 : i64, tpu.core_type = #tpu.core_type<sc_vector_subcore>, window_params = [{transform_indices = #map}, {transform_indices = #map}, {transform_indices = #map1}, {transform_indices = #map}]} {
    %eq3A = arith.constant 0 : i32
    %eq3A_0 = arith.cmpi eq, %arg0, %eq3A : i32
    %convert_element_type3A = arith.extui %eq3A_0 : i1 to i32
    %cond3A = arith.constant 0 : i32
    %cond3A_1 = arith.cmpi ne, %convert_element_type3A, %cond3A : i32
    scf.if %cond3A_1 {
      "tpu.region"() ({
        %run_scoped3A = tpu.sem_alloc : memref<!tpu.dma_semaphore, #tpu.memory_space<semaphore_mem>>
        %dma_start3A = arith.constant 0 : i32
        %dma_start3A_37 = arith.constant 0 : i32
        %dma_start3A_38 = tpu.memref_slice %arg2[%arg1, %dma_start3A, %dma_start3A_37] : memref<16x84x128xi32, #tpu.memory_space<hbm>> -> memref<1x84x128xi32, #tpu.memory_space<hbm>>
        %dma_start3A_39 = tpu.memref_squeeze %dma_start3A_38 : memref<1x84x128xi32, #tpu.memory_space<hbm>> -> memref<84x128xi32, #tpu.memory_space<hbm>>
        %dma_start3A_40 = arith.constant 0 : i32
        %dma_start3A_41 = arith.constant 0 : i32
        %dma_start3A_42 = tpu.memref_slice %arg2[%arg1, %dma_start3A_40, %dma_start3A_41] : memref<16x84x128xi32, #tpu.memory_space<hbm>> -> memref<1x84x128xi32, #tpu.memory_space<hbm>>
        %dma_start3A_43 = tpu.memref_squeeze %dma_start3A_42 : memref<1x84x128xi32, #tpu.memory_space<hbm>> -> memref<84x128xi32, #tpu.memory_space<hbm>>
        tpu.enqueue_dma source(%dma_start3A_43 : memref<84x128xi32, #tpu.memory_space<hbm>>) target(%arg6 : memref<84x128xi32, #tpu.memory_space<vmem>>) target_semaphore(%run_scoped3A : memref<!tpu.dma_semaphore, #tpu.memory_space<semaphore_mem>>)
        %dma_wait3A = arith.constant 0 : i32
        %dma_wait3A_44 = arith.constant 0 : i32
        %dma_wait3A_45 = tpu.memref_slice %arg2[%arg1, %dma_wait3A, %dma_wait3A_44] : memref<16x84x128xi32, #tpu.memory_space<hbm>> -> memref<1x84x128xi32, #tpu.memory_space<hbm>>
        %dma_wait3A_46 = tpu.memref_squeeze %dma_wait3A_45 : memref<1x84x128xi32, #tpu.memory_space<hbm>> -> memref<84x128xi32, #tpu.memory_space<hbm>>
        %dma_wait3A_47 = arith.constant 0 : i32
        %dma_wait3A_48 = arith.constant 0 : i32
        %dma_wait3A_49 = tpu.memref_slice %arg2[%arg1, %dma_wait3A_47, %dma_wait3A_48] : memref<16x84x128xi32, #tpu.memory_space<hbm>> -> memref<1x84x128xi32, #tpu.memory_space<hbm>>
        %dma_wait3A_50 = tpu.memref_squeeze %dma_wait3A_49 : memref<1x84x128xi32, #tpu.memory_space<hbm>> -> memref<84x128xi32, #tpu.memory_space<hbm>>
        tpu.wait_dma2 semaphore(%run_scoped3A : memref<!tpu.dma_semaphore, #tpu.memory_space<semaphore_mem>>) src(%dma_wait3A_50 : memref<84x128xi32, #tpu.memory_space<hbm>>) dst(%arg6 : memref<84x128xi32, #tpu.memory_space<vmem>>)
        tpu.yield
      }) : () -> ()
      "tpu.region"() ({
        %run_scoped3A = tpu.sem_alloc : memref<!tpu.dma_semaphore, #tpu.memory_space<semaphore_mem>>
        %dma_start3A = arith.constant 0 : i32
        %dma_start3A_37 = arith.constant 0 : i32
        %dma_start3A_38 = tpu.memref_slice %arg3[%arg1, %dma_start3A, %dma_start3A_37] : memref<16x84x128xf32, #tpu.memory_space<hbm>> -> memref<1x84x128xf32, #tpu.memory_space<hbm>>
        %dma_start3A_39 = tpu.memref_squeeze %dma_start3A_38 : memref<1x84x128xf32, #tpu.memory_space<hbm>> -> memref<84x128xf32, #tpu.memory_space<hbm>>
        %dma_start3A_40 = arith.constant 0 : i32
        %dma_start3A_41 = arith.constant 0 : i32
        %dma_start3A_42 = tpu.memref_slice %arg3[%arg1, %dma_start3A_40, %dma_start3A_41] : memref<16x84x128xf32, #tpu.memory_space<hbm>> -> memref<1x84x128xf32, #tpu.memory_space<hbm>>
        %dma_start3A_43 = tpu.memref_squeeze %dma_start3A_42 : memref<1x84x128xf32, #tpu.memory_space<hbm>> -> memref<84x128xf32, #tpu.memory_space<hbm>>
        tpu.enqueue_dma source(%dma_start3A_43 : memref<84x128xf32, #tpu.memory_space<hbm>>) target(%arg7 : memref<84x128xf32, #tpu.memory_space<vmem>>) target_semaphore(%run_scoped3A : memref<!tpu.dma_semaphore, #tpu.memory_space<semaphore_mem>>)
        %dma_wait3A = arith.constant 0 : i32
        %dma_wait3A_44 = arith.constant 0 : i32
        %dma_wait3A_45 = tpu.memref_slice %arg3[%arg1, %dma_wait3A, %dma_wait3A_44] : memref<16x84x128xf32, #tpu.memory_space<hbm>> -> memref<1x84x128xf32, #tpu.memory_space<hbm>>
        %dma_wait3A_46 = tpu.memref_squeeze %dma_wait3A_45 : memref<1x84x128xf32, #tpu.memory_space<hbm>> -> memref<84x128xf32, #tpu.memory_space<hbm>>
        %dma_wait3A_47 = arith.constant 0 : i32
        %dma_wait3A_48 = arith.constant 0 : i32
        %dma_wait3A_49 = tpu.memref_slice %arg3[%arg1, %dma_wait3A_47, %dma_wait3A_48] : memref<16x84x128xf32, #tpu.memory_space<hbm>> -> memref<1x84x128xf32, #tpu.memory_space<hbm>>
        %dma_wait3A_50 = tpu.memref_squeeze %dma_wait3A_49 : memref<1x84x128xf32, #tpu.memory_space<hbm>> -> memref<84x128xf32, #tpu.memory_space<hbm>>
        tpu.wait_dma2 semaphore(%run_scoped3A : memref<!tpu.dma_semaphore, #tpu.memory_space<semaphore_mem>>) src(%dma_wait3A_50 : memref<84x128xf32, #tpu.memory_space<hbm>>) dst(%arg7 : memref<84x128xf32, #tpu.memory_space<vmem>>)
        tpu.yield
      }) : () -> ()
      %eq3A_2 = arith.constant 0 : i32
      %eq3A_3 = arith.cmpi eq, %arg1, %eq3A_2 : i32
      %convert_element_type3A_4 = arith.extui %eq3A_3 : i1 to i32
      %cond3A_5 = arith.constant 0 : i32
      %cond3A_6 = arith.cmpi ne, %convert_element_type3A_4, %cond3A_5 : i32
      scf.if %cond3A_6 {
        %scan3A_37 = arith.constant 0 : i32
        %scan3A_38 = arith.constant 0 : i32
        %scan3A_39 = arith.constant 40 : i32
        %scan3A_40 = arith.addi %scan3A_38, %scan3A_39 : i32
        %scan3A_41 = arith.constant 1 : i32
        scf.for %scan3A_49 = %scan3A_38 to %scan3A_40 step %scan3A_41  : i32 {
          %broadcast_in_dim3A = arith.constant 0.000000e+00 : f32
          %broadcast_in_dim3A_50 = vector.broadcast %broadcast_in_dim3A : f32 to vector<16xf32>
          %mul3A_51 = arith.constant 16 : i32
          %mul3A_52 = arith.muli %scan3A_49, %mul3A_51 : i32
          %swap3A = arith.index_cast %mul3A_52 : i32 to index
          %swap3A_53 = tpu.vector_load %arg10[%swap3A] {strides = array<i32>} : memref<640xf32, #tpu.memory_space<vmem>>, vector<16xf32>,
          tpu.vector_store %arg10[%swap3A], %broadcast_in_dim3A_50 {strides = array<i32>} : memref<640xf32, #tpu.memory_space<vmem>>, vector<16xf32>,
        }
        %scan3A_42 = arith.constant 40 : i32
        %scan3A_43 = arith.constant 0 : i32
        %scan3A_44 = arith.constant 0 : i32
        %scan3A_45 = arith.constant 16 : i32
        %scan3A_46 = arith.addi %scan3A_44, %scan3A_45 : i32
        %scan3A_47 = arith.constant 1 : i32
        scf.for %scan3A_49 = %scan3A_44 to %scan3A_46 step %scan3A_47  : i32 {
          %mul3A_50 = arith.constant 640 : i32
          %mul3A_51 = arith.muli %scan3A_49, %mul3A_50 : i32
          "tpu.region"() ({
            %run_scoped3A = tpu.sem_alloc : memref<!tpu.dma_semaphore, #tpu.memory_space<semaphore_mem>>
            %dma_start3A = tpu.memref_slice %arg12[%mul3A_51] : memref<10240xf32, #tpu.memory_space<vmem_shared>> -> memref<640xf32, #tpu.memory_space<vmem_shared>>
            %dma_start3A_52 = tpu.memref_slice %arg12[%mul3A_51] : memref<10240xf32, #tpu.memory_space<vmem_shared>> -> memref<640xf32, #tpu.memory_space<vmem_shared>>
            tpu.enqueue_dma source(%arg10 : memref<640xf32, #tpu.memory_space<vmem>>) target(%dma_start3A_52 : memref<640xf32, #tpu.memory_space<vmem_shared>>) target_semaphore(%run_scoped3A : memref<!tpu.dma_semaphore, #tpu.memory_space<semaphore_mem>>)
            %dma_wait3A = tpu.memref_slice %arg12[%mul3A_51] : memref<10240xf32, #tpu.memory_space<vmem_shared>> -> memref<640xf32, #tpu.memory_space<vmem_shared>>
            %dma_wait3A_53 = tpu.memref_slice %arg12[%mul3A_51] : memref<10240xf32, #tpu.memory_space<vmem_shared>> -> memref<640xf32, #tpu.memory_space<vmem_shared>>
            tpu.wait_dma2 semaphore(%run_scoped3A : memref<!tpu.dma_semaphore, #tpu.memory_space<semaphore_mem>>) src(%arg10 : memref<640xf32, #tpu.memory_space<vmem>>) dst(%dma_wait3A_53 : memref<640xf32, #tpu.memory_space<vmem_shared>>)
            tpu.yield
          }) : () -> ()
        }
        %scan3A_48 = arith.constant 16 : i32
      } else {
      }
      %scan3A = arith.constant 0 : i32
      %scan3A_7 = arith.constant 0 : i32
      %scan3A_8 = arith.constant 84 : i32
      %scan3A_9 = arith.addi %scan3A_7, %scan3A_8 : i32
      %scan3A_10 = arith.constant 1 : i32
      scf.for %scan3A_37 = %scan3A_7 to %scan3A_9 step %scan3A_10  : i32 {
        %get3A = arith.index_cast %scan3A_37 : i32 to index
        %get3A_38 = arith.constant 0 : index
        %get3A_39 = tpu.vector_load %arg6[%get3A, %get3A_38] {strides = array<i32>} : memref<84x128xi32, #tpu.memory_space<vmem>>, vector<16xi32>,
        %and3A = arith.constant 16383 : i32
        %and3A_40 = vector.broadcast %and3A : i32 to vector<16xi32>
        %and3A_41 = arith.andi %get3A_39, %and3A_40 : vector<16xi32>
        %swap3A = arith.index_cast %scan3A_37 : i32 to index
        %swap3A_42 = arith.constant 0 : index
        %swap3A_43 = tpu.vector_load %arg8[%swap3A, %swap3A_42] {strides = array<i32>} : memref<84x128xi32, #tpu.memory_space<vmem>>, vector<16xi32>,
        tpu.vector_store %arg8[%swap3A, %swap3A_42], %and3A_41 {strides = array<i32>} : memref<84x128xi32, #tpu.memory_space<vmem>>, vector<16xi32>,
        %get3A_44 = arith.index_cast %scan3A_37 : i32 to index
        %get3A_45 = arith.constant 16 : index
        %get3A_46 = tpu.vector_load %arg6[%get3A_44, %get3A_45] {strides = array<i32>} : memref<84x128xi32, #tpu.memory_space<vmem>>, vector<16xi32>,
        %and3A_47 = arith.constant 16383 : i32
        %and3A_48 = vector.broadcast %and3A_47 : i32 to vector<16xi32>
        %and3A_49 = arith.andi %get3A_46, %and3A_48 : vector<16xi32>
        %swap3A_50 = arith.index_cast %scan3A_37 : i32 to index
        %swap3A_51 = arith.constant 16 : index
        %swap3A_52 = tpu.vector_load %arg8[%swap3A_50, %swap3A_51] {strides = array<i32>} : memref<84x128xi32, #tpu.memory_space<vmem>>, vector<16xi32>,
        tpu.vector_store %arg8[%swap3A_50, %swap3A_51], %and3A_49 {strides = array<i32>} : memref<84x128xi32, #tpu.memory_space<vmem>>, vector<16xi32>,
        %get3A_53 = arith.index_cast %scan3A_37 : i32 to index
        %get3A_54 = arith.constant 32 : index
        %get3A_55 = tpu.vector_load %arg6[%get3A_53, %get3A_54] {strides = array<i32>} : memref<84x128xi32, #tpu.memory_space<vmem>>, vector<16xi32>,
        %and3A_56 = arith.constant 16383 : i32
        %and3A_57 = vector.broadcast %and3A_56 : i32 to vector<16xi32>
        %and3A_58 = arith.andi %get3A_55, %and3A_57 : vector<16xi32>
        %swap3A_59 = arith.index_cast %scan3A_37 : i32 to index
        %swap3A_60 = arith.constant 32 : index
        %swap3A_61 = tpu.vector_load %arg8[%swap3A_59, %swap3A_60] {strides = array<i32>} : memref<84x128xi32, #tpu.memory_space<vmem>>, vector<16xi32>,
        tpu.vector_store %arg8[%swap3A_59, %swap3A_60], %and3A_58 {strides = array<i32>} : memref<84x128xi32, #tpu.memory_space<vmem>>, vector<16xi32>,
        %get3A_62 = arith.index_cast %scan3A_37 : i32 to index
        %get3A_63 = arith.constant 48 : index
        %get3A_64 = tpu.vector_load %arg6[%get3A_62, %get3A_63] {strides = array<i32>} : memref<84x128xi32, #tpu.memory_space<vmem>>, vector<16xi32>,
        %and3A_65 = arith.constant 16383 : i32
        %and3A_66 = vector.broadcast %and3A_65 : i32 to vector<16xi32>
        %and3A_67 = arith.andi %get3A_64, %and3A_66 : vector<16xi32>
        %swap3A_68 = arith.index_cast %scan3A_37 : i32 to index
        %swap3A_69 = arith.constant 48 : index
        %swap3A_70 = tpu.vector_load %arg8[%swap3A_68, %swap3A_69] {strides = array<i32>} : memref<84x128xi32, #tpu.memory_space<vmem>>, vector<16xi32>,
        tpu.vector_store %arg8[%swap3A_68, %swap3A_69], %and3A_67 {strides = array<i32>} : memref<84x128xi32, #tpu.memory_space<vmem>>, vector<16xi32>,
        %get3A_71 = arith.index_cast %scan3A_37 : i32 to index
        %get3A_72 = arith.constant 64 : index
        %get3A_73 = tpu.vector_load %arg6[%get3A_71, %get3A_72] {strides = array<i32>} : memref<84x128xi32, #tpu.memory_space<vmem>>, vector<16xi32>,
        %and3A_74 = arith.constant 16383 : i32
        %and3A_75 = vector.broadcast %and3A_74 : i32 to vector<16xi32>
        %and3A_76 = arith.andi %get3A_73, %and3A_75 : vector<16xi32>
        %swap3A_77 = arith.index_cast %scan3A_37 : i32 to index
        %swap3A_78 = arith.constant 64 : index
        %swap3A_79 = tpu.vector_load %arg8[%swap3A_77, %swap3A_78] {strides = array<i32>} : memref<84x128xi32, #tpu.memory_space<vmem>>, vector<16xi32>,
        tpu.vector_store %arg8[%swap3A_77, %swap3A_78], %and3A_76 {strides = array<i32>} : memref<84x128xi32, #tpu.memory_space<vmem>>, vector<16xi32>,
        %get3A_80 = arith.index_cast %scan3A_37 : i32 to index
        %get3A_81 = arith.constant 80 : index
        %get3A_82 = tpu.vector_load %arg6[%get3A_80, %get3A_81] {strides = array<i32>} : memref<84x128xi32, #tpu.memory_space<vmem>>, vector<16xi32>,
        %and3A_83 = arith.constant 16383 : i32
        %and3A_84 = vector.broadcast %and3A_83 : i32 to vector<16xi32>
        %and3A_85 = arith.andi %get3A_82, %and3A_84 : vector<16xi32>
        %swap3A_86 = arith.index_cast %scan3A_37 : i32 to index
        %swap3A_87 = arith.constant 80 : index
        %swap3A_88 = tpu.vector_load %arg8[%swap3A_86, %swap3A_87] {strides = array<i32>} : memref<84x128xi32, #tpu.memory_space<vmem>>, vector<16xi32>,
        tpu.vector_store %arg8[%swap3A_86, %swap3A_87], %and3A_85 {strides = array<i32>} : memref<84x128xi32, #tpu.memory_space<vmem>>, vector<16xi32>,
        %get3A_89 = arith.index_cast %scan3A_37 : i32 to index
        %get3A_90 = arith.constant 96 : index
        %get3A_91 = tpu.vector_load %arg6[%get3A_89, %get3A_90] {strides = array<i32>} : memref<84x128xi32, #tpu.memory_space<vmem>>, vector<16xi32>,
        %and3A_92 = arith.constant 16383 : i32
        %and3A_93 = vector.broadcast %and3A_92 : i32 to vector<16xi32>
        %and3A_94 = arith.andi %get3A_91, %and3A_93 : vector<16xi32>
        %swap3A_95 = arith.index_cast %scan3A_37 : i32 to index
        %swap3A_96 = arith.constant 96 : index
        %swap3A_97 = tpu.vector_load %arg8[%swap3A_95, %swap3A_96] {strides = array<i32>} : memref<84x128xi32, #tpu.memory_space<vmem>>, vector<16xi32>,
        tpu.vector_store %arg8[%swap3A_95, %swap3A_96], %and3A_94 {strides = array<i32>} : memref<84x128xi32, #tpu.memory_space<vmem>>, vector<16xi32>,
        %get3A_98 = arith.index_cast %scan3A_37 : i32 to index
        %get3A_99 = arith.constant 112 : index
        %get3A_100 = tpu.vector_load %arg6[%get3A_98, %get3A_99] {strides = array<i32>} : memref<84x128xi32, #tpu.memory_space<vmem>>, vector<16xi32>,
        %and3A_101 = arith.constant 16383 : i32
        %and3A_102 = vector.broadcast %and3A_101 : i32 to vector<16xi32>
        %and3A_103 = arith.andi %get3A_100, %and3A_102 : vector<16xi32>
        %swap3A_104 = arith.index_cast %scan3A_37 : i32 to index
        %swap3A_105 = arith.constant 112 : index
        %swap3A_106 = tpu.vector_load %arg8[%swap3A_104, %swap3A_105] {strides = array<i32>} : memref<84x128xi32, #tpu.memory_space<vmem>>, vector<16xi32>,
        tpu.vector_store %arg8[%swap3A_104, %swap3A_105], %and3A_103 {strides = array<i32>} : memref<84x128xi32, #tpu.memory_space<vmem>>, vector<16xi32>,
      }
      %scan3A_11 = arith.constant 84 : i32
      %barrier3A = arith.constant 0 : index
      tpu.barrier barrier_id(%barrier3A)
      %scan3A_12 = arith.constant 0 : i32
      %scan3A_13 = arith.constant 0 : i32
      %scan3A_14 = arith.constant 84 : i32
      %scan3A_15 = arith.addi %scan3A_13, %scan3A_14 : i32
      %scan3A_16 = arith.constant 1 : i32
      scf.for %scan3A_37 = %scan3A_13 to %scan3A_15 step %scan3A_16  : i32 {
        "tpu.region"() ({
          %run_scoped3A = tpu.sem_alloc : memref<!tpu.dma_semaphore, #tpu.memory_space<semaphore_mem>>
          %dma_start3A = arith.constant 0 : i32
          %dma_start3A_38 = tpu.memref_slice %arg7[%scan3A_37, %dma_start3A] : memref<84x128xf32, #tpu.memory_space<vmem>> -> memref<1x128xf32, #tpu.memory_space<vmem>>
          %dma_start3A_39 = tpu.memref_squeeze %dma_start3A_38 : memref<1x128xf32, #tpu.memory_space<vmem>> -> memref<128xf32, #tpu.memory_space<vmem>>
          %dma_start3A_40 = arith.constant 0 : i32
          %dma_start3A_41 = tpu.memref_slice %arg8[%scan3A_37, %dma_start3A_40] : memref<84x128xi32, #tpu.memory_space<vmem>> -> memref<1x128xi32, #tpu.memory_space<vmem>>
          %dma_start3A_42 = tpu.memref_squeeze %dma_start3A_41 : memref<1x128xi32, #tpu.memory_space<vmem>> -> memref<128xi32, #tpu.memory_space<vmem>>
          %dma_start3A_43 = arith.constant 0 : i32
          %dma_start3A_44 = tpu.memref_slice %arg12[%dma_start3A_43] : memref<10240xf32, #tpu.memory_space<vmem_shared>> -> memref<10240xf32, #tpu.memory_space<vmem_shared>>
          tpu.enqueue_indirect_dma source(%dma_start3A_39 : memref<128xf32, #tpu.memory_space<vmem>>) target(%dma_start3A_44 : memref<10240xf32, #tpu.memory_space<vmem_shared>>) offsets(%dma_start3A_42 : memref<128xi32, #tpu.memory_space<vmem>>) semaphore(%run_scoped3A : memref<!tpu.dma_semaphore, #tpu.memory_space<semaphore_mem>>) {add = true}
          %dma_wait3A = arith.constant 0 : i32
          %dma_wait3A_45 = tpu.memref_slice %arg7[%scan3A_37, %dma_wait3A] : memref<84x128xf32, #tpu.memory_space<vmem>> -> memref<1x128xf32, #tpu.memory_space<vmem>>
          %dma_wait3A_46 = tpu.memref_squeeze %dma_wait3A_45 : memref<1x128xf32, #tpu.memory_space<vmem>> -> memref<128xf32, #tpu.memory_space<vmem>>
          %dma_wait3A_47 = arith.constant 0 : i32
          %dma_wait3A_48 = tpu.memref_slice %arg8[%scan3A_37, %dma_wait3A_47] : memref<84x128xi32, #tpu.memory_space<vmem>> -> memref<1x128xi32, #tpu.memory_space<vmem>>
          %dma_wait3A_49 = tpu.memref_squeeze %dma_wait3A_48 : memref<1x128xi32, #tpu.memory_space<vmem>> -> memref<128xi32, #tpu.memory_space<vmem>>
          %dma_wait3A_50 = arith.constant 0 : i32
          %dma_wait3A_51 = tpu.memref_slice %arg12[%dma_wait3A_50] : memref<10240xf32, #tpu.memory_space<vmem_shared>> -> memref<10240xf32, #tpu.memory_space<vmem_shared>>
          tpu.wait_indirect_dma semaphore(%run_scoped3A : memref<!tpu.dma_semaphore, #tpu.memory_space<semaphore_mem>>) src(%dma_wait3A_46 : memref<128xf32, #tpu.memory_space<vmem>>) dst(%dma_wait3A_51 : memref<10240xf32, #tpu.memory_space<vmem_shared>>)
          tpu.yield
        }) : () -> ()
      }
      %scan3A_17 = arith.constant 84 : i32
      %barrier3A_18 = arith.constant 0 : index
      tpu.barrier barrier_id(%barrier3A_18)
      %mul3A = arith.constant 640 : i32
      %mul3A_19 = arith.muli %arg1, %mul3A : i32
      "tpu.region"() ({
        %run_scoped3A = tpu.sem_alloc : memref<!tpu.dma_semaphore, #tpu.memory_space<semaphore_mem>>
        %dma_start3A = tpu.memref_slice %arg12[%mul3A_19] : memref<10240xf32, #tpu.memory_space<vmem_shared>> -> memref<640xf32, #tpu.memory_space<vmem_shared>>
        %dma_start3A_37 = tpu.memref_slice %arg12[%mul3A_19] : memref<10240xf32, #tpu.memory_space<vmem_shared>> -> memref<640xf32, #tpu.memory_space<vmem_shared>>
        tpu.enqueue_dma source(%dma_start3A_37 : memref<640xf32, #tpu.memory_space<vmem_shared>>) target(%arg10 : memref<640xf32, #tpu.memory_space<vmem>>) target_semaphore(%run_scoped3A : memref<!tpu.dma_semaphore, #tpu.memory_space<semaphore_mem>>)
        %dma_wait3A = tpu.memref_slice %arg12[%mul3A_19] : memref<10240xf32, #tpu.memory_space<vmem_shared>> -> memref<640xf32, #tpu.memory_space<vmem_shared>>
        %dma_wait3A_38 = tpu.memref_slice %arg12[%mul3A_19] : memref<10240xf32, #tpu.memory_space<vmem_shared>> -> memref<640xf32, #tpu.memory_space<vmem_shared>>
        tpu.wait_dma2 semaphore(%run_scoped3A : memref<!tpu.dma_semaphore, #tpu.memory_space<semaphore_mem>>) src(%dma_wait3A_38 : memref<640xf32, #tpu.memory_space<vmem_shared>>) dst(%arg10 : memref<640xf32, #tpu.memory_space<vmem>>)
        tpu.yield
      }) : () -> ()
      %scan3A_20 = arith.constant 0 : i32
      %scan3A_21 = arith.constant 0 : i32
      %scan3A_22 = arith.constant 40 : i32
      %scan3A_23 = arith.addi %scan3A_21, %scan3A_22 : i32
      %scan3A_24 = arith.constant 1 : i32
      scf.for %scan3A_37 = %scan3A_21 to %scan3A_23 step %scan3A_24  : i32 {
        %mul3A_38 = arith.constant 16 : i32
        %mul3A_39 = arith.muli %scan3A_37, %mul3A_38 : i32
        %get3A = arith.index_cast %mul3A_39 : i32 to index
        %get3A_40 = tpu.vector_load %arg10[%get3A] {strides = array<i32>} : memref<640xf32, #tpu.memory_space<vmem>>, vector<16xf32>,
        %gt3A = arith.constant 0.000000e+00 : f32
        %gt3A_41 = vector.broadcast %gt3A : f32 to vector<16xf32>
        %gt3A_42 = arith.cmpf ogt, %get3A_40, %gt3A_41 : vector<16xf32>
        %jit3A = arith.constant 1.000000e+00 : f32
        %broadcast_in_dim3A = vector.broadcast %jit3A : f32 to vector<16xf32>
        %select_n3A = arith.select %gt3A_42, %get3A_40, %broadcast_in_dim3A : vector<16xi1>, vector<16xf32>
        %div3A = arith.constant 1.000000e+00 : f32
        %div3A_43 = vector.broadcast %div3A : f32 to vector<16xf32>
        %div3A_44 = arith.divf %div3A_43, %select_n3A : vector<16xf32>
        %mul3A_45 = arith.constant 5.000000e-01 : f32
        %mul3A_46 = vector.broadcast %mul3A_45 : f32 to vector<16xf32>
        %mul3A_47 = arith.mulf %mul3A_46, %div3A_44 : vector<16xf32>
        %mul3A_48 = arith.mulf %select_n3A, %div3A_44 : vector<16xf32>
        %mul3A_49 = arith.mulf %mul3A_48, %div3A_44 : vector<16xf32>
        %sub3A = arith.constant 3.000000e+00 : f32
        %sub3A_50 = vector.broadcast %sub3A : f32 to vector<16xf32>
        %sub3A_51 = arith.subf %sub3A_50, %mul3A_49 : vector<16xf32>
        %mul3A_52 = arith.mulf %mul3A_47, %sub3A_51 : vector<16xf32>
        %mul3A_53 = arith.constant 5.000000e-01 : f32
        %mul3A_54 = vector.broadcast %mul3A_53 : f32 to vector<16xf32>
        %mul3A_55 = arith.mulf %mul3A_54, %mul3A_52 : vector<16xf32>
        %mul3A_56 = arith.mulf %select_n3A, %mul3A_52 : vector<16xf32>
        %mul3A_57 = arith.mulf %mul3A_56, %mul3A_52 : vector<16xf32>
        %sub3A_58 = arith.constant 3.000000e+00 : f32
        %sub3A_59 = vector.broadcast %sub3A_58 : f32 to vector<16xf32>
        %sub3A_60 = arith.subf %sub3A_59, %mul3A_57 : vector<16xf32>
        %mul3A_61 = arith.mulf %mul3A_55, %sub3A_60 : vector<16xf32>
        %mul3A_62 = arith.constant 5.000000e-01 : f32
        %mul3A_63 = vector.broadcast %mul3A_62 : f32 to vector<16xf32>
        %mul3A_64 = arith.mulf %mul3A_63, %mul3A_61 : vector<16xf32>
        %mul3A_65 = arith.mulf %select_n3A, %mul3A_61 : vector<16xf32>
        %mul3A_66 = arith.mulf %mul3A_65, %mul3A_61 : vector<16xf32>
        %sub3A_67 = arith.constant 3.000000e+00 : f32
        %sub3A_68 = vector.broadcast %sub3A_67 : f32 to vector<16xf32>
        %sub3A_69 = arith.subf %sub3A_68, %mul3A_66 : vector<16xf32>
        %mul3A_70 = arith.mulf %mul3A_64, %sub3A_69 : vector<16xf32>
        %mul3A_71 = arith.constant 5.000000e-01 : f32
        %mul3A_72 = vector.broadcast %mul3A_71 : f32 to vector<16xf32>
        %mul3A_73 = arith.mulf %mul3A_72, %mul3A_70 : vector<16xf32>
        %mul3A_74 = arith.mulf %select_n3A, %mul3A_70 : vector<16xf32>
        %mul3A_75 = arith.mulf %mul3A_74, %mul3A_70 : vector<16xf32>
        %sub3A_76 = arith.constant 3.000000e+00 : f32
        %sub3A_77 = vector.broadcast %sub3A_76 : f32 to vector<16xf32>
        %sub3A_78 = arith.subf %sub3A_77, %mul3A_75 : vector<16xf32>
        %mul3A_79 = arith.mulf %mul3A_73, %sub3A_78 : vector<16xf32>
        %mul3A_80 = arith.constant 5.000000e-01 : f32
        %mul3A_81 = vector.broadcast %mul3A_80 : f32 to vector<16xf32>
        %mul3A_82 = arith.mulf %mul3A_81, %mul3A_79 : vector<16xf32>
        %mul3A_83 = arith.mulf %select_n3A, %mul3A_79 : vector<16xf32>
        %mul3A_84 = arith.mulf %mul3A_83, %mul3A_79 : vector<16xf32>
        %sub3A_85 = arith.constant 3.000000e+00 : f32
        %sub3A_86 = vector.broadcast %sub3A_85 : f32 to vector<16xf32>
        %sub3A_87 = arith.subf %sub3A_86, %mul3A_84 : vector<16xf32>
        %mul3A_88 = arith.mulf %mul3A_82, %sub3A_87 : vector<16xf32>
        %mul3A_89 = arith.constant 5.000000e-01 : f32
        %mul3A_90 = vector.broadcast %mul3A_89 : f32 to vector<16xf32>
        %mul3A_91 = arith.mulf %mul3A_90, %mul3A_88 : vector<16xf32>
        %mul3A_92 = arith.mulf %select_n3A, %mul3A_88 : vector<16xf32>
        %mul3A_93 = arith.mulf %mul3A_92, %mul3A_88 : vector<16xf32>
        %sub3A_94 = arith.constant 3.000000e+00 : f32
        %sub3A_95 = vector.broadcast %sub3A_94 : f32 to vector<16xf32>
        %sub3A_96 = arith.subf %sub3A_95, %mul3A_93 : vector<16xf32>
        %mul3A_97 = arith.mulf %mul3A_91, %sub3A_96 : vector<16xf32>
        %mul3A_98 = arith.constant 5.000000e-01 : f32
        %mul3A_99 = vector.broadcast %mul3A_98 : f32 to vector<16xf32>
        %mul3A_100 = arith.mulf %mul3A_99, %mul3A_97 : vector<16xf32>
        %mul3A_101 = arith.mulf %select_n3A, %mul3A_97 : vector<16xf32>
        %mul3A_102 = arith.mulf %mul3A_101, %mul3A_97 : vector<16xf32>
        %sub3A_103 = arith.constant 3.000000e+00 : f32
        %sub3A_104 = vector.broadcast %sub3A_103 : f32 to vector<16xf32>
        %sub3A_105 = arith.subf %sub3A_104, %mul3A_102 : vector<16xf32>
        %mul3A_106 = arith.mulf %mul3A_100, %sub3A_105 : vector<16xf32>
        %mul3A_107 = arith.constant 5.000000e-01 : f32
        %mul3A_108 = vector.broadcast %mul3A_107 : f32 to vector<16xf32>
        %mul3A_109 = arith.mulf %mul3A_108, %mul3A_106 : vector<16xf32>
        %mul3A_110 = arith.mulf %select_n3A, %mul3A_106 : vector<16xf32>
        %mul3A_111 = arith.mulf %mul3A_110, %mul3A_106 : vector<16xf32>
        %sub3A_112 = arith.constant 3.000000e+00 : f32
        %sub3A_113 = vector.broadcast %sub3A_112 : f32 to vector<16xf32>
        %sub3A_114 = arith.subf %sub3A_113, %mul3A_111 : vector<16xf32>
        %mul3A_115 = arith.mulf %mul3A_109, %sub3A_114 : vector<16xf32>
        %mul3A_116 = arith.constant 5.000000e-01 : f32
        %mul3A_117 = vector.broadcast %mul3A_116 : f32 to vector<16xf32>
        %mul3A_118 = arith.mulf %mul3A_117, %mul3A_115 : vector<16xf32>
        %mul3A_119 = arith.mulf %select_n3A, %mul3A_115 : vector<16xf32>
        %mul3A_120 = arith.mulf %mul3A_119, %mul3A_115 : vector<16xf32>
        %sub3A_121 = arith.constant 3.000000e+00 : f32
        %sub3A_122 = vector.broadcast %sub3A_121 : f32 to vector<16xf32>
        %sub3A_123 = arith.subf %sub3A_122, %mul3A_120 : vector<16xf32>
        %mul3A_124 = arith.mulf %mul3A_118, %sub3A_123 : vector<16xf32>
        %mul3A_125 = arith.constant 5.000000e-01 : f32
        %mul3A_126 = vector.broadcast %mul3A_125 : f32 to vector<16xf32>
        %mul3A_127 = arith.mulf %mul3A_126, %mul3A_124 : vector<16xf32>
        %mul3A_128 = arith.mulf %select_n3A, %mul3A_124 : vector<16xf32>
        %mul3A_129 = arith.mulf %mul3A_128, %mul3A_124 : vector<16xf32>
        %sub3A_130 = arith.constant 3.000000e+00 : f32
        %sub3A_131 = vector.broadcast %sub3A_130 : f32 to vector<16xf32>
        %sub3A_132 = arith.subf %sub3A_131, %mul3A_129 : vector<16xf32>
        %mul3A_133 = arith.mulf %mul3A_127, %sub3A_132 : vector<16xf32>
        %mul3A_134 = arith.constant 5.000000e-01 : f32
        %mul3A_135 = vector.broadcast %mul3A_134 : f32 to vector<16xf32>
        %mul3A_136 = arith.mulf %mul3A_135, %mul3A_133 : vector<16xf32>
        %mul3A_137 = arith.mulf %select_n3A, %mul3A_133 : vector<16xf32>
        %mul3A_138 = arith.mulf %mul3A_137, %mul3A_133 : vector<16xf32>
        %sub3A_139 = arith.constant 3.000000e+00 : f32
        %sub3A_140 = vector.broadcast %sub3A_139 : f32 to vector<16xf32>
        %sub3A_141 = arith.subf %sub3A_140, %mul3A_138 : vector<16xf32>
        %mul3A_142 = arith.mulf %mul3A_136, %sub3A_141 : vector<16xf32>
        %mul3A_143 = arith.constant 5.000000e-01 : f32
        %mul3A_144 = vector.broadcast %mul3A_143 : f32 to vector<16xf32>
        %mul3A_145 = arith.mulf %mul3A_144, %mul3A_142 : vector<16xf32>
        %mul3A_146 = arith.mulf %select_n3A, %mul3A_142 : vector<16xf32>
        %mul3A_147 = arith.mulf %mul3A_146, %mul3A_142 : vector<16xf32>
        %sub3A_148 = arith.constant 3.000000e+00 : f32
        %sub3A_149 = vector.broadcast %sub3A_148 : f32 to vector<16xf32>
        %sub3A_150 = arith.subf %sub3A_149, %mul3A_147 : vector<16xf32>
        %mul3A_151 = arith.mulf %mul3A_145, %sub3A_150 : vector<16xf32>
        %mul3A_152 = arith.constant 5.000000e-01 : f32
        %mul3A_153 = vector.broadcast %mul3A_152 : f32 to vector<16xf32>
        %mul3A_154 = arith.mulf %mul3A_153, %mul3A_151 : vector<16xf32>
        %mul3A_155 = arith.mulf %select_n3A, %mul3A_151 : vector<16xf32>
        %mul3A_156 = arith.mulf %mul3A_155, %mul3A_151 : vector<16xf32>
        %sub3A_157 = arith.constant 3.000000e+00 : f32
        %sub3A_158 = vector.broadcast %sub3A_157 : f32 to vector<16xf32>
        %sub3A_159 = arith.subf %sub3A_158, %mul3A_156 : vector<16xf32>
        %mul3A_160 = arith.mulf %mul3A_154, %sub3A_159 : vector<16xf32>
        %mul3A_161 = arith.constant 5.000000e-01 : f32
        %mul3A_162 = vector.broadcast %mul3A_161 : f32 to vector<16xf32>
        %mul3A_163 = arith.mulf %mul3A_162, %mul3A_160 : vector<16xf32>
        %mul3A_164 = arith.mulf %select_n3A, %mul3A_160 : vector<16xf32>
        %mul3A_165 = arith.mulf %mul3A_164, %mul3A_160 : vector<16xf32>
        %sub3A_166 = arith.constant 3.000000e+00 : f32
        %sub3A_167 = vector.broadcast %sub3A_166 : f32 to vector<16xf32>
        %sub3A_168 = arith.subf %sub3A_167, %mul3A_165 : vector<16xf32>
        %mul3A_169 = arith.mulf %mul3A_163, %sub3A_168 : vector<16xf32>
        %mul3A_170 = arith.constant 5.000000e-01 : f32
        %mul3A_171 = vector.broadcast %mul3A_170 : f32 to vector<16xf32>
        %mul3A_172 = arith.mulf %mul3A_171, %mul3A_169 : vector<16xf32>
        %mul3A_173 = arith.mulf %select_n3A, %mul3A_169 : vector<16xf32>
        %mul3A_174 = arith.mulf %mul3A_173, %mul3A_169 : vector<16xf32>
        %sub3A_175 = arith.constant 3.000000e+00 : f32
        %sub3A_176 = vector.broadcast %sub3A_175 : f32 to vector<16xf32>
        %sub3A_177 = arith.subf %sub3A_176, %mul3A_174 : vector<16xf32>
        %mul3A_178 = arith.mulf %mul3A_172, %sub3A_177 : vector<16xf32>
        %mul3A_179 = arith.constant 5.000000e-01 : f32
        %mul3A_180 = vector.broadcast %mul3A_179 : f32 to vector<16xf32>
        %mul3A_181 = arith.mulf %mul3A_180, %mul3A_178 : vector<16xf32>
        %mul3A_182 = arith.mulf %select_n3A, %mul3A_178 : vector<16xf32>
        %mul3A_183 = arith.mulf %mul3A_182, %mul3A_178 : vector<16xf32>
        %sub3A_184 = arith.constant 3.000000e+00 : f32
        %sub3A_185 = vector.broadcast %sub3A_184 : f32 to vector<16xf32>
        %sub3A_186 = arith.subf %sub3A_185, %mul3A_183 : vector<16xf32>
        %mul3A_187 = arith.mulf %mul3A_181, %sub3A_186 : vector<16xf32>
        %mul3A_188 = arith.constant 5.000000e-01 : f32
        %mul3A_189 = vector.broadcast %mul3A_188 : f32 to vector<16xf32>
        %mul3A_190 = arith.mulf %mul3A_189, %mul3A_187 : vector<16xf32>
        %mul3A_191 = arith.mulf %select_n3A, %mul3A_187 : vector<16xf32>
        %mul3A_192 = arith.mulf %mul3A_191, %mul3A_187 : vector<16xf32>
        %sub3A_193 = arith.constant 3.000000e+00 : f32
        %sub3A_194 = vector.broadcast %sub3A_193 : f32 to vector<16xf32>
        %sub3A_195 = arith.subf %sub3A_194, %mul3A_192 : vector<16xf32>
        %mul3A_196 = arith.mulf %mul3A_190, %sub3A_195 : vector<16xf32>
        %mul3A_197 = arith.constant 5.000000e-01 : f32
        %mul3A_198 = vector.broadcast %mul3A_197 : f32 to vector<16xf32>
        %mul3A_199 = arith.mulf %mul3A_198, %mul3A_196 : vector<16xf32>
        %mul3A_200 = arith.mulf %select_n3A, %mul3A_196 : vector<16xf32>
        %mul3A_201 = arith.mulf %mul3A_200, %mul3A_196 : vector<16xf32>
        %sub3A_202 = arith.constant 3.000000e+00 : f32
        %sub3A_203 = vector.broadcast %sub3A_202 : f32 to vector<16xf32>
        %sub3A_204 = arith.subf %sub3A_203, %mul3A_201 : vector<16xf32>
        %mul3A_205 = arith.mulf %mul3A_199, %sub3A_204 : vector<16xf32>
        %mul3A_206 = arith.constant 5.000000e-01 : f32
        %mul3A_207 = vector.broadcast %mul3A_206 : f32 to vector<16xf32>
        %mul3A_208 = arith.mulf %mul3A_207, %mul3A_205 : vector<16xf32>
        %mul3A_209 = arith.mulf %select_n3A, %mul3A_205 : vector<16xf32>
        %mul3A_210 = arith.mulf %mul3A_209, %mul3A_205 : vector<16xf32>
        %sub3A_211 = arith.constant 3.000000e+00 : f32
        %sub3A_212 = vector.broadcast %sub3A_211 : f32 to vector<16xf32>
        %sub3A_213 = arith.subf %sub3A_212, %mul3A_210 : vector<16xf32>
        %mul3A_214 = arith.mulf %mul3A_208, %sub3A_213 : vector<16xf32>
        %mul3A_215 = arith.constant 5.000000e-01 : f32
        %mul3A_216 = vector.broadcast %mul3A_215 : f32 to vector<16xf32>
        %mul3A_217 = arith.mulf %mul3A_216, %mul3A_214 : vector<16xf32>
        %mul3A_218 = arith.mulf %select_n3A, %mul3A_214 : vector<16xf32>
        %mul3A_219 = arith.mulf %mul3A_218, %mul3A_214 : vector<16xf32>
        %sub3A_220 = arith.constant 3.000000e+00 : f32
        %sub3A_221 = vector.broadcast %sub3A_220 : f32 to vector<16xf32>
        %sub3A_222 = arith.subf %sub3A_221, %mul3A_219 : vector<16xf32>
        %mul3A_223 = arith.mulf %mul3A_217, %sub3A_222 : vector<16xf32>
        %mul3A_224 = arith.constant 5.000000e-01 : f32
        %mul3A_225 = vector.broadcast %mul3A_224 : f32 to vector<16xf32>
        %mul3A_226 = arith.mulf %mul3A_225, %mul3A_223 : vector<16xf32>
        %mul3A_227 = arith.mulf %select_n3A, %mul3A_223 : vector<16xf32>
        %mul3A_228 = arith.mulf %mul3A_227, %mul3A_223 : vector<16xf32>
        %sub3A_229 = arith.constant 3.000000e+00 : f32
        %sub3A_230 = vector.broadcast %sub3A_229 : f32 to vector<16xf32>
        %sub3A_231 = arith.subf %sub3A_230, %mul3A_228 : vector<16xf32>
        %mul3A_232 = arith.mulf %mul3A_226, %sub3A_231 : vector<16xf32>
        %mul3A_233 = arith.constant 5.000000e-01 : f32
        %mul3A_234 = vector.broadcast %mul3A_233 : f32 to vector<16xf32>
        %mul3A_235 = arith.mulf %mul3A_234, %mul3A_232 : vector<16xf32>
        %mul3A_236 = arith.mulf %select_n3A, %mul3A_232 : vector<16xf32>
        %mul3A_237 = arith.mulf %mul3A_236, %mul3A_232 : vector<16xf32>
        %sub3A_238 = arith.constant 3.000000e+00 : f32
        %sub3A_239 = vector.broadcast %sub3A_238 : f32 to vector<16xf32>
        %sub3A_240 = arith.subf %sub3A_239, %mul3A_237 : vector<16xf32>
        %mul3A_241 = arith.mulf %mul3A_235, %sub3A_240 : vector<16xf32>
        %gt3A_242 = arith.constant 0.000000e+00 : f32
        %gt3A_243 = vector.broadcast %gt3A_242 : f32 to vector<16xf32>
        %gt3A_244 = arith.cmpf ogt, %get3A_40, %gt3A_243 : vector<16xf32>
        %jit3A_245 = arith.constant 0.000000e+00 : f32
        %broadcast_in_dim3A_246 = vector.broadcast %jit3A_245 : f32 to vector<16xf32>
        %select_n3A_247 = arith.select %gt3A_244, %mul3A_241, %broadcast_in_dim3A_246 : vector<16xi1>, vector<16xf32>
        %mul3A_248 = arith.constant 16 : i32
        %mul3A_249 = arith.muli %scan3A_37, %mul3A_248 : i32
        %swap3A = arith.index_cast %mul3A_249 : i32 to index
        %swap3A_250 = tpu.vector_load %arg10[%swap3A] {strides = array<i32>} : memref<640xf32, #tpu.memory_space<vmem>>, vector<16xf32>,
        tpu.vector_store %arg10[%swap3A], %select_n3A_247 {strides = array<i32>} : memref<640xf32, #tpu.memory_space<vmem>>, vector<16xf32>,
      }
      %scan3A_25 = arith.constant 40 : i32
      %mul3A_26 = arith.constant 640 : i32
      %mul3A_27 = arith.muli %arg1, %mul3A_26 : i32
      "tpu.region"() ({
        %run_scoped3A = tpu.sem_alloc : memref<!tpu.dma_semaphore, #tpu.memory_space<semaphore_mem>>
        %dma_start3A = tpu.memref_slice %arg4[%mul3A_27] : memref<10240xf32, #tpu.memory_space<hbm>> -> memref<640xf32, #tpu.memory_space<hbm>>
        %dma_start3A_37 = tpu.memref_slice %arg4[%mul3A_27] : memref<10240xf32, #tpu.memory_space<hbm>> -> memref<640xf32, #tpu.memory_space<hbm>>
        tpu.enqueue_dma source(%arg10 : memref<640xf32, #tpu.memory_space<vmem>>) target(%dma_start3A_37 : memref<640xf32, #tpu.memory_space<hbm>>) target_semaphore(%run_scoped3A : memref<!tpu.dma_semaphore, #tpu.memory_space<semaphore_mem>>)
        %dma_wait3A = tpu.memref_slice %arg4[%mul3A_27] : memref<10240xf32, #tpu.memory_space<hbm>> -> memref<640xf32, #tpu.memory_space<hbm>>
        %dma_wait3A_38 = tpu.memref_slice %arg4[%mul3A_27] : memref<10240xf32, #tpu.memory_space<hbm>> -> memref<640xf32, #tpu.memory_space<hbm>>
        tpu.wait_dma2 semaphore(%run_scoped3A : memref<!tpu.dma_semaphore, #tpu.memory_space<semaphore_mem>>) src(%arg10 : memref<640xf32, #tpu.memory_space<vmem>>) dst(%dma_wait3A_38 : memref<640xf32, #tpu.memory_space<hbm>>)
        tpu.yield
      }) : () -> ()
      %mul3A_28 = arith.constant 640 : i32
      %mul3A_29 = arith.muli %arg1, %mul3A_28 : i32
      "tpu.region"() ({
        %run_scoped3A = tpu.sem_alloc : memref<!tpu.dma_semaphore, #tpu.memory_space<semaphore_mem>>
        %dma_start3A = tpu.memref_slice %arg13[%mul3A_29] : memref<10240xf32, #tpu.memory_space<vmem_shared>> -> memref<640xf32, #tpu.memory_space<vmem_shared>>
        %dma_start3A_37 = tpu.memref_slice %arg13[%mul3A_29] : memref<10240xf32, #tpu.memory_space<vmem_shared>> -> memref<640xf32, #tpu.memory_space<vmem_shared>>
        tpu.enqueue_dma source(%arg10 : memref<640xf32, #tpu.memory_space<vmem>>) target(%dma_start3A_37 : memref<640xf32, #tpu.memory_space<vmem_shared>>) target_semaphore(%run_scoped3A : memref<!tpu.dma_semaphore, #tpu.memory_space<semaphore_mem>>)
        %dma_wait3A = tpu.memref_slice %arg13[%mul3A_29] : memref<10240xf32, #tpu.memory_space<vmem_shared>> -> memref<640xf32, #tpu.memory_space<vmem_shared>>
        %dma_wait3A_38 = tpu.memref_slice %arg13[%mul3A_29] : memref<10240xf32, #tpu.memory_space<vmem_shared>> -> memref<640xf32, #tpu.memory_space<vmem_shared>>
        tpu.wait_dma2 semaphore(%run_scoped3A : memref<!tpu.dma_semaphore, #tpu.memory_space<semaphore_mem>>) src(%arg10 : memref<640xf32, #tpu.memory_space<vmem>>) dst(%dma_wait3A_38 : memref<640xf32, #tpu.memory_space<vmem_shared>>)
        tpu.yield
      }) : () -> ()
      %barrier3A_30 = arith.constant 0 : index
      tpu.barrier barrier_id(%barrier3A_30)
      "tpu.region"() ({
        %run_scoped3A = tpu.sem_alloc : memref<!tpu.dma_semaphore, #tpu.memory_space<semaphore_mem>>
        tpu.enqueue_dma source(%arg13 : memref<10240xf32, #tpu.memory_space<vmem_shared>>) target(%arg11 : memref<10240xf32, #tpu.memory_space<vmem>>) target_semaphore(%run_scoped3A : memref<!tpu.dma_semaphore, #tpu.memory_space<semaphore_mem>>)
        tpu.wait_dma2 semaphore(%run_scoped3A : memref<!tpu.dma_semaphore, #tpu.memory_space<semaphore_mem>>) src(%arg13 : memref<10240xf32, #tpu.memory_space<vmem_shared>>) dst(%arg11 : memref<10240xf32, #tpu.memory_space<vmem>>)
        tpu.yield
      }) : () -> ()
      %scan3A_31 = arith.constant 0 : i32
      %scan3A_32 = arith.constant 0 : i32
      %scan3A_33 = arith.constant 84 : i32
      %scan3A_34 = arith.addi %scan3A_32, %scan3A_33 : i32
      %scan3A_35 = arith.constant 1 : i32
      scf.for %scan3A_37 = %scan3A_32 to %scan3A_34 step %scan3A_35  : i32 {
        %get3A = arith.index_cast %scan3A_37 : i32 to index
        %get3A_38 = arith.constant 0 : index
        %get3A_39 = tpu.vector_load %arg6[%get3A, %get3A_38] {strides = array<i32>} : memref<84x128xi32, #tpu.memory_space<vmem>>, vector<16xi32>,
        %shift_right_logical3A = arith.constant 14 : i32
        %shift_right_logical3A_40 = vector.broadcast %shift_right_logical3A : i32 to vector<16xi32>
        %shift_right_logical3A_41 = arith.shrui %get3A_39, %shift_right_logical3A_40 : vector<16xi32>
        %gather3A = tpu.vector_load_idx %arg11[%shift_right_logical3A_41] : memref<10240xf32, #tpu.memory_space<vmem>>[vector<16xi32>], vector<16xf32>,
        %get3A_42 = arith.index_cast %scan3A_37 : i32 to index
        %get3A_43 = arith.constant 0 : index
        %get3A_44 = tpu.vector_load %arg7[%get3A_42, %get3A_43] {strides = array<i32>} : memref<84x128xf32, #tpu.memory_space<vmem>>, vector<16xf32>,
        %mul3A_45 = arith.mulf %gather3A, %get3A_44 : vector<16xf32>
        %swap3A = arith.index_cast %scan3A_37 : i32 to index
        %swap3A_46 = arith.constant 0 : index
        %swap3A_47 = tpu.vector_load %arg9[%swap3A, %swap3A_46] {strides = array<i32>} : memref<84x128xf32, #tpu.memory_space<vmem>>, vector<16xf32>,
        tpu.vector_store %arg9[%swap3A, %swap3A_46], %mul3A_45 {strides = array<i32>} : memref<84x128xf32, #tpu.memory_space<vmem>>, vector<16xf32>,
        %get3A_48 = arith.index_cast %scan3A_37 : i32 to index
        %get3A_49 = arith.constant 16 : index
        %get3A_50 = tpu.vector_load %arg6[%get3A_48, %get3A_49] {strides = array<i32>} : memref<84x128xi32, #tpu.memory_space<vmem>>, vector<16xi32>,
        %shift_right_logical3A_51 = arith.constant 14 : i32
        %shift_right_logical3A_52 = vector.broadcast %shift_right_logical3A_51 : i32 to vector<16xi32>
        %shift_right_logical3A_53 = arith.shrui %get3A_50, %shift_right_logical3A_52 : vector<16xi32>
        %gather3A_54 = tpu.vector_load_idx %arg11[%shift_right_logical3A_53] : memref<10240xf32, #tpu.memory_space<vmem>>[vector<16xi32>], vector<16xf32>,
        %get3A_55 = arith.index_cast %scan3A_37 : i32 to index
        %get3A_56 = arith.constant 16 : index
        %get3A_57 = tpu.vector_load %arg7[%get3A_55, %get3A_56] {strides = array<i32>} : memref<84x128xf32, #tpu.memory_space<vmem>>, vector<16xf32>,
        %mul3A_58 = arith.mulf %gather3A_54, %get3A_57 : vector<16xf32>
        %swap3A_59 = arith.index_cast %scan3A_37 : i32 to index
        %swap3A_60 = arith.constant 16 : index
        %swap3A_61 = tpu.vector_load %arg9[%swap3A_59, %swap3A_60] {strides = array<i32>} : memref<84x128xf32, #tpu.memory_space<vmem>>, vector<16xf32>,
        tpu.vector_store %arg9[%swap3A_59, %swap3A_60], %mul3A_58 {strides = array<i32>} : memref<84x128xf32, #tpu.memory_space<vmem>>, vector<16xf32>,
        %get3A_62 = arith.index_cast %scan3A_37 : i32 to index
        %get3A_63 = arith.constant 32 : index
        %get3A_64 = tpu.vector_load %arg6[%get3A_62, %get3A_63] {strides = array<i32>} : memref<84x128xi32, #tpu.memory_space<vmem>>, vector<16xi32>,
        %shift_right_logical3A_65 = arith.constant 14 : i32
        %shift_right_logical3A_66 = vector.broadcast %shift_right_logical3A_65 : i32 to vector<16xi32>
        %shift_right_logical3A_67 = arith.shrui %get3A_64, %shift_right_logical3A_66 : vector<16xi32>
        %gather3A_68 = tpu.vector_load_idx %arg11[%shift_right_logical3A_67] : memref<10240xf32, #tpu.memory_space<vmem>>[vector<16xi32>], vector<16xf32>,
        %get3A_69 = arith.index_cast %scan3A_37 : i32 to index
        %get3A_70 = arith.constant 32 : index
        %get3A_71 = tpu.vector_load %arg7[%get3A_69, %get3A_70] {strides = array<i32>} : memref<84x128xf32, #tpu.memory_space<vmem>>, vector<16xf32>,
        %mul3A_72 = arith.mulf %gather3A_68, %get3A_71 : vector<16xf32>
        %swap3A_73 = arith.index_cast %scan3A_37 : i32 to index
        %swap3A_74 = arith.constant 32 : index
        %swap3A_75 = tpu.vector_load %arg9[%swap3A_73, %swap3A_74] {strides = array<i32>} : memref<84x128xf32, #tpu.memory_space<vmem>>, vector<16xf32>,
        tpu.vector_store %arg9[%swap3A_73, %swap3A_74], %mul3A_72 {strides = array<i32>} : memref<84x128xf32, #tpu.memory_space<vmem>>, vector<16xf32>,
        %get3A_76 = arith.index_cast %scan3A_37 : i32 to index
        %get3A_77 = arith.constant 48 : index
        %get3A_78 = tpu.vector_load %arg6[%get3A_76, %get3A_77] {strides = array<i32>} : memref<84x128xi32, #tpu.memory_space<vmem>>, vector<16xi32>,
        %shift_right_logical3A_79 = arith.constant 14 : i32
        %shift_right_logical3A_80 = vector.broadcast %shift_right_logical3A_79 : i32 to vector<16xi32>
        %shift_right_logical3A_81 = arith.shrui %get3A_78, %shift_right_logical3A_80 : vector<16xi32>
        %gather3A_82 = tpu.vector_load_idx %arg11[%shift_right_logical3A_81] : memref<10240xf32, #tpu.memory_space<vmem>>[vector<16xi32>], vector<16xf32>,
        %get3A_83 = arith.index_cast %scan3A_37 : i32 to index
        %get3A_84 = arith.constant 48 : index
        %get3A_85 = tpu.vector_load %arg7[%get3A_83, %get3A_84] {strides = array<i32>} : memref<84x128xf32, #tpu.memory_space<vmem>>, vector<16xf32>,
        %mul3A_86 = arith.mulf %gather3A_82, %get3A_85 : vector<16xf32>
        %swap3A_87 = arith.index_cast %scan3A_37 : i32 to index
        %swap3A_88 = arith.constant 48 : index
        %swap3A_89 = tpu.vector_load %arg9[%swap3A_87, %swap3A_88] {strides = array<i32>} : memref<84x128xf32, #tpu.memory_space<vmem>>, vector<16xf32>,
        tpu.vector_store %arg9[%swap3A_87, %swap3A_88], %mul3A_86 {strides = array<i32>} : memref<84x128xf32, #tpu.memory_space<vmem>>, vector<16xf32>,
        %get3A_90 = arith.index_cast %scan3A_37 : i32 to index
        %get3A_91 = arith.constant 64 : index
        %get3A_92 = tpu.vector_load %arg6[%get3A_90, %get3A_91] {strides = array<i32>} : memref<84x128xi32, #tpu.memory_space<vmem>>, vector<16xi32>,
        %shift_right_logical3A_93 = arith.constant 14 : i32
        %shift_right_logical3A_94 = vector.broadcast %shift_right_logical3A_93 : i32 to vector<16xi32>
        %shift_right_logical3A_95 = arith.shrui %get3A_92, %shift_right_logical3A_94 : vector<16xi32>
        %gather3A_96 = tpu.vector_load_idx %arg11[%shift_right_logical3A_95] : memref<10240xf32, #tpu.memory_space<vmem>>[vector<16xi32>], vector<16xf32>,
        %get3A_97 = arith.index_cast %scan3A_37 : i32 to index
        %get3A_98 = arith.constant 64 : index
        %get3A_99 = tpu.vector_load %arg7[%get3A_97, %get3A_98] {strides = array<i32>} : memref<84x128xf32, #tpu.memory_space<vmem>>, vector<16xf32>,
        %mul3A_100 = arith.mulf %gather3A_96, %get3A_99 : vector<16xf32>
        %swap3A_101 = arith.index_cast %scan3A_37 : i32 to index
        %swap3A_102 = arith.constant 64 : index
        %swap3A_103 = tpu.vector_load %arg9[%swap3A_101, %swap3A_102] {strides = array<i32>} : memref<84x128xf32, #tpu.memory_space<vmem>>, vector<16xf32>,
        tpu.vector_store %arg9[%swap3A_101, %swap3A_102], %mul3A_100 {strides = array<i32>} : memref<84x128xf32, #tpu.memory_space<vmem>>, vector<16xf32>,
        %get3A_104 = arith.index_cast %scan3A_37 : i32 to index
        %get3A_105 = arith.constant 80 : index
        %get3A_106 = tpu.vector_load %arg6[%get3A_104, %get3A_105] {strides = array<i32>} : memref<84x128xi32, #tpu.memory_space<vmem>>, vector<16xi32>,
        %shift_right_logical3A_107 = arith.constant 14 : i32
        %shift_right_logical3A_108 = vector.broadcast %shift_right_logical3A_107 : i32 to vector<16xi32>
        %shift_right_logical3A_109 = arith.shrui %get3A_106, %shift_right_logical3A_108 : vector<16xi32>
        %gather3A_110 = tpu.vector_load_idx %arg11[%shift_right_logical3A_109] : memref<10240xf32, #tpu.memory_space<vmem>>[vector<16xi32>], vector<16xf32>,
        %get3A_111 = arith.index_cast %scan3A_37 : i32 to index
        %get3A_112 = arith.constant 80 : index
        %get3A_113 = tpu.vector_load %arg7[%get3A_111, %get3A_112] {strides = array<i32>} : memref<84x128xf32, #tpu.memory_space<vmem>>, vector<16xf32>,
        %mul3A_114 = arith.mulf %gather3A_110, %get3A_113 : vector<16xf32>
        %swap3A_115 = arith.index_cast %scan3A_37 : i32 to index
        %swap3A_116 = arith.constant 80 : index
        %swap3A_117 = tpu.vector_load %arg9[%swap3A_115, %swap3A_116] {strides = array<i32>} : memref<84x128xf32, #tpu.memory_space<vmem>>, vector<16xf32>,
        tpu.vector_store %arg9[%swap3A_115, %swap3A_116], %mul3A_114 {strides = array<i32>} : memref<84x128xf32, #tpu.memory_space<vmem>>, vector<16xf32>,
        %get3A_118 = arith.index_cast %scan3A_37 : i32 to index
        %get3A_119 = arith.constant 96 : index
        %get3A_120 = tpu.vector_load %arg6[%get3A_118, %get3A_119] {strides = array<i32>} : memref<84x128xi32, #tpu.memory_space<vmem>>, vector<16xi32>,
        %shift_right_logical3A_121 = arith.constant 14 : i32
        %shift_right_logical3A_122 = vector.broadcast %shift_right_logical3A_121 : i32 to vector<16xi32>
        %shift_right_logical3A_123 = arith.shrui %get3A_120, %shift_right_logical3A_122 : vector<16xi32>
        %gather3A_124 = tpu.vector_load_idx %arg11[%shift_right_logical3A_123] : memref<10240xf32, #tpu.memory_space<vmem>>[vector<16xi32>], vector<16xf32>,
        %get3A_125 = arith.index_cast %scan3A_37 : i32 to index
        %get3A_126 = arith.constant 96 : index
        %get3A_127 = tpu.vector_load %arg7[%get3A_125, %get3A_126] {strides = array<i32>} : memref<84x128xf32, #tpu.memory_space<vmem>>, vector<16xf32>,
        %mul3A_128 = arith.mulf %gather3A_124, %get3A_127 : vector<16xf32>
        %swap3A_129 = arith.index_cast %scan3A_37 : i32 to index
        %swap3A_130 = arith.constant 96 : index
        %swap3A_131 = tpu.vector_load %arg9[%swap3A_129, %swap3A_130] {strides = array<i32>} : memref<84x128xf32, #tpu.memory_space<vmem>>, vector<16xf32>,
        tpu.vector_store %arg9[%swap3A_129, %swap3A_130], %mul3A_128 {strides = array<i32>} : memref<84x128xf32, #tpu.memory_space<vmem>>, vector<16xf32>,
        %get3A_132 = arith.index_cast %scan3A_37 : i32 to index
        %get3A_133 = arith.constant 112 : index
        %get3A_134 = tpu.vector_load %arg6[%get3A_132, %get3A_133] {strides = array<i32>} : memref<84x128xi32, #tpu.memory_space<vmem>>, vector<16xi32>,
        %shift_right_logical3A_135 = arith.constant 14 : i32
        %shift_right_logical3A_136 = vector.broadcast %shift_right_logical3A_135 : i32 to vector<16xi32>
        %shift_right_logical3A_137 = arith.shrui %get3A_134, %shift_right_logical3A_136 : vector<16xi32>
        %gather3A_138 = tpu.vector_load_idx %arg11[%shift_right_logical3A_137] : memref<10240xf32, #tpu.memory_space<vmem>>[vector<16xi32>], vector<16xf32>,
        %get3A_139 = arith.index_cast %scan3A_37 : i32 to index
        %get3A_140 = arith.constant 112 : index
        %get3A_141 = tpu.vector_load %arg7[%get3A_139, %get3A_140] {strides = array<i32>} : memref<84x128xf32, #tpu.memory_space<vmem>>, vector<16xf32>,
        %mul3A_142 = arith.mulf %gather3A_138, %get3A_141 : vector<16xf32>
        %swap3A_143 = arith.index_cast %scan3A_37 : i32 to index
        %swap3A_144 = arith.constant 112 : index
        %swap3A_145 = tpu.vector_load %arg9[%swap3A_143, %swap3A_144] {strides = array<i32>} : memref<84x128xf32, #tpu.memory_space<vmem>>, vector<16xf32>,
        tpu.vector_store %arg9[%swap3A_143, %swap3A_144], %mul3A_142 {strides = array<i32>} : memref<84x128xf32, #tpu.memory_space<vmem>>, vector<16xf32>,
      }
      %scan3A_36 = arith.constant 84 : i32
      "tpu.region"() ({
        %run_scoped3A = tpu.sem_alloc : memref<!tpu.dma_semaphore, #tpu.memory_space<semaphore_mem>>
        %dma_start3A = arith.constant 0 : i32
        %dma_start3A_37 = arith.constant 0 : i32
        %dma_start3A_38 = tpu.memref_slice %arg5[%arg1, %dma_start3A, %dma_start3A_37] : memref<16x84x128xf32, #tpu.memory_space<hbm>> -> memref<1x84x128xf32, #tpu.memory_space<hbm>>
        %dma_start3A_39 = tpu.memref_squeeze %dma_start3A_38 : memref<1x84x128xf32, #tpu.memory_space<hbm>> -> memref<84x128xf32, #tpu.memory_space<hbm>>
        %dma_start3A_40 = arith.constant 0 : i32
        %dma_start3A_41 = arith.constant 0 : i32
        %dma_start3A_42 = tpu.memref_slice %arg5[%arg1, %dma_start3A_40, %dma_start3A_41] : memref<16x84x128xf32, #tpu.memory_space<hbm>> -> memref<1x84x128xf32, #tpu.memory_space<hbm>>
        %dma_start3A_43 = tpu.memref_squeeze %dma_start3A_42 : memref<1x84x128xf32, #tpu.memory_space<hbm>> -> memref<84x128xf32, #tpu.memory_space<hbm>>
        tpu.enqueue_dma source(%arg9 : memref<84x128xf32, #tpu.memory_space<vmem>>) target(%dma_start3A_43 : memref<84x128xf32, #tpu.memory_space<hbm>>) target_semaphore(%run_scoped3A : memref<!tpu.dma_semaphore, #tpu.memory_space<semaphore_mem>>)
        %dma_wait3A = arith.constant 0 : i32
        %dma_wait3A_44 = arith.constant 0 : i32
        %dma_wait3A_45 = tpu.memref_slice %arg5[%arg1, %dma_wait3A, %dma_wait3A_44] : memref<16x84x128xf32, #tpu.memory_space<hbm>> -> memref<1x84x128xf32, #tpu.memory_space<hbm>>
        %dma_wait3A_46 = tpu.memref_squeeze %dma_wait3A_45 : memref<1x84x128xf32, #tpu.memory_space<hbm>> -> memref<84x128xf32, #tpu.memory_space<hbm>>
        %dma_wait3A_47 = arith.constant 0 : i32
        %dma_wait3A_48 = arith.constant 0 : i32
        %dma_wait3A_49 = tpu.memref_slice %arg5[%arg1, %dma_wait3A_47, %dma_wait3A_48] : memref<16x84x128xf32, #tpu.memory_space<hbm>> -> memref<1x84x128xf32, #tpu.memory_space<hbm>>
        %dma_wait3A_50 = tpu.memref_squeeze %dma_wait3A_49 : memref<1x84x128xf32, #tpu.memory_space<hbm>> -> memref<84x128xf32, #tpu.memory_space<hbm>>
        tpu.wait_dma2 semaphore(%run_scoped3A : memref<!tpu.dma_semaphore, #tpu.memory_space<semaphore_mem>>) src(%arg9 : memref<84x128xf32, #tpu.memory_space<vmem>>) dst(%dma_wait3A_50 : memref<84x128xf32, #tpu.memory_space<hbm>>)
        tpu.yield
      }) : () -> ()
    } else {
    }
    return
  }
}

#map = affine_map<(d0, d1) -> (0, 0)>
#map1 = affine_map<(d0, d1) -> (0, 0, 0)>
#map2 = affine_map<(d0, d1) -> (0)>
module attributes {stable_mosaic.version = 14 : i64} {
  func.func @_agg_body(%arg0: i32, %arg1: i32, %arg2: memref<10000x128xf32, #tpu.memory_space<hbm>>, %arg3: memref<10000x128xf32, #tpu.memory_space<hbm>>, %arg4: memref<16x84x128xi32, #tpu.memory_space<hbm>>, %arg5: memref<16x84x128xf32, #tpu.memory_space<hbm>>, %arg6: memref<10240xf32, #tpu.memory_space<hbm>>, %arg7: memref<256xf32, #tpu.memory_space<hbm>>, %arg8: memref<10000x256xf32, #tpu.memory_space<hbm>>, %arg9: memref<84x128xi32, #tpu.memory_space<vmem>>, %arg10: memref<84x128xf32, #tpu.memory_space<vmem>>, %arg11: memref<64x128xf32, #tpu.memory_space<vmem>>, %arg12: memref<64x128xf32, #tpu.memory_space<vmem>>, %arg13: memref<64x128xf32, #tpu.memory_space<vmem>>, %arg14: memref<3x64xi32, #tpu.memory_space<vmem>>, %arg15: memref<3x64xi32, #tpu.memory_space<vmem>>, %arg16: memref<640xf32, #tpu.memory_space<vmem>>, %arg17: memref<128xf32, #tpu.memory_space<vmem>>, %arg18: memref<10000x128xf32, #tpu.memory_space<vmem_shared>>, %arg19: memref<!tpu.dma_semaphore, #tpu.memory_space<semaphore_mem>>, %arg20: memref<!tpu.dma_semaphore, #tpu.memory_space<semaphore_mem>>, %arg21: memref<!tpu.dma_semaphore, #tpu.memory_space<semaphore_mem>>, %arg22: memref<!tpu.dma_semaphore, #tpu.memory_space<semaphore_mem>>, %arg23: memref<!tpu.dma_semaphore, #tpu.memory_space<semaphore_mem>>, %arg24: memref<!tpu.dma_semaphore, #tpu.memory_space<semaphore_mem>>) attributes {dimension_semantics = [#tpu.dimension_semantics<core_parallel>, #tpu.dimension_semantics<subcore_parallel>], iteration_bounds = array<i64: 2, 16>, scalar_prefetch = 0 : i64, scratch_operands = 16 : i64, tpu.core_type = #tpu.core_type<sc_vector_subcore>, window_params = [{transform_indices = #map}, {transform_indices = #map}, {transform_indices = #map1}, {transform_indices = #map1}, {transform_indices = #map2}, {transform_indices = #map2}, {transform_indices = #map}]} {
    %mul3A = arith.constant 624 : i32
    %mul3A_0 = arith.muli %arg1, %mul3A : i32
    %eq3A = arith.constant 15 : i32
    %eq3A_1 = arith.cmpi eq, %arg1, %eq3A : i32
    %jit3A = arith.constant 40 : i32
    %jit3A_2 = arith.constant 39 : i32
    %select_n3A = arith.select %eq3A_1, %jit3A, %jit3A_2 : i32
    %scan3A = arith.constant 0 : i32
    %scan3A_3 = arith.constant 0 : i32
    %scan3A_4 = arith.constant 16 : i32
    %scan3A_5 = arith.addi %scan3A_3, %scan3A_4 : i32
    %scan3A_6 = arith.constant 1 : i32
    scf.for %scan3A_297 = %scan3A_3 to %scan3A_5 step %scan3A_6  : i32 {
      %broadcast_in_dim3A_298 = arith.constant 0.000000e+00 : f32
      %broadcast_in_dim3A_299 = vector.broadcast %broadcast_in_dim3A_298 : f32 to vector<16xf32>
      %swap3A_300 = arith.index_cast %scan3A_297 : i32 to index
      %swap3A_301 = arith.constant 0 : index
      %swap3A_302 = tpu.vector_load %arg11[%swap3A_300, %swap3A_301] {strides = array<i32>} : memref<64x128xf32, #tpu.memory_space<vmem>>, vector<16xf32>,
      tpu.vector_store %arg11[%swap3A_300, %swap3A_301], %broadcast_in_dim3A_299 {strides = array<i32>} : memref<64x128xf32, #tpu.memory_space<vmem>>, vector<16xf32>,
      %broadcast_in_dim3A_303 = arith.constant 0.000000e+00 : f32
      %broadcast_in_dim3A_304 = vector.broadcast %broadcast_in_dim3A_303 : f32 to vector<16xf32>
      %swap3A_305 = arith.index_cast %scan3A_297 : i32 to index
      %swap3A_306 = arith.constant 16 : index
      %swap3A_307 = tpu.vector_load %arg11[%swap3A_305, %swap3A_306] {strides = array<i32>} : memref<64x128xf32, #tpu.memory_space<vmem>>, vector<16xf32>,
      tpu.vector_store %arg11[%swap3A_305, %swap3A_306], %broadcast_in_dim3A_304 {strides = array<i32>} : memref<64x128xf32, #tpu.memory_space<vmem>>, vector<16xf32>,
      %broadcast_in_dim3A_308 = arith.constant 0.000000e+00 : f32
      %broadcast_in_dim3A_309 = vector.broadcast %broadcast_in_dim3A_308 : f32 to vector<16xf32>
      %swap3A_310 = arith.index_cast %scan3A_297 : i32 to index
      %swap3A_311 = arith.constant 32 : index
      %swap3A_312 = tpu.vector_load %arg11[%swap3A_310, %swap3A_311] {strides = array<i32>} : memref<64x128xf32, #tpu.memory_space<vmem>>, vector<16xf32>,
      tpu.vector_store %arg11[%swap3A_310, %swap3A_311], %broadcast_in_dim3A_309 {strides = array<i32>} : memref<64x128xf32, #tpu.memory_space<vmem>>, vector<16xf32>,
      %broadcast_in_dim3A_313 = arith.constant 0.000000e+00 : f32
      %broadcast_in_dim3A_314 = vector.broadcast %broadcast_in_dim3A_313 : f32 to vector<16xf32>
      %swap3A_315 = arith.index_cast %scan3A_297 : i32 to index
      %swap3A_316 = arith.constant 48 : index
      %swap3A_317 = tpu.vector_load %arg11[%swap3A_315, %swap3A_316] {strides = array<i32>} : memref<64x128xf32, #tpu.memory_space<vmem>>, vector<16xf32>,
      tpu.vector_store %arg11[%swap3A_315, %swap3A_316], %broadcast_in_dim3A_314 {strides = array<i32>} : memref<64x128xf32, #tpu.memory_space<vmem>>, vector<16xf32>,
      %broadcast_in_dim3A_318 = arith.constant 0.000000e+00 : f32
      %broadcast_in_dim3A_319 = vector.broadcast %broadcast_in_dim3A_318 : f32 to vector<16xf32>
      %swap3A_320 = arith.index_cast %scan3A_297 : i32 to index
      %swap3A_321 = arith.constant 64 : index
      %swap3A_322 = tpu.vector_load %arg11[%swap3A_320, %swap3A_321] {strides = array<i32>} : memref<64x128xf32, #tpu.memory_space<vmem>>, vector<16xf32>,
      tpu.vector_store %arg11[%swap3A_320, %swap3A_321], %broadcast_in_dim3A_319 {strides = array<i32>} : memref<64x128xf32, #tpu.memory_space<vmem>>, vector<16xf32>,
      %broadcast_in_dim3A_323 = arith.constant 0.000000e+00 : f32
      %broadcast_in_dim3A_324 = vector.broadcast %broadcast_in_dim3A_323 : f32 to vector<16xf32>
      %swap3A_325 = arith.index_cast %scan3A_297 : i32 to index
      %swap3A_326 = arith.constant 80 : index
      %swap3A_327 = tpu.vector_load %arg11[%swap3A_325, %swap3A_326] {strides = array<i32>} : memref<64x128xf32, #tpu.memory_space<vmem>>, vector<16xf32>,
      tpu.vector_store %arg11[%swap3A_325, %swap3A_326], %broadcast_in_dim3A_324 {strides = array<i32>} : memref<64x128xf32, #tpu.memory_space<vmem>>, vector<16xf32>,
      %broadcast_in_dim3A_328 = arith.constant 0.000000e+00 : f32
      %broadcast_in_dim3A_329 = vector.broadcast %broadcast_in_dim3A_328 : f32 to vector<16xf32>
      %swap3A_330 = arith.index_cast %scan3A_297 : i32 to index
      %swap3A_331 = arith.constant 96 : index
      %swap3A_332 = tpu.vector_load %arg11[%swap3A_330, %swap3A_331] {strides = array<i32>} : memref<64x128xf32, #tpu.memory_space<vmem>>, vector<16xf32>,
      tpu.vector_store %arg11[%swap3A_330, %swap3A_331], %broadcast_in_dim3A_329 {strides = array<i32>} : memref<64x128xf32, #tpu.memory_space<vmem>>, vector<16xf32>,
      %broadcast_in_dim3A_333 = arith.constant 0.000000e+00 : f32
      %broadcast_in_dim3A_334 = vector.broadcast %broadcast_in_dim3A_333 : f32 to vector<16xf32>
      %swap3A_335 = arith.index_cast %scan3A_297 : i32 to index
      %swap3A_336 = arith.constant 112 : index
      %swap3A_337 = tpu.vector_load %arg11[%swap3A_335, %swap3A_336] {strides = array<i32>} : memref<64x128xf32, #tpu.memory_space<vmem>>, vector<16xf32>,
      tpu.vector_store %arg11[%swap3A_335, %swap3A_336], %broadcast_in_dim3A_334 {strides = array<i32>} : memref<64x128xf32, #tpu.memory_space<vmem>>, vector<16xf32>,
    }
    %scan3A_7 = arith.constant 16 : i32
    %while3A = arith.constant 0 : i32
    %while3A_8 = arith.constant 0 : i32
    %while3A_9 = arith.subi %select_n3A, %while3A_8 : i32
    %while3A_10 = arith.addi %while3A_8, %while3A_9 : i32
    %while3A_11 = arith.constant 1 : i32
    %while3A_12 = arith.divsi %while3A_9, %while3A_11 : i32
    %while3A_13 = arith.muli %while3A_12, %while3A_11 : i32
    %while3A_14 = arith.addi %while3A_8, %while3A_13 : i32
    %while3A_15 = arith.constant 1 : i32
    scf.for %while3A_297 = %while3A_8 to %while3A_14 step %while3A_15  : i32 {
      %mul3A_298 = arith.constant 16 : i32
      %mul3A_299 = arith.muli %while3A_297, %mul3A_298 : i32
      %add3A = arith.addi %mul3A_0, %mul3A_299 : i32
      "tpu.region"() ({
        %run_scoped3A = tpu.sem_alloc : memref<!tpu.dma_semaphore, #tpu.memory_space<semaphore_mem>>
        %dma_start3A = arith.constant 0 : i32
        %dma_start3A_300 = arith.constant 0 : i32
        %dma_start3A_301 = tpu.memref_slice %arg11[%dma_start3A, %dma_start3A_300] : memref<64x128xf32, #tpu.memory_space<vmem>> -> memref<16x128xf32, #tpu.memory_space<vmem>>
        %dma_start3A_302 = arith.constant 0 : i32
        %dma_start3A_303 = tpu.memref_slice %arg18[%add3A, %dma_start3A_302] : memref<10000x128xf32, #tpu.memory_space<vmem_shared>> -> memref<16x128xf32, #tpu.memory_space<vmem_shared>>
        %dma_start3A_304 = arith.constant 0 : i32
        %dma_start3A_305 = tpu.memref_slice %arg18[%add3A, %dma_start3A_304] : memref<10000x128xf32, #tpu.memory_space<vmem_shared>> -> memref<16x128xf32, #tpu.memory_space<vmem_shared>>
        %dma_start3A_306 = arith.constant 0 : i32
        %dma_start3A_307 = arith.constant 0 : i32
        %dma_start3A_308 = tpu.memref_slice %arg11[%dma_start3A_306, %dma_start3A_307] : memref<64x128xf32, #tpu.memory_space<vmem>> -> memref<16x128xf32, #tpu.memory_space<vmem>>
        tpu.enqueue_dma source(%dma_start3A_308 : memref<16x128xf32, #tpu.memory_space<vmem>>) target(%dma_start3A_305 : memref<16x128xf32, #tpu.memory_space<vmem_shared>>) target_semaphore(%run_scoped3A : memref<!tpu.dma_semaphore, #tpu.memory_space<semaphore_mem>>)
        %dma_wait3A_309 = arith.constant 0 : i32
        %dma_wait3A_310 = arith.constant 0 : i32
        %dma_wait3A_311 = tpu.memref_slice %arg11[%dma_wait3A_309, %dma_wait3A_310] : memref<64x128xf32, #tpu.memory_space<vmem>> -> memref<16x128xf32, #tpu.memory_space<vmem>>
        %dma_wait3A_312 = arith.constant 0 : i32
        %dma_wait3A_313 = tpu.memref_slice %arg18[%add3A, %dma_wait3A_312] : memref<10000x128xf32, #tpu.memory_space<vmem_shared>> -> memref<16x128xf32, #tpu.memory_space<vmem_shared>>
        %dma_wait3A_314 = arith.constant 0 : i32
        %dma_wait3A_315 = tpu.memref_slice %arg18[%add3A, %dma_wait3A_314] : memref<10000x128xf32, #tpu.memory_space<vmem_shared>> -> memref<16x128xf32, #tpu.memory_space<vmem_shared>>
        %dma_wait3A_316 = arith.constant 0 : i32
        %dma_wait3A_317 = arith.constant 0 : i32
        %dma_wait3A_318 = tpu.memref_slice %arg11[%dma_wait3A_316, %dma_wait3A_317] : memref<64x128xf32, #tpu.memory_space<vmem>> -> memref<16x128xf32, #tpu.memory_space<vmem>>
        tpu.wait_dma2 semaphore(%run_scoped3A : memref<!tpu.dma_semaphore, #tpu.memory_space<semaphore_mem>>) src(%dma_wait3A_318 : memref<16x128xf32, #tpu.memory_space<vmem>>) dst(%dma_wait3A_315 : memref<16x128xf32, #tpu.memory_space<vmem_shared>>)
        tpu.yield
      }) : () -> ()
    }
    %while3A_16 = arith.constant 1 : i32
    scf.for %while3A_297 = %while3A_14 to %while3A_10 step %while3A_16  : i32 {
      %mul3A_298 = arith.constant 16 : i32
      %mul3A_299 = arith.muli %while3A_297, %mul3A_298 : i32
      %add3A = arith.addi %mul3A_0, %mul3A_299 : i32
      "tpu.region"() ({
        %run_scoped3A = tpu.sem_alloc : memref<!tpu.dma_semaphore, #tpu.memory_space<semaphore_mem>>
        %dma_start3A = arith.constant 0 : i32
        %dma_start3A_300 = arith.constant 0 : i32
        %dma_start3A_301 = tpu.memref_slice %arg11[%dma_start3A, %dma_start3A_300] : memref<64x128xf32, #tpu.memory_space<vmem>> -> memref<16x128xf32, #tpu.memory_space<vmem>>
        %dma_start3A_302 = arith.constant 0 : i32
        %dma_start3A_303 = tpu.memref_slice %arg18[%add3A, %dma_start3A_302] : memref<10000x128xf32, #tpu.memory_space<vmem_shared>> -> memref<16x128xf32, #tpu.memory_space<vmem_shared>>
        %dma_start3A_304 = arith.constant 0 : i32
        %dma_start3A_305 = tpu.memref_slice %arg18[%add3A, %dma_start3A_304] : memref<10000x128xf32, #tpu.memory_space<vmem_shared>> -> memref<16x128xf32, #tpu.memory_space<vmem_shared>>
        %dma_start3A_306 = arith.constant 0 : i32
        %dma_start3A_307 = arith.constant 0 : i32
        %dma_start3A_308 = tpu.memref_slice %arg11[%dma_start3A_306, %dma_start3A_307] : memref<64x128xf32, #tpu.memory_space<vmem>> -> memref<16x128xf32, #tpu.memory_space<vmem>>
        tpu.enqueue_dma source(%dma_start3A_308 : memref<16x128xf32, #tpu.memory_space<vmem>>) target(%dma_start3A_305 : memref<16x128xf32, #tpu.memory_space<vmem_shared>>) target_semaphore(%run_scoped3A : memref<!tpu.dma_semaphore, #tpu.memory_space<semaphore_mem>>)
        %dma_wait3A_309 = arith.constant 0 : i32
        %dma_wait3A_310 = arith.constant 0 : i32
        %dma_wait3A_311 = tpu.memref_slice %arg11[%dma_wait3A_309, %dma_wait3A_310] : memref<64x128xf32, #tpu.memory_space<vmem>> -> memref<16x128xf32, #tpu.memory_space<vmem>>
        %dma_wait3A_312 = arith.constant 0 : i32
        %dma_wait3A_313 = tpu.memref_slice %arg18[%add3A, %dma_wait3A_312] : memref<10000x128xf32, #tpu.memory_space<vmem_shared>> -> memref<16x128xf32, #tpu.memory_space<vmem_shared>>
        %dma_wait3A_314 = arith.constant 0 : i32
        %dma_wait3A_315 = tpu.memref_slice %arg18[%add3A, %dma_wait3A_314] : memref<10000x128xf32, #tpu.memory_space<vmem_shared>> -> memref<16x128xf32, #tpu.memory_space<vmem_shared>>
        %dma_wait3A_316 = arith.constant 0 : i32
        %dma_wait3A_317 = arith.constant 0 : i32
        %dma_wait3A_318 = tpu.memref_slice %arg11[%dma_wait3A_316, %dma_wait3A_317] : memref<64x128xf32, #tpu.memory_space<vmem>> -> memref<16x128xf32, #tpu.memory_space<vmem>>
        tpu.wait_dma2 semaphore(%run_scoped3A : memref<!tpu.dma_semaphore, #tpu.memory_space<semaphore_mem>>) src(%dma_wait3A_318 : memref<16x128xf32, #tpu.memory_space<vmem>>) dst(%dma_wait3A_315 : memref<16x128xf32, #tpu.memory_space<vmem_shared>>)
        tpu.yield
      }) : () -> ()
    }
    %barrier3A = arith.constant 0 : index
    tpu.barrier barrier_id(%barrier3A)
    "tpu.region"() ({
      %run_scoped3A = tpu.sem_alloc : memref<!tpu.dma_semaphore, #tpu.memory_space<semaphore_mem>>
      %dma_start3A = arith.constant 0 : i32
      %dma_start3A_297 = arith.constant 0 : i32
      %dma_start3A_298 = tpu.memref_slice %arg4[%arg1, %dma_start3A, %dma_start3A_297] : memref<16x84x128xi32, #tpu.memory_space<hbm>> -> memref<1x84x128xi32, #tpu.memory_space<hbm>>
      %dma_start3A_299 = tpu.memref_squeeze %dma_start3A_298 : memref<1x84x128xi32, #tpu.memory_space<hbm>> -> memref<84x128xi32, #tpu.memory_space<hbm>>
      %dma_start3A_300 = arith.constant 0 : i32
      %dma_start3A_301 = arith.constant 0 : i32
      %dma_start3A_302 = tpu.memref_slice %arg4[%arg1, %dma_start3A_300, %dma_start3A_301] : memref<16x84x128xi32, #tpu.memory_space<hbm>> -> memref<1x84x128xi32, #tpu.memory_space<hbm>>
      %dma_start3A_303 = tpu.memref_squeeze %dma_start3A_302 : memref<1x84x128xi32, #tpu.memory_space<hbm>> -> memref<84x128xi32, #tpu.memory_space<hbm>>
      tpu.enqueue_dma source(%dma_start3A_303 : memref<84x128xi32, #tpu.memory_space<hbm>>) target(%arg9 : memref<84x128xi32, #tpu.memory_space<vmem>>) target_semaphore(%run_scoped3A : memref<!tpu.dma_semaphore, #tpu.memory_space<semaphore_mem>>)
      %dma_wait3A_304 = arith.constant 0 : i32
      %dma_wait3A_305 = arith.constant 0 : i32
      %dma_wait3A_306 = tpu.memref_slice %arg4[%arg1, %dma_wait3A_304, %dma_wait3A_305] : memref<16x84x128xi32, #tpu.memory_space<hbm>> -> memref<1x84x128xi32, #tpu.memory_space<hbm>>
      %dma_wait3A_307 = tpu.memref_squeeze %dma_wait3A_306 : memref<1x84x128xi32, #tpu.memory_space<hbm>> -> memref<84x128xi32, #tpu.memory_space<hbm>>
      %dma_wait3A_308 = arith.constant 0 : i32
      %dma_wait3A_309 = arith.constant 0 : i32
      %dma_wait3A_310 = tpu.memref_slice %arg4[%arg1, %dma_wait3A_308, %dma_wait3A_309] : memref<16x84x128xi32, #tpu.memory_space<hbm>> -> memref<1x84x128xi32, #tpu.memory_space<hbm>>
      %dma_wait3A_311 = tpu.memref_squeeze %dma_wait3A_310 : memref<1x84x128xi32, #tpu.memory_space<hbm>> -> memref<84x128xi32, #tpu.memory_space<hbm>>
      tpu.wait_dma2 semaphore(%run_scoped3A : memref<!tpu.dma_semaphore, #tpu.memory_space<semaphore_mem>>) src(%dma_wait3A_311 : memref<84x128xi32, #tpu.memory_space<hbm>>) dst(%arg9 : memref<84x128xi32, #tpu.memory_space<vmem>>)
      tpu.yield
    }) : () -> ()
    "tpu.region"() ({
      %run_scoped3A = tpu.sem_alloc : memref<!tpu.dma_semaphore, #tpu.memory_space<semaphore_mem>>
      %dma_start3A = arith.constant 0 : i32
      %dma_start3A_297 = arith.constant 0 : i32
      %dma_start3A_298 = tpu.memref_slice %arg5[%arg1, %dma_start3A, %dma_start3A_297] : memref<16x84x128xf32, #tpu.memory_space<hbm>> -> memref<1x84x128xf32, #tpu.memory_space<hbm>>
      %dma_start3A_299 = tpu.memref_squeeze %dma_start3A_298 : memref<1x84x128xf32, #tpu.memory_space<hbm>> -> memref<84x128xf32, #tpu.memory_space<hbm>>
      %dma_start3A_300 = arith.constant 0 : i32
      %dma_start3A_301 = arith.constant 0 : i32
      %dma_start3A_302 = tpu.memref_slice %arg5[%arg1, %dma_start3A_300, %dma_start3A_301] : memref<16x84x128xf32, #tpu.memory_space<hbm>> -> memref<1x84x128xf32, #tpu.memory_space<hbm>>
      %dma_start3A_303 = tpu.memref_squeeze %dma_start3A_302 : memref<1x84x128xf32, #tpu.memory_space<hbm>> -> memref<84x128xf32, #tpu.memory_space<hbm>>
      tpu.enqueue_dma source(%dma_start3A_303 : memref<84x128xf32, #tpu.memory_space<hbm>>) target(%arg10 : memref<84x128xf32, #tpu.memory_space<vmem>>) target_semaphore(%run_scoped3A : memref<!tpu.dma_semaphore, #tpu.memory_space<semaphore_mem>>)
      %dma_wait3A_304 = arith.constant 0 : i32
      %dma_wait3A_305 = arith.constant 0 : i32
      %dma_wait3A_306 = tpu.memref_slice %arg5[%arg1, %dma_wait3A_304, %dma_wait3A_305] : memref<16x84x128xf32, #tpu.memory_space<hbm>> -> memref<1x84x128xf32, #tpu.memory_space<hbm>>
      %dma_wait3A_307 = tpu.memref_squeeze %dma_wait3A_306 : memref<1x84x128xf32, #tpu.memory_space<hbm>> -> memref<84x128xf32, #tpu.memory_space<hbm>>
      %dma_wait3A_308 = arith.constant 0 : i32
      %dma_wait3A_309 = arith.constant 0 : i32
      %dma_wait3A_310 = tpu.memref_slice %arg5[%arg1, %dma_wait3A_308, %dma_wait3A_309] : memref<16x84x128xf32, #tpu.memory_space<hbm>> -> memref<1x84x128xf32, #tpu.memory_space<hbm>>
      %dma_wait3A_311 = tpu.memref_squeeze %dma_wait3A_310 : memref<1x84x128xf32, #tpu.memory_space<hbm>> -> memref<84x128xf32, #tpu.memory_space<hbm>>
      tpu.wait_dma2 semaphore(%run_scoped3A : memref<!tpu.dma_semaphore, #tpu.memory_space<semaphore_mem>>) src(%dma_wait3A_311 : memref<84x128xf32, #tpu.memory_space<hbm>>) dst(%arg10 : memref<84x128xf32, #tpu.memory_space<vmem>>)
      tpu.yield
    }) : () -> ()
    %get3A = arith.constant 0 : i32
    %get3A_17 = arith.index_cast %get3A : i32 to index
    %get3A_18 = arith.constant 0 : index
    %get3A_19 = tpu.vector_load %arg9[%get3A_17, %get3A_18] {strides = array<i32>} : memref<84x128xi32, #tpu.memory_space<vmem>>, vector<16xi32>,
    %shift_right_logical3A = arith.constant 14 : i32
    %shift_right_logical3A_20 = vector.broadcast %shift_right_logical3A : i32 to vector<16xi32>
    %shift_right_logical3A_21 = arith.shrui %get3A_19, %shift_right_logical3A_20 : vector<16xi32>
    %swap3A = arith.constant 0 : i32
    %swap3A_22 = arith.index_cast %swap3A : i32 to index
    %swap3A_23 = arith.constant 0 : index
    %swap3A_24 = tpu.vector_load %arg14[%swap3A_22, %swap3A_23] {strides = array<i32>} : memref<3x64xi32, #tpu.memory_space<vmem>>, vector<16xi32>,
    tpu.vector_store %arg14[%swap3A_22, %swap3A_23], %shift_right_logical3A_21 {strides = array<i32>} : memref<3x64xi32, #tpu.memory_space<vmem>>, vector<16xi32>,
    %and3A = arith.constant 16383 : i32
    %and3A_25 = vector.broadcast %and3A : i32 to vector<16xi32>
    %and3A_26 = arith.andi %get3A_19, %and3A_25 : vector<16xi32>
    %swap3A_27 = arith.constant 0 : i32
    %swap3A_28 = arith.index_cast %swap3A_27 : i32 to index
    %swap3A_29 = arith.constant 0 : index
    %swap3A_30 = tpu.vector_load %arg15[%swap3A_28, %swap3A_29] {strides = array<i32>} : memref<3x64xi32, #tpu.memory_space<vmem>>, vector<16xi32>,
    tpu.vector_store %arg15[%swap3A_28, %swap3A_29], %and3A_26 {strides = array<i32>} : memref<3x64xi32, #tpu.memory_space<vmem>>, vector<16xi32>,
    %get3A_31 = arith.constant 0 : i32
    %get3A_32 = arith.index_cast %get3A_31 : i32 to index
    %get3A_33 = arith.constant 16 : index
    %get3A_34 = tpu.vector_load %arg9[%get3A_32, %get3A_33] {strides = array<i32>} : memref<84x128xi32, #tpu.memory_space<vmem>>, vector<16xi32>,
    %shift_right_logical3A_35 = arith.constant 14 : i32
    %shift_right_logical3A_36 = vector.broadcast %shift_right_logical3A_35 : i32 to vector<16xi32>
    %shift_right_logical3A_37 = arith.shrui %get3A_34, %shift_right_logical3A_36 : vector<16xi32>
    %swap3A_38 = arith.constant 0 : i32
    %swap3A_39 = arith.index_cast %swap3A_38 : i32 to index
    %swap3A_40 = arith.constant 16 : index
    %swap3A_41 = tpu.vector_load %arg14[%swap3A_39, %swap3A_40] {strides = array<i32>} : memref<3x64xi32, #tpu.memory_space<vmem>>, vector<16xi32>,
    tpu.vector_store %arg14[%swap3A_39, %swap3A_40], %shift_right_logical3A_37 {strides = array<i32>} : memref<3x64xi32, #tpu.memory_space<vmem>>, vector<16xi32>,
    %and3A_42 = arith.constant 16383 : i32
    %and3A_43 = vector.broadcast %and3A_42 : i32 to vector<16xi32>
    %and3A_44 = arith.andi %get3A_34, %and3A_43 : vector<16xi32>
    %swap3A_45 = arith.constant 0 : i32
    %swap3A_46 = arith.index_cast %swap3A_45 : i32 to index
    %swap3A_47 = arith.constant 16 : index
    %swap3A_48 = tpu.vector_load %arg15[%swap3A_46, %swap3A_47] {strides = array<i32>} : memref<3x64xi32, #tpu.memory_space<vmem>>, vector<16xi32>,
    tpu.vector_store %arg15[%swap3A_46, %swap3A_47], %and3A_44 {strides = array<i32>} : memref<3x64xi32, #tpu.memory_space<vmem>>, vector<16xi32>,
    %get3A_49 = arith.constant 0 : i32
    %get3A_50 = arith.index_cast %get3A_49 : i32 to index
    %get3A_51 = arith.constant 32 : index
    %get3A_52 = tpu.vector_load %arg9[%get3A_50, %get3A_51] {strides = array<i32>} : memref<84x128xi32, #tpu.memory_space<vmem>>, vector<16xi32>,
    %shift_right_logical3A_53 = arith.constant 14 : i32
    %shift_right_logical3A_54 = vector.broadcast %shift_right_logical3A_53 : i32 to vector<16xi32>
    %shift_right_logical3A_55 = arith.shrui %get3A_52, %shift_right_logical3A_54 : vector<16xi32>
    %swap3A_56 = arith.constant 0 : i32
    %swap3A_57 = arith.index_cast %swap3A_56 : i32 to index
    %swap3A_58 = arith.constant 32 : index
    %swap3A_59 = tpu.vector_load %arg14[%swap3A_57, %swap3A_58] {strides = array<i32>} : memref<3x64xi32, #tpu.memory_space<vmem>>, vector<16xi32>,
    tpu.vector_store %arg14[%swap3A_57, %swap3A_58], %shift_right_logical3A_55 {strides = array<i32>} : memref<3x64xi32, #tpu.memory_space<vmem>>, vector<16xi32>,
    %and3A_60 = arith.constant 16383 : i32
    %and3A_61 = vector.broadcast %and3A_60 : i32 to vector<16xi32>
    %and3A_62 = arith.andi %get3A_52, %and3A_61 : vector<16xi32>
    %swap3A_63 = arith.constant 0 : i32
    %swap3A_64 = arith.index_cast %swap3A_63 : i32 to index
    %swap3A_65 = arith.constant 32 : index
    %swap3A_66 = tpu.vector_load %arg15[%swap3A_64, %swap3A_65] {strides = array<i32>} : memref<3x64xi32, #tpu.memory_space<vmem>>, vector<16xi32>,
    tpu.vector_store %arg15[%swap3A_64, %swap3A_65], %and3A_62 {strides = array<i32>} : memref<3x64xi32, #tpu.memory_space<vmem>>, vector<16xi32>,
    %get3A_67 = arith.constant 0 : i32
    %get3A_68 = arith.index_cast %get3A_67 : i32 to index
    %get3A_69 = arith.constant 48 : index
    %get3A_70 = tpu.vector_load %arg9[%get3A_68, %get3A_69] {strides = array<i32>} : memref<84x128xi32, #tpu.memory_space<vmem>>, vector<16xi32>,
    %shift_right_logical3A_71 = arith.constant 14 : i32
    %shift_right_logical3A_72 = vector.broadcast %shift_right_logical3A_71 : i32 to vector<16xi32>
    %shift_right_logical3A_73 = arith.shrui %get3A_70, %shift_right_logical3A_72 : vector<16xi32>
    %swap3A_74 = arith.constant 0 : i32
    %swap3A_75 = arith.index_cast %swap3A_74 : i32 to index
    %swap3A_76 = arith.constant 48 : index
    %swap3A_77 = tpu.vector_load %arg14[%swap3A_75, %swap3A_76] {strides = array<i32>} : memref<3x64xi32, #tpu.memory_space<vmem>>, vector<16xi32>,
    tpu.vector_store %arg14[%swap3A_75, %swap3A_76], %shift_right_logical3A_73 {strides = array<i32>} : memref<3x64xi32, #tpu.memory_space<vmem>>, vector<16xi32>,
    %and3A_78 = arith.constant 16383 : i32
    %and3A_79 = vector.broadcast %and3A_78 : i32 to vector<16xi32>
    %and3A_80 = arith.andi %get3A_70, %and3A_79 : vector<16xi32>
    %swap3A_81 = arith.constant 0 : i32
    %swap3A_82 = arith.index_cast %swap3A_81 : i32 to index
    %swap3A_83 = arith.constant 48 : index
    %swap3A_84 = tpu.vector_load %arg15[%swap3A_82, %swap3A_83] {strides = array<i32>} : memref<3x64xi32, #tpu.memory_space<vmem>>, vector<16xi32>,
    tpu.vector_store %arg15[%swap3A_82, %swap3A_83], %and3A_80 {strides = array<i32>} : memref<3x64xi32, #tpu.memory_space<vmem>>, vector<16xi32>,
    %eq3A_85 = arith.constant 0 : i32
    %eq3A_86 = arith.cmpi eq, %arg0, %eq3A_85 : i32
    %convert_element_type3A = arith.extui %eq3A_86 : i1 to i32
    %cond3A = arith.constant 0 : i32
    %cond3A_87 = arith.cmpi ne, %convert_element_type3A, %cond3A : i32
    scf.if %cond3A_87 {
      %dma_start3A = arith.constant 0 : i32
      %dma_start3A_297 = arith.constant 0 : i32
      %dma_start3A_298 = tpu.memref_slice %arg14[%dma_start3A, %dma_start3A_297] : memref<3x64xi32, #tpu.memory_space<vmem>> -> memref<1x64xi32, #tpu.memory_space<vmem>>
      %dma_start3A_299 = tpu.memref_squeeze %dma_start3A_298 : memref<1x64xi32, #tpu.memory_space<vmem>> -> memref<64xi32, #tpu.memory_space<vmem>>
      %dma_start3A_300 = arith.constant 0 : i32
      %dma_start3A_301 = arith.constant 0 : i32
      %dma_start3A_302 = tpu.memref_slice %arg2[%dma_start3A_300, %dma_start3A_301] : memref<10000x128xf32, #tpu.memory_space<hbm>> -> memref<10000x128xf32, #tpu.memory_space<hbm>>
      tpu.enqueue_indirect_dma source(%dma_start3A_302 : memref<10000x128xf32, #tpu.memory_space<hbm>>) target(%arg11 : memref<64x128xf32, #tpu.memory_space<vmem>>) offsets(%dma_start3A_299 : memref<64xi32, #tpu.memory_space<vmem>>) semaphore(%arg19 : memref<!tpu.dma_semaphore, #tpu.memory_space<semaphore_mem>>)
    } else {
    }
    %eq3A_88 = arith.constant 1 : i32
    %eq3A_89 = arith.cmpi eq, %arg0, %eq3A_88 : i32
    %convert_element_type3A_90 = arith.extui %eq3A_89 : i1 to i32
    %cond3A_91 = arith.constant 0 : i32
    %cond3A_92 = arith.cmpi ne, %convert_element_type3A_90, %cond3A_91 : i32
    scf.if %cond3A_92 {
      %dma_start3A = arith.constant 0 : i32
      %dma_start3A_297 = arith.constant 0 : i32
      %dma_start3A_298 = tpu.memref_slice %arg14[%dma_start3A, %dma_start3A_297] : memref<3x64xi32, #tpu.memory_space<vmem>> -> memref<1x64xi32, #tpu.memory_space<vmem>>
      %dma_start3A_299 = tpu.memref_squeeze %dma_start3A_298 : memref<1x64xi32, #tpu.memory_space<vmem>> -> memref<64xi32, #tpu.memory_space<vmem>>
      %dma_start3A_300 = arith.constant 0 : i32
      %dma_start3A_301 = arith.constant 0 : i32
      %dma_start3A_302 = tpu.memref_slice %arg3[%dma_start3A_300, %dma_start3A_301] : memref<10000x128xf32, #tpu.memory_space<hbm>> -> memref<10000x128xf32, #tpu.memory_space<hbm>>
      tpu.enqueue_indirect_dma source(%dma_start3A_302 : memref<10000x128xf32, #tpu.memory_space<hbm>>) target(%arg11 : memref<64x128xf32, #tpu.memory_space<vmem>>) offsets(%dma_start3A_299 : memref<64xi32, #tpu.memory_space<vmem>>) semaphore(%arg19 : memref<!tpu.dma_semaphore, #tpu.memory_space<semaphore_mem>>)
    } else {
    }
    %get3A_93 = arith.constant 0 : i32
    %get3A_94 = arith.index_cast %get3A_93 : i32 to index
    %get3A_95 = arith.constant 64 : index
    %get3A_96 = tpu.vector_load %arg9[%get3A_94, %get3A_95] {strides = array<i32>} : memref<84x128xi32, #tpu.memory_space<vmem>>, vector<16xi32>,
    %shift_right_logical3A_97 = arith.constant 14 : i32
    %shift_right_logical3A_98 = vector.broadcast %shift_right_logical3A_97 : i32 to vector<16xi32>
    %shift_right_logical3A_99 = arith.shrui %get3A_96, %shift_right_logical3A_98 : vector<16xi32>
    %swap3A_100 = arith.constant 1 : i32
    %swap3A_101 = arith.index_cast %swap3A_100 : i32 to index
    %swap3A_102 = arith.constant 0 : index
    %swap3A_103 = tpu.vector_load %arg14[%swap3A_101, %swap3A_102] {strides = array<i32>} : memref<3x64xi32, #tpu.memory_space<vmem>>, vector<16xi32>,
    tpu.vector_store %arg14[%swap3A_101, %swap3A_102], %shift_right_logical3A_99 {strides = array<i32>} : memref<3x64xi32, #tpu.memory_space<vmem>>, vector<16xi32>,
    %and3A_104 = arith.constant 16383 : i32
    %and3A_105 = vector.broadcast %and3A_104 : i32 to vector<16xi32>
    %and3A_106 = arith.andi %get3A_96, %and3A_105 : vector<16xi32>
    %swap3A_107 = arith.constant 1 : i32
    %swap3A_108 = arith.index_cast %swap3A_107 : i32 to index
    %swap3A_109 = arith.constant 0 : index
    %swap3A_110 = tpu.vector_load %arg15[%swap3A_108, %swap3A_109] {strides = array<i32>} : memref<3x64xi32, #tpu.memory_space<vmem>>, vector<16xi32>,
    tpu.vector_store %arg15[%swap3A_108, %swap3A_109], %and3A_106 {strides = array<i32>} : memref<3x64xi32, #tpu.memory_space<vmem>>, vector<16xi32>,
    %get3A_111 = arith.constant 0 : i32
    %get3A_112 = arith.index_cast %get3A_111 : i32 to index
    %get3A_113 = arith.constant 80 : index
    %get3A_114 = tpu.vector_load %arg9[%get3A_112, %get3A_113] {strides = array<i32>} : memref<84x128xi32, #tpu.memory_space<vmem>>, vector<16xi32>,
    %shift_right_logical3A_115 = arith.constant 14 : i32
    %shift_right_logical3A_116 = vector.broadcast %shift_right_logical3A_115 : i32 to vector<16xi32>
    %shift_right_logical3A_117 = arith.shrui %get3A_114, %shift_right_logical3A_116 : vector<16xi32>
    %swap3A_118 = arith.constant 1 : i32
    %swap3A_119 = arith.index_cast %swap3A_118 : i32 to index
    %swap3A_120 = arith.constant 16 : index
    %swap3A_121 = tpu.vector_load %arg14[%swap3A_119, %swap3A_120] {strides = array<i32>} : memref<3x64xi32, #tpu.memory_space<vmem>>, vector<16xi32>,
    tpu.vector_store %arg14[%swap3A_119, %swap3A_120], %shift_right_logical3A_117 {strides = array<i32>} : memref<3x64xi32, #tpu.memory_space<vmem>>, vector<16xi32>,
    %and3A_122 = arith.constant 16383 : i32
    %and3A_123 = vector.broadcast %and3A_122 : i32 to vector<16xi32>
    %and3A_124 = arith.andi %get3A_114, %and3A_123 : vector<16xi32>
    %swap3A_125 = arith.constant 1 : i32
    %swap3A_126 = arith.index_cast %swap3A_125 : i32 to index
    %swap3A_127 = arith.constant 16 : index
    %swap3A_128 = tpu.vector_load %arg15[%swap3A_126, %swap3A_127] {strides = array<i32>} : memref<3x64xi32, #tpu.memory_space<vmem>>, vector<16xi32>,
    tpu.vector_store %arg15[%swap3A_126, %swap3A_127], %and3A_124 {strides = array<i32>} : memref<3x64xi32, #tpu.memory_space<vmem>>, vector<16xi32>,
    %get3A_129 = arith.constant 0 : i32
    %get3A_130 = arith.index_cast %get3A_129 : i32 to index
    %get3A_131 = arith.constant 96 : index
    %get3A_132 = tpu.vector_load %arg9[%get3A_130, %get3A_131] {strides = array<i32>} : memref<84x128xi32, #tpu.memory_space<vmem>>, vector<16xi32>,
    %shift_right_logical3A_133 = arith.constant 14 : i32
    %shift_right_logical3A_134 = vector.broadcast %shift_right_logical3A_133 : i32 to vector<16xi32>
    %shift_right_logical3A_135 = arith.shrui %get3A_132, %shift_right_logical3A_134 : vector<16xi32>
    %swap3A_136 = arith.constant 1 : i32
    %swap3A_137 = arith.index_cast %swap3A_136 : i32 to index
    %swap3A_138 = arith.constant 32 : index
    %swap3A_139 = tpu.vector_load %arg14[%swap3A_137, %swap3A_138] {strides = array<i32>} : memref<3x64xi32, #tpu.memory_space<vmem>>, vector<16xi32>,
    tpu.vector_store %arg14[%swap3A_137, %swap3A_138], %shift_right_logical3A_135 {strides = array<i32>} : memref<3x64xi32, #tpu.memory_space<vmem>>, vector<16xi32>,
    %and3A_140 = arith.constant 16383 : i32
    %and3A_141 = vector.broadcast %and3A_140 : i32 to vector<16xi32>
    %and3A_142 = arith.andi %get3A_132, %and3A_141 : vector<16xi32>
    %swap3A_143 = arith.constant 1 : i32
    %swap3A_144 = arith.index_cast %swap3A_143 : i32 to index
    %swap3A_145 = arith.constant 32 : index
    %swap3A_146 = tpu.vector_load %arg15[%swap3A_144, %swap3A_145] {strides = array<i32>} : memref<3x64xi32, #tpu.memory_space<vmem>>, vector<16xi32>,
    tpu.vector_store %arg15[%swap3A_144, %swap3A_145], %and3A_142 {strides = array<i32>} : memref<3x64xi32, #tpu.memory_space<vmem>>, vector<16xi32>,
    %get3A_147 = arith.constant 0 : i32
    %get3A_148 = arith.index_cast %get3A_147 : i32 to index
    %get3A_149 = arith.constant 112 : index
    %get3A_150 = tpu.vector_load %arg9[%get3A_148, %get3A_149] {strides = array<i32>} : memref<84x128xi32, #tpu.memory_space<vmem>>, vector<16xi32>,
    %shift_right_logical3A_151 = arith.constant 14 : i32
    %shift_right_logical3A_152 = vector.broadcast %shift_right_logical3A_151 : i32 to vector<16xi32>
    %shift_right_logical3A_153 = arith.shrui %get3A_150, %shift_right_logical3A_152 : vector<16xi32>
    %swap3A_154 = arith.constant 1 : i32
    %swap3A_155 = arith.index_cast %swap3A_154 : i32 to index
    %swap3A_156 = arith.constant 48 : index
    %swap3A_157 = tpu.vector_load %arg14[%swap3A_155, %swap3A_156] {strides = array<i32>} : memref<3x64xi32, #tpu.memory_space<vmem>>, vector<16xi32>,
    tpu.vector_store %arg14[%swap3A_155, %swap3A_156], %shift_right_logical3A_153 {strides = array<i32>} : memref<3x64xi32, #tpu.memory_space<vmem>>, vector<16xi32>,
    %and3A_158 = arith.constant 16383 : i32
    %and3A_159 = vector.broadcast %and3A_158 : i32 to vector<16xi32>
    %and3A_160 = arith.andi %get3A_150, %and3A_159 : vector<16xi32>
    %swap3A_161 = arith.constant 1 : i32
    %swap3A_162 = arith.index_cast %swap3A_161 : i32 to index
    %swap3A_163 = arith.constant 48 : index
    %swap3A_164 = tpu.vector_load %arg15[%swap3A_162, %swap3A_163] {strides = array<i32>} : memref<3x64xi32, #tpu.memory_space<vmem>>, vector<16xi32>,
    tpu.vector_store %arg15[%swap3A_162, %swap3A_163], %and3A_160 {strides = array<i32>} : memref<3x64xi32, #tpu.memory_space<vmem>>, vector<16xi32>,
    %eq3A_165 = arith.constant 0 : i32
    %eq3A_166 = arith.cmpi eq, %arg0, %eq3A_165 : i32
    %convert_element_type3A_167 = arith.extui %eq3A_166 : i1 to i32
    %cond3A_168 = arith.constant 0 : i32
    %cond3A_169 = arith.cmpi ne, %convert_element_type3A_167, %cond3A_168 : i32
    scf.if %cond3A_169 {
      %dma_start3A = arith.constant 1 : i32
      %dma_start3A_297 = arith.constant 0 : i32
      %dma_start3A_298 = tpu.memref_slice %arg14[%dma_start3A, %dma_start3A_297] : memref<3x64xi32, #tpu.memory_space<vmem>> -> memref<1x64xi32, #tpu.memory_space<vmem>>
      %dma_start3A_299 = tpu.memref_squeeze %dma_start3A_298 : memref<1x64xi32, #tpu.memory_space<vmem>> -> memref<64xi32, #tpu.memory_space<vmem>>
      %dma_start3A_300 = arith.constant 0 : i32
      %dma_start3A_301 = arith.constant 0 : i32
      %dma_start3A_302 = tpu.memref_slice %arg2[%dma_start3A_300, %dma_start3A_301] : memref<10000x128xf32, #tpu.memory_space<hbm>> -> memref<10000x128xf32, #tpu.memory_space<hbm>>
      tpu.enqueue_indirect_dma source(%dma_start3A_302 : memref<10000x128xf32, #tpu.memory_space<hbm>>) target(%arg12 : memref<64x128xf32, #tpu.memory_space<vmem>>) offsets(%dma_start3A_299 : memref<64xi32, #tpu.memory_space<vmem>>) semaphore(%arg20 : memref<!tpu.dma_semaphore, #tpu.memory_space<semaphore_mem>>)
    } else {
    }
    %eq3A_170 = arith.constant 1 : i32
    %eq3A_171 = arith.cmpi eq, %arg0, %eq3A_170 : i32
    %convert_element_type3A_172 = arith.extui %eq3A_171 : i1 to i32
    %cond3A_173 = arith.constant 0 : i32
    %cond3A_174 = arith.cmpi ne, %convert_element_type3A_172, %cond3A_173 : i32
    scf.if %cond3A_174 {
      %dma_start3A = arith.constant 1 : i32
      %dma_start3A_297 = arith.constant 0 : i32
      %dma_start3A_298 = tpu.memref_slice %arg14[%dma_start3A, %dma_start3A_297] : memref<3x64xi32, #tpu.memory_space<vmem>> -> memref<1x64xi32, #tpu.memory_space<vmem>>
      %dma_start3A_299 = tpu.memref_squeeze %dma_start3A_298 : memref<1x64xi32, #tpu.memory_space<vmem>> -> memref<64xi32, #tpu.memory_space<vmem>>
      %dma_start3A_300 = arith.constant 0 : i32
      %dma_start3A_301 = arith.constant 0 : i32
      %dma_start3A_302 = tpu.memref_slice %arg3[%dma_start3A_300, %dma_start3A_301] : memref<10000x128xf32, #tpu.memory_space<hbm>> -> memref<10000x128xf32, #tpu.memory_space<hbm>>
      tpu.enqueue_indirect_dma source(%dma_start3A_302 : memref<10000x128xf32, #tpu.memory_space<hbm>>) target(%arg12 : memref<64x128xf32, #tpu.memory_space<vmem>>) offsets(%dma_start3A_299 : memref<64xi32, #tpu.memory_space<vmem>>) semaphore(%arg20 : memref<!tpu.dma_semaphore, #tpu.memory_space<semaphore_mem>>)
    } else {
    }
    %get3A_175 = arith.constant 1 : i32
    %get3A_176 = arith.index_cast %get3A_175 : i32 to index
    %get3A_177 = arith.constant 0 : index
    %get3A_178 = tpu.vector_load %arg9[%get3A_176, %get3A_177] {strides = array<i32>} : memref<84x128xi32, #tpu.memory_space<vmem>>, vector<16xi32>,
    %shift_right_logical3A_179 = arith.constant 14 : i32
    %shift_right_logical3A_180 = vector.broadcast %shift_right_logical3A_179 : i32 to vector<16xi32>
    %shift_right_logical3A_181 = arith.shrui %get3A_178, %shift_right_logical3A_180 : vector<16xi32>
    %swap3A_182 = arith.constant 2 : i32
    %swap3A_183 = arith.index_cast %swap3A_182 : i32 to index
    %swap3A_184 = arith.constant 0 : index
    %swap3A_185 = tpu.vector_load %arg14[%swap3A_183, %swap3A_184] {strides = array<i32>} : memref<3x64xi32, #tpu.memory_space<vmem>>, vector<16xi32>,
    tpu.vector_store %arg14[%swap3A_183, %swap3A_184], %shift_right_logical3A_181 {strides = array<i32>} : memref<3x64xi32, #tpu.memory_space<vmem>>, vector<16xi32>,
    %and3A_186 = arith.constant 16383 : i32
    %and3A_187 = vector.broadcast %and3A_186 : i32 to vector<16xi32>
    %and3A_188 = arith.andi %get3A_178, %and3A_187 : vector<16xi32>
    %swap3A_189 = arith.constant 2 : i32
    %swap3A_190 = arith.index_cast %swap3A_189 : i32 to index
    %swap3A_191 = arith.constant 0 : index
    %swap3A_192 = tpu.vector_load %arg15[%swap3A_190, %swap3A_191] {strides = array<i32>} : memref<3x64xi32, #tpu.memory_space<vmem>>, vector<16xi32>,
    tpu.vector_store %arg15[%swap3A_190, %swap3A_191], %and3A_188 {strides = array<i32>} : memref<3x64xi32, #tpu.memory_space<vmem>>, vector<16xi32>,
    %get3A_193 = arith.constant 1 : i32
    %get3A_194 = arith.index_cast %get3A_193 : i32 to index
    %get3A_195 = arith.constant 16 : index
    %get3A_196 = tpu.vector_load %arg9[%get3A_194, %get3A_195] {strides = array<i32>} : memref<84x128xi32, #tpu.memory_space<vmem>>, vector<16xi32>,
    %shift_right_logical3A_197 = arith.constant 14 : i32
    %shift_right_logical3A_198 = vector.broadcast %shift_right_logical3A_197 : i32 to vector<16xi32>
    %shift_right_logical3A_199 = arith.shrui %get3A_196, %shift_right_logical3A_198 : vector<16xi32>
    %swap3A_200 = arith.constant 2 : i32
    %swap3A_201 = arith.index_cast %swap3A_200 : i32 to index
    %swap3A_202 = arith.constant 16 : index
    %swap3A_203 = tpu.vector_load %arg14[%swap3A_201, %swap3A_202] {strides = array<i32>} : memref<3x64xi32, #tpu.memory_space<vmem>>, vector<16xi32>,
    tpu.vector_store %arg14[%swap3A_201, %swap3A_202], %shift_right_logical3A_199 {strides = array<i32>} : memref<3x64xi32, #tpu.memory_space<vmem>>, vector<16xi32>,
    %and3A_204 = arith.constant 16383 : i32
    %and3A_205 = vector.broadcast %and3A_204 : i32 to vector<16xi32>
    %and3A_206 = arith.andi %get3A_196, %and3A_205 : vector<16xi32>
    %swap3A_207 = arith.constant 2 : i32
    %swap3A_208 = arith.index_cast %swap3A_207 : i32 to index
    %swap3A_209 = arith.constant 16 : index
    %swap3A_210 = tpu.vector_load %arg15[%swap3A_208, %swap3A_209] {strides = array<i32>} : memref<3x64xi32, #tpu.memory_space<vmem>>, vector<16xi32>,
    tpu.vector_store %arg15[%swap3A_208, %swap3A_209], %and3A_206 {strides = array<i32>} : memref<3x64xi32, #tpu.memory_space<vmem>>, vector<16xi32>,
    %get3A_211 = arith.constant 1 : i32
    %get3A_212 = arith.index_cast %get3A_211 : i32 to index
    %get3A_213 = arith.constant 32 : index
    %get3A_214 = tpu.vector_load %arg9[%get3A_212, %get3A_213] {strides = array<i32>} : memref<84x128xi32, #tpu.memory_space<vmem>>, vector<16xi32>,
    %shift_right_logical3A_215 = arith.constant 14 : i32
    %shift_right_logical3A_216 = vector.broadcast %shift_right_logical3A_215 : i32 to vector<16xi32>
    %shift_right_logical3A_217 = arith.shrui %get3A_214, %shift_right_logical3A_216 : vector<16xi32>
    %swap3A_218 = arith.constant 2 : i32
    %swap3A_219 = arith.index_cast %swap3A_218 : i32 to index
    %swap3A_220 = arith.constant 32 : index
    %swap3A_221 = tpu.vector_load %arg14[%swap3A_219, %swap3A_220] {strides = array<i32>} : memref<3x64xi32, #tpu.memory_space<vmem>>, vector<16xi32>,
    tpu.vector_store %arg14[%swap3A_219, %swap3A_220], %shift_right_logical3A_217 {strides = array<i32>} : memref<3x64xi32, #tpu.memory_space<vmem>>, vector<16xi32>,
    %and3A_222 = arith.constant 16383 : i32
    %and3A_223 = vector.broadcast %and3A_222 : i32 to vector<16xi32>
    %and3A_224 = arith.andi %get3A_214, %and3A_223 : vector<16xi32>
    %swap3A_225 = arith.constant 2 : i32
    %swap3A_226 = arith.index_cast %swap3A_225 : i32 to index
    %swap3A_227 = arith.constant 32 : index
    %swap3A_228 = tpu.vector_load %arg15[%swap3A_226, %swap3A_227] {strides = array<i32>} : memref<3x64xi32, #tpu.memory_space<vmem>>, vector<16xi32>,
    tpu.vector_store %arg15[%swap3A_226, %swap3A_227], %and3A_224 {strides = array<i32>} : memref<3x64xi32, #tpu.memory_space<vmem>>, vector<16xi32>,
    %get3A_229 = arith.constant 1 : i32
    %get3A_230 = arith.index_cast %get3A_229 : i32 to index
    %get3A_231 = arith.constant 48 : index
    %get3A_232 = tpu.vector_load %arg9[%get3A_230, %get3A_231] {strides = array<i32>} : memref<84x128xi32, #tpu.memory_space<vmem>>, vector<16xi32>,
    %shift_right_logical3A_233 = arith.constant 14 : i32
    %shift_right_logical3A_234 = vector.broadcast %shift_right_logical3A_233 : i32 to vector<16xi32>
    %shift_right_logical3A_235 = arith.shrui %get3A_232, %shift_right_logical3A_234 : vector<16xi32>
    %swap3A_236 = arith.constant 2 : i32
    %swap3A_237 = arith.index_cast %swap3A_236 : i32 to index
    %swap3A_238 = arith.constant 48 : index
    %swap3A_239 = tpu.vector_load %arg14[%swap3A_237, %swap3A_238] {strides = array<i32>} : memref<3x64xi32, #tpu.memory_space<vmem>>, vector<16xi32>,
    tpu.vector_store %arg14[%swap3A_237, %swap3A_238], %shift_right_logical3A_235 {strides = array<i32>} : memref<3x64xi32, #tpu.memory_space<vmem>>, vector<16xi32>,
    %and3A_240 = arith.constant 16383 : i32
    %and3A_241 = vector.broadcast %and3A_240 : i32 to vector<16xi32>
    %and3A_242 = arith.andi %get3A_232, %and3A_241 : vector<16xi32>
    %swap3A_243 = arith.constant 2 : i32
    %swap3A_244 = arith.index_cast %swap3A_243 : i32 to index
    %swap3A_245 = arith.constant 48 : index
    %swap3A_246 = tpu.vector_load %arg15[%swap3A_244, %swap3A_245] {strides = array<i32>} : memref<3x64xi32, #tpu.memory_space<vmem>>, vector<16xi32>,
    tpu.vector_store %arg15[%swap3A_244, %swap3A_245], %and3A_242 {strides = array<i32>} : memref<3x64xi32, #tpu.memory_space<vmem>>, vector<16xi32>,
    %eq3A_247 = arith.constant 0 : i32
    %eq3A_248 = arith.cmpi eq, %arg0, %eq3A_247 : i32
    %convert_element_type3A_249 = arith.extui %eq3A_248 : i1 to i32
    %cond3A_250 = arith.constant 0 : i32
    %cond3A_251 = arith.cmpi ne, %convert_element_type3A_249, %cond3A_250 : i32
    scf.if %cond3A_251 {
      %dma_start3A = arith.constant 2 : i32
      %dma_start3A_297 = arith.constant 0 : i32
      %dma_start3A_298 = tpu.memref_slice %arg14[%dma_start3A, %dma_start3A_297] : memref<3x64xi32, #tpu.memory_space<vmem>> -> memref<1x64xi32, #tpu.memory_space<vmem>>
      %dma_start3A_299 = tpu.memref_squeeze %dma_start3A_298 : memref<1x64xi32, #tpu.memory_space<vmem>> -> memref<64xi32, #tpu.memory_space<vmem>>
      %dma_start3A_300 = arith.constant 0 : i32
      %dma_start3A_301 = arith.constant 0 : i32
      %dma_start3A_302 = tpu.memref_slice %arg2[%dma_start3A_300, %dma_start3A_301] : memref<10000x128xf32, #tpu.memory_space<hbm>> -> memref<10000x128xf32, #tpu.memory_space<hbm>>
      tpu.enqueue_indirect_dma source(%dma_start3A_302 : memref<10000x128xf32, #tpu.memory_space<hbm>>) target(%arg13 : memref<64x128xf32, #tpu.memory_space<vmem>>) offsets(%dma_start3A_299 : memref<64xi32, #tpu.memory_space<vmem>>) semaphore(%arg21 : memref<!tpu.dma_semaphore, #tpu.memory_space<semaphore_mem>>)
    } else {
    }
    %eq3A_252 = arith.constant 1 : i32
    %eq3A_253 = arith.cmpi eq, %arg0, %eq3A_252 : i32
    %convert_element_type3A_254 = arith.extui %eq3A_253 : i1 to i32
    %cond3A_255 = arith.constant 0 : i32
    %cond3A_256 = arith.cmpi ne, %convert_element_type3A_254, %cond3A_255 : i32
    scf.if %cond3A_256 {
      %dma_start3A = arith.constant 2 : i32
      %dma_start3A_297 = arith.constant 0 : i32
      %dma_start3A_298 = tpu.memref_slice %arg14[%dma_start3A, %dma_start3A_297] : memref<3x64xi32, #tpu.memory_space<vmem>> -> memref<1x64xi32, #tpu.memory_space<vmem>>
      %dma_start3A_299 = tpu.memref_squeeze %dma_start3A_298 : memref<1x64xi32, #tpu.memory_space<vmem>> -> memref<64xi32, #tpu.memory_space<vmem>>
      %dma_start3A_300 = arith.constant 0 : i32
      %dma_start3A_301 = arith.constant 0 : i32
      %dma_start3A_302 = tpu.memref_slice %arg3[%dma_start3A_300, %dma_start3A_301] : memref<10000x128xf32, #tpu.memory_space<hbm>> -> memref<10000x128xf32, #tpu.memory_space<hbm>>
      tpu.enqueue_indirect_dma source(%dma_start3A_302 : memref<10000x128xf32, #tpu.memory_space<hbm>>) target(%arg13 : memref<64x128xf32, #tpu.memory_space<vmem>>) offsets(%dma_start3A_299 : memref<64xi32, #tpu.memory_space<vmem>>) semaphore(%arg21 : memref<!tpu.dma_semaphore, #tpu.memory_space<semaphore_mem>>)
    } else {
    }
    %broadcast_in_dim3A = arith.constant 1 : i32
    %broadcast_in_dim3A_257 = vector.broadcast %broadcast_in_dim3A : i32 to vector<16xi32>
    %scan3A_258 = arith.constant 0 : i32
    %scan3A_259 = arith.constant 0 : i32
    %scan3A_260 = arith.constant 56 : i32
    %scan3A_261 = arith.addi %scan3A_259, %scan3A_260 : i32
    %scan3A_262 = arith.constant 1 : i32
    scf.for %scan3A_297 = %scan3A_259 to %scan3A_261 step %scan3A_262  : i32 {
      %mul3A_298 = arith.constant 3 : i32
      %mul3A_299 = arith.muli %mul3A_298, %scan3A_297 : i32
      %dma_wait3A_300 = arith.constant 0 : i32
      %dma_wait3A_301 = arith.constant 0 : i32
      %dma_wait3A_302 = tpu.memref_slice %arg14[%dma_wait3A_300, %dma_wait3A_301] : memref<3x64xi32, #tpu.memory_space<vmem>> -> memref<1x64xi32, #tpu.memory_space<vmem>>
      %dma_wait3A_303 = tpu.memref_squeeze %dma_wait3A_302 : memref<1x64xi32, #tpu.memory_space<vmem>> -> memref<64xi32, #tpu.memory_space<vmem>>
      %dma_wait3A_304 = arith.constant 0 : i32
      %dma_wait3A_305 = arith.constant 0 : i32
      %dma_wait3A_306 = tpu.memref_slice %arg2[%dma_wait3A_304, %dma_wait3A_305] : memref<10000x128xf32, #tpu.memory_space<hbm>> -> memref<10000x128xf32, #tpu.memory_space<hbm>>
      tpu.wait_indirect_dma semaphore(%arg19 : memref<!tpu.dma_semaphore, #tpu.memory_space<semaphore_mem>>) src(%dma_wait3A_306 : memref<10000x128xf32, #tpu.memory_space<hbm>>) dst(%arg11 : memref<64x128xf32, #tpu.memory_space<vmem>>)
      %add3A = arith.constant 0 : i32
      %add3A_307 = arith.addi %mul3A_299, %add3A : i32
      %jit3A_308 = arith.constant 2 : i32
      %div3A = arith.divsi %add3A_307, %jit3A_308 : i32
      %sign3A = arith.constant 0 : i32
      %sign3A_309 = arith.cmpi sgt, %add3A_307, %sign3A : i32
      %sign3A_310 = arith.extui %sign3A_309 : i1 to i32
      %sign3A_311 = arith.constant 0 : i32
      %sign3A_312 = arith.cmpi slt, %add3A_307, %sign3A_311 : i32
      %sign3A_313 = arith.extui %sign3A_312 : i1 to i32
      %sign3A_314 = arith.subi %sign3A_310, %sign3A_313 : i32
      %sign3A_315 = arith.constant 0 : i32
      %sign3A_316 = arith.cmpi sgt, %jit3A_308, %sign3A_315 : i32
      %sign3A_317 = arith.extui %sign3A_316 : i1 to i32
      %sign3A_318 = arith.constant 0 : i32
      %sign3A_319 = arith.cmpi slt, %jit3A_308, %sign3A_318 : i32
      %sign3A_320 = arith.extui %sign3A_319 : i1 to i32
      %sign3A_321 = arith.subi %sign3A_317, %sign3A_320 : i32
      %ne3A = arith.cmpi ne, %sign3A_314, %sign3A_321 : i32
      %rem3A = arith.remsi %add3A_307, %jit3A_308 : i32
      %ne3A_322 = arith.constant 0 : i32
      %ne3A_323 = arith.cmpi ne, %rem3A, %ne3A_322 : i32
      %and3A_324 = arith.andi %ne3A, %ne3A_323 : i1
      %sub3A = arith.constant 1 : i32
      %sub3A_325 = arith.subi %div3A, %sub3A : i32
      %select_n3A_326 = arith.select %and3A_324, %sub3A_325, %div3A : i32
      %broadcast_in_dim3A_327 = vector.broadcast %select_n3A_326 : i32 to vector<16xi32>
      %jit3A_328 = arith.constant 2 : i32
      %eq3A_329 = arith.constant 0 : i32
      %eq3A_330 = arith.cmpi eq, %jit3A_328, %eq3A_329 : i32
      %jit3A_331 = arith.constant 1 : i32
      %select_n3A_332 = arith.select %eq3A_330, %jit3A_331, %jit3A_328 : i32
      %rem3A_333 = arith.remsi %add3A_307, %select_n3A_332 : i32
      %ne3A_334 = arith.constant 0 : i32
      %ne3A_335 = arith.cmpi ne, %rem3A_333, %ne3A_334 : i32
      %lt3A = arith.constant 0 : i32
      %lt3A_336 = arith.cmpi slt, %rem3A_333, %lt3A : i32
      %lt3A_337 = arith.constant 0 : i32
      %lt3A_338 = arith.cmpi slt, %select_n3A_332, %lt3A_337 : i32
      %ne3A_339 = arith.xori %lt3A_336, %lt3A_338 : i1
      %and3A_340 = arith.andi %ne3A_339, %ne3A_335 : i1
      %add3A_341 = arith.addi %rem3A_333, %select_n3A_332 : i32
      %select_n3A_342 = arith.select %and3A_340, %add3A_341, %rem3A_333 : i32
      %mul3A_343 = arith.constant 64 : i32
      %mul3A_344 = arith.muli %select_n3A_342, %mul3A_343 : i32
      %broadcast_in_dim3A_345 = vector.broadcast %mul3A_344 : i32 to vector<16xi32>
      %scan3A_346 = arith.constant 0 : i32
      %scan3A_347 = arith.constant 8 : i32
      %scan3A_348 = arith.addi %scan3A_346, %scan3A_347 : i32
      %scan3A_349 = arith.constant 1 : i32
      %scan3A_350 = scf.for %scan3A_497 = %scan3A_346 to %scan3A_348 step %scan3A_349 iter_args(%scan3A_498 = %broadcast_in_dim3A_345) -> (vector<16xi32>)  : i32 {
        %mul3A_499 = arith.constant 8 : i32
        %mul3A_500 = arith.muli %scan3A_497, %mul3A_499 : i32
        %add3A_501 = arith.constant 0 : i32
        %add3A_502 = arith.addi %mul3A_500, %add3A_501 : i32
        %gather3A = tpu.vector_load_idx %arg10[%broadcast_in_dim3A_327, %scan3A_498] : memref<84x128xf32, #tpu.memory_space<vmem>>[vector<16xi32>, vector<16xi32>], vector<16xf32>,
        %get3A_503 = arith.index_cast %add3A_502 : i32 to index
        %get3A_504 = arith.constant 0 : index
        %get3A_505 = tpu.vector_load %arg11[%get3A_503, %get3A_504] {strides = array<i32>} : memref<64x128xf32, #tpu.memory_space<vmem>>, vector<16xf32>,
        %mul3A_506 = arith.mulf %get3A_505, %gather3A : vector<16xf32>
        %swap3A_507 = arith.index_cast %add3A_502 : i32 to index
        %swap3A_508 = arith.constant 0 : index
        %swap3A_509 = tpu.vector_load %arg11[%swap3A_507, %swap3A_508] {strides = array<i32>} : memref<64x128xf32, #tpu.memory_space<vmem>>, vector<16xf32>,
        tpu.vector_store %arg11[%swap3A_507, %swap3A_508], %mul3A_506 {strides = array<i32>} : memref<64x128xf32, #tpu.memory_space<vmem>>, vector<16xf32>,
        %get3A_510 = arith.index_cast %add3A_502 : i32 to index
        %get3A_511 = arith.constant 16 : index
        %get3A_512 = tpu.vector_load %arg11[%get3A_510, %get3A_511] {strides = array<i32>} : memref<64x128xf32, #tpu.memory_space<vmem>>, vector<16xf32>,
        %mul3A_513 = arith.mulf %get3A_512, %gather3A : vector<16xf32>
        %swap3A_514 = arith.index_cast %add3A_502 : i32 to index
        %swap3A_515 = arith.constant 16 : index
        %swap3A_516 = tpu.vector_load %arg11[%swap3A_514, %swap3A_515] {strides = array<i32>} : memref<64x128xf32, #tpu.memory_space<vmem>>, vector<16xf32>,
        tpu.vector_store %arg11[%swap3A_514, %swap3A_515], %mul3A_513 {strides = array<i32>} : memref<64x128xf32, #tpu.memory_space<vmem>>, vector<16xf32>,
        %get3A_517 = arith.index_cast %add3A_502 : i32 to index
        %get3A_518 = arith.constant 32 : index
        %get3A_519 = tpu.vector_load %arg11[%get3A_517, %get3A_518] {strides = array<i32>} : memref<64x128xf32, #tpu.memory_space<vmem>>, vector<16xf32>,
        %mul3A_520 = arith.mulf %get3A_519, %gather3A : vector<16xf32>
        %swap3A_521 = arith.index_cast %add3A_502 : i32 to index
        %swap3A_522 = arith.constant 32 : index
        %swap3A_523 = tpu.vector_load %arg11[%swap3A_521, %swap3A_522] {strides = array<i32>} : memref<64x128xf32, #tpu.memory_space<vmem>>, vector<16xf32>,
        tpu.vector_store %arg11[%swap3A_521, %swap3A_522], %mul3A_520 {strides = array<i32>} : memref<64x128xf32, #tpu.memory_space<vmem>>, vector<16xf32>,
        %get3A_524 = arith.index_cast %add3A_502 : i32 to index
        %get3A_525 = arith.constant 48 : index
        %get3A_526 = tpu.vector_load %arg11[%get3A_524, %get3A_525] {strides = array<i32>} : memref<64x128xf32, #tpu.memory_space<vmem>>, vector<16xf32>,
        %mul3A_527 = arith.mulf %get3A_526, %gather3A : vector<16xf32>
        %swap3A_528 = arith.index_cast %add3A_502 : i32 to index
        %swap3A_529 = arith.constant 48 : index
        %swap3A_530 = tpu.vector_load %arg11[%swap3A_528, %swap3A_529] {strides = array<i32>} : memref<64x128xf32, #tpu.memory_space<vmem>>, vector<16xf32>,
        tpu.vector_store %arg11[%swap3A_528, %swap3A_529], %mul3A_527 {strides = array<i32>} : memref<64x128xf32, #tpu.memory_space<vmem>>, vector<16xf32>,
        %get3A_531 = arith.index_cast %add3A_502 : i32 to index
        %get3A_532 = arith.constant 64 : index
        %get3A_533 = tpu.vector_load %arg11[%get3A_531, %get3A_532] {strides = array<i32>} : memref<64x128xf32, #tpu.memory_space<vmem>>, vector<16xf32>,
        %mul3A_534 = arith.mulf %get3A_533, %gather3A : vector<16xf32>
        %swap3A_535 = arith.index_cast %add3A_502 : i32 to index
        %swap3A_536 = arith.constant 64 : index
        %swap3A_537 = tpu.vector_load %arg11[%swap3A_535, %swap3A_536] {strides = array<i32>} : memref<64x128xf32, #tpu.memory_space<vmem>>, vector<16xf32>,
        tpu.vector_store %arg11[%swap3A_535, %swap3A_536], %mul3A_534 {strides = array<i32>} : memref<64x128xf32, #tpu.memory_space<vmem>>, vector<16xf32>,
        %get3A_538 = arith.index_cast %add3A_502 : i32 to index
        %get3A_539 = arith.constant 80 : index
        %get3A_540 = tpu.vector_load %arg11[%get3A_538, %get3A_539] {strides = array<i32>} : memref<64x128xf32, #tpu.memory_space<vmem>>, vector<16xf32>,
        %mul3A_541 = arith.mulf %get3A_540, %gather3A : vector<16xf32>
        %swap3A_542 = arith.index_cast %add3A_502 : i32 to index
        %swap3A_543 = arith.constant 80 : index
        %swap3A_544 = tpu.vector_load %arg11[%swap3A_542, %swap3A_543] {strides = array<i32>} : memref<64x128xf32, #tpu.memory_space<vmem>>, vector<16xf32>,
        tpu.vector_store %arg11[%swap3A_542, %swap3A_543], %mul3A_541 {strides = array<i32>} : memref<64x128xf32, #tpu.memory_space<vmem>>, vector<16xf32>,
        %get3A_545 = arith.index_cast %add3A_502 : i32 to index
        %get3A_546 = arith.constant 96 : index
        %get3A_547 = tpu.vector_load %arg11[%get3A_545, %get3A_546] {strides = array<i32>} : memref<64x128xf32, #tpu.memory_space<vmem>>, vector<16xf32>,
        %mul3A_548 = arith.mulf %get3A_547, %gather3A : vector<16xf32>
        %swap3A_549 = arith.index_cast %add3A_502 : i32 to index
        %swap3A_550 = arith.constant 96 : index
        %swap3A_551 = tpu.vector_load %arg11[%swap3A_549, %swap3A_550] {strides = array<i32>} : memref<64x128xf32, #tpu.memory_space<vmem>>, vector<16xf32>,
        tpu.vector_store %arg11[%swap3A_549, %swap3A_550], %mul3A_548 {strides = array<i32>} : memref<64x128xf32, #tpu.memory_space<vmem>>, vector<16xf32>,
        %get3A_552 = arith.index_cast %add3A_502 : i32 to index
        %get3A_553 = arith.constant 112 : index
        %get3A_554 = tpu.vector_load %arg11[%get3A_552, %get3A_553] {strides = array<i32>} : memref<64x128xf32, #tpu.memory_space<vmem>>, vector<16xf32>,
        %mul3A_555 = arith.mulf %get3A_554, %gather3A : vector<16xf32>
        %swap3A_556 = arith.index_cast %add3A_502 : i32 to index
        %swap3A_557 = arith.constant 112 : index
        %swap3A_558 = tpu.vector_load %arg11[%swap3A_556, %swap3A_557] {strides = array<i32>} : memref<64x128xf32, #tpu.memory_space<vmem>>, vector<16xf32>,
        tpu.vector_store %arg11[%swap3A_556, %swap3A_557], %mul3A_555 {strides = array<i32>} : memref<64x128xf32, #tpu.memory_space<vmem>>, vector<16xf32>,
        %add3A_559 = arith.addi %scan3A_498, %broadcast_in_dim3A_257 : vector<16xi32>
        %mul3A_560 = arith.constant 8 : i32
        %mul3A_561 = arith.muli %scan3A_497, %mul3A_560 : i32
        %add3A_562 = arith.constant 1 : i32
        %add3A_563 = arith.addi %mul3A_561, %add3A_562 : i32
        %gather3A_564 = tpu.vector_load_idx %arg10[%broadcast_in_dim3A_327, %add3A_559] : memref<84x128xf32, #tpu.memory_space<vmem>>[vector<16xi32>, vector<16xi32>], vector<16xf32>,
        %get3A_565 = arith.index_cast %add3A_563 : i32 to index
        %get3A_566 = arith.constant 0 : index
        %get3A_567 = tpu.vector_load %arg11[%get3A_565, %get3A_566] {strides = array<i32>} : memref<64x128xf32, #tpu.memory_space<vmem>>, vector<16xf32>,
        %mul3A_568 = arith.mulf %get3A_567, %gather3A_564 : vector<16xf32>
        %swap3A_569 = arith.index_cast %add3A_563 : i32 to index
        %swap3A_570 = arith.constant 0 : index
        %swap3A_571 = tpu.vector_load %arg11[%swap3A_569, %swap3A_570] {strides = array<i32>} : memref<64x128xf32, #tpu.memory_space<vmem>>, vector<16xf32>,
        tpu.vector_store %arg11[%swap3A_569, %swap3A_570], %mul3A_568 {strides = array<i32>} : memref<64x128xf32, #tpu.memory_space<vmem>>, vector<16xf32>,
        %get3A_572 = arith.index_cast %add3A_563 : i32 to index
        %get3A_573 = arith.constant 16 : index
        %get3A_574 = tpu.vector_load %arg11[%get3A_572, %get3A_573] {strides = array<i32>} : memref<64x128xf32, #tpu.memory_space<vmem>>, vector<16xf32>,
        %mul3A_575 = arith.mulf %get3A_574, %gather3A_564 : vector<16xf32>
        %swap3A_576 = arith.index_cast %add3A_563 : i32 to index
        %swap3A_577 = arith.constant 16 : index
        %swap3A_578 = tpu.vector_load %arg11[%swap3A_576, %swap3A_577] {strides = array<i32>} : memref<64x128xf32, #tpu.memory_space<vmem>>, vector<16xf32>,
        tpu.vector_store %arg11[%swap3A_576, %swap3A_577], %mul3A_575 {strides = array<i32>} : memref<64x128xf32, #tpu.memory_space<vmem>>, vector<16xf32>,
        %get3A_579 = arith.index_cast %add3A_563 : i32 to index
        %get3A_580 = arith.constant 32 : index
        %get3A_581 = tpu.vector_load %arg11[%get3A_579, %get3A_580] {strides = array<i32>} : memref<64x128xf32, #tpu.memory_space<vmem>>, vector<16xf32>,
        %mul3A_582 = arith.mulf %get3A_581, %gather3A_564 : vector<16xf32>
        %swap3A_583 = arith.index_cast %add3A_563 : i32 to index
        %swap3A_584 = arith.constant 32 : index
        %swap3A_585 = tpu.vector_load %arg11[%swap3A_583, %swap3A_584] {strides = array<i32>} : memref<64x128xf32, #tpu.memory_space<vmem>>, vector<16xf32>,
        tpu.vector_store %arg11[%swap3A_583, %swap3A_584], %mul3A_582 {strides = array<i32>} : memref<64x128xf32, #tpu.memory_space<vmem>>, vector<16xf32>,
        %get3A_586 = arith.index_cast %add3A_563 : i32 to index
        %get3A_587 = arith.constant 48 : index
        %get3A_588 = tpu.vector_load %arg11[%get3A_586, %get3A_587] {strides = array<i32>} : memref<64x128xf32, #tpu.memory_space<vmem>>, vector<16xf32>,
        %mul3A_589 = arith.mulf %get3A_588, %gather3A_564 : vector<16xf32>
        %swap3A_590 = arith.index_cast %add3A_563 : i32 to index
        %swap3A_591 = arith.constant 48 : index
        %swap3A_592 = tpu.vector_load %arg11[%swap3A_590, %swap3A_591] {strides = array<i32>} : memref<64x128xf32, #tpu.memory_space<vmem>>, vector<16xf32>,
        tpu.vector_store %arg11[%swap3A_590, %swap3A_591], %mul3A_589 {strides = array<i32>} : memref<64x128xf32, #tpu.memory_space<vmem>>, vector<16xf32>,
        %get3A_593 = arith.index_cast %add3A_563 : i32 to index
        %get3A_594 = arith.constant 64 : index
        %get3A_595 = tpu.vector_load %arg11[%get3A_593, %get3A_594] {strides = array<i32>} : memref<64x128xf32, #tpu.memory_space<vmem>>, vector<16xf32>,
        %mul3A_596 = arith.mulf %get3A_595, %gather3A_564 : vector<16xf32>
        %swap3A_597 = arith.index_cast %add3A_563 : i32 to index
        %swap3A_598 = arith.constant 64 : index
        %swap3A_599 = tpu.vector_load %arg11[%swap3A_597, %swap3A_598] {strides = array<i32>} : memref<64x128xf32, #tpu.memory_space<vmem>>, vector<16xf32>,
        tpu.vector_store %arg11[%swap3A_597, %swap3A_598], %mul3A_596 {strides = array<i32>} : memref<64x128xf32, #tpu.memory_space<vmem>>, vector<16xf32>,
        %get3A_600 = arith.index_cast %add3A_563 : i32 to index
        %get3A_601 = arith.constant 80 : index
        %get3A_602 = tpu.vector_load %arg11[%get3A_600, %get3A_601] {strides = array<i32>} : memref<64x128xf32, #tpu.memory_space<vmem>>, vector<16xf32>,
        %mul3A_603 = arith.mulf %get3A_602, %gather3A_564 : vector<16xf32>
        %swap3A_604 = arith.index_cast %add3A_563 : i32 to index
        %swap3A_605 = arith.constant 80 : index
        %swap3A_606 = tpu.vector_load %arg11[%swap3A_604, %swap3A_605] {strides = array<i32>} : memref<64x128xf32, #tpu.memory_space<vmem>>, vector<16xf32>,
        tpu.vector_store %arg11[%swap3A_604, %swap3A_605], %mul3A_603 {strides = array<i32>} : memref<64x128xf32, #tpu.memory_space<vmem>>, vector<16xf32>,
        %get3A_607 = arith.index_cast %add3A_563 : i32 to index
        %get3A_608 = arith.constant 96 : index
        %get3A_609 = tpu.vector_load %arg11[%get3A_607, %get3A_608] {strides = array<i32>} : memref<64x128xf32, #tpu.memory_space<vmem>>, vector<16xf32>,
        %mul3A_610 = arith.mulf %get3A_609, %gather3A_564 : vector<16xf32>
        %swap3A_611 = arith.index_cast %add3A_563 : i32 to index
        %swap3A_612 = arith.constant 96 : index
        %swap3A_613 = tpu.vector_load %arg11[%swap3A_611, %swap3A_612] {strides = array<i32>} : memref<64x128xf32, #tpu.memory_space<vmem>>, vector<16xf32>,
        tpu.vector_store %arg11[%swap3A_611, %swap3A_612], %mul3A_610 {strides = array<i32>} : memref<64x128xf32, #tpu.memory_space<vmem>>, vector<16xf32>,
        %get3A_614 = arith.index_cast %add3A_563 : i32 to index
        %get3A_615 = arith.constant 112 : index
        %get3A_616 = tpu.vector_load %arg11[%get3A_614, %get3A_615] {strides = array<i32>} : memref<64x128xf32, #tpu.memory_space<vmem>>, vector<16xf32>,
        %mul3A_617 = arith.mulf %get3A_616, %gather3A_564 : vector<16xf32>
        %swap3A_618 = arith.index_cast %add3A_563 : i32 to index
        %swap3A_619 = arith.constant 112 : index
        %swap3A_620 = tpu.vector_load %arg11[%swap3A_618, %swap3A_619] {strides = array<i32>} : memref<64x128xf32, #tpu.memory_space<vmem>>, vector<16xf32>,
        tpu.vector_store %arg11[%swap3A_618, %swap3A_619], %mul3A_617 {strides = array<i32>} : memref<64x128xf32, #tpu.memory_space<vmem>>, vector<16xf32>,
        %add3A_621 = arith.addi %add3A_559, %broadcast_in_dim3A_257 : vector<16xi32>
        %mul3A_622 = arith.constant 8 : i32
        %mul3A_623 = arith.muli %scan3A_497, %mul3A_622 : i32
        %add3A_624 = arith.constant 2 : i32
        %add3A_625 = arith.addi %mul3A_623, %add3A_624 : i32
        %gather3A_626 = tpu.vector_load_idx %arg10[%broadcast_in_dim3A_327, %add3A_621] : memref<84x128xf32, #tpu.memory_space<vmem>>[vector<16xi32>, vector<16xi32>], vector<16xf32>,
        %get3A_627 = arith.index_cast %add3A_625 : i32 to index
        %get3A_628 = arith.constant 0 : index
        %get3A_629 = tpu.vector_load %arg11[%get3A_627, %get3A_628] {strides = array<i32>} : memref<64x128xf32, #tpu.memory_space<vmem>>, vector<16xf32>,
        %mul3A_630 = arith.mulf %get3A_629, %gather3A_626 : vector<16xf32>
        %swap3A_631 = arith.index_cast %add3A_625 : i32 to index
        %swap3A_632 = arith.constant 0 : index
        %swap3A_633 = tpu.vector_load %arg11[%swap3A_631, %swap3A_632] {strides = array<i32>} : memref<64x128xf32, #tpu.memory_space<vmem>>, vector<16xf32>,
        tpu.vector_store %arg11[%swap3A_631, %swap3A_632], %mul3A_630 {strides = array<i32>} : memref<64x128xf32, #tpu.memory_space<vmem>>, vector<16xf32>,
        %get3A_634 = arith.index_cast %add3A_625 : i32 to index
        %get3A_635 = arith.constant 16 : index
        %get3A_636 = tpu.vector_load %arg11[%get3A_634, %get3A_635] {strides = array<i32>} : memref<64x128xf32, #tpu.memory_space<vmem>>, vector<16xf32>,
        %mul3A_637 = arith.mulf %get3A_636, %gather3A_626 : vector<16xf32>
        %swap3A_638 = arith.index_cast %add3A_625 : i32 to index
        %swap3A_639 = arith.constant 16 : index
        %swap3A_640 = tpu.vector_load %arg11[%swap3A_638, %swap3A_639] {strides = array<i32>} : memref<64x128xf32, #tpu.memory_space<vmem>>, vector<16xf32>,
        tpu.vector_store %arg11[%swap3A_638, %swap3A_639], %mul3A_637 {strides = array<i32>} : memref<64x128xf32, #tpu.memory_space<vmem>>, vector<16xf32>,
        %get3A_641 = arith.index_cast %add3A_625 : i32 to index
        %get3A_642 = arith.constant 32 : index
        %get3A_643 = tpu.vector_load %arg11[%get3A_641, %get3A_642] {strides = array<i32>} : memref<64x128xf32, #tpu.memory_space<vmem>>, vector<16xf32>,
        %mul3A_644 = arith.mulf %get3A_643, %gather3A_626 : vector<16xf32>
        %swap3A_645 = arith.index_cast %add3A_625 : i32 to index
        %swap3A_646 = arith.constant 32 : index
        %swap3A_647 = tpu.vector_load %arg11[%swap3A_645, %swap3A_646] {strides = array<i32>} : memref<64x128xf32, #tpu.memory_space<vmem>>, vector<16xf32>,
        tpu.vector_store %arg11[%swap3A_645, %swap3A_646], %mul3A_644 {strides = array<i32>} : memref<64x128xf32, #tpu.memory_space<vmem>>, vector<16xf32>,
        %get3A_648 = arith.index_cast %add3A_625 : i32 to index
        %get3A_649 = arith.constant 48 : index
        %get3A_650 = tpu.vector_load %arg11[%get3A_648, %get3A_649] {strides = array<i32>} : memref<64x128xf32, #tpu.memory_space<vmem>>, vector<16xf32>,
        %mul3A_651 = arith.mulf %get3A_650, %gather3A_626 : vector<16xf32>
        %swap3A_652 = arith.index_cast %add3A_625 : i32 to index
        %swap3A_653 = arith.constant 48 : index
        %swap3A_654 = tpu.vector_load %arg11[%swap3A_652, %swap3A_653] {strides = array<i32>} : memref<64x128xf32, #tpu.memory_space<vmem>>, vector<16xf32>,
        tpu.vector_store %arg11[%swap3A_652, %swap3A_653], %mul3A_651 {strides = array<i32>} : memref<64x128xf32, #tpu.memory_space<vmem>>, vector<16xf32>,
        %get3A_655 = arith.index_cast %add3A_625 : i32 to index
        %get3A_656 = arith.constant 64 : index
        %get3A_657 = tpu.vector_load %arg11[%get3A_655, %get3A_656] {strides = array<i32>} : memref<64x128xf32, #tpu.memory_space<vmem>>, vector<16xf32>,
        %mul3A_658 = arith.mulf %get3A_657, %gather3A_626 : vector<16xf32>
        %swap3A_659 = arith.index_cast %add3A_625 : i32 to index
        %swap3A_660 = arith.constant 64 : index
        %swap3A_661 = tpu.vector_load %arg11[%swap3A_659, %swap3A_660] {strides = array<i32>} : memref<64x128xf32, #tpu.memory_space<vmem>>, vector<16xf32>,
        tpu.vector_store %arg11[%swap3A_659, %swap3A_660], %mul3A_658 {strides = array<i32>} : memref<64x128xf32, #tpu.memory_space<vmem>>, vector<16xf32>,
        %get3A_662 = arith.index_cast %add3A_625 : i32 to index
        %get3A_663 = arith.constant 80 : index
        %get3A_664 = tpu.vector_load %arg11[%get3A_662, %get3A_663] {strides = array<i32>} : memref<64x128xf32, #tpu.memory_space<vmem>>, vector<16xf32>,
        %mul3A_665 = arith.mulf %get3A_664, %gather3A_626 : vector<16xf32>
        %swap3A_666 = arith.index_cast %add3A_625 : i32 to index
        %swap3A_667 = arith.constant 80 : index
        %swap3A_668 = tpu.vector_load %arg11[%swap3A_666, %swap3A_667] {strides = array<i32>} : memref<64x128xf32, #tpu.memory_space<vmem>>, vector<16xf32>,
        tpu.vector_store %arg11[%swap3A_666, %swap3A_667], %mul3A_665 {strides = array<i32>} : memref<64x128xf32, #tpu.memory_space<vmem>>, vector<16xf32>,
        %get3A_669 = arith.index_cast %add3A_625 : i32 to index
        %get3A_670 = arith.constant 96 : index
        %get3A_671 = tpu.vector_load %arg11[%get3A_669, %get3A_670] {strides = array<i32>} : memref<64x128xf32, #tpu.memory_space<vmem>>, vector<16xf32>,
        %mul3A_672 = arith.mulf %get3A_671, %gather3A_626 : vector<16xf32>
        %swap3A_673 = arith.index_cast %add3A_625 : i32 to index
        %swap3A_674 = arith.constant 96 : index
        %swap3A_675 = tpu.vector_load %arg11[%swap3A_673, %swap3A_674] {strides = array<i32>} : memref<64x128xf32, #tpu.memory_space<vmem>>, vector<16xf32>,
        tpu.vector_store %arg11[%swap3A_673, %swap3A_674], %mul3A_672 {strides = array<i32>} : memref<64x128xf32, #tpu.memory_space<vmem>>, vector<16xf32>,
        %get3A_676 = arith.index_cast %add3A_625 : i32 to index
        %get3A_677 = arith.constant 112 : index
        %get3A_678 = tpu.vector_load %arg11[%get3A_676, %get3A_677] {strides = array<i32>} : memref<64x128xf32, #tpu.memory_space<vmem>>, vector<16xf32>,
        %mul3A_679 = arith.mulf %get3A_678, %gather3A_626 : vector<16xf32>
        %swap3A_680 = arith.index_cast %add3A_625 : i32 to index
        %swap3A_681 = arith.constant 112 : index
        %swap3A_682 = tpu.vector_load %arg11[%swap3A_680, %swap3A_681] {strides = array<i32>} : memref<64x128xf32, #tpu.memory_space<vmem>>, vector<16xf32>,
        tpu.vector_store %arg11[%swap3A_680, %swap3A_681], %mul3A_679 {strides = array<i32>} : memref<64x128xf32, #tpu.memory_space<vmem>>, vector<16xf32>,
        %add3A_683 = arith.addi %add3A_621, %broadcast_in_dim3A_257 : vector<16xi32>
        %mul3A_684 = arith.constant 8 : i32
        %mul3A_685 = arith.muli %scan3A_497, %mul3A_684 : i32
        %add3A_686 = arith.constant 3 : i32
        %add3A_687 = arith.addi %mul3A_685, %add3A_686 : i32
        %gather3A_688 = tpu.vector_load_idx %arg10[%broadcast_in_dim3A_327, %add3A_683] : memref<84x128xf32, #tpu.memory_space<vmem>>[vector<16xi32>, vector<16xi32>], vector<16xf32>,
        %get3A_689 = arith.index_cast %add3A_687 : i32 to index
        %get3A_690 = arith.constant 0 : index
        %get3A_691 = tpu.vector_load %arg11[%get3A_689, %get3A_690] {strides = array<i32>} : memref<64x128xf32, #tpu.memory_space<vmem>>, vector<16xf32>,
        %mul3A_692 = arith.mulf %get3A_691, %gather3A_688 : vector<16xf32>
        %swap3A_693 = arith.index_cast %add3A_687 : i32 to index
        %swap3A_694 = arith.constant 0 : index
        %swap3A_695 = tpu.vector_load %arg11[%swap3A_693, %swap3A_694] {strides = array<i32>} : memref<64x128xf32, #tpu.memory_space<vmem>>, vector<16xf32>,
        tpu.vector_store %arg11[%swap3A_693, %swap3A_694], %mul3A_692 {strides = array<i32>} : memref<64x128xf32, #tpu.memory_space<vmem>>, vector<16xf32>,
        %get3A_696 = arith.index_cast %add3A_687 : i32 to index
        %get3A_697 = arith.constant 16 : index
        %get3A_698 = tpu.vector_load %arg11[%get3A_696, %get3A_697] {strides = array<i32>} : memref<64x128xf32, #tpu.memory_space<vmem>>, vector<16xf32>,
        %mul3A_699 = arith.mulf %get3A_698, %gather3A_688 : vector<16xf32>
        %swap3A_700 = arith.index_cast %add3A_687 : i32 to index
        %swap3A_701 = arith.constant 16 : index
        %swap3A_702 = tpu.vector_load %arg11[%swap3A_700, %swap3A_701] {strides = array<i32>} : memref<64x128xf32, #tpu.memory_space<vmem>>, vector<16xf32>,
        tpu.vector_store %arg11[%swap3A_700, %swap3A_701], %mul3A_699 {strides = array<i32>} : memref<64x128xf32, #tpu.memory_space<vmem>>, vector<16xf32>,
        %get3A_703 = arith.index_cast %add3A_687 : i32 to index
        %get3A_704 = arith.constant 32 : index
        %get3A_705 = tpu.vector_load %arg11[%get3A_703, %get3A_704] {strides = array<i32>} : memref<64x128xf32, #tpu.memory_space<vmem>>, vector<16xf32>,
        %mul3A_706 = arith.mulf %get3A_705, %gather3A_688 : vector<16xf32>
        %swap3A_707 = arith.index_cast %add3A_687 : i32 to index
        %swap3A_708 = arith.constant 32 : index
        %swap3A_709 = tpu.vector_load %arg11[%swap3A_707, %swap3A_708] {strides = array<i32>} : memref<64x128xf32, #tpu.memory_space<vmem>>, vector<16xf32>,
        tpu.vector_store %arg11[%swap3A_707, %swap3A_708], %mul3A_706 {strides = array<i32>} : memref<64x128xf32, #tpu.memory_space<vmem>>, vector<16xf32>,
        %get3A_710 = arith.index_cast %add3A_687 : i32 to index
        %get3A_711 = arith.constant 48 : index
        %get3A_712 = tpu.vector_load %arg11[%get3A_710, %get3A_711] {strides = array<i32>} : memref<64x128xf32, #tpu.memory_space<vmem>>, vector<16xf32>,
        %mul3A_713 = arith.mulf %get3A_712, %gather3A_688 : vector<16xf32>
        %swap3A_714 = arith.index_cast %add3A_687 : i32 to index
        %swap3A_715 = arith.constant 48 : index
        %swap3A_716 = tpu.vector_load %arg11[%swap3A_714, %swap3A_715] {strides = array<i32>} : memref<64x128xf32, #tpu.memory_space<vmem>>, vector<16xf32>,
        tpu.vector_store %arg11[%swap3A_714, %swap3A_715], %mul3A_713 {strides = array<i32>} : memref<64x128xf32, #tpu.memory_space<vmem>>, vector<16xf32>,
        %get3A_717 = arith.index_cast %add3A_687 : i32 to index
        %get3A_718 = arith.constant 64 : index
        %get3A_719 = tpu.vector_load %arg11[%get3A_717, %get3A_718] {strides = array<i32>} : memref<64x128xf32, #tpu.memory_space<vmem>>, vector<16xf32>,
        %mul3A_720 = arith.mulf %get3A_719, %gather3A_688 : vector<16xf32>
        %swap3A_721 = arith.index_cast %add3A_687 : i32 to index
        %swap3A_722 = arith.constant 64 : index
        %swap3A_723 = tpu.vector_load %arg11[%swap3A_721, %swap3A_722] {strides = array<i32>} : memref<64x128xf32, #tpu.memory_space<vmem>>, vector<16xf32>,
        tpu.vector_store %arg11[%swap3A_721, %swap3A_722], %mul3A_720 {strides = array<i32>} : memref<64x128xf32, #tpu.memory_space<vmem>>, vector<16xf32>,
        %get3A_724 = arith.index_cast %add3A_687 : i32 to index
        %get3A_725 = arith.constant 80 : index
        %get3A_726 = tpu.vector_load %arg11[%get3A_724, %get3A_725] {strides = array<i32>} : memref<64x128xf32, #tpu.memory_space<vmem>>, vector<16xf32>,
        %mul3A_727 = arith.mulf %get3A_726, %gather3A_688 : vector<16xf32>
        %swap3A_728 = arith.index_cast %add3A_687 : i32 to index
        %swap3A_729 = arith.constant 80 : index
        %swap3A_730 = tpu.vector_load %arg11[%swap3A_728, %swap3A_729] {strides = array<i32>} : memref<64x128xf32, #tpu.memory_space<vmem>>, vector<16xf32>,
        tpu.vector_store %arg11[%swap3A_728, %swap3A_729], %mul3A_727 {strides = array<i32>} : memref<64x128xf32, #tpu.memory_space<vmem>>, vector<16xf32>,
        %get3A_731 = arith.index_cast %add3A_687 : i32 to index
        %get3A_732 = arith.constant 96 : index
        %get3A_733 = tpu.vector_load %arg11[%get3A_731, %get3A_732] {strides = array<i32>} : memref<64x128xf32, #tpu.memory_space<vmem>>, vector<16xf32>,
        %mul3A_734 = arith.mulf %get3A_733, %gather3A_688 : vector<16xf32>
        %swap3A_735 = arith.index_cast %add3A_687 : i32 to index
        %swap3A_736 = arith.constant 96 : index
        %swap3A_737 = tpu.vector_load %arg11[%swap3A_735, %swap3A_736] {strides = array<i32>} : memref<64x128xf32, #tpu.memory_space<vmem>>, vector<16xf32>,
        tpu.vector_store %arg11[%swap3A_735, %swap3A_736], %mul3A_734 {strides = array<i32>} : memref<64x128xf32, #tpu.memory_space<vmem>>, vector<16xf32>,
        %get3A_738 = arith.index_cast %add3A_687 : i32 to index
        %get3A_739 = arith.constant 112 : index
        %get3A_740 = tpu.vector_load %arg11[%get3A_738, %get3A_739] {strides = array<i32>} : memref<64x128xf32, #tpu.memory_space<vmem>>, vector<16xf32>,
        %mul3A_741 = arith.mulf %get3A_740, %gather3A_688 : vector<16xf32>
        %swap3A_742 = arith.index_cast %add3A_687 : i32 to index
        %swap3A_743 = arith.constant 112 : index
        %swap3A_744 = tpu.vector_load %arg11[%swap3A_742, %swap3A_743] {strides = array<i32>} : memref<64x128xf32, #tpu.memory_space<vmem>>, vector<16xf32>,
        tpu.vector_store %arg11[%swap3A_742, %swap3A_743], %mul3A_741 {strides = array<i32>} : memref<64x128xf32, #tpu.memory_space<vmem>>, vector<16xf32>,
        %add3A_745 = arith.addi %add3A_683, %broadcast_in_dim3A_257 : vector<16xi32>
        %mul3A_746 = arith.constant 8 : i32
        %mul3A_747 = arith.muli %scan3A_497, %mul3A_746 : i32
        %add3A_748 = arith.constant 4 : i32
        %add3A_749 = arith.addi %mul3A_747, %add3A_748 : i32
        %gather3A_750 = tpu.vector_load_idx %arg10[%broadcast_in_dim3A_327, %add3A_745] : memref<84x128xf32, #tpu.memory_space<vmem>>[vector<16xi32>, vector<16xi32>], vector<16xf32>,
        %get3A_751 = arith.index_cast %add3A_749 : i32 to index
        %get3A_752 = arith.constant 0 : index
        %get3A_753 = tpu.vector_load %arg11[%get3A_751, %get3A_752] {strides = array<i32>} : memref<64x128xf32, #tpu.memory_space<vmem>>, vector<16xf32>,
        %mul3A_754 = arith.mulf %get3A_753, %gather3A_750 : vector<16xf32>
        %swap3A_755 = arith.index_cast %add3A_749 : i32 to index
        %swap3A_756 = arith.constant 0 : index
        %swap3A_757 = tpu.vector_load %arg11[%swap3A_755, %swap3A_756] {strides = array<i32>} : memref<64x128xf32, #tpu.memory_space<vmem>>, vector<16xf32>,
        tpu.vector_store %arg11[%swap3A_755, %swap3A_756], %mul3A_754 {strides = array<i32>} : memref<64x128xf32, #tpu.memory_space<vmem>>, vector<16xf32>,
        %get3A_758 = arith.index_cast %add3A_749 : i32 to index
        %get3A_759 = arith.constant 16 : index
        %get3A_760 = tpu.vector_load %arg11[%get3A_758, %get3A_759] {strides = array<i32>} : memref<64x128xf32, #tpu.memory_space<vmem>>, vector<16xf32>,
        %mul3A_761 = arith.mulf %get3A_760, %gather3A_750 : vector<16xf32>
        %swap3A_762 = arith.index_cast %add3A_749 : i32 to index
        %swap3A_763 = arith.constant 16 : index
        %swap3A_764 = tpu.vector_load %arg11[%swap3A_762, %swap3A_763] {strides = array<i32>} : memref<64x128xf32, #tpu.memory_space<vmem>>, vector<16xf32>,
        tpu.vector_store %arg11[%swap3A_762, %swap3A_763], %mul3A_761 {strides = array<i32>} : memref<64x128xf32, #tpu.memory_space<vmem>>, vector<16xf32>,
        %get3A_765 = arith.index_cast %add3A_749 : i32 to index
        %get3A_766 = arith.constant 32 : index
        %get3A_767 = tpu.vector_load %arg11[%get3A_765, %get3A_766] {strides = array<i32>} : memref<64x128xf32, #tpu.memory_space<vmem>>, vector<16xf32>,
        %mul3A_768 = arith.mulf %get3A_767, %gather3A_750 : vector<16xf32>
        %swap3A_769 = arith.index_cast %add3A_749 : i32 to index
        %swap3A_770 = arith.constant 32 : index
        %swap3A_771 = tpu.vector_load %arg11[%swap3A_769, %swap3A_770] {strides = array<i32>} : memref<64x128xf32, #tpu.memory_space<vmem>>, vector<16xf32>,
        tpu.vector_store %arg11[%swap3A_769, %swap3A_770], %mul3A_768 {strides = array<i32>} : memref<64x128xf32, #tpu.memory_space<vmem>>, vector<16xf32>,
        %get3A_772 = arith.index_cast %add3A_749 : i32 to index
        %get3A_773 = arith.constant 48 : index
        %get3A_774 = tpu.vector_load %arg11[%get3A_772, %get3A_773] {strides = array<i32>} : memref<64x128xf32, #tpu.memory_space<vmem>>, vector<16xf32>,
        %mul3A_775 = arith.mulf %get3A_774, %gather3A_750 : vector<16xf32>
        %swap3A_776 = arith.index_cast %add3A_749 : i32 to index
        %swap3A_777 = arith.constant 48 : index
        %swap3A_778 = tpu.vector_load %arg11[%swap3A_776, %swap3A_777] {strides = array<i32>} : memref<64x128xf32, #tpu.memory_space<vmem>>, vector<16xf32>,
        tpu.vector_store %arg11[%swap3A_776, %swap3A_777], %mul3A_775 {strides = array<i32>} : memref<64x128xf32, #tpu.memory_space<vmem>>, vector<16xf32>,
        %get3A_779 = arith.index_cast %add3A_749 : i32 to index
        %get3A_780 = arith.constant 64 : index
        %get3A_781 = tpu.vector_load %arg11[%get3A_779, %get3A_780] {strides = array<i32>} : memref<64x128xf32, #tpu.memory_space<vmem>>, vector<16xf32>,
        %mul3A_782 = arith.mulf %get3A_781, %gather3A_750 : vector<16xf32>
        %swap3A_783 = arith.index_cast %add3A_749 : i32 to index
        %swap3A_784 = arith.constant 64 : index
        %swap3A_785 = tpu.vector_load %arg11[%swap3A_783, %swap3A_784] {strides = array<i32>} : memref<64x128xf32, #tpu.memory_space<vmem>>, vector<16xf32>,
        tpu.vector_store %arg11[%swap3A_783, %swap3A_784], %mul3A_782 {strides = array<i32>} : memref<64x128xf32, #tpu.memory_space<vmem>>, vector<16xf32>,
        %get3A_786 = arith.index_cast %add3A_749 : i32 to index
        %get3A_787 = arith.constant 80 : index
        %get3A_788 = tpu.vector_load %arg11[%get3A_786, %get3A_787] {strides = array<i32>} : memref<64x128xf32, #tpu.memory_space<vmem>>, vector<16xf32>,
        %mul3A_789 = arith.mulf %get3A_788, %gather3A_750 : vector<16xf32>
        %swap3A_790 = arith.index_cast %add3A_749 : i32 to index
        %swap3A_791 = arith.constant 80 : index
        %swap3A_792 = tpu.vector_load %arg11[%swap3A_790, %swap3A_791] {strides = array<i32>} : memref<64x128xf32, #tpu.memory_space<vmem>>, vector<16xf32>,
        tpu.vector_store %arg11[%swap3A_790, %swap3A_791], %mul3A_789 {strides = array<i32>} : memref<64x128xf32, #tpu.memory_space<vmem>>, vector<16xf32>,
        %get3A_793 = arith.index_cast %add3A_749 : i32 to index
        %get3A_794 = arith.constant 96 : index
        %get3A_795 = tpu.vector_load %arg11[%get3A_793, %get3A_794] {strides = array<i32>} : memref<64x128xf32, #tpu.memory_space<vmem>>, vector<16xf32>,
        %mul3A_796 = arith.mulf %get3A_795, %gather3A_750 : vector<16xf32>
        %swap3A_797 = arith.index_cast %add3A_749 : i32 to index
        %swap3A_798 = arith.constant 96 : index
        %swap3A_799 = tpu.vector_load %arg11[%swap3A_797, %swap3A_798] {strides = array<i32>} : memref<64x128xf32, #tpu.memory_space<vmem>>, vector<16xf32>,
        tpu.vector_store %arg11[%swap3A_797, %swap3A_798], %mul3A_796 {strides = array<i32>} : memref<64x128xf32, #tpu.memory_space<vmem>>, vector<16xf32>,
        %get3A_800 = arith.index_cast %add3A_749 : i32 to index
        %get3A_801 = arith.constant 112 : index
        %get3A_802 = tpu.vector_load %arg11[%get3A_800, %get3A_801] {strides = array<i32>} : memref<64x128xf32, #tpu.memory_space<vmem>>, vector<16xf32>,
        %mul3A_803 = arith.mulf %get3A_802, %gather3A_750 : vector<16xf32>
        %swap3A_804 = arith.index_cast %add3A_749 : i32 to index
        %swap3A_805 = arith.constant 112 : index
        %swap3A_806 = tpu.vector_load %arg11[%swap3A_804, %swap3A_805] {strides = array<i32>} : memref<64x128xf32, #tpu.memory_space<vmem>>, vector<16xf32>,
        tpu.vector_store %arg11[%swap3A_804, %swap3A_805], %mul3A_803 {strides = array<i32>} : memref<64x128xf32, #tpu.memory_space<vmem>>, vector<16xf32>,
        %add3A_807 = arith.addi %add3A_745, %broadcast_in_dim3A_257 : vector<16xi32>
        %mul3A_808 = arith.constant 8 : i32
        %mul3A_809 = arith.muli %scan3A_497, %mul3A_808 : i32
        %add3A_810 = arith.constant 5 : i32
        %add3A_811 = arith.addi %mul3A_809, %add3A_810 : i32
        %gather3A_812 = tpu.vector_load_idx %arg10[%broadcast_in_dim3A_327, %add3A_807] : memref<84x128xf32, #tpu.memory_space<vmem>>[vector<16xi32>, vector<16xi32>], vector<16xf32>,
        %get3A_813 = arith.index_cast %add3A_811 : i32 to index
        %get3A_814 = arith.constant 0 : index
        %get3A_815 = tpu.vector_load %arg11[%get3A_813, %get3A_814] {strides = array<i32>} : memref<64x128xf32, #tpu.memory_space<vmem>>, vector<16xf32>,
        %mul3A_816 = arith.mulf %get3A_815, %gather3A_812 : vector<16xf32>
        %swap3A_817 = arith.index_cast %add3A_811 : i32 to index
        %swap3A_818 = arith.constant 0 : index
        %swap3A_819 = tpu.vector_load %arg11[%swap3A_817, %swap3A_818] {strides = array<i32>} : memref<64x128xf32, #tpu.memory_space<vmem>>, vector<16xf32>,
        tpu.vector_store %arg11[%swap3A_817, %swap3A_818], %mul3A_816 {strides = array<i32>} : memref<64x128xf32, #tpu.memory_space<vmem>>, vector<16xf32>,
        %get3A_820 = arith.index_cast %add3A_811 : i32 to index
        %get3A_821 = arith.constant 16 : index
        %get3A_822 = tpu.vector_load %arg11[%get3A_820, %get3A_821] {strides = array<i32>} : memref<64x128xf32, #tpu.memory_space<vmem>>, vector<16xf32>,
        %mul3A_823 = arith.mulf %get3A_822, %gather3A_812 : vector<16xf32>
        %swap3A_824 = arith.index_cast %add3A_811 : i32 to index
        %swap3A_825 = arith.constant 16 : index
        %swap3A_826 = tpu.vector_load %arg11[%swap3A_824, %swap3A_825] {strides = array<i32>} : memref<64x128xf32, #tpu.memory_space<vmem>>, vector<16xf32>,
        tpu.vector_store %arg11[%swap3A_824, %swap3A_825], %mul3A_823 {strides = array<i32>} : memref<64x128xf32, #tpu.memory_space<vmem>>, vector<16xf32>,
        %get3A_827 = arith.index_cast %add3A_811 : i32 to index
        %get3A_828 = arith.constant 32 : index
        %get3A_829 = tpu.vector_load %arg11[%get3A_827, %get3A_828] {strides = array<i32>} : memref<64x128xf32, #tpu.memory_space<vmem>>, vector<16xf32>,
        %mul3A_830 = arith.mulf %get3A_829, %gather3A_812 : vector<16xf32>
        %swap3A_831 = arith.index_cast %add3A_811 : i32 to index
        %swap3A_832 = arith.constant 32 : index
        %swap3A_833 = tpu.vector_load %arg11[%swap3A_831, %swap3A_832] {strides = array<i32>} : memref<64x128xf32, #tpu.memory_space<vmem>>, vector<16xf32>,
        tpu.vector_store %arg11[%swap3A_831, %swap3A_832], %mul3A_830 {strides = array<i32>} : memref<64x128xf32, #tpu.memory_space<vmem>>, vector<16xf32>,
        %get3A_834 = arith.index_cast %add3A_811 : i32 to index
        %get3A_835 = arith.constant 48 : index
        %get3A_836 = tpu.vector_load %arg11[%get3A_834, %get3A_835] {strides = array<i32>} : memref<64x128xf32, #tpu.memory_space<vmem>>, vector<16xf32>,
        %mul3A_837 = arith.mulf %get3A_836, %gather3A_812 : vector<16xf32>
        %swap3A_838 = arith.index_cast %add3A_811 : i32 to index
        %swap3A_839 = arith.constant 48 : index
        %swap3A_840 = tpu.vector_load %arg11[%swap3A_838, %swap3A_839] {strides = array<i32>} : memref<64x128xf32, #tpu.memory_space<vmem>>, vector<16xf32>,
        tpu.vector_store %arg11[%swap3A_838, %swap3A_839], %mul3A_837 {strides = array<i32>} : memref<64x128xf32, #tpu.memory_space<vmem>>, vector<16xf32>,
        %get3A_841 = arith.index_cast %add3A_811 : i32 to index
        %get3A_842 = arith.constant 64 : index
        %get3A_843 = tpu.vector_load %arg11[%get3A_841, %get3A_842] {strides = array<i32>} : memref<64x128xf32, #tpu.memory_space<vmem>>, vector<16xf32>,
        %mul3A_844 = arith.mulf %get3A_843, %gather3A_812 : vector<16xf32>
        %swap3A_845 = arith.index_cast %add3A_811 : i32 to index
        %swap3A_846 = arith.constant 64 : index
        %swap3A_847 = tpu.vector_load %arg11[%swap3A_845, %swap3A_846] {strides = array<i32>} : memref<64x128xf32, #tpu.memory_space<vmem>>, vector<16xf32>,
        tpu.vector_store %arg11[%swap3A_845, %swap3A_846], %mul3A_844 {strides = array<i32>} : memref<64x128xf32, #tpu.memory_space<vmem>>, vector<16xf32>,
        %get3A_848 = arith.index_cast %add3A_811 : i32 to index
        %get3A_849 = arith.constant 80 : index
        %get3A_850 = tpu.vector_load %arg11[%get3A_848, %get3A_849] {strides = array<i32>} : memref<64x128xf32, #tpu.memory_space<vmem>>, vector<16xf32>,
        %mul3A_851 = arith.mulf %get3A_850, %gather3A_812 : vector<16xf32>
        %swap3A_852 = arith.index_cast %add3A_811 : i32 to index
        %swap3A_853 = arith.constant 80 : index
        %swap3A_854 = tpu.vector_load %arg11[%swap3A_852, %swap3A_853] {strides = array<i32>} : memref<64x128xf32, #tpu.memory_space<vmem>>, vector<16xf32>,
        tpu.vector_store %arg11[%swap3A_852, %swap3A_853], %mul3A_851 {strides = array<i32>} : memref<64x128xf32, #tpu.memory_space<vmem>>, vector<16xf32>,
        %get3A_855 = arith.index_cast %add3A_811 : i32 to index
        %get3A_856 = arith.constant 96 : index
        %get3A_857 = tpu.vector_load %arg11[%get3A_855, %get3A_856] {strides = array<i32>} : memref<64x128xf32, #tpu.memory_space<vmem>>, vector<16xf32>,
        %mul3A_858 = arith.mulf %get3A_857, %gather3A_812 : vector<16xf32>
        %swap3A_859 = arith.index_cast %add3A_811 : i32 to index
        %swap3A_860 = arith.constant 96 : index
        %swap3A_861 = tpu.vector_load %arg11[%swap3A_859, %swap3A_860] {strides = array<i32>} : memref<64x128xf32, #tpu.memory_space<vmem>>, vector<16xf32>,
        tpu.vector_store %arg11[%swap3A_859, %swap3A_860], %mul3A_858 {strides = array<i32>} : memref<64x128xf32, #tpu.memory_space<vmem>>, vector<16xf32>,
        %get3A_862 = arith.index_cast %add3A_811 : i32 to index
        %get3A_863 = arith.constant 112 : index
        %get3A_864 = tpu.vector_load %arg11[%get3A_862, %get3A_863] {strides = array<i32>} : memref<64x128xf32, #tpu.memory_space<vmem>>, vector<16xf32>,
        %mul3A_865 = arith.mulf %get3A_864, %gather3A_812 : vector<16xf32>
        %swap3A_866 = arith.index_cast %add3A_811 : i32 to index
        %swap3A_867 = arith.constant 112 : index
        %swap3A_868 = tpu.vector_load %arg11[%swap3A_866, %swap3A_867] {strides = array<i32>} : memref<64x128xf32, #tpu.memory_space<vmem>>, vector<16xf32>,
        tpu.vector_store %arg11[%swap3A_866, %swap3A_867], %mul3A_865 {strides = array<i32>} : memref<64x128xf32, #tpu.memory_space<vmem>>, vector<16xf32>,
        %add3A_869 = arith.addi %add3A_807, %broadcast_in_dim3A_257 : vector<16xi32>
        %mul3A_870 = arith.constant 8 : i32
        %mul3A_871 = arith.muli %scan3A_497, %mul3A_870 : i32
        %add3A_872 = arith.constant 6 : i32
        %add3A_873 = arith.addi %mul3A_871, %add3A_872 : i32
        %gather3A_874 = tpu.vector_load_idx %arg10[%broadcast_in_dim3A_327, %add3A_869] : memref<84x128xf32, #tpu.memory_space<vmem>>[vector<16xi32>, vector<16xi32>], vector<16xf32>,
        %get3A_875 = arith.index_cast %add3A_873 : i32 to index
        %get3A_876 = arith.constant 0 : index
        %get3A_877 = tpu.vector_load %arg11[%get3A_875, %get3A_876] {strides = array<i32>} : memref<64x128xf32, #tpu.memory_space<vmem>>, vector<16xf32>,
        %mul3A_878 = arith.mulf %get3A_877, %gather3A_874 : vector<16xf32>
        %swap3A_879 = arith.index_cast %add3A_873 : i32 to index
        %swap3A_880 = arith.constant 0 : index
        %swap3A_881 = tpu.vector_load %arg11[%swap3A_879, %swap3A_880] {strides = array<i32>} : memref<64x128xf32, #tpu.memory_space<vmem>>, vector<16xf32>,
        tpu.vector_store %arg11[%swap3A_879, %swap3A_880], %mul3A_878 {strides = array<i32>} : memref<64x128xf32, #tpu.memory_space<vmem>>, vector<16xf32>,
        %get3A_882 = arith.index_cast %add3A_873 : i32 to index
        %get3A_883 = arith.constant 16 : index
        %get3A_884 = tpu.vector_load %arg11[%get3A_882, %get3A_883] {strides = array<i32>} : memref<64x128xf32, #tpu.memory_space<vmem>>, vector<16xf32>,
        %mul3A_885 = arith.mulf %get3A_884, %gather3A_874 : vector<16xf32>
        %swap3A_886 = arith.index_cast %add3A_873 : i32 to index
        %swap3A_887 = arith.constant 16 : index
        %swap3A_888 = tpu.vector_load %arg11[%swap3A_886, %swap3A_887] {strides = array<i32>} : memref<64x128xf32, #tpu.memory_space<vmem>>, vector<16xf32>,
        tpu.vector_store %arg11[%swap3A_886, %swap3A_887], %mul3A_885 {strides = array<i32>} : memref<64x128xf32, #tpu.memory_space<vmem>>, vector<16xf32>,
        %get3A_889 = arith.index_cast %add3A_873 : i32 to index
        %get3A_890 = arith.constant 32 : index
        %get3A_891 = tpu.vector_load %arg11[%get3A_889, %get3A_890] {strides = array<i32>} : memref<64x128xf32, #tpu.memory_space<vmem>>, vector<16xf32>,
        %mul3A_892 = arith.mulf %get3A_891, %gather3A_874 : vector<16xf32>
        %swap3A_893 = arith.index_cast %add3A_873 : i32 to index
        %swap3A_894 = arith.constant 32 : index
        %swap3A_895 = tpu.vector_load %arg11[%swap3A_893, %swap3A_894] {strides = array<i32>} : memref<64x128xf32, #tpu.memory_space<vmem>>, vector<16xf32>,
        tpu.vector_store %arg11[%swap3A_893, %swap3A_894], %mul3A_892 {strides = array<i32>} : memref<64x128xf32, #tpu.memory_space<vmem>>, vector<16xf32>,
        %get3A_896 = arith.index_cast %add3A_873 : i32 to index
        %get3A_897 = arith.constant 48 : index
        %get3A_898 = tpu.vector_load %arg11[%get3A_896, %get3A_897] {strides = array<i32>} : memref<64x128xf32, #tpu.memory_space<vmem>>, vector<16xf32>,
        %mul3A_899 = arith.mulf %get3A_898, %gather3A_874 : vector<16xf32>
        %swap3A_900 = arith.index_cast %add3A_873 : i32 to index
        %swap3A_901 = arith.constant 48 : index
        %swap3A_902 = tpu.vector_load %arg11[%swap3A_900, %swap3A_901] {strides = array<i32>} : memref<64x128xf32, #tpu.memory_space<vmem>>, vector<16xf32>,
        tpu.vector_store %arg11[%swap3A_900, %swap3A_901], %mul3A_899 {strides = array<i32>} : memref<64x128xf32, #tpu.memory_space<vmem>>, vector<16xf32>,
        %get3A_903 = arith.index_cast %add3A_873 : i32 to index
        %get3A_904 = arith.constant 64 : index
        %get3A_905 = tpu.vector_load %arg11[%get3A_903, %get3A_904] {strides = array<i32>} : memref<64x128xf32, #tpu.memory_space<vmem>>, vector<16xf32>,
        %mul3A_906 = arith.mulf %get3A_905, %gather3A_874 : vector<16xf32>
        %swap3A_907 = arith.index_cast %add3A_873 : i32 to index
        %swap3A_908 = arith.constant 64 : index
        %swap3A_909 = tpu.vector_load %arg11[%swap3A_907, %swap3A_908] {strides = array<i32>} : memref<64x128xf32, #tpu.memory_space<vmem>>, vector<16xf32>,
        tpu.vector_store %arg11[%swap3A_907, %swap3A_908], %mul3A_906 {strides = array<i32>} : memref<64x128xf32, #tpu.memory_space<vmem>>, vector<16xf32>,
        %get3A_910 = arith.index_cast %add3A_873 : i32 to index
        %get3A_911 = arith.constant 80 : index
        %get3A_912 = tpu.vector_load %arg11[%get3A_910, %get3A_911] {strides = array<i32>} : memref<64x128xf32, #tpu.memory_space<vmem>>, vector<16xf32>,
        %mul3A_913 = arith.mulf %get3A_912, %gather3A_874 : vector<16xf32>
        %swap3A_914 = arith.index_cast %add3A_873 : i32 to index
        %swap3A_915 = arith.constant 80 : index
        %swap3A_916 = tpu.vector_load %arg11[%swap3A_914, %swap3A_915] {strides = array<i32>} : memref<64x128xf32, #tpu.memory_space<vmem>>, vector<16xf32>,
        tpu.vector_store %arg11[%swap3A_914, %swap3A_915], %mul3A_913 {strides = array<i32>} : memref<64x128xf32, #tpu.memory_space<vmem>>, vector<16xf32>,
        %get3A_917 = arith.index_cast %add3A_873 : i32 to index
        %get3A_918 = arith.constant 96 : index
        %get3A_919 = tpu.vector_load %arg11[%get3A_917, %get3A_918] {strides = array<i32>} : memref<64x128xf32, #tpu.memory_space<vmem>>, vector<16xf32>,
        %mul3A_920 = arith.mulf %get3A_919, %gather3A_874 : vector<16xf32>
        %swap3A_921 = arith.index_cast %add3A_873 : i32 to index
        %swap3A_922 = arith.constant 96 : index
        %swap3A_923 = tpu.vector_load %arg11[%swap3A_921, %swap3A_922] {strides = array<i32>} : memref<64x128xf32, #tpu.memory_space<vmem>>, vector<16xf32>,
        tpu.vector_store %arg11[%swap3A_921, %swap3A_922], %mul3A_920 {strides = array<i32>} : memref<64x128xf32, #tpu.memory_space<vmem>>, vector<16xf32>,
        %get3A_924 = arith.index_cast %add3A_873 : i32 to index
        %get3A_925 = arith.constant 112 : index
        %get3A_926 = tpu.vector_load %arg11[%get3A_924, %get3A_925] {strides = array<i32>} : memref<64x128xf32, #tpu.memory_space<vmem>>, vector<16xf32>,
        %mul3A_927 = arith.mulf %get3A_926, %gather3A_874 : vector<16xf32>
        %swap3A_928 = arith.index_cast %add3A_873 : i32 to index
        %swap3A_929 = arith.constant 112 : index
        %swap3A_930 = tpu.vector_load %arg11[%swap3A_928, %swap3A_929] {strides = array<i32>} : memref<64x128xf32, #tpu.memory_space<vmem>>, vector<16xf32>,
        tpu.vector_store %arg11[%swap3A_928, %swap3A_929], %mul3A_927 {strides = array<i32>} : memref<64x128xf32, #tpu.memory_space<vmem>>, vector<16xf32>,
        %add3A_931 = arith.addi %add3A_869, %broadcast_in_dim3A_257 : vector<16xi32>
        %mul3A_932 = arith.constant 8 : i32
        %mul3A_933 = arith.muli %scan3A_497, %mul3A_932 : i32
        %add3A_934 = arith.constant 7 : i32
        %add3A_935 = arith.addi %mul3A_933, %add3A_934 : i32
        %gather3A_936 = tpu.vector_load_idx %arg10[%broadcast_in_dim3A_327, %add3A_931] : memref<84x128xf32, #tpu.memory_space<vmem>>[vector<16xi32>, vector<16xi32>], vector<16xf32>,
        %get3A_937 = arith.index_cast %add3A_935 : i32 to index
        %get3A_938 = arith.constant 0 : index
        %get3A_939 = tpu.vector_load %arg11[%get3A_937, %get3A_938] {strides = array<i32>} : memref<64x128xf32, #tpu.memory_space<vmem>>, vector<16xf32>,
        %mul3A_940 = arith.mulf %get3A_939, %gather3A_936 : vector<16xf32>
        %swap3A_941 = arith.index_cast %add3A_935 : i32 to index
        %swap3A_942 = arith.constant 0 : index
        %swap3A_943 = tpu.vector_load %arg11[%swap3A_941, %swap3A_942] {strides = array<i32>} : memref<64x128xf32, #tpu.memory_space<vmem>>, vector<16xf32>,
        tpu.vector_store %arg11[%swap3A_941, %swap3A_942], %mul3A_940 {strides = array<i32>} : memref<64x128xf32, #tpu.memory_space<vmem>>, vector<16xf32>,
        %get3A_944 = arith.index_cast %add3A_935 : i32 to index
        %get3A_945 = arith.constant 16 : index
        %get3A_946 = tpu.vector_load %arg11[%get3A_944, %get3A_945] {strides = array<i32>} : memref<64x128xf32, #tpu.memory_space<vmem>>, vector<16xf32>,
        %mul3A_947 = arith.mulf %get3A_946, %gather3A_936 : vector<16xf32>
        %swap3A_948 = arith.index_cast %add3A_935 : i32 to index
        %swap3A_949 = arith.constant 16 : index
        %swap3A_950 = tpu.vector_load %arg11[%swap3A_948, %swap3A_949] {strides = array<i32>} : memref<64x128xf32, #tpu.memory_space<vmem>>, vector<16xf32>,
        tpu.vector_store %arg11[%swap3A_948, %swap3A_949], %mul3A_947 {strides = array<i32>} : memref<64x128xf32, #tpu.memory_space<vmem>>, vector<16xf32>,
        %get3A_951 = arith.index_cast %add3A_935 : i32 to index
        %get3A_952 = arith.constant 32 : index
        %get3A_953 = tpu.vector_load %arg11[%get3A_951, %get3A_952] {strides = array<i32>} : memref<64x128xf32, #tpu.memory_space<vmem>>, vector<16xf32>,
        %mul3A_954 = arith.mulf %get3A_953, %gather3A_936 : vector<16xf32>
        %swap3A_955 = arith.index_cast %add3A_935 : i32 to index
        %swap3A_956 = arith.constant 32 : index
        %swap3A_957 = tpu.vector_load %arg11[%swap3A_955, %swap3A_956] {strides = array<i32>} : memref<64x128xf32, #tpu.memory_space<vmem>>, vector<16xf32>,
        tpu.vector_store %arg11[%swap3A_955, %swap3A_956], %mul3A_954 {strides = array<i32>} : memref<64x128xf32, #tpu.memory_space<vmem>>, vector<16xf32>,
        %get3A_958 = arith.index_cast %add3A_935 : i32 to index
        %get3A_959 = arith.constant 48 : index
        %get3A_960 = tpu.vector_load %arg11[%get3A_958, %get3A_959] {strides = array<i32>} : memref<64x128xf32, #tpu.memory_space<vmem>>, vector<16xf32>,
        %mul3A_961 = arith.mulf %get3A_960, %gather3A_936 : vector<16xf32>
        %swap3A_962 = arith.index_cast %add3A_935 : i32 to index
        %swap3A_963 = arith.constant 48 : index
        %swap3A_964 = tpu.vector_load %arg11[%swap3A_962, %swap3A_963] {strides = array<i32>} : memref<64x128xf32, #tpu.memory_space<vmem>>, vector<16xf32>,
        tpu.vector_store %arg11[%swap3A_962, %swap3A_963], %mul3A_961 {strides = array<i32>} : memref<64x128xf32, #tpu.memory_space<vmem>>, vector<16xf32>,
        %get3A_965 = arith.index_cast %add3A_935 : i32 to index
        %get3A_966 = arith.constant 64 : index
        %get3A_967 = tpu.vector_load %arg11[%get3A_965, %get3A_966] {strides = array<i32>} : memref<64x128xf32, #tpu.memory_space<vmem>>, vector<16xf32>,
        %mul3A_968 = arith.mulf %get3A_967, %gather3A_936 : vector<16xf32>
        %swap3A_969 = arith.index_cast %add3A_935 : i32 to index
        %swap3A_970 = arith.constant 64 : index
        %swap3A_971 = tpu.vector_load %arg11[%swap3A_969, %swap3A_970] {strides = array<i32>} : memref<64x128xf32, #tpu.memory_space<vmem>>, vector<16xf32>,
        tpu.vector_store %arg11[%swap3A_969, %swap3A_970], %mul3A_968 {strides = array<i32>} : memref<64x128xf32, #tpu.memory_space<vmem>>, vector<16xf32>,
        %get3A_972 = arith.index_cast %add3A_935 : i32 to index
        %get3A_973 = arith.constant 80 : index
        %get3A_974 = tpu.vector_load %arg11[%get3A_972, %get3A_973] {strides = array<i32>} : memref<64x128xf32, #tpu.memory_space<vmem>>, vector<16xf32>,
        %mul3A_975 = arith.mulf %get3A_974, %gather3A_936 : vector<16xf32>
        %swap3A_976 = arith.index_cast %add3A_935 : i32 to index
        %swap3A_977 = arith.constant 80 : index
        %swap3A_978 = tpu.vector_load %arg11[%swap3A_976, %swap3A_977] {strides = array<i32>} : memref<64x128xf32, #tpu.memory_space<vmem>>, vector<16xf32>,
        tpu.vector_store %arg11[%swap3A_976, %swap3A_977], %mul3A_975 {strides = array<i32>} : memref<64x128xf32, #tpu.memory_space<vmem>>, vector<16xf32>,
        %get3A_979 = arith.index_cast %add3A_935 : i32 to index
        %get3A_980 = arith.constant 96 : index
        %get3A_981 = tpu.vector_load %arg11[%get3A_979, %get3A_980] {strides = array<i32>} : memref<64x128xf32, #tpu.memory_space<vmem>>, vector<16xf32>,
        %mul3A_982 = arith.mulf %get3A_981, %gather3A_936 : vector<16xf32>
        %swap3A_983 = arith.index_cast %add3A_935 : i32 to index
        %swap3A_984 = arith.constant 96 : index
        %swap3A_985 = tpu.vector_load %arg11[%swap3A_983, %swap3A_984] {strides = array<i32>} : memref<64x128xf32, #tpu.memory_space<vmem>>, vector<16xf32>,
        tpu.vector_store %arg11[%swap3A_983, %swap3A_984], %mul3A_982 {strides = array<i32>} : memref<64x128xf32, #tpu.memory_space<vmem>>, vector<16xf32>,
        %get3A_986 = arith.index_cast %add3A_935 : i32 to index
        %get3A_987 = arith.constant 112 : index
        %get3A_988 = tpu.vector_load %arg11[%get3A_986, %get3A_987] {strides = array<i32>} : memref<64x128xf32, #tpu.memory_space<vmem>>, vector<16xf32>,
        %mul3A_989 = arith.mulf %get3A_988, %gather3A_936 : vector<16xf32>
        %swap3A_990 = arith.index_cast %add3A_935 : i32 to index
        %swap3A_991 = arith.constant 112 : index
        %swap3A_992 = tpu.vector_load %arg11[%swap3A_990, %swap3A_991] {strides = array<i32>} : memref<64x128xf32, #tpu.memory_space<vmem>>, vector<16xf32>,
        tpu.vector_store %arg11[%swap3A_990, %swap3A_991], %mul3A_989 {strides = array<i32>} : memref<64x128xf32, #tpu.memory_space<vmem>>, vector<16xf32>,
        %add3A_993 = arith.addi %add3A_931, %broadcast_in_dim3A_257 : vector<16xi32>
        scf.yield %add3A_993 : vector<16xi32>
      }
      %scan3A_351 = arith.constant 8 : i32
      %dma_start3A = arith.constant 0 : i32
      %dma_start3A_352 = arith.constant 0 : i32
      %dma_start3A_353 = tpu.memref_slice %arg15[%dma_start3A, %dma_start3A_352] : memref<3x64xi32, #tpu.memory_space<vmem>> -> memref<1x64xi32, #tpu.memory_space<vmem>>
      %dma_start3A_354 = tpu.memref_squeeze %dma_start3A_353 : memref<1x64xi32, #tpu.memory_space<vmem>> -> memref<64xi32, #tpu.memory_space<vmem>>
      %dma_start3A_355 = arith.constant 0 : i32
      %dma_start3A_356 = arith.constant 0 : i32
      %dma_start3A_357 = tpu.memref_slice %arg18[%dma_start3A_355, %dma_start3A_356] : memref<10000x128xf32, #tpu.memory_space<vmem_shared>> -> memref<10000x128xf32, #tpu.memory_space<vmem_shared>>
      tpu.enqueue_indirect_dma source(%arg11 : memref<64x128xf32, #tpu.memory_space<vmem>>) target(%dma_start3A_357 : memref<10000x128xf32, #tpu.memory_space<vmem_shared>>) offsets(%dma_start3A_354 : memref<64xi32, #tpu.memory_space<vmem>>) semaphore(%arg22 : memref<!tpu.dma_semaphore, #tpu.memory_space<semaphore_mem>>) {add = true}
      %dma_wait3A_358 = arith.constant 1 : i32
      %dma_wait3A_359 = arith.constant 0 : i32
      %dma_wait3A_360 = tpu.memref_slice %arg14[%dma_wait3A_358, %dma_wait3A_359] : memref<3x64xi32, #tpu.memory_space<vmem>> -> memref<1x64xi32, #tpu.memory_space<vmem>>
      %dma_wait3A_361 = tpu.memref_squeeze %dma_wait3A_360 : memref<1x64xi32, #tpu.memory_space<vmem>> -> memref<64xi32, #tpu.memory_space<vmem>>
      %dma_wait3A_362 = arith.constant 0 : i32
      %dma_wait3A_363 = arith.constant 0 : i32
      %dma_wait3A_364 = tpu.memref_slice %arg2[%dma_wait3A_362, %dma_wait3A_363] : memref<10000x128xf32, #tpu.memory_space<hbm>> -> memref<10000x128xf32, #tpu.memory_space<hbm>>
      tpu.wait_indirect_dma semaphore(%arg20 : memref<!tpu.dma_semaphore, #tpu.memory_space<semaphore_mem>>) src(%dma_wait3A_364 : memref<10000x128xf32, #tpu.memory_space<hbm>>) dst(%arg12 : memref<64x128xf32, #tpu.memory_space<vmem>>)
      %add3A_365 = arith.constant 1 : i32
      %add3A_366 = arith.addi %mul3A_299, %add3A_365 : i32
      %jit3A_367 = arith.constant 2 : i32
      %div3A_368 = arith.divsi %add3A_366, %jit3A_367 : i32
      %sign3A_369 = arith.constant 0 : i32
      %sign3A_370 = arith.cmpi sgt, %add3A_366, %sign3A_369 : i32
      %sign3A_371 = arith.extui %sign3A_370 : i1 to i32
      %sign3A_372 = arith.constant 0 : i32
      %sign3A_373 = arith.cmpi slt, %add3A_366, %sign3A_372 : i32
      %sign3A_374 = arith.extui %sign3A_373 : i1 to i32
      %sign3A_375 = arith.subi %sign3A_371, %sign3A_374 : i32
      %sign3A_376 = arith.constant 0 : i32
      %sign3A_377 = arith.cmpi sgt, %jit3A_367, %sign3A_376 : i32
      %sign3A_378 = arith.extui %sign3A_377 : i1 to i32
      %sign3A_379 = arith.constant 0 : i32
      %sign3A_380 = arith.cmpi slt, %jit3A_367, %sign3A_379 : i32
      %sign3A_381 = arith.extui %sign3A_380 : i1 to i32
      %sign3A_382 = arith.subi %sign3A_378, %sign3A_381 : i32
      %ne3A_383 = arith.cmpi ne, %sign3A_375, %sign3A_382 : i32
      %rem3A_384 = arith.remsi %add3A_366, %jit3A_367 : i32
      %ne3A_385 = arith.constant 0 : i32
      %ne3A_386 = arith.cmpi ne, %rem3A_384, %ne3A_385 : i32
      %and3A_387 = arith.andi %ne3A_383, %ne3A_386 : i1
      %sub3A_388 = arith.constant 1 : i32
      %sub3A_389 = arith.subi %div3A_368, %sub3A_388 : i32
      %select_n3A_390 = arith.select %and3A_387, %sub3A_389, %div3A_368 : i32
      %broadcast_in_dim3A_391 = vector.broadcast %select_n3A_390 : i32 to vector<16xi32>
      %jit3A_392 = arith.constant 2 : i32
      %eq3A_393 = arith.constant 0 : i32
      %eq3A_394 = arith.cmpi eq, %jit3A_392, %eq3A_393 : i32
      %jit3A_395 = arith.constant 1 : i32
      %select_n3A_396 = arith.select %eq3A_394, %jit3A_395, %jit3A_392 : i32
      %rem3A_397 = arith.remsi %add3A_366, %select_n3A_396 : i32
      %ne3A_398 = arith.constant 0 : i32
      %ne3A_399 = arith.cmpi ne, %rem3A_397, %ne3A_398 : i32
      %lt3A_400 = arith.constant 0 : i32
      %lt3A_401 = arith.cmpi slt, %rem3A_397, %lt3A_400 : i32
      %lt3A_402 = arith.constant 0 : i32
      %lt3A_403 = arith.cmpi slt, %select_n3A_396, %lt3A_402 : i32
      %ne3A_404 = arith.xori %lt3A_401, %lt3A_403 : i1
      %and3A_405 = arith.andi %ne3A_404, %ne3A_399 : i1
      %add3A_406 = arith.addi %rem3A_397, %select_n3A_396 : i32
      %select_n3A_407 = arith.select %and3A_405, %add3A_406, %rem3A_397 : i32
      %mul3A_408 = arith.constant 64 : i32
      %mul3A_409 = arith.muli %select_n3A_407, %mul3A_408 : i32
      %broadcast_in_dim3A_410 = vector.broadcast %mul3A_409 : i32 to vector<16xi32>
      %scan3A_411 = arith.constant 0 : i32
      %scan3A_412 = arith.constant 8 : i32
      %scan3A_413 = arith.addi %scan3A_411, %scan3A_412 : i32
      %scan3A_414 = arith.constant 1 : i32
      %scan3A_415 = scf.for %scan3A_497 = %scan3A_411 to %scan3A_413 step %scan3A_414 iter_args(%scan3A_498 = %broadcast_in_dim3A_410) -> (vector<16xi32>)  : i32 {
        %mul3A_499 = arith.constant 8 : i32
        %mul3A_500 = arith.muli %scan3A_497, %mul3A_499 : i32
        %add3A_501 = arith.constant 0 : i32
        %add3A_502 = arith.addi %mul3A_500, %add3A_501 : i32
        %gather3A = tpu.vector_load_idx %arg10[%broadcast_in_dim3A_391, %scan3A_498] : memref<84x128xf32, #tpu.memory_space<vmem>>[vector<16xi32>, vector<16xi32>], vector<16xf32>,
        %get3A_503 = arith.index_cast %add3A_502 : i32 to index
        %get3A_504 = arith.constant 0 : index
        %get3A_505 = tpu.vector_load %arg12[%get3A_503, %get3A_504] {strides = array<i32>} : memref<64x128xf32, #tpu.memory_space<vmem>>, vector<16xf32>,
        %mul3A_506 = arith.mulf %get3A_505, %gather3A : vector<16xf32>
        %swap3A_507 = arith.index_cast %add3A_502 : i32 to index
        %swap3A_508 = arith.constant 0 : index
        %swap3A_509 = tpu.vector_load %arg12[%swap3A_507, %swap3A_508] {strides = array<i32>} : memref<64x128xf32, #tpu.memory_space<vmem>>, vector<16xf32>,
        tpu.vector_store %arg12[%swap3A_507, %swap3A_508], %mul3A_506 {strides = array<i32>} : memref<64x128xf32, #tpu.memory_space<vmem>>, vector<16xf32>,
        %get3A_510 = arith.index_cast %add3A_502 : i32 to index
        %get3A_511 = arith.constant 16 : index
        %get3A_512 = tpu.vector_load %arg12[%get3A_510, %get3A_511] {strides = array<i32>} : memref<64x128xf32, #tpu.memory_space<vmem>>, vector<16xf32>,
        %mul3A_513 = arith.mulf %get3A_512, %gather3A : vector<16xf32>
        %swap3A_514 = arith.index_cast %add3A_502 : i32 to index
        %swap3A_515 = arith.constant 16 : index
        %swap3A_516 = tpu.vector_load %arg12[%swap3A_514, %swap3A_515] {strides = array<i32>} : memref<64x128xf32, #tpu.memory_space<vmem>>, vector<16xf32>,
        tpu.vector_store %arg12[%swap3A_514, %swap3A_515], %mul3A_513 {strides = array<i32>} : memref<64x128xf32, #tpu.memory_space<vmem>>, vector<16xf32>,
        %get3A_517 = arith.index_cast %add3A_502 : i32 to index
        %get3A_518 = arith.constant 32 : index
        %get3A_519 = tpu.vector_load %arg12[%get3A_517, %get3A_518] {strides = array<i32>} : memref<64x128xf32, #tpu.memory_space<vmem>>, vector<16xf32>,
        %mul3A_520 = arith.mulf %get3A_519, %gather3A : vector<16xf32>
        %swap3A_521 = arith.index_cast %add3A_502 : i32 to index
        %swap3A_522 = arith.constant 32 : index
        %swap3A_523 = tpu.vector_load %arg12[%swap3A_521, %swap3A_522] {strides = array<i32>} : memref<64x128xf32, #tpu.memory_space<vmem>>, vector<16xf32>,
        tpu.vector_store %arg12[%swap3A_521, %swap3A_522], %mul3A_520 {strides = array<i32>} : memref<64x128xf32, #tpu.memory_space<vmem>>, vector<16xf32>,
        %get3A_524 = arith.index_cast %add3A_502 : i32 to index
        %get3A_525 = arith.constant 48 : index
        %get3A_526 = tpu.vector_load %arg12[%get3A_524, %get3A_525] {strides = array<i32>} : memref<64x128xf32, #tpu.memory_space<vmem>>, vector<16xf32>,
        %mul3A_527 = arith.mulf %get3A_526, %gather3A : vector<16xf32>
        %swap3A_528 = arith.index_cast %add3A_502 : i32 to index
        %swap3A_529 = arith.constant 48 : index
        %swap3A_530 = tpu.vector_load %arg12[%swap3A_528, %swap3A_529] {strides = array<i32>} : memref<64x128xf32, #tpu.memory_space<vmem>>, vector<16xf32>,
        tpu.vector_store %arg12[%swap3A_528, %swap3A_529], %mul3A_527 {strides = array<i32>} : memref<64x128xf32, #tpu.memory_space<vmem>>, vector<16xf32>,
        %get3A_531 = arith.index_cast %add3A_502 : i32 to index
        %get3A_532 = arith.constant 64 : index
        %get3A_533 = tpu.vector_load %arg12[%get3A_531, %get3A_532] {strides = array<i32>} : memref<64x128xf32, #tpu.memory_space<vmem>>, vector<16xf32>,
        %mul3A_534 = arith.mulf %get3A_533, %gather3A : vector<16xf32>
        %swap3A_535 = arith.index_cast %add3A_502 : i32 to index
        %swap3A_536 = arith.constant 64 : index
        %swap3A_537 = tpu.vector_load %arg12[%swap3A_535, %swap3A_536] {strides = array<i32>} : memref<64x128xf32, #tpu.memory_space<vmem>>, vector<16xf32>,
        tpu.vector_store %arg12[%swap3A_535, %swap3A_536], %mul3A_534 {strides = array<i32>} : memref<64x128xf32, #tpu.memory_space<vmem>>, vector<16xf32>,
        %get3A_538 = arith.index_cast %add3A_502 : i32 to index
        %get3A_539 = arith.constant 80 : index
        %get3A_540 = tpu.vector_load %arg12[%get3A_538, %get3A_539] {strides = array<i32>} : memref<64x128xf32, #tpu.memory_space<vmem>>, vector<16xf32>,
        %mul3A_541 = arith.mulf %get3A_540, %gather3A : vector<16xf32>
        %swap3A_542 = arith.index_cast %add3A_502 : i32 to index
        %swap3A_543 = arith.constant 80 : index
        %swap3A_544 = tpu.vector_load %arg12[%swap3A_542, %swap3A_543] {strides = array<i32>} : memref<64x128xf32, #tpu.memory_space<vmem>>, vector<16xf32>,
        tpu.vector_store %arg12[%swap3A_542, %swap3A_543], %mul3A_541 {strides = array<i32>} : memref<64x128xf32, #tpu.memory_space<vmem>>, vector<16xf32>,
        %get3A_545 = arith.index_cast %add3A_502 : i32 to index
        %get3A_546 = arith.constant 96 : index
        %get3A_547 = tpu.vector_load %arg12[%get3A_545, %get3A_546] {strides = array<i32>} : memref<64x128xf32, #tpu.memory_space<vmem>>, vector<16xf32>,
        %mul3A_548 = arith.mulf %get3A_547, %gather3A : vector<16xf32>
        %swap3A_549 = arith.index_cast %add3A_502 : i32 to index
        %swap3A_550 = arith.constant 96 : index
        %swap3A_551 = tpu.vector_load %arg12[%swap3A_549, %swap3A_550] {strides = array<i32>} : memref<64x128xf32, #tpu.memory_space<vmem>>, vector<16xf32>,
        tpu.vector_store %arg12[%swap3A_549, %swap3A_550], %mul3A_548 {strides = array<i32>} : memref<64x128xf32, #tpu.memory_space<vmem>>, vector<16xf32>,
        %get3A_552 = arith.index_cast %add3A_502 : i32 to index
        %get3A_553 = arith.constant 112 : index
        %get3A_554 = tpu.vector_load %arg12[%get3A_552, %get3A_553] {strides = array<i32>} : memref<64x128xf32, #tpu.memory_space<vmem>>, vector<16xf32>,
        %mul3A_555 = arith.mulf %get3A_554, %gather3A : vector<16xf32>
        %swap3A_556 = arith.index_cast %add3A_502 : i32 to index
        %swap3A_557 = arith.constant 112 : index
        %swap3A_558 = tpu.vector_load %arg12[%swap3A_556, %swap3A_557] {strides = array<i32>} : memref<64x128xf32, #tpu.memory_space<vmem>>, vector<16xf32>,
        tpu.vector_store %arg12[%swap3A_556, %swap3A_557], %mul3A_555 {strides = array<i32>} : memref<64x128xf32, #tpu.memory_space<vmem>>, vector<16xf32>,
        %add3A_559 = arith.addi %scan3A_498, %broadcast_in_dim3A_257 : vector<16xi32>
        %mul3A_560 = arith.constant 8 : i32
        %mul3A_561 = arith.muli %scan3A_497, %mul3A_560 : i32
        %add3A_562 = arith.constant 1 : i32
        %add3A_563 = arith.addi %mul3A_561, %add3A_562 : i32
        %gather3A_564 = tpu.vector_load_idx %arg10[%broadcast_in_dim3A_391, %add3A_559] : memref<84x128xf32, #tpu.memory_space<vmem>>[vector<16xi32>, vector<16xi32>], vector<16xf32>,
        %get3A_565 = arith.index_cast %add3A_563 : i32 to index
        %get3A_566 = arith.constant 0 : index
        %get3A_567 = tpu.vector_load %arg12[%get3A_565, %get3A_566] {strides = array<i32>} : memref<64x128xf32, #tpu.memory_space<vmem>>, vector<16xf32>,
        %mul3A_568 = arith.mulf %get3A_567, %gather3A_564 : vector<16xf32>
        %swap3A_569 = arith.index_cast %add3A_563 : i32 to index
        %swap3A_570 = arith.constant 0 : index
        %swap3A_571 = tpu.vector_load %arg12[%swap3A_569, %swap3A_570] {strides = array<i32>} : memref<64x128xf32, #tpu.memory_space<vmem>>, vector<16xf32>,
        tpu.vector_store %arg12[%swap3A_569, %swap3A_570], %mul3A_568 {strides = array<i32>} : memref<64x128xf32, #tpu.memory_space<vmem>>, vector<16xf32>,
        %get3A_572 = arith.index_cast %add3A_563 : i32 to index
        %get3A_573 = arith.constant 16 : index
        %get3A_574 = tpu.vector_load %arg12[%get3A_572, %get3A_573] {strides = array<i32>} : memref<64x128xf32, #tpu.memory_space<vmem>>, vector<16xf32>,
        %mul3A_575 = arith.mulf %get3A_574, %gather3A_564 : vector<16xf32>
        %swap3A_576 = arith.index_cast %add3A_563 : i32 to index
        %swap3A_577 = arith.constant 16 : index
        %swap3A_578 = tpu.vector_load %arg12[%swap3A_576, %swap3A_577] {strides = array<i32>} : memref<64x128xf32, #tpu.memory_space<vmem>>, vector<16xf32>,
        tpu.vector_store %arg12[%swap3A_576, %swap3A_577], %mul3A_575 {strides = array<i32>} : memref<64x128xf32, #tpu.memory_space<vmem>>, vector<16xf32>,
        %get3A_579 = arith.index_cast %add3A_563 : i32 to index
        %get3A_580 = arith.constant 32 : index
        %get3A_581 = tpu.vector_load %arg12[%get3A_579, %get3A_580] {strides = array<i32>} : memref<64x128xf32, #tpu.memory_space<vmem>>, vector<16xf32>,
        %mul3A_582 = arith.mulf %get3A_581, %gather3A_564 : vector<16xf32>
        %swap3A_583 = arith.index_cast %add3A_563 : i32 to index
        %swap3A_584 = arith.constant 32 : index
        %swap3A_585 = tpu.vector_load %arg12[%swap3A_583, %swap3A_584] {strides = array<i32>} : memref<64x128xf32, #tpu.memory_space<vmem>>, vector<16xf32>,
        tpu.vector_store %arg12[%swap3A_583, %swap3A_584], %mul3A_582 {strides = array<i32>} : memref<64x128xf32, #tpu.memory_space<vmem>>, vector<16xf32>,
        %get3A_586 = arith.index_cast %add3A_563 : i32 to index
        %get3A_587 = arith.constant 48 : index
        %get3A_588 = tpu.vector_load %arg12[%get3A_586, %get3A_587] {strides = array<i32>} : memref<64x128xf32, #tpu.memory_space<vmem>>, vector<16xf32>,
        %mul3A_589 = arith.mulf %get3A_588, %gather3A_564 : vector<16xf32>
        %swap3A_590 = arith.index_cast %add3A_563 : i32 to index
        %swap3A_591 = arith.constant 48 : index
        %swap3A_592 = tpu.vector_load %arg12[%swap3A_590, %swap3A_591] {strides = array<i32>} : memref<64x128xf32, #tpu.memory_space<vmem>>, vector<16xf32>,
        tpu.vector_store %arg12[%swap3A_590, %swap3A_591], %mul3A_589 {strides = array<i32>} : memref<64x128xf32, #tpu.memory_space<vmem>>, vector<16xf32>,
        %get3A_593 = arith.index_cast %add3A_563 : i32 to index
        %get3A_594 = arith.constant 64 : index
        %get3A_595 = tpu.vector_load %arg12[%get3A_593, %get3A_594] {strides = array<i32>} : memref<64x128xf32, #tpu.memory_space<vmem>>, vector<16xf32>,
        %mul3A_596 = arith.mulf %get3A_595, %gather3A_564 : vector<16xf32>
        %swap3A_597 = arith.index_cast %add3A_563 : i32 to index
        %swap3A_598 = arith.constant 64 : index
        %swap3A_599 = tpu.vector_load %arg12[%swap3A_597, %swap3A_598] {strides = array<i32>} : memref<64x128xf32, #tpu.memory_space<vmem>>, vector<16xf32>,
        tpu.vector_store %arg12[%swap3A_597, %swap3A_598], %mul3A_596 {strides = array<i32>} : memref<64x128xf32, #tpu.memory_space<vmem>>, vector<16xf32>,
        %get3A_600 = arith.index_cast %add3A_563 : i32 to index
        %get3A_601 = arith.constant 80 : index
        %get3A_602 = tpu.vector_load %arg12[%get3A_600, %get3A_601] {strides = array<i32>} : memref<64x128xf32, #tpu.memory_space<vmem>>, vector<16xf32>,
        %mul3A_603 = arith.mulf %get3A_602, %gather3A_564 : vector<16xf32>
        %swap3A_604 = arith.index_cast %add3A_563 : i32 to index
        %swap3A_605 = arith.constant 80 : index
        %swap3A_606 = tpu.vector_load %arg12[%swap3A_604, %swap3A_605] {strides = array<i32>} : memref<64x128xf32, #tpu.memory_space<vmem>>, vector<16xf32>,
        tpu.vector_store %arg12[%swap3A_604, %swap3A_605], %mul3A_603 {strides = array<i32>} : memref<64x128xf32, #tpu.memory_space<vmem>>, vector<16xf32>,
        %get3A_607 = arith.index_cast %add3A_563 : i32 to index
        %get3A_608 = arith.constant 96 : index
        %get3A_609 = tpu.vector_load %arg12[%get3A_607, %get3A_608] {strides = array<i32>} : memref<64x128xf32, #tpu.memory_space<vmem>>, vector<16xf32>,
        %mul3A_610 = arith.mulf %get3A_609, %gather3A_564 : vector<16xf32>
        %swap3A_611 = arith.index_cast %add3A_563 : i32 to index
        %swap3A_612 = arith.constant 96 : index
        %swap3A_613 = tpu.vector_load %arg12[%swap3A_611, %swap3A_612] {strides = array<i32>} : memref<64x128xf32, #tpu.memory_space<vmem>>, vector<16xf32>,
        tpu.vector_store %arg12[%swap3A_611, %swap3A_612], %mul3A_610 {strides = array<i32>} : memref<64x128xf32, #tpu.memory_space<vmem>>, vector<16xf32>,
        %get3A_614 = arith.index_cast %add3A_563 : i32 to index
        %get3A_615 = arith.constant 112 : index
        %get3A_616 = tpu.vector_load %arg12[%get3A_614, %get3A_615] {strides = array<i32>} : memref<64x128xf32, #tpu.memory_space<vmem>>, vector<16xf32>,
        %mul3A_617 = arith.mulf %get3A_616, %gather3A_564 : vector<16xf32>
        %swap3A_618 = arith.index_cast %add3A_563 : i32 to index
        %swap3A_619 = arith.constant 112 : index
        %swap3A_620 = tpu.vector_load %arg12[%swap3A_618, %swap3A_619] {strides = array<i32>} : memref<64x128xf32, #tpu.memory_space<vmem>>, vector<16xf32>,
        tpu.vector_store %arg12[%swap3A_618, %swap3A_619], %mul3A_617 {strides = array<i32>} : memref<64x128xf32, #tpu.memory_space<vmem>>, vector<16xf32>,
        %add3A_621 = arith.addi %add3A_559, %broadcast_in_dim3A_257 : vector<16xi32>
        %mul3A_622 = arith.constant 8 : i32
        %mul3A_623 = arith.muli %scan3A_497, %mul3A_622 : i32
        %add3A_624 = arith.constant 2 : i32
        %add3A_625 = arith.addi %mul3A_623, %add3A_624 : i32
        %gather3A_626 = tpu.vector_load_idx %arg10[%broadcast_in_dim3A_391, %add3A_621] : memref<84x128xf32, #tpu.memory_space<vmem>>[vector<16xi32>, vector<16xi32>], vector<16xf32>,
        %get3A_627 = arith.index_cast %add3A_625 : i32 to index
        %get3A_628 = arith.constant 0 : index
        %get3A_629 = tpu.vector_load %arg12[%get3A_627, %get3A_628] {strides = array<i32>} : memref<64x128xf32, #tpu.memory_space<vmem>>, vector<16xf32>,
        %mul3A_630 = arith.mulf %get3A_629, %gather3A_626 : vector<16xf32>
        %swap3A_631 = arith.index_cast %add3A_625 : i32 to index
        %swap3A_632 = arith.constant 0 : index
        %swap3A_633 = tpu.vector_load %arg12[%swap3A_631, %swap3A_632] {strides = array<i32>} : memref<64x128xf32, #tpu.memory_space<vmem>>, vector<16xf32>,
        tpu.vector_store %arg12[%swap3A_631, %swap3A_632], %mul3A_630 {strides = array<i32>} : memref<64x128xf32, #tpu.memory_space<vmem>>, vector<16xf32>,
        %get3A_634 = arith.index_cast %add3A_625 : i32 to index
        %get3A_635 = arith.constant 16 : index
        %get3A_636 = tpu.vector_load %arg12[%get3A_634, %get3A_635] {strides = array<i32>} : memref<64x128xf32, #tpu.memory_space<vmem>>, vector<16xf32>,
        %mul3A_637 = arith.mulf %get3A_636, %gather3A_626 : vector<16xf32>
        %swap3A_638 = arith.index_cast %add3A_625 : i32 to index
        %swap3A_639 = arith.constant 16 : index
        %swap3A_640 = tpu.vector_load %arg12[%swap3A_638, %swap3A_639] {strides = array<i32>} : memref<64x128xf32, #tpu.memory_space<vmem>>, vector<16xf32>,
        tpu.vector_store %arg12[%swap3A_638, %swap3A_639], %mul3A_637 {strides = array<i32>} : memref<64x128xf32, #tpu.memory_space<vmem>>, vector<16xf32>,
        %get3A_641 = arith.index_cast %add3A_625 : i32 to index
        %get3A_642 = arith.constant 32 : index
        %get3A_643 = tpu.vector_load %arg12[%get3A_641, %get3A_642] {strides = array<i32>} : memref<64x128xf32, #tpu.memory_space<vmem>>, vector<16xf32>,
        %mul3A_644 = arith.mulf %get3A_643, %gather3A_626 : vector<16xf32>
        %swap3A_645 = arith.index_cast %add3A_625 : i32 to index
        %swap3A_646 = arith.constant 32 : index
        %swap3A_647 = tpu.vector_load %arg12[%swap3A_645, %swap3A_646] {strides = array<i32>} : memref<64x128xf32, #tpu.memory_space<vmem>>, vector<16xf32>,
        tpu.vector_store %arg12[%swap3A_645, %swap3A_646], %mul3A_644 {strides = array<i32>} : memref<64x128xf32, #tpu.memory_space<vmem>>, vector<16xf32>,
        %get3A_648 = arith.index_cast %add3A_625 : i32 to index
        %get3A_649 = arith.constant 48 : index
        %get3A_650 = tpu.vector_load %arg12[%get3A_648, %get3A_649] {strides = array<i32>} : memref<64x128xf32, #tpu.memory_space<vmem>>, vector<16xf32>,
        %mul3A_651 = arith.mulf %get3A_650, %gather3A_626 : vector<16xf32>
        %swap3A_652 = arith.index_cast %add3A_625 : i32 to index
        %swap3A_653 = arith.constant 48 : index
        %swap3A_654 = tpu.vector_load %arg12[%swap3A_652, %swap3A_653] {strides = array<i32>} : memref<64x128xf32, #tpu.memory_space<vmem>>, vector<16xf32>,
        tpu.vector_store %arg12[%swap3A_652, %swap3A_653], %mul3A_651 {strides = array<i32>} : memref<64x128xf32, #tpu.memory_space<vmem>>, vector<16xf32>,
        %get3A_655 = arith.index_cast %add3A_625 : i32 to index
        %get3A_656 = arith.constant 64 : index
        %get3A_657 = tpu.vector_load %arg12[%get3A_655, %get3A_656] {strides = array<i32>} : memref<64x128xf32, #tpu.memory_space<vmem>>, vector<16xf32>,
        %mul3A_658 = arith.mulf %get3A_657, %gather3A_626 : vector<16xf32>
        %swap3A_659 = arith.index_cast %add3A_625 : i32 to index
        %swap3A_660 = arith.constant 64 : index
        %swap3A_661 = tpu.vector_load %arg12[%swap3A_659, %swap3A_660] {strides = array<i32>} : memref<64x128xf32, #tpu.memory_space<vmem>>, vector<16xf32>,
        tpu.vector_store %arg12[%swap3A_659, %swap3A_660], %mul3A_658 {strides = array<i32>} : memref<64x128xf32, #tpu.memory_space<vmem>>, vector<16xf32>,
        %get3A_662 = arith.index_cast %add3A_625 : i32 to index
        %get3A_663 = arith.constant 80 : index
        %get3A_664 = tpu.vector_load %arg12[%get3A_662, %get3A_663] {strides = array<i32>} : memref<64x128xf32, #tpu.memory_space<vmem>>, vector<16xf32>,
        %mul3A_665 = arith.mulf %get3A_664, %gather3A_626 : vector<16xf32>
        %swap3A_666 = arith.index_cast %add3A_625 : i32 to index
        %swap3A_667 = arith.constant 80 : index
        %swap3A_668 = tpu.vector_load %arg12[%swap3A_666, %swap3A_667] {strides = array<i32>} : memref<64x128xf32, #tpu.memory_space<vmem>>, vector<16xf32>,
        tpu.vector_store %arg12[%swap3A_666, %swap3A_667], %mul3A_665 {strides = array<i32>} : memref<64x128xf32, #tpu.memory_space<vmem>>, vector<16xf32>,
        %get3A_669 = arith.index_cast %add3A_625 : i32 to index
        %get3A_670 = arith.constant 96 : index
        %get3A_671 = tpu.vector_load %arg12[%get3A_669, %get3A_670] {strides = array<i32>} : memref<64x128xf32, #tpu.memory_space<vmem>>, vector<16xf32>,
        %mul3A_672 = arith.mulf %get3A_671, %gather3A_626 : vector<16xf32>
        %swap3A_673 = arith.index_cast %add3A_625 : i32 to index
        %swap3A_674 = arith.constant 96 : index
        %swap3A_675 = tpu.vector_load %arg12[%swap3A_673, %swap3A_674] {strides = array<i32>} : memref<64x128xf32, #tpu.memory_space<vmem>>, vector<16xf32>,
        tpu.vector_store %arg12[%swap3A_673, %swap3A_674], %mul3A_672 {strides = array<i32>} : memref<64x128xf32, #tpu.memory_space<vmem>>, vector<16xf32>,
        %get3A_676 = arith.index_cast %add3A_625 : i32 to index
        %get3A_677 = arith.constant 112 : index
        %get3A_678 = tpu.vector_load %arg12[%get3A_676, %get3A_677] {strides = array<i32>} : memref<64x128xf32, #tpu.memory_space<vmem>>, vector<16xf32>,
        %mul3A_679 = arith.mulf %get3A_678, %gather3A_626 : vector<16xf32>
        %swap3A_680 = arith.index_cast %add3A_625 : i32 to index
        %swap3A_681 = arith.constant 112 : index
        %swap3A_682 = tpu.vector_load %arg12[%swap3A_680, %swap3A_681] {strides = array<i32>} : memref<64x128xf32, #tpu.memory_space<vmem>>, vector<16xf32>,
        tpu.vector_store %arg12[%swap3A_680, %swap3A_681], %mul3A_679 {strides = array<i32>} : memref<64x128xf32, #tpu.memory_space<vmem>>, vector<16xf32>,
        %add3A_683 = arith.addi %add3A_621, %broadcast_in_dim3A_257 : vector<16xi32>
        %mul3A_684 = arith.constant 8 : i32
        %mul3A_685 = arith.muli %scan3A_497, %mul3A_684 : i32
        %add3A_686 = arith.constant 3 : i32
        %add3A_687 = arith.addi %mul3A_685, %add3A_686 : i32
        %gather3A_688 = tpu.vector_load_idx %arg10[%broadcast_in_dim3A_391, %add3A_683] : memref<84x128xf32, #tpu.memory_space<vmem>>[vector<16xi32>, vector<16xi32>], vector<16xf32>,
        %get3A_689 = arith.index_cast %add3A_687 : i32 to index
        %get3A_690 = arith.constant 0 : index
        %get3A_691 = tpu.vector_load %arg12[%get3A_689, %get3A_690] {strides = array<i32>} : memref<64x128xf32, #tpu.memory_space<vmem>>, vector<16xf32>,
        %mul3A_692 = arith.mulf %get3A_691, %gather3A_688 : vector<16xf32>
        %swap3A_693 = arith.index_cast %add3A_687 : i32 to index
        %swap3A_694 = arith.constant 0 : index
        %swap3A_695 = tpu.vector_load %arg12[%swap3A_693, %swap3A_694] {strides = array<i32>} : memref<64x128xf32, #tpu.memory_space<vmem>>, vector<16xf32>,
        tpu.vector_store %arg12[%swap3A_693, %swap3A_694], %mul3A_692 {strides = array<i32>} : memref<64x128xf32, #tpu.memory_space<vmem>>, vector<16xf32>,
        %get3A_696 = arith.index_cast %add3A_687 : i32 to index
        %get3A_697 = arith.constant 16 : index
        %get3A_698 = tpu.vector_load %arg12[%get3A_696, %get3A_697] {strides = array<i32>} : memref<64x128xf32, #tpu.memory_space<vmem>>, vector<16xf32>,
        %mul3A_699 = arith.mulf %get3A_698, %gather3A_688 : vector<16xf32>
        %swap3A_700 = arith.index_cast %add3A_687 : i32 to index
        %swap3A_701 = arith.constant 16 : index
        %swap3A_702 = tpu.vector_load %arg12[%swap3A_700, %swap3A_701] {strides = array<i32>} : memref<64x128xf32, #tpu.memory_space<vmem>>, vector<16xf32>,
        tpu.vector_store %arg12[%swap3A_700, %swap3A_701], %mul3A_699 {strides = array<i32>} : memref<64x128xf32, #tpu.memory_space<vmem>>, vector<16xf32>,
        %get3A_703 = arith.index_cast %add3A_687 : i32 to index
        %get3A_704 = arith.constant 32 : index
        %get3A_705 = tpu.vector_load %arg12[%get3A_703, %get3A_704] {strides = array<i32>} : memref<64x128xf32, #tpu.memory_space<vmem>>, vector<16xf32>,
        %mul3A_706 = arith.mulf %get3A_705, %gather3A_688 : vector<16xf32>
        %swap3A_707 = arith.index_cast %add3A_687 : i32 to index
        %swap3A_708 = arith.constant 32 : index
        %swap3A_709 = tpu.vector_load %arg12[%swap3A_707, %swap3A_708] {strides = array<i32>} : memref<64x128xf32, #tpu.memory_space<vmem>>, vector<16xf32>,
        tpu.vector_store %arg12[%swap3A_707, %swap3A_708], %mul3A_706 {strides = array<i32>} : memref<64x128xf32, #tpu.memory_space<vmem>>, vector<16xf32>,
        %get3A_710 = arith.index_cast %add3A_687 : i32 to index
        %get3A_711 = arith.constant 48 : index
        %get3A_712 = tpu.vector_load %arg12[%get3A_710, %get3A_711] {strides = array<i32>} : memref<64x128xf32, #tpu.memory_space<vmem>>, vector<16xf32>,
        %mul3A_713 = arith.mulf %get3A_712, %gather3A_688 : vector<16xf32>
        %swap3A_714 = arith.index_cast %add3A_687 : i32 to index
        %swap3A_715 = arith.constant 48 : index
        %swap3A_716 = tpu.vector_load %arg12[%swap3A_714, %swap3A_715] {strides = array<i32>} : memref<64x128xf32, #tpu.memory_space<vmem>>, vector<16xf32>,
        tpu.vector_store %arg12[%swap3A_714, %swap3A_715], %mul3A_713 {strides = array<i32>} : memref<64x128xf32, #tpu.memory_space<vmem>>, vector<16xf32>,
        %get3A_717 = arith.index_cast %add3A_687 : i32 to index
        %get3A_718 = arith.constant 64 : index
        %get3A_719 = tpu.vector_load %arg12[%get3A_717, %get3A_718] {strides = array<i32>} : memref<64x128xf32, #tpu.memory_space<vmem>>, vector<16xf32>,
        %mul3A_720 = arith.mulf %get3A_719, %gather3A_688 : vector<16xf32>
        %swap3A_721 = arith.index_cast %add3A_687 : i32 to index
        %swap3A_722 = arith.constant 64 : index
        %swap3A_723 = tpu.vector_load %arg12[%swap3A_721, %swap3A_722] {strides = array<i32>} : memref<64x128xf32, #tpu.memory_space<vmem>>, vector<16xf32>,
        tpu.vector_store %arg12[%swap3A_721, %swap3A_722], %mul3A_720 {strides = array<i32>} : memref<64x128xf32, #tpu.memory_space<vmem>>, vector<16xf32>,
        %get3A_724 = arith.index_cast %add3A_687 : i32 to index
        %get3A_725 = arith.constant 80 : index
        %get3A_726 = tpu.vector_load %arg12[%get3A_724, %get3A_725] {strides = array<i32>} : memref<64x128xf32, #tpu.memory_space<vmem>>, vector<16xf32>,
        %mul3A_727 = arith.mulf %get3A_726, %gather3A_688 : vector<16xf32>
        %swap3A_728 = arith.index_cast %add3A_687 : i32 to index
        %swap3A_729 = arith.constant 80 : index
        %swap3A_730 = tpu.vector_load %arg12[%swap3A_728, %swap3A_729] {strides = array<i32>} : memref<64x128xf32, #tpu.memory_space<vmem>>, vector<16xf32>,
        tpu.vector_store %arg12[%swap3A_728, %swap3A_729], %mul3A_727 {strides = array<i32>} : memref<64x128xf32, #tpu.memory_space<vmem>>, vector<16xf32>,
        %get3A_731 = arith.index_cast %add3A_687 : i32 to index
        %get3A_732 = arith.constant 96 : index
        %get3A_733 = tpu.vector_load %arg12[%get3A_731, %get3A_732] {strides = array<i32>} : memref<64x128xf32, #tpu.memory_space<vmem>>, vector<16xf32>,
        %mul3A_734 = arith.mulf %get3A_733, %gather3A_688 : vector<16xf32>
        %swap3A_735 = arith.index_cast %add3A_687 : i32 to index
        %swap3A_736 = arith.constant 96 : index
        %swap3A_737 = tpu.vector_load %arg12[%swap3A_735, %swap3A_736] {strides = array<i32>} : memref<64x128xf32, #tpu.memory_space<vmem>>, vector<16xf32>,
        tpu.vector_store %arg12[%swap3A_735, %swap3A_736], %mul3A_734 {strides = array<i32>} : memref<64x128xf32, #tpu.memory_space<vmem>>, vector<16xf32>,
        %get3A_738 = arith.index_cast %add3A_687 : i32 to index
        %get3A_739 = arith.constant 112 : index
        %get3A_740 = tpu.vector_load %arg12[%get3A_738, %get3A_739] {strides = array<i32>} : memref<64x128xf32, #tpu.memory_space<vmem>>, vector<16xf32>,
        %mul3A_741 = arith.mulf %get3A_740, %gather3A_688 : vector<16xf32>
        %swap3A_742 = arith.index_cast %add3A_687 : i32 to index
        %swap3A_743 = arith.constant 112 : index
        %swap3A_744 = tpu.vector_load %arg12[%swap3A_742, %swap3A_743] {strides = array<i32>} : memref<64x128xf32, #tpu.memory_space<vmem>>, vector<16xf32>,
        tpu.vector_store %arg12[%swap3A_742, %swap3A_743], %mul3A_741 {strides = array<i32>} : memref<64x128xf32, #tpu.memory_space<vmem>>, vector<16xf32>,
        %add3A_745 = arith.addi %add3A_683, %broadcast_in_dim3A_257 : vector<16xi32>
        %mul3A_746 = arith.constant 8 : i32
        %mul3A_747 = arith.muli %scan3A_497, %mul3A_746 : i32
        %add3A_748 = arith.constant 4 : i32
        %add3A_749 = arith.addi %mul3A_747, %add3A_748 : i32
        %gather3A_750 = tpu.vector_load_idx %arg10[%broadcast_in_dim3A_391, %add3A_745] : memref<84x128xf32, #tpu.memory_space<vmem>>[vector<16xi32>, vector<16xi32>], vector<16xf32>,
        %get3A_751 = arith.index_cast %add3A_749 : i32 to index
        %get3A_752 = arith.constant 0 : index
        %get3A_753 = tpu.vector_load %arg12[%get3A_751, %get3A_752] {strides = array<i32>} : memref<64x128xf32, #tpu.memory_space<vmem>>, vector<16xf32>,
        %mul3A_754 = arith.mulf %get3A_753, %gather3A_750 : vector<16xf32>
        %swap3A_755 = arith.index_cast %add3A_749 : i32 to index
        %swap3A_756 = arith.constant 0 : index
        %swap3A_757 = tpu.vector_load %arg12[%swap3A_755, %swap3A_756] {strides = array<i32>} : memref<64x128xf32, #tpu.memory_space<vmem>>, vector<16xf32>,
        tpu.vector_store %arg12[%swap3A_755, %swap3A_756], %mul3A_754 {strides = array<i32>} : memref<64x128xf32, #tpu.memory_space<vmem>>, vector<16xf32>,
        %get3A_758 = arith.index_cast %add3A_749 : i32 to index
        %get3A_759 = arith.constant 16 : index
        %get3A_760 = tpu.vector_load %arg12[%get3A_758, %get3A_759] {strides = array<i32>} : memref<64x128xf32, #tpu.memory_space<vmem>>, vector<16xf32>,
        %mul3A_761 = arith.mulf %get3A_760, %gather3A_750 : vector<16xf32>
        %swap3A_762 = arith.index_cast %add3A_749 : i32 to index
        %swap3A_763 = arith.constant 16 : index
        %swap3A_764 = tpu.vector_load %arg12[%swap3A_762, %swap3A_763] {strides = array<i32>} : memref<64x128xf32, #tpu.memory_space<vmem>>, vector<16xf32>,
        tpu.vector_store %arg12[%swap3A_762, %swap3A_763], %mul3A_761 {strides = array<i32>} : memref<64x128xf32, #tpu.memory_space<vmem>>, vector<16xf32>,
        %get3A_765 = arith.index_cast %add3A_749 : i32 to index
        %get3A_766 = arith.constant 32 : index
        %get3A_767 = tpu.vector_load %arg12[%get3A_765, %get3A_766] {strides = array<i32>} : memref<64x128xf32, #tpu.memory_space<vmem>>, vector<16xf32>,
        %mul3A_768 = arith.mulf %get3A_767, %gather3A_750 : vector<16xf32>
        %swap3A_769 = arith.index_cast %add3A_749 : i32 to index
        %swap3A_770 = arith.constant 32 : index
        %swap3A_771 = tpu.vector_load %arg12[%swap3A_769, %swap3A_770] {strides = array<i32>} : memref<64x128xf32, #tpu.memory_space<vmem>>, vector<16xf32>,
        tpu.vector_store %arg12[%swap3A_769, %swap3A_770], %mul3A_768 {strides = array<i32>} : memref<64x128xf32, #tpu.memory_space<vmem>>, vector<16xf32>,
        %get3A_772 = arith.index_cast %add3A_749 : i32 to index
        %get3A_773 = arith.constant 48 : index
        %get3A_774 = tpu.vector_load %arg12[%get3A_772, %get3A_773] {strides = array<i32>} : memref<64x128xf32, #tpu.memory_space<vmem>>, vector<16xf32>,
        %mul3A_775 = arith.mulf %get3A_774, %gather3A_750 : vector<16xf32>
        %swap3A_776 = arith.index_cast %add3A_749 : i32 to index
        %swap3A_777 = arith.constant 48 : index
        %swap3A_778 = tpu.vector_load %arg12[%swap3A_776, %swap3A_777] {strides = array<i32>} : memref<64x128xf32, #tpu.memory_space<vmem>>, vector<16xf32>,
        tpu.vector_store %arg12[%swap3A_776, %swap3A_777], %mul3A_775 {strides = array<i32>} : memref<64x128xf32, #tpu.memory_space<vmem>>, vector<16xf32>,
        %get3A_779 = arith.index_cast %add3A_749 : i32 to index
        %get3A_780 = arith.constant 64 : index
        %get3A_781 = tpu.vector_load %arg12[%get3A_779, %get3A_780] {strides = array<i32>} : memref<64x128xf32, #tpu.memory_space<vmem>>, vector<16xf32>,
        %mul3A_782 = arith.mulf %get3A_781, %gather3A_750 : vector<16xf32>
        %swap3A_783 = arith.index_cast %add3A_749 : i32 to index
        %swap3A_784 = arith.constant 64 : index
        %swap3A_785 = tpu.vector_load %arg12[%swap3A_783, %swap3A_784] {strides = array<i32>} : memref<64x128xf32, #tpu.memory_space<vmem>>, vector<16xf32>,
        tpu.vector_store %arg12[%swap3A_783, %swap3A_784], %mul3A_782 {strides = array<i32>} : memref<64x128xf32, #tpu.memory_space<vmem>>, vector<16xf32>,
        %get3A_786 = arith.index_cast %add3A_749 : i32 to index
        %get3A_787 = arith.constant 80 : index
        %get3A_788 = tpu.vector_load %arg12[%get3A_786, %get3A_787] {strides = array<i32>} : memref<64x128xf32, #tpu.memory_space<vmem>>, vector<16xf32>,
        %mul3A_789 = arith.mulf %get3A_788, %gather3A_750 : vector<16xf32>
        %swap3A_790 = arith.index_cast %add3A_749 : i32 to index
        %swap3A_791 = arith.constant 80 : index
        %swap3A_792 = tpu.vector_load %arg12[%swap3A_790, %swap3A_791] {strides = array<i32>} : memref<64x128xf32, #tpu.memory_space<vmem>>, vector<16xf32>,
        tpu.vector_store %arg12[%swap3A_790, %swap3A_791], %mul3A_789 {strides = array<i32>} : memref<64x128xf32, #tpu.memory_space<vmem>>, vector<16xf32>,
        %get3A_793 = arith.index_cast %add3A_749 : i32 to index
        %get3A_794 = arith.constant 96 : index
        %get3A_795 = tpu.vector_load %arg12[%get3A_793, %get3A_794] {strides = array<i32>} : memref<64x128xf32, #tpu.memory_space<vmem>>, vector<16xf32>,
        %mul3A_796 = arith.mulf %get3A_795, %gather3A_750 : vector<16xf32>
        %swap3A_797 = arith.index_cast %add3A_749 : i32 to index
        %swap3A_798 = arith.constant 96 : index
        %swap3A_799 = tpu.vector_load %arg12[%swap3A_797, %swap3A_798] {strides = array<i32>} : memref<64x128xf32, #tpu.memory_space<vmem>>, vector<16xf32>,
        tpu.vector_store %arg12[%swap3A_797, %swap3A_798], %mul3A_796 {strides = array<i32>} : memref<64x128xf32, #tpu.memory_space<vmem>>, vector<16xf32>,
        %get3A_800 = arith.index_cast %add3A_749 : i32 to index
        %get3A_801 = arith.constant 112 : index
        %get3A_802 = tpu.vector_load %arg12[%get3A_800, %get3A_801] {strides = array<i32>} : memref<64x128xf32, #tpu.memory_space<vmem>>, vector<16xf32>,
        %mul3A_803 = arith.mulf %get3A_802, %gather3A_750 : vector<16xf32>
        %swap3A_804 = arith.index_cast %add3A_749 : i32 to index
        %swap3A_805 = arith.constant 112 : index
        %swap3A_806 = tpu.vector_load %arg12[%swap3A_804, %swap3A_805] {strides = array<i32>} : memref<64x128xf32, #tpu.memory_space<vmem>>, vector<16xf32>,
        tpu.vector_store %arg12[%swap3A_804, %swap3A_805], %mul3A_803 {strides = array<i32>} : memref<64x128xf32, #tpu.memory_space<vmem>>, vector<16xf32>,
        %add3A_807 = arith.addi %add3A_745, %broadcast_in_dim3A_257 : vector<16xi32>
        %mul3A_808 = arith.constant 8 : i32
        %mul3A_809 = arith.muli %scan3A_497, %mul3A_808 : i32
        %add3A_810 = arith.constant 5 : i32
        %add3A_811 = arith.addi %mul3A_809, %add3A_810 : i32
        %gather3A_812 = tpu.vector_load_idx %arg10[%broadcast_in_dim3A_391, %add3A_807] : memref<84x128xf32, #tpu.memory_space<vmem>>[vector<16xi32>, vector<16xi32>], vector<16xf32>,
        %get3A_813 = arith.index_cast %add3A_811 : i32 to index
        %get3A_814 = arith.constant 0 : index
        %get3A_815 = tpu.vector_load %arg12[%get3A_813, %get3A_814] {strides = array<i32>} : memref<64x128xf32, #tpu.memory_space<vmem>>, vector<16xf32>,
        %mul3A_816 = arith.mulf %get3A_815, %gather3A_812 : vector<16xf32>
        %swap3A_817 = arith.index_cast %add3A_811 : i32 to index
        %swap3A_818 = arith.constant 0 : index
        %swap3A_819 = tpu.vector_load %arg12[%swap3A_817, %swap3A_818] {strides = array<i32>} : memref<64x128xf32, #tpu.memory_space<vmem>>, vector<16xf32>,
        tpu.vector_store %arg12[%swap3A_817, %swap3A_818], %mul3A_816 {strides = array<i32>} : memref<64x128xf32, #tpu.memory_space<vmem>>, vector<16xf32>,
        %get3A_820 = arith.index_cast %add3A_811 : i32 to index
        %get3A_821 = arith.constant 16 : index
        %get3A_822 = tpu.vector_load %arg12[%get3A_820, %get3A_821] {strides = array<i32>} : memref<64x128xf32, #tpu.memory_space<vmem>>, vector<16xf32>,
        %mul3A_823 = arith.mulf %get3A_822, %gather3A_812 : vector<16xf32>
        %swap3A_824 = arith.index_cast %add3A_811 : i32 to index
        %swap3A_825 = arith.constant 16 : index
        %swap3A_826 = tpu.vector_load %arg12[%swap3A_824, %swap3A_825] {strides = array<i32>} : memref<64x128xf32, #tpu.memory_space<vmem>>, vector<16xf32>,
        tpu.vector_store %arg12[%swap3A_824, %swap3A_825], %mul3A_823 {strides = array<i32>} : memref<64x128xf32, #tpu.memory_space<vmem>>, vector<16xf32>,
        %get3A_827 = arith.index_cast %add3A_811 : i32 to index
        %get3A_828 = arith.constant 32 : index
        %get3A_829 = tpu.vector_load %arg12[%get3A_827, %get3A_828] {strides = array<i32>} : memref<64x128xf32, #tpu.memory_space<vmem>>, vector<16xf32>,
        %mul3A_830 = arith.mulf %get3A_829, %gather3A_812 : vector<16xf32>
        %swap3A_831 = arith.index_cast %add3A_811 : i32 to index
        %swap3A_832 = arith.constant 32 : index
        %swap3A_833 = tpu.vector_load %arg12[%swap3A_831, %swap3A_832] {strides = array<i32>} : memref<64x128xf32, #tpu.memory_space<vmem>>, vector<16xf32>,
        tpu.vector_store %arg12[%swap3A_831, %swap3A_832], %mul3A_830 {strides = array<i32>} : memref<64x128xf32, #tpu.memory_space<vmem>>, vector<16xf32>,
        %get3A_834 = arith.index_cast %add3A_811 : i32 to index
        %get3A_835 = arith.constant 48 : index
        %get3A_836 = tpu.vector_load %arg12[%get3A_834, %get3A_835] {strides = array<i32>} : memref<64x128xf32, #tpu.memory_space<vmem>>, vector<16xf32>,
        %mul3A_837 = arith.mulf %get3A_836, %gather3A_812 : vector<16xf32>
        %swap3A_838 = arith.index_cast %add3A_811 : i32 to index
        %swap3A_839 = arith.constant 48 : index
        %swap3A_840 = tpu.vector_load %arg12[%swap3A_838, %swap3A_839] {strides = array<i32>} : memref<64x128xf32, #tpu.memory_space<vmem>>, vector<16xf32>,
        tpu.vector_store %arg12[%swap3A_838, %swap3A_839], %mul3A_837 {strides = array<i32>} : memref<64x128xf32, #tpu.memory_space<vmem>>, vector<16xf32>,
        %get3A_841 = arith.index_cast %add3A_811 : i32 to index
        %get3A_842 = arith.constant 64 : index
        %get3A_843 = tpu.vector_load %arg12[%get3A_841, %get3A_842] {strides = array<i32>} : memref<64x128xf32, #tpu.memory_space<vmem>>, vector<16xf32>,
        %mul3A_844 = arith.mulf %get3A_843, %gather3A_812 : vector<16xf32>
        %swap3A_845 = arith.index_cast %add3A_811 : i32 to index
        %swap3A_846 = arith.constant 64 : index
        %swap3A_847 = tpu.vector_load %arg12[%swap3A_845, %swap3A_846] {strides = array<i32>} : memref<64x128xf32, #tpu.memory_space<vmem>>, vector<16xf32>,
        tpu.vector_store %arg12[%swap3A_845, %swap3A_846], %mul3A_844 {strides = array<i32>} : memref<64x128xf32, #tpu.memory_space<vmem>>, vector<16xf32>,
        %get3A_848 = arith.index_cast %add3A_811 : i32 to index
        %get3A_849 = arith.constant 80 : index
        %get3A_850 = tpu.vector_load %arg12[%get3A_848, %get3A_849] {strides = array<i32>} : memref<64x128xf32, #tpu.memory_space<vmem>>, vector<16xf32>,
        %mul3A_851 = arith.mulf %get3A_850, %gather3A_812 : vector<16xf32>
        %swap3A_852 = arith.index_cast %add3A_811 : i32 to index
        %swap3A_853 = arith.constant 80 : index
        %swap3A_854 = tpu.vector_load %arg12[%swap3A_852, %swap3A_853] {strides = array<i32>} : memref<64x128xf32, #tpu.memory_space<vmem>>, vector<16xf32>,
        tpu.vector_store %arg12[%swap3A_852, %swap3A_853], %mul3A_851 {strides = array<i32>} : memref<64x128xf32, #tpu.memory_space<vmem>>, vector<16xf32>,
        %get3A_855 = arith.index_cast %add3A_811 : i32 to index
        %get3A_856 = arith.constant 96 : index
        %get3A_857 = tpu.vector_load %arg12[%get3A_855, %get3A_856] {strides = array<i32>} : memref<64x128xf32, #tpu.memory_space<vmem>>, vector<16xf32>,
        %mul3A_858 = arith.mulf %get3A_857, %gather3A_812 : vector<16xf32>
        %swap3A_859 = arith.index_cast %add3A_811 : i32 to index
        %swap3A_860 = arith.constant 96 : index
        %swap3A_861 = tpu.vector_load %arg12[%swap3A_859, %swap3A_860] {strides = array<i32>} : memref<64x128xf32, #tpu.memory_space<vmem>>, vector<16xf32>,
        tpu.vector_store %arg12[%swap3A_859, %swap3A_860], %mul3A_858 {strides = array<i32>} : memref<64x128xf32, #tpu.memory_space<vmem>>, vector<16xf32>,
        %get3A_862 = arith.index_cast %add3A_811 : i32 to index
        %get3A_863 = arith.constant 112 : index
        %get3A_864 = tpu.vector_load %arg12[%get3A_862, %get3A_863] {strides = array<i32>} : memref<64x128xf32, #tpu.memory_space<vmem>>, vector<16xf32>,
        %mul3A_865 = arith.mulf %get3A_864, %gather3A_812 : vector<16xf32>
        %swap3A_866 = arith.index_cast %add3A_811 : i32 to index
        %swap3A_867 = arith.constant 112 : index
        %swap3A_868 = tpu.vector_load %arg12[%swap3A_866, %swap3A_867] {strides = array<i32>} : memref<64x128xf32, #tpu.memory_space<vmem>>, vector<16xf32>,
        tpu.vector_store %arg12[%swap3A_866, %swap3A_867], %mul3A_865 {strides = array<i32>} : memref<64x128xf32, #tpu.memory_space<vmem>>, vector<16xf32>,
        %add3A_869 = arith.addi %add3A_807, %broadcast_in_dim3A_257 : vector<16xi32>
        %mul3A_870 = arith.constant 8 : i32
        %mul3A_871 = arith.muli %scan3A_497, %mul3A_870 : i32
        %add3A_872 = arith.constant 6 : i32
        %add3A_873 = arith.addi %mul3A_871, %add3A_872 : i32
        %gather3A_874 = tpu.vector_load_idx %arg10[%broadcast_in_dim3A_391, %add3A_869] : memref<84x128xf32, #tpu.memory_space<vmem>>[vector<16xi32>, vector<16xi32>], vector<16xf32>,
        %get3A_875 = arith.index_cast %add3A_873 : i32 to index
        %get3A_876 = arith.constant 0 : index
        %get3A_877 = tpu.vector_load %arg12[%get3A_875, %get3A_876] {strides = array<i32>} : memref<64x128xf32, #tpu.memory_space<vmem>>, vector<16xf32>,
        %mul3A_878 = arith.mulf %get3A_877, %gather3A_874 : vector<16xf32>
        %swap3A_879 = arith.index_cast %add3A_873 : i32 to index
        %swap3A_880 = arith.constant 0 : index
        %swap3A_881 = tpu.vector_load %arg12[%swap3A_879, %swap3A_880] {strides = array<i32>} : memref<64x128xf32, #tpu.memory_space<vmem>>, vector<16xf32>,
        tpu.vector_store %arg12[%swap3A_879, %swap3A_880], %mul3A_878 {strides = array<i32>} : memref<64x128xf32, #tpu.memory_space<vmem>>, vector<16xf32>,
        %get3A_882 = arith.index_cast %add3A_873 : i32 to index
        %get3A_883 = arith.constant 16 : index
        %get3A_884 = tpu.vector_load %arg12[%get3A_882, %get3A_883] {strides = array<i32>} : memref<64x128xf32, #tpu.memory_space<vmem>>, vector<16xf32>,
        %mul3A_885 = arith.mulf %get3A_884, %gather3A_874 : vector<16xf32>
        %swap3A_886 = arith.index_cast %add3A_873 : i32 to index
        %swap3A_887 = arith.constant 16 : index
        %swap3A_888 = tpu.vector_load %arg12[%swap3A_886, %swap3A_887] {strides = array<i32>} : memref<64x128xf32, #tpu.memory_space<vmem>>, vector<16xf32>,
        tpu.vector_store %arg12[%swap3A_886, %swap3A_887], %mul3A_885 {strides = array<i32>} : memref<64x128xf32, #tpu.memory_space<vmem>>, vector<16xf32>,
        %get3A_889 = arith.index_cast %add3A_873 : i32 to index
        %get3A_890 = arith.constant 32 : index
        %get3A_891 = tpu.vector_load %arg12[%get3A_889, %get3A_890] {strides = array<i32>} : memref<64x128xf32, #tpu.memory_space<vmem>>, vector<16xf32>,
        %mul3A_892 = arith.mulf %get3A_891, %gather3A_874 : vector<16xf32>
        %swap3A_893 = arith.index_cast %add3A_873 : i32 to index
        %swap3A_894 = arith.constant 32 : index
        %swap3A_895 = tpu.vector_load %arg12[%swap3A_893, %swap3A_894] {strides = array<i32>} : memref<64x128xf32, #tpu.memory_space<vmem>>, vector<16xf32>,
        tpu.vector_store %arg12[%swap3A_893, %swap3A_894], %mul3A_892 {strides = array<i32>} : memref<64x128xf32, #tpu.memory_space<vmem>>, vector<16xf32>,
        %get3A_896 = arith.index_cast %add3A_873 : i32 to index
        %get3A_897 = arith.constant 48 : index
        %get3A_898 = tpu.vector_load %arg12[%get3A_896, %get3A_897] {strides = array<i32>} : memref<64x128xf32, #tpu.memory_space<vmem>>, vector<16xf32>,
        %mul3A_899 = arith.mulf %get3A_898, %gather3A_874 : vector<16xf32>
        %swap3A_900 = arith.index_cast %add3A_873 : i32 to index
        %swap3A_901 = arith.constant 48 : index
        %swap3A_902 = tpu.vector_load %arg12[%swap3A_900, %swap3A_901] {strides = array<i32>} : memref<64x128xf32, #tpu.memory_space<vmem>>, vector<16xf32>,
        tpu.vector_store %arg12[%swap3A_900, %swap3A_901], %mul3A_899 {strides = array<i32>} : memref<64x128xf32, #tpu.memory_space<vmem>>, vector<16xf32>,
        %get3A_903 = arith.index_cast %add3A_873 : i32 to index
        %get3A_904 = arith.constant 64 : index
        %get3A_905 = tpu.vector_load %arg12[%get3A_903, %get3A_904] {strides = array<i32>} : memref<64x128xf32, #tpu.memory_space<vmem>>, vector<16xf32>,
        %mul3A_906 = arith.mulf %get3A_905, %gather3A_874 : vector<16xf32>
        %swap3A_907 = arith.index_cast %add3A_873 : i32 to index
        %swap3A_908 = arith.constant 64 : index
        %swap3A_909 = tpu.vector_load %arg12[%swap3A_907, %swap3A_908] {strides = array<i32>} : memref<64x128xf32, #tpu.memory_space<vmem>>, vector<16xf32>,
        tpu.vector_store %arg12[%swap3A_907, %swap3A_908], %mul3A_906 {strides = array<i32>} : memref<64x128xf32, #tpu.memory_space<vmem>>, vector<16xf32>,
        %get3A_910 = arith.index_cast %add3A_873 : i32 to index
        %get3A_911 = arith.constant 80 : index
        %get3A_912 = tpu.vector_load %arg12[%get3A_910, %get3A_911] {strides = array<i32>} : memref<64x128xf32, #tpu.memory_space<vmem>>, vector<16xf32>,
        %mul3A_913 = arith.mulf %get3A_912, %gather3A_874 : vector<16xf32>
        %swap3A_914 = arith.index_cast %add3A_873 : i32 to index
        %swap3A_915 = arith.constant 80 : index
        %swap3A_916 = tpu.vector_load %arg12[%swap3A_914, %swap3A_915] {strides = array<i32>} : memref<64x128xf32, #tpu.memory_space<vmem>>, vector<16xf32>,
        tpu.vector_store %arg12[%swap3A_914, %swap3A_915], %mul3A_913 {strides = array<i32>} : memref<64x128xf32, #tpu.memory_space<vmem>>, vector<16xf32>,
        %get3A_917 = arith.index_cast %add3A_873 : i32 to index
        %get3A_918 = arith.constant 96 : index
        %get3A_919 = tpu.vector_load %arg12[%get3A_917, %get3A_918] {strides = array<i32>} : memref<64x128xf32, #tpu.memory_space<vmem>>, vector<16xf32>,
        %mul3A_920 = arith.mulf %get3A_919, %gather3A_874 : vector<16xf32>
        %swap3A_921 = arith.index_cast %add3A_873 : i32 to index
        %swap3A_922 = arith.constant 96 : index
        %swap3A_923 = tpu.vector_load %arg12[%swap3A_921, %swap3A_922] {strides = array<i32>} : memref<64x128xf32, #tpu.memory_space<vmem>>, vector<16xf32>,
        tpu.vector_store %arg12[%swap3A_921, %swap3A_922], %mul3A_920 {strides = array<i32>} : memref<64x128xf32, #tpu.memory_space<vmem>>, vector<16xf32>,
        %get3A_924 = arith.index_cast %add3A_873 : i32 to index
        %get3A_925 = arith.constant 112 : index
        %get3A_926 = tpu.vector_load %arg12[%get3A_924, %get3A_925] {strides = array<i32>} : memref<64x128xf32, #tpu.memory_space<vmem>>, vector<16xf32>,
        %mul3A_927 = arith.mulf %get3A_926, %gather3A_874 : vector<16xf32>
        %swap3A_928 = arith.index_cast %add3A_873 : i32 to index
        %swap3A_929 = arith.constant 112 : index
        %swap3A_930 = tpu.vector_load %arg12[%swap3A_928, %swap3A_929] {strides = array<i32>} : memref<64x128xf32, #tpu.memory_space<vmem>>, vector<16xf32>,
        tpu.vector_store %arg12[%swap3A_928, %swap3A_929], %mul3A_927 {strides = array<i32>} : memref<64x128xf32, #tpu.memory_space<vmem>>, vector<16xf32>,
        %add3A_931 = arith.addi %add3A_869, %broadcast_in_dim3A_257 : vector<16xi32>
        %mul3A_932 = arith.constant 8 : i32
        %mul3A_933 = arith.muli %scan3A_497, %mul3A_932 : i32
        %add3A_934 = arith.constant 7 : i32
        %add3A_935 = arith.addi %mul3A_933, %add3A_934 : i32
        %gather3A_936 = tpu.vector_load_idx %arg10[%broadcast_in_dim3A_391, %add3A_931] : memref<84x128xf32, #tpu.memory_space<vmem>>[vector<16xi32>, vector<16xi32>], vector<16xf32>,
        %get3A_937 = arith.index_cast %add3A_935 : i32 to index
        %get3A_938 = arith.constant 0 : index
        %get3A_939 = tpu.vector_load %arg12[%get3A_937, %get3A_938] {strides = array<i32>} : memref<64x128xf32, #tpu.memory_space<vmem>>, vector<16xf32>,
        %mul3A_940 = arith.mulf %get3A_939, %gather3A_936 : vector<16xf32>
        %swap3A_941 = arith.index_cast %add3A_935 : i32 to index
        %swap3A_942 = arith.constant 0 : index
        %swap3A_943 = tpu.vector_load %arg12[%swap3A_941, %swap3A_942] {strides = array<i32>} : memref<64x128xf32, #tpu.memory_space<vmem>>, vector<16xf32>,
        tpu.vector_store %arg12[%swap3A_941, %swap3A_942], %mul3A_940 {strides = array<i32>} : memref<64x128xf32, #tpu.memory_space<vmem>>, vector<16xf32>,
        %get3A_944 = arith.index_cast %add3A_935 : i32 to index
        %get3A_945 = arith.constant 16 : index
        %get3A_946 = tpu.vector_load %arg12[%get3A_944, %get3A_945] {strides = array<i32>} : memref<64x128xf32, #tpu.memory_space<vmem>>, vector<16xf32>,
        %mul3A_947 = arith.mulf %get3A_946, %gather3A_936 : vector<16xf32>
        %swap3A_948 = arith.index_cast %add3A_935 : i32 to index
        %swap3A_949 = arith.constant 16 : index
        %swap3A_950 = tpu.vector_load %arg12[%swap3A_948, %swap3A_949] {strides = array<i32>} : memref<64x128xf32, #tpu.memory_space<vmem>>, vector<16xf32>,
        tpu.vector_store %arg12[%swap3A_948, %swap3A_949], %mul3A_947 {strides = array<i32>} : memref<64x128xf32, #tpu.memory_space<vmem>>, vector<16xf32>,
        %get3A_951 = arith.index_cast %add3A_935 : i32 to index
        %get3A_952 = arith.constant 32 : index
        %get3A_953 = tpu.vector_load %arg12[%get3A_951, %get3A_952] {strides = array<i32>} : memref<64x128xf32, #tpu.memory_space<vmem>>, vector<16xf32>,
        %mul3A_954 = arith.mulf %get3A_953, %gather3A_936 : vector<16xf32>
        %swap3A_955 = arith.index_cast %add3A_935 : i32 to index
        %swap3A_956 = arith.constant 32 : index
        %swap3A_957 = tpu.vector_load %arg12[%swap3A_955, %swap3A_956] {strides = array<i32>} : memref<64x128xf32, #tpu.memory_space<vmem>>, vector<16xf32>,
        tpu.vector_store %arg12[%swap3A_955, %swap3A_956], %mul3A_954 {strides = array<i32>} : memref<64x128xf32, #tpu.memory_space<vmem>>, vector<16xf32>,
        %get3A_958 = arith.index_cast %add3A_935 : i32 to index
        %get3A_959 = arith.constant 48 : index
        %get3A_960 = tpu.vector_load %arg12[%get3A_958, %get3A_959] {strides = array<i32>} : memref<64x128xf32, #tpu.memory_space<vmem>>, vector<16xf32>,
        %mul3A_961 = arith.mulf %get3A_960, %gather3A_936 : vector<16xf32>
        %swap3A_962 = arith.index_cast %add3A_935 : i32 to index
        %swap3A_963 = arith.constant 48 : index
        %swap3A_964 = tpu.vector_load %arg12[%swap3A_962, %swap3A_963] {strides = array<i32>} : memref<64x128xf32, #tpu.memory_space<vmem>>, vector<16xf32>,
        tpu.vector_store %arg12[%swap3A_962, %swap3A_963], %mul3A_961 {strides = array<i32>} : memref<64x128xf32, #tpu.memory_space<vmem>>, vector<16xf32>,
        %get3A_965 = arith.index_cast %add3A_935 : i32 to index
        %get3A_966 = arith.constant 64 : index
        %get3A_967 = tpu.vector_load %arg12[%get3A_965, %get3A_966] {strides = array<i32>} : memref<64x128xf32, #tpu.memory_space<vmem>>, vector<16xf32>,
        %mul3A_968 = arith.mulf %get3A_967, %gather3A_936 : vector<16xf32>
        %swap3A_969 = arith.index_cast %add3A_935 : i32 to index
        %swap3A_970 = arith.constant 64 : index
        %swap3A_971 = tpu.vector_load %arg12[%swap3A_969, %swap3A_970] {strides = array<i32>} : memref<64x128xf32, #tpu.memory_space<vmem>>, vector<16xf32>,
        tpu.vector_store %arg12[%swap3A_969, %swap3A_970], %mul3A_968 {strides = array<i32>} : memref<64x128xf32, #tpu.memory_space<vmem>>, vector<16xf32>,
        %get3A_972 = arith.index_cast %add3A_935 : i32 to index
        %get3A_973 = arith.constant 80 : index
        %get3A_974 = tpu.vector_load %arg12[%get3A_972, %get3A_973] {strides = array<i32>} : memref<64x128xf32, #tpu.memory_space<vmem>>, vector<16xf32>,
        %mul3A_975 = arith.mulf %get3A_974, %gather3A_936 : vector<16xf32>
        %swap3A_976 = arith.index_cast %add3A_935 : i32 to index
        %swap3A_977 = arith.constant 80 : index
        %swap3A_978 = tpu.vector_load %arg12[%swap3A_976, %swap3A_977] {strides = array<i32>} : memref<64x128xf32, #tpu.memory_space<vmem>>, vector<16xf32>,
        tpu.vector_store %arg12[%swap3A_976, %swap3A_977], %mul3A_975 {strides = array<i32>} : memref<64x128xf32, #tpu.memory_space<vmem>>, vector<16xf32>,
        %get3A_979 = arith.index_cast %add3A_935 : i32 to index
        %get3A_980 = arith.constant 96 : index
        %get3A_981 = tpu.vector_load %arg12[%get3A_979, %get3A_980] {strides = array<i32>} : memref<64x128xf32, #tpu.memory_space<vmem>>, vector<16xf32>,
        %mul3A_982 = arith.mulf %get3A_981, %gather3A_936 : vector<16xf32>
        %swap3A_983 = arith.index_cast %add3A_935 : i32 to index
        %swap3A_984 = arith.constant 96 : index
        %swap3A_985 = tpu.vector_load %arg12[%swap3A_983, %swap3A_984] {strides = array<i32>} : memref<64x128xf32, #tpu.memory_space<vmem>>, vector<16xf32>,
        tpu.vector_store %arg12[%swap3A_983, %swap3A_984], %mul3A_982 {strides = array<i32>} : memref<64x128xf32, #tpu.memory_space<vmem>>, vector<16xf32>,
        %get3A_986 = arith.index_cast %add3A_935 : i32 to index
        %get3A_987 = arith.constant 112 : index
        %get3A_988 = tpu.vector_load %arg12[%get3A_986, %get3A_987] {strides = array<i32>} : memref<64x128xf32, #tpu.memory_space<vmem>>, vector<16xf32>,
        %mul3A_989 = arith.mulf %get3A_988, %gather3A_936 : vector<16xf32>
        %swap3A_990 = arith.index_cast %add3A_935 : i32 to index
        %swap3A_991 = arith.constant 112 : index
        %swap3A_992 = tpu.vector_load %arg12[%swap3A_990, %swap3A_991] {strides = array<i32>} : memref<64x128xf32, #tpu.memory_space<vmem>>, vector<16xf32>,
        tpu.vector_store %arg12[%swap3A_990, %swap3A_991], %mul3A_989 {strides = array<i32>} : memref<64x128xf32, #tpu.memory_space<vmem>>, vector<16xf32>,
        %add3A_993 = arith.addi %add3A_931, %broadcast_in_dim3A_257 : vector<16xi32>
        scf.yield %add3A_993 : vector<16xi32>
      }
      %scan3A_416 = arith.constant 8 : i32
      %dma_start3A_417 = arith.constant 1 : i32
      %dma_start3A_418 = arith.constant 0 : i32
      %dma_start3A_419 = tpu.memref_slice %arg15[%dma_start3A_417, %dma_start3A_418] : memref<3x64xi32, #tpu.memory_space<vmem>> -> memref<1x64xi32, #tpu.memory_space<vmem>>
      %dma_start3A_420 = tpu.memref_squeeze %dma_start3A_419 : memref<1x64xi32, #tpu.memory_space<vmem>> -> memref<64xi32, #tpu.memory_space<vmem>>
      %dma_start3A_421 = arith.constant 0 : i32
      %dma_start3A_422 = arith.constant 0 : i32
      %dma_start3A_423 = tpu.memref_slice %arg18[%dma_start3A_421, %dma_start3A_422] : memref<10000x128xf32, #tpu.memory_space<vmem_shared>> -> memref<10000x128xf32, #tpu.memory_space<vmem_shared>>
      tpu.enqueue_indirect_dma source(%arg12 : memref<64x128xf32, #tpu.memory_space<vmem>>) target(%dma_start3A_423 : memref<10000x128xf32, #tpu.memory_space<vmem_shared>>) offsets(%dma_start3A_420 : memref<64xi32, #tpu.memory_space<vmem>>) semaphore(%arg23 : memref<!tpu.dma_semaphore, #tpu.memory_space<semaphore_mem>>) {add = true}
      %dma_wait3A_424 = arith.constant 2 : i32
      %dma_wait3A_425 = arith.constant 0 : i32
      %dma_wait3A_426 = tpu.memref_slice %arg14[%dma_wait3A_424, %dma_wait3A_425] : memref<3x64xi32, #tpu.memory_space<vmem>> -> memref<1x64xi32, #tpu.memory_space<vmem>>
      %dma_wait3A_427 = tpu.memref_squeeze %dma_wait3A_426 : memref<1x64xi32, #tpu.memory_space<vmem>> -> memref<64xi32, #tpu.memory_space<vmem>>
      %dma_wait3A_428 = arith.constant 0 : i32
      %dma_wait3A_429 = arith.constant 0 : i32
      %dma_wait3A_430 = tpu.memref_slice %arg2[%dma_wait3A_428, %dma_wait3A_429] : memref<10000x128xf32, #tpu.memory_space<hbm>> -> memref<10000x128xf32, #tpu.memory_space<hbm>>
      tpu.wait_indirect_dma semaphore(%arg21 : memref<!tpu.dma_semaphore, #tpu.memory_space<semaphore_mem>>) src(%dma_wait3A_430 : memref<10000x128xf32, #tpu.memory_space<hbm>>) dst(%arg13 : memref<64x128xf32, #tpu.memory_space<vmem>>)
      %add3A_431 = arith.constant 2 : i32
      %add3A_432 = arith.addi %mul3A_299, %add3A_431 : i32
      %jit3A_433 = arith.constant 2 : i32
      %div3A_434 = arith.divsi %add3A_432, %jit3A_433 : i32
      %sign3A_435 = arith.constant 0 : i32
      %sign3A_436 = arith.cmpi sgt, %add3A_432, %sign3A_435 : i32
      %sign3A_437 = arith.extui %sign3A_436 : i1 to i32
      %sign3A_438 = arith.constant 0 : i32
      %sign3A_439 = arith.cmpi slt, %add3A_432, %sign3A_438 : i32
      %sign3A_440 = arith.extui %sign3A_439 : i1 to i32
      %sign3A_441 = arith.subi %sign3A_437, %sign3A_440 : i32
      %sign3A_442 = arith.constant 0 : i32
      %sign3A_443 = arith.cmpi sgt, %jit3A_433, %sign3A_442 : i32
      %sign3A_444 = arith.extui %sign3A_443 : i1 to i32
      %sign3A_445 = arith.constant 0 : i32
      %sign3A_446 = arith.cmpi slt, %jit3A_433, %sign3A_445 : i32
      %sign3A_447 = arith.extui %sign3A_446 : i1 to i32
      %sign3A_448 = arith.subi %sign3A_444, %sign3A_447 : i32
      %ne3A_449 = arith.cmpi ne, %sign3A_441, %sign3A_448 : i32
      %rem3A_450 = arith.remsi %add3A_432, %jit3A_433 : i32
      %ne3A_451 = arith.constant 0 : i32
      %ne3A_452 = arith.cmpi ne, %rem3A_450, %ne3A_451 : i32
      %and3A_453 = arith.andi %ne3A_449, %ne3A_452 : i1
      %sub3A_454 = arith.constant 1 : i32
      %sub3A_455 = arith.subi %div3A_434, %sub3A_454 : i32
      %select_n3A_456 = arith.select %and3A_453, %sub3A_455, %div3A_434 : i32
      %broadcast_in_dim3A_457 = vector.broadcast %select_n3A_456 : i32 to vector<16xi32>
      %jit3A_458 = arith.constant 2 : i32
      %eq3A_459 = arith.constant 0 : i32
      %eq3A_460 = arith.cmpi eq, %jit3A_458, %eq3A_459 : i32
      %jit3A_461 = arith.constant 1 : i32
      %select_n3A_462 = arith.select %eq3A_460, %jit3A_461, %jit3A_458 : i32
      %rem3A_463 = arith.remsi %add3A_432, %select_n3A_462 : i32
      %ne3A_464 = arith.constant 0 : i32
      %ne3A_465 = arith.cmpi ne, %rem3A_463, %ne3A_464 : i32
      %lt3A_466 = arith.constant 0 : i32
      %lt3A_467 = arith.cmpi slt, %rem3A_463, %lt3A_466 : i32
      %lt3A_468 = arith.constant 0 : i32
      %lt3A_469 = arith.cmpi slt, %select_n3A_462, %lt3A_468 : i32
      %ne3A_470 = arith.xori %lt3A_467, %lt3A_469 : i1
      %and3A_471 = arith.andi %ne3A_470, %ne3A_465 : i1
      %add3A_472 = arith.addi %rem3A_463, %select_n3A_462 : i32
      %select_n3A_473 = arith.select %and3A_471, %add3A_472, %rem3A_463 : i32
      %mul3A_474 = arith.constant 64 : i32
      %mul3A_475 = arith.muli %select_n3A_473, %mul3A_474 : i32
      %broadcast_in_dim3A_476 = vector.broadcast %mul3A_475 : i32 to vector<16xi32>
      %scan3A_477 = arith.constant 0 : i32
      %scan3A_478 = arith.constant 8 : i32
      %scan3A_479 = arith.addi %scan3A_477, %scan3A_478 : i32
      %scan3A_480 = arith.constant 1 : i32
      %scan3A_481 = scf.for %scan3A_497 = %scan3A_477 to %scan3A_479 step %scan3A_480 iter_args(%scan3A_498 = %broadcast_in_dim3A_476) -> (vector<16xi32>)  : i32 {
        %mul3A_499 = arith.constant 8 : i32
        %mul3A_500 = arith.muli %scan3A_497, %mul3A_499 : i32
        %add3A_501 = arith.constant 0 : i32
        %add3A_502 = arith.addi %mul3A_500, %add3A_501 : i32
        %gather3A = tpu.vector_load_idx %arg10[%broadcast_in_dim3A_457, %scan3A_498] : memref<84x128xf32, #tpu.memory_space<vmem>>[vector<16xi32>, vector<16xi32>], vector<16xf32>,
        %get3A_503 = arith.index_cast %add3A_502 : i32 to index
        %get3A_504 = arith.constant 0 : index
        %get3A_505 = tpu.vector_load %arg13[%get3A_503, %get3A_504] {strides = array<i32>} : memref<64x128xf32, #tpu.memory_space<vmem>>, vector<16xf32>,
        %mul3A_506 = arith.mulf %get3A_505, %gather3A : vector<16xf32>
        %swap3A_507 = arith.index_cast %add3A_502 : i32 to index
        %swap3A_508 = arith.constant 0 : index
        %swap3A_509 = tpu.vector_load %arg13[%swap3A_507, %swap3A_508] {strides = array<i32>} : memref<64x128xf32, #tpu.memory_space<vmem>>, vector<16xf32>,
        tpu.vector_store %arg13[%swap3A_507, %swap3A_508], %mul3A_506 {strides = array<i32>} : memref<64x128xf32, #tpu.memory_space<vmem>>, vector<16xf32>,
        %get3A_510 = arith.index_cast %add3A_502 : i32 to index
        %get3A_511 = arith.constant 16 : index
        %get3A_512 = tpu.vector_load %arg13[%get3A_510, %get3A_511] {strides = array<i32>} : memref<64x128xf32, #tpu.memory_space<vmem>>, vector<16xf32>,
        %mul3A_513 = arith.mulf %get3A_512, %gather3A : vector<16xf32>
        %swap3A_514 = arith.index_cast %add3A_502 : i32 to index
        %swap3A_515 = arith.constant 16 : index
        %swap3A_516 = tpu.vector_load %arg13[%swap3A_514, %swap3A_515] {strides = array<i32>} : memref<64x128xf32, #tpu.memory_space<vmem>>, vector<16xf32>,
        tpu.vector_store %arg13[%swap3A_514, %swap3A_515], %mul3A_513 {strides = array<i32>} : memref<64x128xf32, #tpu.memory_space<vmem>>, vector<16xf32>,
        %get3A_517 = arith.index_cast %add3A_502 : i32 to index
        %get3A_518 = arith.constant 32 : index
        %get3A_519 = tpu.vector_load %arg13[%get3A_517, %get3A_518] {strides = array<i32>} : memref<64x128xf32, #tpu.memory_space<vmem>>, vector<16xf32>,
        %mul3A_520 = arith.mulf %get3A_519, %gather3A : vector<16xf32>
        %swap3A_521 = arith.index_cast %add3A_502 : i32 to index
        %swap3A_522 = arith.constant 32 : index
        %swap3A_523 = tpu.vector_load %arg13[%swap3A_521, %swap3A_522] {strides = array<i32>} : memref<64x128xf32, #tpu.memory_space<vmem>>, vector<16xf32>,
        tpu.vector_store %arg13[%swap3A_521, %swap3A_522], %mul3A_520 {strides = array<i32>} : memref<64x128xf32, #tpu.memory_space<vmem>>, vector<16xf32>,
        %get3A_524 = arith.index_cast %add3A_502 : i32 to index
        %get3A_525 = arith.constant 48 : index
        %get3A_526 = tpu.vector_load %arg13[%get3A_524, %get3A_525] {strides = array<i32>} : memref<64x128xf32, #tpu.memory_space<vmem>>, vector<16xf32>,
        %mul3A_527 = arith.mulf %get3A_526, %gather3A : vector<16xf32>
        %swap3A_528 = arith.index_cast %add3A_502 : i32 to index
        %swap3A_529 = arith.constant 48 : index
        %swap3A_530 = tpu.vector_load %arg13[%swap3A_528, %swap3A_529] {strides = array<i32>} : memref<64x128xf32, #tpu.memory_space<vmem>>, vector<16xf32>,
        tpu.vector_store %arg13[%swap3A_528, %swap3A_529], %mul3A_527 {strides = array<i32>} : memref<64x128xf32, #tpu.memory_space<vmem>>, vector<16xf32>,
        %get3A_531 = arith.index_cast %add3A_502 : i32 to index
        %get3A_532 = arith.constant 64 : index
        %get3A_533 = tpu.vector_load %arg13[%get3A_531, %get3A_532] {strides = array<i32>} : memref<64x128xf32, #tpu.memory_space<vmem>>, vector<16xf32>,
        %mul3A_534 = arith.mulf %get3A_533, %gather3A : vector<16xf32>
        %swap3A_535 = arith.index_cast %add3A_502 : i32 to index
        %swap3A_536 = arith.constant 64 : index
        %swap3A_537 = tpu.vector_load %arg13[%swap3A_535, %swap3A_536] {strides = array<i32>} : memref<64x128xf32, #tpu.memory_space<vmem>>, vector<16xf32>,
        tpu.vector_store %arg13[%swap3A_535, %swap3A_536], %mul3A_534 {strides = array<i32>} : memref<64x128xf32, #tpu.memory_space<vmem>>, vector<16xf32>,
        %get3A_538 = arith.index_cast %add3A_502 : i32 to index
        %get3A_539 = arith.constant 80 : index
        %get3A_540 = tpu.vector_load %arg13[%get3A_538, %get3A_539] {strides = array<i32>} : memref<64x128xf32, #tpu.memory_space<vmem>>, vector<16xf32>,
        %mul3A_541 = arith.mulf %get3A_540, %gather3A : vector<16xf32>
        %swap3A_542 = arith.index_cast %add3A_502 : i32 to index
        %swap3A_543 = arith.constant 80 : index
        %swap3A_544 = tpu.vector_load %arg13[%swap3A_542, %swap3A_543] {strides = array<i32>} : memref<64x128xf32, #tpu.memory_space<vmem>>, vector<16xf32>,
        tpu.vector_store %arg13[%swap3A_542, %swap3A_543], %mul3A_541 {strides = array<i32>} : memref<64x128xf32, #tpu.memory_space<vmem>>, vector<16xf32>,
        %get3A_545 = arith.index_cast %add3A_502 : i32 to index
        %get3A_546 = arith.constant 96 : index
        %get3A_547 = tpu.vector_load %arg13[%get3A_545, %get3A_546] {strides = array<i32>} : memref<64x128xf32, #tpu.memory_space<vmem>>, vector<16xf32>,
        %mul3A_548 = arith.mulf %get3A_547, %gather3A : vector<16xf32>
        %swap3A_549 = arith.index_cast %add3A_502 : i32 to index
        %swap3A_550 = arith.constant 96 : index
        %swap3A_551 = tpu.vector_load %arg13[%swap3A_549, %swap3A_550] {strides = array<i32>} : memref<64x128xf32, #tpu.memory_space<vmem>>, vector<16xf32>,
        tpu.vector_store %arg13[%swap3A_549, %swap3A_550], %mul3A_548 {strides = array<i32>} : memref<64x128xf32, #tpu.memory_space<vmem>>, vector<16xf32>,
        %get3A_552 = arith.index_cast %add3A_502 : i32 to index
        %get3A_553 = arith.constant 112 : index
        %get3A_554 = tpu.vector_load %arg13[%get3A_552, %get3A_553] {strides = array<i32>} : memref<64x128xf32, #tpu.memory_space<vmem>>, vector<16xf32>,
        %mul3A_555 = arith.mulf %get3A_554, %gather3A : vector<16xf32>
        %swap3A_556 = arith.index_cast %add3A_502 : i32 to index
        %swap3A_557 = arith.constant 112 : index
        %swap3A_558 = tpu.vector_load %arg13[%swap3A_556, %swap3A_557] {strides = array<i32>} : memref<64x128xf32, #tpu.memory_space<vmem>>, vector<16xf32>,
        tpu.vector_store %arg13[%swap3A_556, %swap3A_557], %mul3A_555 {strides = array<i32>} : memref<64x128xf32, #tpu.memory_space<vmem>>, vector<16xf32>,
        %add3A_559 = arith.addi %scan3A_498, %broadcast_in_dim3A_257 : vector<16xi32>
        %mul3A_560 = arith.constant 8 : i32
        %mul3A_561 = arith.muli %scan3A_497, %mul3A_560 : i32
        %add3A_562 = arith.constant 1 : i32
        %add3A_563 = arith.addi %mul3A_561, %add3A_562 : i32
        %gather3A_564 = tpu.vector_load_idx %arg10[%broadcast_in_dim3A_457, %add3A_559] : memref<84x128xf32, #tpu.memory_space<vmem>>[vector<16xi32>, vector<16xi32>], vector<16xf32>,
        %get3A_565 = arith.index_cast %add3A_563 : i32 to index
        %get3A_566 = arith.constant 0 : index
        %get3A_567 = tpu.vector_load %arg13[%get3A_565, %get3A_566] {strides = array<i32>} : memref<64x128xf32, #tpu.memory_space<vmem>>, vector<16xf32>,
        %mul3A_568 = arith.mulf %get3A_567, %gather3A_564 : vector<16xf32>
        %swap3A_569 = arith.index_cast %add3A_563 : i32 to index
        %swap3A_570 = arith.constant 0 : index
        %swap3A_571 = tpu.vector_load %arg13[%swap3A_569, %swap3A_570] {strides = array<i32>} : memref<64x128xf32, #tpu.memory_space<vmem>>, vector<16xf32>,
        tpu.vector_store %arg13[%swap3A_569, %swap3A_570], %mul3A_568 {strides = array<i32>} : memref<64x128xf32, #tpu.memory_space<vmem>>, vector<16xf32>,
        %get3A_572 = arith.index_cast %add3A_563 : i32 to index
        %get3A_573 = arith.constant 16 : index
        %get3A_574 = tpu.vector_load %arg13[%get3A_572, %get3A_573] {strides = array<i32>} : memref<64x128xf32, #tpu.memory_space<vmem>>, vector<16xf32>,
        %mul3A_575 = arith.mulf %get3A_574, %gather3A_564 : vector<16xf32>
        %swap3A_576 = arith.index_cast %add3A_563 : i32 to index
        %swap3A_577 = arith.constant 16 : index
        %swap3A_578 = tpu.vector_load %arg13[%swap3A_576, %swap3A_577] {strides = array<i32>} : memref<64x128xf32, #tpu.memory_space<vmem>>, vector<16xf32>,
        tpu.vector_store %arg13[%swap3A_576, %swap3A_577], %mul3A_575 {strides = array<i32>} : memref<64x128xf32, #tpu.memory_space<vmem>>, vector<16xf32>,
        %get3A_579 = arith.index_cast %add3A_563 : i32 to index
        %get3A_580 = arith.constant 32 : index
        %get3A_581 = tpu.vector_load %arg13[%get3A_579, %get3A_580] {strides = array<i32>} : memref<64x128xf32, #tpu.memory_space<vmem>>, vector<16xf32>,
        %mul3A_582 = arith.mulf %get3A_581, %gather3A_564 : vector<16xf32>
        %swap3A_583 = arith.index_cast %add3A_563 : i32 to index
        %swap3A_584 = arith.constant 32 : index
        %swap3A_585 = tpu.vector_load %arg13[%swap3A_583, %swap3A_584] {strides = array<i32>} : memref<64x128xf32, #tpu.memory_space<vmem>>, vector<16xf32>,
        tpu.vector_store %arg13[%swap3A_583, %swap3A_584], %mul3A_582 {strides = array<i32>} : memref<64x128xf32, #tpu.memory_space<vmem>>, vector<16xf32>,
        %get3A_586 = arith.index_cast %add3A_563 : i32 to index
        %get3A_587 = arith.constant 48 : index
        %get3A_588 = tpu.vector_load %arg13[%get3A_586, %get3A_587] {strides = array<i32>} : memref<64x128xf32, #tpu.memory_space<vmem>>, vector<16xf32>,
        %mul3A_589 = arith.mulf %get3A_588, %gather3A_564 : vector<16xf32>
        %swap3A_590 = arith.index_cast %add3A_563 : i32 to index
        %swap3A_591 = arith.constant 48 : index
        %swap3A_592 = tpu.vector_load %arg13[%swap3A_590, %swap3A_591] {strides = array<i32>} : memref<64x128xf32, #tpu.memory_space<vmem>>, vector<16xf32>,
        tpu.vector_store %arg13[%swap3A_590, %swap3A_591], %mul3A_589 {strides = array<i32>} : memref<64x128xf32, #tpu.memory_space<vmem>>, vector<16xf32>,
        %get3A_593 = arith.index_cast %add3A_563 : i32 to index
        %get3A_594 = arith.constant 64 : index
        %get3A_595 = tpu.vector_load %arg13[%get3A_593, %get3A_594] {strides = array<i32>} : memref<64x128xf32, #tpu.memory_space<vmem>>, vector<16xf32>,
        %mul3A_596 = arith.mulf %get3A_595, %gather3A_564 : vector<16xf32>
        %swap3A_597 = arith.index_cast %add3A_563 : i32 to index
        %swap3A_598 = arith.constant 64 : index
        %swap3A_599 = tpu.vector_load %arg13[%swap3A_597, %swap3A_598] {strides = array<i32>} : memref<64x128xf32, #tpu.memory_space<vmem>>, vector<16xf32>,
        tpu.vector_store %arg13[%swap3A_597, %swap3A_598], %mul3A_596 {strides = array<i32>} : memref<64x128xf32, #tpu.memory_space<vmem>>, vector<16xf32>,
        %get3A_600 = arith.index_cast %add3A_563 : i32 to index
        %get3A_601 = arith.constant 80 : index
        %get3A_602 = tpu.vector_load %arg13[%get3A_600, %get3A_601] {strides = array<i32>} : memref<64x128xf32, #tpu.memory_space<vmem>>, vector<16xf32>,
        %mul3A_603 = arith.mulf %get3A_602, %gather3A_564 : vector<16xf32>
        %swap3A_604 = arith.index_cast %add3A_563 : i32 to index
        %swap3A_605 = arith.constant 80 : index
        %swap3A_606 = tpu.vector_load %arg13[%swap3A_604, %swap3A_605] {strides = array<i32>} : memref<64x128xf32, #tpu.memory_space<vmem>>, vector<16xf32>,
        tpu.vector_store %arg13[%swap3A_604, %swap3A_605], %mul3A_603 {strides = array<i32>} : memref<64x128xf32, #tpu.memory_space<vmem>>, vector<16xf32>,
        %get3A_607 = arith.index_cast %add3A_563 : i32 to index
        %get3A_608 = arith.constant 96 : index
        %get3A_609 = tpu.vector_load %arg13[%get3A_607, %get3A_608] {strides = array<i32>} : memref<64x128xf32, #tpu.memory_space<vmem>>, vector<16xf32>,
        %mul3A_610 = arith.mulf %get3A_609, %gather3A_564 : vector<16xf32>
        %swap3A_611 = arith.index_cast %add3A_563 : i32 to index
        %swap3A_612 = arith.constant 96 : index
        %swap3A_613 = tpu.vector_load %arg13[%swap3A_611, %swap3A_612] {strides = array<i32>} : memref<64x128xf32, #tpu.memory_space<vmem>>, vector<16xf32>,
        tpu.vector_store %arg13[%swap3A_611, %swap3A_612], %mul3A_610 {strides = array<i32>} : memref<64x128xf32, #tpu.memory_space<vmem>>, vector<16xf32>,
        %get3A_614 = arith.index_cast %add3A_563 : i32 to index
        %get3A_615 = arith.constant 112 : index
        %get3A_616 = tpu.vector_load %arg13[%get3A_614, %get3A_615] {strides = array<i32>} : memref<64x128xf32, #tpu.memory_space<vmem>>, vector<16xf32>,
        %mul3A_617 = arith.mulf %get3A_616, %gather3A_564 : vector<16xf32>
        %swap3A_618 = arith.index_cast %add3A_563 : i32 to index
        %swap3A_619 = arith.constant 112 : index
        %swap3A_620 = tpu.vector_load %arg13[%swap3A_618, %swap3A_619] {strides = array<i32>} : memref<64x128xf32, #tpu.memory_space<vmem>>, vector<16xf32>,
        tpu.vector_store %arg13[%swap3A_618, %swap3A_619], %mul3A_617 {strides = array<i32>} : memref<64x128xf32, #tpu.memory_space<vmem>>, vector<16xf32>,
        %add3A_621 = arith.addi %add3A_559, %broadcast_in_dim3A_257 : vector<16xi32>
        %mul3A_622 = arith.constant 8 : i32
        %mul3A_623 = arith.muli %scan3A_497, %mul3A_622 : i32
        %add3A_624 = arith.constant 2 : i32
        %add3A_625 = arith.addi %mul3A_623, %add3A_624 : i32
        %gather3A_626 = tpu.vector_load_idx %arg10[%broadcast_in_dim3A_457, %add3A_621] : memref<84x128xf32, #tpu.memory_space<vmem>>[vector<16xi32>, vector<16xi32>], vector<16xf32>,
        %get3A_627 = arith.index_cast %add3A_625 : i32 to index
        %get3A_628 = arith.constant 0 : index
        %get3A_629 = tpu.vector_load %arg13[%get3A_627, %get3A_628] {strides = array<i32>} : memref<64x128xf32, #tpu.memory_space<vmem>>, vector<16xf32>,
        %mul3A_630 = arith.mulf %get3A_629, %gather3A_626 : vector<16xf32>
        %swap3A_631 = arith.index_cast %add3A_625 : i32 to index
        %swap3A_632 = arith.constant 0 : index
        %swap3A_633 = tpu.vector_load %arg13[%swap3A_631, %swap3A_632] {strides = array<i32>} : memref<64x128xf32, #tpu.memory_space<vmem>>, vector<16xf32>,
        tpu.vector_store %arg13[%swap3A_631, %swap3A_632], %mul3A_630 {strides = array<i32>} : memref<64x128xf32, #tpu.memory_space<vmem>>, vector<16xf32>,
        %get3A_634 = arith.index_cast %add3A_625 : i32 to index
        %get3A_635 = arith.constant 16 : index
        %get3A_636 = tpu.vector_load %arg13[%get3A_634, %get3A_635] {strides = array<i32>} : memref<64x128xf32, #tpu.memory_space<vmem>>, vector<16xf32>,
        %mul3A_637 = arith.mulf %get3A_636, %gather3A_626 : vector<16xf32>
        %swap3A_638 = arith.index_cast %add3A_625 : i32 to index
        %swap3A_639 = arith.constant 16 : index
        %swap3A_640 = tpu.vector_load %arg13[%swap3A_638, %swap3A_639] {strides = array<i32>} : memref<64x128xf32, #tpu.memory_space<vmem>>, vector<16xf32>,
        tpu.vector_store %arg13[%swap3A_638, %swap3A_639], %mul3A_637 {strides = array<i32>} : memref<64x128xf32, #tpu.memory_space<vmem>>, vector<16xf32>,
        %get3A_641 = arith.index_cast %add3A_625 : i32 to index
        %get3A_642 = arith.constant 32 : index
        %get3A_643 = tpu.vector_load %arg13[%get3A_641, %get3A_642] {strides = array<i32>} : memref<64x128xf32, #tpu.memory_space<vmem>>, vector<16xf32>,
        %mul3A_644 = arith.mulf %get3A_643, %gather3A_626 : vector<16xf32>
        %swap3A_645 = arith.index_cast %add3A_625 : i32 to index
        %swap3A_646 = arith.constant 32 : index
        %swap3A_647 = tpu.vector_load %arg13[%swap3A_645, %swap3A_646] {strides = array<i32>} : memref<64x128xf32, #tpu.memory_space<vmem>>, vector<16xf32>,
        tpu.vector_store %arg13[%swap3A_645, %swap3A_646], %mul3A_644 {strides = array<i32>} : memref<64x128xf32, #tpu.memory_space<vmem>>, vector<16xf32>,
        %get3A_648 = arith.index_cast %add3A_625 : i32 to index
        %get3A_649 = arith.constant 48 : index
        %get3A_650 = tpu.vector_load %arg13[%get3A_648, %get3A_649] {strides = array<i32>} : memref<64x128xf32, #tpu.memory_space<vmem>>, vector<16xf32>,
        %mul3A_651 = arith.mulf %get3A_650, %gather3A_626 : vector<16xf32>
        %swap3A_652 = arith.index_cast %add3A_625 : i32 to index
        %swap3A_653 = arith.constant 48 : index
        %swap3A_654 = tpu.vector_load %arg13[%swap3A_652, %swap3A_653] {strides = array<i32>} : memref<64x128xf32, #tpu.memory_space<vmem>>, vector<16xf32>,
        tpu.vector_store %arg13[%swap3A_652, %swap3A_653], %mul3A_651 {strides = array<i32>} : memref<64x128xf32, #tpu.memory_space<vmem>>, vector<16xf32>,
        %get3A_655 = arith.index_cast %add3A_625 : i32 to index
        %get3A_656 = arith.constant 64 : index
        %get3A_657 = tpu.vector_load %arg13[%get3A_655, %get3A_656] {strides = array<i32>} : memref<64x128xf32, #tpu.memory_space<vmem>>, vector<16xf32>,
        %mul3A_658 = arith.mulf %get3A_657, %gather3A_626 : vector<16xf32>
        %swap3A_659 = arith.index_cast %add3A_625 : i32 to index
        %swap3A_660 = arith.constant 64 : index
        %swap3A_661 = tpu.vector_load %arg13[%swap3A_659, %swap3A_660] {strides = array<i32>} : memref<64x128xf32, #tpu.memory_space<vmem>>, vector<16xf32>,
        tpu.vector_store %arg13[%swap3A_659, %swap3A_660], %mul3A_658 {strides = array<i32>} : memref<64x128xf32, #tpu.memory_space<vmem>>, vector<16xf32>,
        %get3A_662 = arith.index_cast %add3A_625 : i32 to index
        %get3A_663 = arith.constant 80 : index
        %get3A_664 = tpu.vector_load %arg13[%get3A_662, %get3A_663] {strides = array<i32>} : memref<64x128xf32, #tpu.memory_space<vmem>>, vector<16xf32>,
        %mul3A_665 = arith.mulf %get3A_664, %gather3A_626 : vector<16xf32>
        %swap3A_666 = arith.index_cast %add3A_625 : i32 to index
        %swap3A_667 = arith.constant 80 : index
        %swap3A_668 = tpu.vector_load %arg13[%swap3A_666, %swap3A_667] {strides = array<i32>} : memref<64x128xf32, #tpu.memory_space<vmem>>, vector<16xf32>,
        tpu.vector_store %arg13[%swap3A_666, %swap3A_667], %mul3A_665 {strides = array<i32>} : memref<64x128xf32, #tpu.memory_space<vmem>>, vector<16xf32>,
        %get3A_669 = arith.index_cast %add3A_625 : i32 to index
        %get3A_670 = arith.constant 96 : index
        %get3A_671 = tpu.vector_load %arg13[%get3A_669, %get3A_670] {strides = array<i32>} : memref<64x128xf32, #tpu.memory_space<vmem>>, vector<16xf32>,
        %mul3A_672 = arith.mulf %get3A_671, %gather3A_626 : vector<16xf32>
        %swap3A_673 = arith.index_cast %add3A_625 : i32 to index
        %swap3A_674 = arith.constant 96 : index
        %swap3A_675 = tpu.vector_load %arg13[%swap3A_673, %swap3A_674] {strides = array<i32>} : memref<64x128xf32, #tpu.memory_space<vmem>>, vector<16xf32>,
        tpu.vector_store %arg13[%swap3A_673, %swap3A_674], %mul3A_672 {strides = array<i32>} : memref<64x128xf32, #tpu.memory_space<vmem>>, vector<16xf32>,
        %get3A_676 = arith.index_cast %add3A_625 : i32 to index
        %get3A_677 = arith.constant 112 : index
        %get3A_678 = tpu.vector_load %arg13[%get3A_676, %get3A_677] {strides = array<i32>} : memref<64x128xf32, #tpu.memory_space<vmem>>, vector<16xf32>,
        %mul3A_679 = arith.mulf %get3A_678, %gather3A_626 : vector<16xf32>
        %swap3A_680 = arith.index_cast %add3A_625 : i32 to index
        %swap3A_681 = arith.constant 112 : index
        %swap3A_682 = tpu.vector_load %arg13[%swap3A_680, %swap3A_681] {strides = array<i32>} : memref<64x128xf32, #tpu.memory_space<vmem>>, vector<16xf32>,
        tpu.vector_store %arg13[%swap3A_680, %swap3A_681], %mul3A_679 {strides = array<i32>} : memref<64x128xf32, #tpu.memory_space<vmem>>, vector<16xf32>,
        %add3A_683 = arith.addi %add3A_621, %broadcast_in_dim3A_257 : vector<16xi32>
        %mul3A_684 = arith.constant 8 : i32
        %mul3A_685 = arith.muli %scan3A_497, %mul3A_684 : i32
        %add3A_686 = arith.constant 3 : i32
        %add3A_687 = arith.addi %mul3A_685, %add3A_686 : i32
        %gather3A_688 = tpu.vector_load_idx %arg10[%broadcast_in_dim3A_457, %add3A_683] : memref<84x128xf32, #tpu.memory_space<vmem>>[vector<16xi32>, vector<16xi32>], vector<16xf32>,
        %get3A_689 = arith.index_cast %add3A_687 : i32 to index
        %get3A_690 = arith.constant 0 : index
        %get3A_691 = tpu.vector_load %arg13[%get3A_689, %get3A_690] {strides = array<i32>} : memref<64x128xf32, #tpu.memory_space<vmem>>, vector<16xf32>,
        %mul3A_692 = arith.mulf %get3A_691, %gather3A_688 : vector<16xf32>
        %swap3A_693 = arith.index_cast %add3A_687 : i32 to index
        %swap3A_694 = arith.constant 0 : index
        %swap3A_695 = tpu.vector_load %arg13[%swap3A_693, %swap3A_694] {strides = array<i32>} : memref<64x128xf32, #tpu.memory_space<vmem>>, vector<16xf32>,
        tpu.vector_store %arg13[%swap3A_693, %swap3A_694], %mul3A_692 {strides = array<i32>} : memref<64x128xf32, #tpu.memory_space<vmem>>, vector<16xf32>,
        %get3A_696 = arith.index_cast %add3A_687 : i32 to index
        %get3A_697 = arith.constant 16 : index
        %get3A_698 = tpu.vector_load %arg13[%get3A_696, %get3A_697] {strides = array<i32>} : memref<64x128xf32, #tpu.memory_space<vmem>>, vector<16xf32>,
        %mul3A_699 = arith.mulf %get3A_698, %gather3A_688 : vector<16xf32>
        %swap3A_700 = arith.index_cast %add3A_687 : i32 to index
        %swap3A_701 = arith.constant 16 : index
        %swap3A_702 = tpu.vector_load %arg13[%swap3A_700, %swap3A_701] {strides = array<i32>} : memref<64x128xf32, #tpu.memory_space<vmem>>, vector<16xf32>,
        tpu.vector_store %arg13[%swap3A_700, %swap3A_701], %mul3A_699 {strides = array<i32>} : memref<64x128xf32, #tpu.memory_space<vmem>>, vector<16xf32>,
        %get3A_703 = arith.index_cast %add3A_687 : i32 to index
        %get3A_704 = arith.constant 32 : index
        %get3A_705 = tpu.vector_load %arg13[%get3A_703, %get3A_704] {strides = array<i32>} : memref<64x128xf32, #tpu.memory_space<vmem>>, vector<16xf32>,
        %mul3A_706 = arith.mulf %get3A_705, %gather3A_688 : vector<16xf32>
        %swap3A_707 = arith.index_cast %add3A_687 : i32 to index
        %swap3A_708 = arith.constant 32 : index
        %swap3A_709 = tpu.vector_load %arg13[%swap3A_707, %swap3A_708] {strides = array<i32>} : memref<64x128xf32, #tpu.memory_space<vmem>>, vector<16xf32>,
        tpu.vector_store %arg13[%swap3A_707, %swap3A_708], %mul3A_706 {strides = array<i32>} : memref<64x128xf32, #tpu.memory_space<vmem>>, vector<16xf32>,
        %get3A_710 = arith.index_cast %add3A_687 : i32 to index
        %get3A_711 = arith.constant 48 : index
        %get3A_712 = tpu.vector_load %arg13[%get3A_710, %get3A_711] {strides = array<i32>} : memref<64x128xf32, #tpu.memory_space<vmem>>, vector<16xf32>,
        %mul3A_713 = arith.mulf %get3A_712, %gather3A_688 : vector<16xf32>
        %swap3A_714 = arith.index_cast %add3A_687 : i32 to index
        %swap3A_715 = arith.constant 48 : index
        %swap3A_716 = tpu.vector_load %arg13[%swap3A_714, %swap3A_715] {strides = array<i32>} : memref<64x128xf32, #tpu.memory_space<vmem>>, vector<16xf32>,
        tpu.vector_store %arg13[%swap3A_714, %swap3A_715], %mul3A_713 {strides = array<i32>} : memref<64x128xf32, #tpu.memory_space<vmem>>, vector<16xf32>,
        %get3A_717 = arith.index_cast %add3A_687 : i32 to index
        %get3A_718 = arith.constant 64 : index
        %get3A_719 = tpu.vector_load %arg13[%get3A_717, %get3A_718] {strides = array<i32>} : memref<64x128xf32, #tpu.memory_space<vmem>>, vector<16xf32>,
        %mul3A_720 = arith.mulf %get3A_719, %gather3A_688 : vector<16xf32>
        %swap3A_721 = arith.index_cast %add3A_687 : i32 to index
        %swap3A_722 = arith.constant 64 : index
        %swap3A_723 = tpu.vector_load %arg13[%swap3A_721, %swap3A_722] {strides = array<i32>} : memref<64x128xf32, #tpu.memory_space<vmem>>, vector<16xf32>,
        tpu.vector_store %arg13[%swap3A_721, %swap3A_722], %mul3A_720 {strides = array<i32>} : memref<64x128xf32, #tpu.memory_space<vmem>>, vector<16xf32>,
        %get3A_724 = arith.index_cast %add3A_687 : i32 to index
        %get3A_725 = arith.constant 80 : index
        %get3A_726 = tpu.vector_load %arg13[%get3A_724, %get3A_725] {strides = array<i32>} : memref<64x128xf32, #tpu.memory_space<vmem>>, vector<16xf32>,
        %mul3A_727 = arith.mulf %get3A_726, %gather3A_688 : vector<16xf32>
        %swap3A_728 = arith.index_cast %add3A_687 : i32 to index
        %swap3A_729 = arith.constant 80 : index
        %swap3A_730 = tpu.vector_load %arg13[%swap3A_728, %swap3A_729] {strides = array<i32>} : memref<64x128xf32, #tpu.memory_space<vmem>>, vector<16xf32>,
        tpu.vector_store %arg13[%swap3A_728, %swap3A_729], %mul3A_727 {strides = array<i32>} : memref<64x128xf32, #tpu.memory_space<vmem>>, vector<16xf32>,
        %get3A_731 = arith.index_cast %add3A_687 : i32 to index
        %get3A_732 = arith.constant 96 : index
        %get3A_733 = tpu.vector_load %arg13[%get3A_731, %get3A_732] {strides = array<i32>} : memref<64x128xf32, #tpu.memory_space<vmem>>, vector<16xf32>,
        %mul3A_734 = arith.mulf %get3A_733, %gather3A_688 : vector<16xf32>
        %swap3A_735 = arith.index_cast %add3A_687 : i32 to index
        %swap3A_736 = arith.constant 96 : index
        %swap3A_737 = tpu.vector_load %arg13[%swap3A_735, %swap3A_736] {strides = array<i32>} : memref<64x128xf32, #tpu.memory_space<vmem>>, vector<16xf32>,
        tpu.vector_store %arg13[%swap3A_735, %swap3A_736], %mul3A_734 {strides = array<i32>} : memref<64x128xf32, #tpu.memory_space<vmem>>, vector<16xf32>,
        %get3A_738 = arith.index_cast %add3A_687 : i32 to index
        %get3A_739 = arith.constant 112 : index
        %get3A_740 = tpu.vector_load %arg13[%get3A_738, %get3A_739] {strides = array<i32>} : memref<64x128xf32, #tpu.memory_space<vmem>>, vector<16xf32>,
        %mul3A_741 = arith.mulf %get3A_740, %gather3A_688 : vector<16xf32>
        %swap3A_742 = arith.index_cast %add3A_687 : i32 to index
        %swap3A_743 = arith.constant 112 : index
        %swap3A_744 = tpu.vector_load %arg13[%swap3A_742, %swap3A_743] {strides = array<i32>} : memref<64x128xf32, #tpu.memory_space<vmem>>, vector<16xf32>,
        tpu.vector_store %arg13[%swap3A_742, %swap3A_743], %mul3A_741 {strides = array<i32>} : memref<64x128xf32, #tpu.memory_space<vmem>>, vector<16xf32>,
        %add3A_745 = arith.addi %add3A_683, %broadcast_in_dim3A_257 : vector<16xi32>
        %mul3A_746 = arith.constant 8 : i32
        %mul3A_747 = arith.muli %scan3A_497, %mul3A_746 : i32
        %add3A_748 = arith.constant 4 : i32
        %add3A_749 = arith.addi %mul3A_747, %add3A_748 : i32
        %gather3A_750 = tpu.vector_load_idx %arg10[%broadcast_in_dim3A_457, %add3A_745] : memref<84x128xf32, #tpu.memory_space<vmem>>[vector<16xi32>, vector<16xi32>], vector<16xf32>,
        %get3A_751 = arith.index_cast %add3A_749 : i32 to index
        %get3A_752 = arith.constant 0 : index
        %get3A_753 = tpu.vector_load %arg13[%get3A_751, %get3A_752] {strides = array<i32>} : memref<64x128xf32, #tpu.memory_space<vmem>>, vector<16xf32>,
        %mul3A_754 = arith.mulf %get3A_753, %gather3A_750 : vector<16xf32>
        %swap3A_755 = arith.index_cast %add3A_749 : i32 to index
        %swap3A_756 = arith.constant 0 : index
        %swap3A_757 = tpu.vector_load %arg13[%swap3A_755, %swap3A_756] {strides = array<i32>} : memref<64x128xf32, #tpu.memory_space<vmem>>, vector<16xf32>,
        tpu.vector_store %arg13[%swap3A_755, %swap3A_756], %mul3A_754 {strides = array<i32>} : memref<64x128xf32, #tpu.memory_space<vmem>>, vector<16xf32>,
        %get3A_758 = arith.index_cast %add3A_749 : i32 to index
        %get3A_759 = arith.constant 16 : index
        %get3A_760 = tpu.vector_load %arg13[%get3A_758, %get3A_759] {strides = array<i32>} : memref<64x128xf32, #tpu.memory_space<vmem>>, vector<16xf32>,
        %mul3A_761 = arith.mulf %get3A_760, %gather3A_750 : vector<16xf32>
        %swap3A_762 = arith.index_cast %add3A_749 : i32 to index
        %swap3A_763 = arith.constant 16 : index
        %swap3A_764 = tpu.vector_load %arg13[%swap3A_762, %swap3A_763] {strides = array<i32>} : memref<64x128xf32, #tpu.memory_space<vmem>>, vector<16xf32>,
        tpu.vector_store %arg13[%swap3A_762, %swap3A_763], %mul3A_761 {strides = array<i32>} : memref<64x128xf32, #tpu.memory_space<vmem>>, vector<16xf32>,
        %get3A_765 = arith.index_cast %add3A_749 : i32 to index
        %get3A_766 = arith.constant 32 : index
        %get3A_767 = tpu.vector_load %arg13[%get3A_765, %get3A_766] {strides = array<i32>} : memref<64x128xf32, #tpu.memory_space<vmem>>, vector<16xf32>,
        %mul3A_768 = arith.mulf %get3A_767, %gather3A_750 : vector<16xf32>
        %swap3A_769 = arith.index_cast %add3A_749 : i32 to index
        %swap3A_770 = arith.constant 32 : index
        %swap3A_771 = tpu.vector_load %arg13[%swap3A_769, %swap3A_770] {strides = array<i32>} : memref<64x128xf32, #tpu.memory_space<vmem>>, vector<16xf32>,
        tpu.vector_store %arg13[%swap3A_769, %swap3A_770], %mul3A_768 {strides = array<i32>} : memref<64x128xf32, #tpu.memory_space<vmem>>, vector<16xf32>,
        %get3A_772 = arith.index_cast %add3A_749 : i32 to index
        %get3A_773 = arith.constant 48 : index
        %get3A_774 = tpu.vector_load %arg13[%get3A_772, %get3A_773] {strides = array<i32>} : memref<64x128xf32, #tpu.memory_space<vmem>>, vector<16xf32>,
        %mul3A_775 = arith.mulf %get3A_774, %gather3A_750 : vector<16xf32>
        %swap3A_776 = arith.index_cast %add3A_749 : i32 to index
        %swap3A_777 = arith.constant 48 : index
        %swap3A_778 = tpu.vector_load %arg13[%swap3A_776, %swap3A_777] {strides = array<i32>} : memref<64x128xf32, #tpu.memory_space<vmem>>, vector<16xf32>,
        tpu.vector_store %arg13[%swap3A_776, %swap3A_777], %mul3A_775 {strides = array<i32>} : memref<64x128xf32, #tpu.memory_space<vmem>>, vector<16xf32>,
        %get3A_779 = arith.index_cast %add3A_749 : i32 to index
        %get3A_780 = arith.constant 64 : index
        %get3A_781 = tpu.vector_load %arg13[%get3A_779, %get3A_780] {strides = array<i32>} : memref<64x128xf32, #tpu.memory_space<vmem>>, vector<16xf32>,
        %mul3A_782 = arith.mulf %get3A_781, %gather3A_750 : vector<16xf32>
        %swap3A_783 = arith.index_cast %add3A_749 : i32 to index
        %swap3A_784 = arith.constant 64 : index
        %swap3A_785 = tpu.vector_load %arg13[%swap3A_783, %swap3A_784] {strides = array<i32>} : memref<64x128xf32, #tpu.memory_space<vmem>>, vector<16xf32>,
        tpu.vector_store %arg13[%swap3A_783, %swap3A_784], %mul3A_782 {strides = array<i32>} : memref<64x128xf32, #tpu.memory_space<vmem>>, vector<16xf32>,
        %get3A_786 = arith.index_cast %add3A_749 : i32 to index
        %get3A_787 = arith.constant 80 : index
        %get3A_788 = tpu.vector_load %arg13[%get3A_786, %get3A_787] {strides = array<i32>} : memref<64x128xf32, #tpu.memory_space<vmem>>, vector<16xf32>,
        %mul3A_789 = arith.mulf %get3A_788, %gather3A_750 : vector<16xf32>
        %swap3A_790 = arith.index_cast %add3A_749 : i32 to index
        %swap3A_791 = arith.constant 80 : index
        %swap3A_792 = tpu.vector_load %arg13[%swap3A_790, %swap3A_791] {strides = array<i32>} : memref<64x128xf32, #tpu.memory_space<vmem>>, vector<16xf32>,
        tpu.vector_store %arg13[%swap3A_790, %swap3A_791], %mul3A_789 {strides = array<i32>} : memref<64x128xf32, #tpu.memory_space<vmem>>, vector<16xf32>,
        %get3A_793 = arith.index_cast %add3A_749 : i32 to index
        %get3A_794 = arith.constant 96 : index
        %get3A_795 = tpu.vector_load %arg13[%get3A_793, %get3A_794] {strides = array<i32>} : memref<64x128xf32, #tpu.memory_space<vmem>>, vector<16xf32>,
        %mul3A_796 = arith.mulf %get3A_795, %gather3A_750 : vector<16xf32>
        %swap3A_797 = arith.index_cast %add3A_749 : i32 to index
        %swap3A_798 = arith.constant 96 : index
        %swap3A_799 = tpu.vector_load %arg13[%swap3A_797, %swap3A_798] {strides = array<i32>} : memref<64x128xf32, #tpu.memory_space<vmem>>, vector<16xf32>,
        tpu.vector_store %arg13[%swap3A_797, %swap3A_798], %mul3A_796 {strides = array<i32>} : memref<64x128xf32, #tpu.memory_space<vmem>>, vector<16xf32>,
        %get3A_800 = arith.index_cast %add3A_749 : i32 to index
        %get3A_801 = arith.constant 112 : index
        %get3A_802 = tpu.vector_load %arg13[%get3A_800, %get3A_801] {strides = array<i32>} : memref<64x128xf32, #tpu.memory_space<vmem>>, vector<16xf32>,
        %mul3A_803 = arith.mulf %get3A_802, %gather3A_750 : vector<16xf32>
        %swap3A_804 = arith.index_cast %add3A_749 : i32 to index
        %swap3A_805 = arith.constant 112 : index
        %swap3A_806 = tpu.vector_load %arg13[%swap3A_804, %swap3A_805] {strides = array<i32>} : memref<64x128xf32, #tpu.memory_space<vmem>>, vector<16xf32>,
        tpu.vector_store %arg13[%swap3A_804, %swap3A_805], %mul3A_803 {strides = array<i32>} : memref<64x128xf32, #tpu.memory_space<vmem>>, vector<16xf32>,
        %add3A_807 = arith.addi %add3A_745, %broadcast_in_dim3A_257 : vector<16xi32>
        %mul3A_808 = arith.constant 8 : i32
        %mul3A_809 = arith.muli %scan3A_497, %mul3A_808 : i32
        %add3A_810 = arith.constant 5 : i32
        %add3A_811 = arith.addi %mul3A_809, %add3A_810 : i32
        %gather3A_812 = tpu.vector_load_idx %arg10[%broadcast_in_dim3A_457, %add3A_807] : memref<84x128xf32, #tpu.memory_space<vmem>>[vector<16xi32>, vector<16xi32>], vector<16xf32>,
        %get3A_813 = arith.index_cast %add3A_811 : i32 to index
        %get3A_814 = arith.constant 0 : index
        %get3A_815 = tpu.vector_load %arg13[%get3A_813, %get3A_814] {strides = array<i32>} : memref<64x128xf32, #tpu.memory_space<vmem>>, vector<16xf32>,
        %mul3A_816 = arith.mulf %get3A_815, %gather3A_812 : vector<16xf32>
        %swap3A_817 = arith.index_cast %add3A_811 : i32 to index
        %swap3A_818 = arith.constant 0 : index
        %swap3A_819 = tpu.vector_load %arg13[%swap3A_817, %swap3A_818] {strides = array<i32>} : memref<64x128xf32, #tpu.memory_space<vmem>>, vector<16xf32>,
        tpu.vector_store %arg13[%swap3A_817, %swap3A_818], %mul3A_816 {strides = array<i32>} : memref<64x128xf32, #tpu.memory_space<vmem>>, vector<16xf32>,
        %get3A_820 = arith.index_cast %add3A_811 : i32 to index
        %get3A_821 = arith.constant 16 : index
        %get3A_822 = tpu.vector_load %arg13[%get3A_820, %get3A_821] {strides = array<i32>} : memref<64x128xf32, #tpu.memory_space<vmem>>, vector<16xf32>,
        %mul3A_823 = arith.mulf %get3A_822, %gather3A_812 : vector<16xf32>
        %swap3A_824 = arith.index_cast %add3A_811 : i32 to index
        %swap3A_825 = arith.constant 16 : index
        %swap3A_826 = tpu.vector_load %arg13[%swap3A_824, %swap3A_825] {strides = array<i32>} : memref<64x128xf32, #tpu.memory_space<vmem>>, vector<16xf32>,
        tpu.vector_store %arg13[%swap3A_824, %swap3A_825], %mul3A_823 {strides = array<i32>} : memref<64x128xf32, #tpu.memory_space<vmem>>, vector<16xf32>,
        %get3A_827 = arith.index_cast %add3A_811 : i32 to index
        %get3A_828 = arith.constant 32 : index
        %get3A_829 = tpu.vector_load %arg13[%get3A_827, %get3A_828] {strides = array<i32>} : memref<64x128xf32, #tpu.memory_space<vmem>>, vector<16xf32>,
        %mul3A_830 = arith.mulf %get3A_829, %gather3A_812 : vector<16xf32>
        %swap3A_831 = arith.index_cast %add3A_811 : i32 to index
        %swap3A_832 = arith.constant 32 : index
        %swap3A_833 = tpu.vector_load %arg13[%swap3A_831, %swap3A_832] {strides = array<i32>} : memref<64x128xf32, #tpu.memory_space<vmem>>, vector<16xf32>,
        tpu.vector_store %arg13[%swap3A_831, %swap3A_832], %mul3A_830 {strides = array<i32>} : memref<64x128xf32, #tpu.memory_space<vmem>>, vector<16xf32>,
        %get3A_834 = arith.index_cast %add3A_811 : i32 to index
        %get3A_835 = arith.constant 48 : index
        %get3A_836 = tpu.vector_load %arg13[%get3A_834, %get3A_835] {strides = array<i32>} : memref<64x128xf32, #tpu.memory_space<vmem>>, vector<16xf32>,
        %mul3A_837 = arith.mulf %get3A_836, %gather3A_812 : vector<16xf32>
        %swap3A_838 = arith.index_cast %add3A_811 : i32 to index
        %swap3A_839 = arith.constant 48 : index
        %swap3A_840 = tpu.vector_load %arg13[%swap3A_838, %swap3A_839] {strides = array<i32>} : memref<64x128xf32, #tpu.memory_space<vmem>>, vector<16xf32>,
        tpu.vector_store %arg13[%swap3A_838, %swap3A_839], %mul3A_837 {strides = array<i32>} : memref<64x128xf32, #tpu.memory_space<vmem>>, vector<16xf32>,
        %get3A_841 = arith.index_cast %add3A_811 : i32 to index
        %get3A_842 = arith.constant 64 : index
        %get3A_843 = tpu.vector_load %arg13[%get3A_841, %get3A_842] {strides = array<i32>} : memref<64x128xf32, #tpu.memory_space<vmem>>, vector<16xf32>,
        %mul3A_844 = arith.mulf %get3A_843, %gather3A_812 : vector<16xf32>
        %swap3A_845 = arith.index_cast %add3A_811 : i32 to index
        %swap3A_846 = arith.constant 64 : index
        %swap3A_847 = tpu.vector_load %arg13[%swap3A_845, %swap3A_846] {strides = array<i32>} : memref<64x128xf32, #tpu.memory_space<vmem>>, vector<16xf32>,
        tpu.vector_store %arg13[%swap3A_845, %swap3A_846], %mul3A_844 {strides = array<i32>} : memref<64x128xf32, #tpu.memory_space<vmem>>, vector<16xf32>,
        %get3A_848 = arith.index_cast %add3A_811 : i32 to index
        %get3A_849 = arith.constant 80 : index
        %get3A_850 = tpu.vector_load %arg13[%get3A_848, %get3A_849] {strides = array<i32>} : memref<64x128xf32, #tpu.memory_space<vmem>>, vector<16xf32>,
        %mul3A_851 = arith.mulf %get3A_850, %gather3A_812 : vector<16xf32>
        %swap3A_852 = arith.index_cast %add3A_811 : i32 to index
        %swap3A_853 = arith.constant 80 : index
        %swap3A_854 = tpu.vector_load %arg13[%swap3A_852, %swap3A_853] {strides = array<i32>} : memref<64x128xf32, #tpu.memory_space<vmem>>, vector<16xf32>,
        tpu.vector_store %arg13[%swap3A_852, %swap3A_853], %mul3A_851 {strides = array<i32>} : memref<64x128xf32, #tpu.memory_space<vmem>>, vector<16xf32>,
        %get3A_855 = arith.index_cast %add3A_811 : i32 to index
        %get3A_856 = arith.constant 96 : index
        %get3A_857 = tpu.vector_load %arg13[%get3A_855, %get3A_856] {strides = array<i32>} : memref<64x128xf32, #tpu.memory_space<vmem>>, vector<16xf32>,
        %mul3A_858 = arith.mulf %get3A_857, %gather3A_812 : vector<16xf32>
        %swap3A_859 = arith.index_cast %add3A_811 : i32 to index
        %swap3A_860 = arith.constant 96 : index
        %swap3A_861 = tpu.vector_load %arg13[%swap3A_859, %swap3A_860] {strides = array<i32>} : memref<64x128xf32, #tpu.memory_space<vmem>>, vector<16xf32>,
        tpu.vector_store %arg13[%swap3A_859, %swap3A_860], %mul3A_858 {strides = array<i32>} : memref<64x128xf32, #tpu.memory_space<vmem>>, vector<16xf32>,
        %get3A_862 = arith.index_cast %add3A_811 : i32 to index
        %get3A_863 = arith.constant 112 : index
        %get3A_864 = tpu.vector_load %arg13[%get3A_862, %get3A_863] {strides = array<i32>} : memref<64x128xf32, #tpu.memory_space<vmem>>, vector<16xf32>,
        %mul3A_865 = arith.mulf %get3A_864, %gather3A_812 : vector<16xf32>
        %swap3A_866 = arith.index_cast %add3A_811 : i32 to index
        %swap3A_867 = arith.constant 112 : index
        %swap3A_868 = tpu.vector_load %arg13[%swap3A_866, %swap3A_867] {strides = array<i32>} : memref<64x128xf32, #tpu.memory_space<vmem>>, vector<16xf32>,
        tpu.vector_store %arg13[%swap3A_866, %swap3A_867], %mul3A_865 {strides = array<i32>} : memref<64x128xf32, #tpu.memory_space<vmem>>, vector<16xf32>,
        %add3A_869 = arith.addi %add3A_807, %broadcast_in_dim3A_257 : vector<16xi32>
        %mul3A_870 = arith.constant 8 : i32
        %mul3A_871 = arith.muli %scan3A_497, %mul3A_870 : i32
        %add3A_872 = arith.constant 6 : i32
        %add3A_873 = arith.addi %mul3A_871, %add3A_872 : i32
        %gather3A_874 = tpu.vector_load_idx %arg10[%broadcast_in_dim3A_457, %add3A_869] : memref<84x128xf32, #tpu.memory_space<vmem>>[vector<16xi32>, vector<16xi32>], vector<16xf32>,
        %get3A_875 = arith.index_cast %add3A_873 : i32 to index
        %get3A_876 = arith.constant 0 : index
        %get3A_877 = tpu.vector_load %arg13[%get3A_875, %get3A_876] {strides = array<i32>} : memref<64x128xf32, #tpu.memory_space<vmem>>, vector<16xf32>,
        %mul3A_878 = arith.mulf %get3A_877, %gather3A_874 : vector<16xf32>
        %swap3A_879 = arith.index_cast %add3A_873 : i32 to index
        %swap3A_880 = arith.constant 0 : index
        %swap3A_881 = tpu.vector_load %arg13[%swap3A_879, %swap3A_880] {strides = array<i32>} : memref<64x128xf32, #tpu.memory_space<vmem>>, vector<16xf32>,
        tpu.vector_store %arg13[%swap3A_879, %swap3A_880], %mul3A_878 {strides = array<i32>} : memref<64x128xf32, #tpu.memory_space<vmem>>, vector<16xf32>,
        %get3A_882 = arith.index_cast %add3A_873 : i32 to index
        %get3A_883 = arith.constant 16 : index
        %get3A_884 = tpu.vector_load %arg13[%get3A_882, %get3A_883] {strides = array<i32>} : memref<64x128xf32, #tpu.memory_space<vmem>>, vector<16xf32>,
        %mul3A_885 = arith.mulf %get3A_884, %gather3A_874 : vector<16xf32>
        %swap3A_886 = arith.index_cast %add3A_873 : i32 to index
        %swap3A_887 = arith.constant 16 : index
        %swap3A_888 = tpu.vector_load %arg13[%swap3A_886, %swap3A_887] {strides = array<i32>} : memref<64x128xf32, #tpu.memory_space<vmem>>, vector<16xf32>,
        tpu.vector_store %arg13[%swap3A_886, %swap3A_887], %mul3A_885 {strides = array<i32>} : memref<64x128xf32, #tpu.memory_space<vmem>>, vector<16xf32>,
        %get3A_889 = arith.index_cast %add3A_873 : i32 to index
        %get3A_890 = arith.constant 32 : index
        %get3A_891 = tpu.vector_load %arg13[%get3A_889, %get3A_890] {strides = array<i32>} : memref<64x128xf32, #tpu.memory_space<vmem>>, vector<16xf32>,
        %mul3A_892 = arith.mulf %get3A_891, %gather3A_874 : vector<16xf32>
        %swap3A_893 = arith.index_cast %add3A_873 : i32 to index
        %swap3A_894 = arith.constant 32 : index
        %swap3A_895 = tpu.vector_load %arg13[%swap3A_893, %swap3A_894] {strides = array<i32>} : memref<64x128xf32, #tpu.memory_space<vmem>>, vector<16xf32>,
        tpu.vector_store %arg13[%swap3A_893, %swap3A_894], %mul3A_892 {strides = array<i32>} : memref<64x128xf32, #tpu.memory_space<vmem>>, vector<16xf32>,
        %get3A_896 = arith.index_cast %add3A_873 : i32 to index
        %get3A_897 = arith.constant 48 : index
        %get3A_898 = tpu.vector_load %arg13[%get3A_896, %get3A_897] {strides = array<i32>} : memref<64x128xf32, #tpu.memory_space<vmem>>, vector<16xf32>,
        %mul3A_899 = arith.mulf %get3A_898, %gather3A_874 : vector<16xf32>
        %swap3A_900 = arith.index_cast %add3A_873 : i32 to index
        %swap3A_901 = arith.constant 48 : index
        %swap3A_902 = tpu.vector_load %arg13[%swap3A_900, %swap3A_901] {strides = array<i32>} : memref<64x128xf32, #tpu.memory_space<vmem>>, vector<16xf32>,
        tpu.vector_store %arg13[%swap3A_900, %swap3A_901], %mul3A_899 {strides = array<i32>} : memref<64x128xf32, #tpu.memory_space<vmem>>, vector<16xf32>,
        %get3A_903 = arith.index_cast %add3A_873 : i32 to index
        %get3A_904 = arith.constant 64 : index
        %get3A_905 = tpu.vector_load %arg13[%get3A_903, %get3A_904] {strides = array<i32>} : memref<64x128xf32, #tpu.memory_space<vmem>>, vector<16xf32>,
        %mul3A_906 = arith.mulf %get3A_905, %gather3A_874 : vector<16xf32>
        %swap3A_907 = arith.index_cast %add3A_873 : i32 to index
        %swap3A_908 = arith.constant 64 : index
        %swap3A_909 = tpu.vector_load %arg13[%swap3A_907, %swap3A_908] {strides = array<i32>} : memref<64x128xf32, #tpu.memory_space<vmem>>, vector<16xf32>,
        tpu.vector_store %arg13[%swap3A_907, %swap3A_908], %mul3A_906 {strides = array<i32>} : memref<64x128xf32, #tpu.memory_space<vmem>>, vector<16xf32>,
        %get3A_910 = arith.index_cast %add3A_873 : i32 to index
        %get3A_911 = arith.constant 80 : index
        %get3A_912 = tpu.vector_load %arg13[%get3A_910, %get3A_911] {strides = array<i32>} : memref<64x128xf32, #tpu.memory_space<vmem>>, vector<16xf32>,
        %mul3A_913 = arith.mulf %get3A_912, %gather3A_874 : vector<16xf32>
        %swap3A_914 = arith.index_cast %add3A_873 : i32 to index
        %swap3A_915 = arith.constant 80 : index
        %swap3A_916 = tpu.vector_load %arg13[%swap3A_914, %swap3A_915] {strides = array<i32>} : memref<64x128xf32, #tpu.memory_space<vmem>>, vector<16xf32>,
        tpu.vector_store %arg13[%swap3A_914, %swap3A_915], %mul3A_913 {strides = array<i32>} : memref<64x128xf32, #tpu.memory_space<vmem>>, vector<16xf32>,
        %get3A_917 = arith.index_cast %add3A_873 : i32 to index
        %get3A_918 = arith.constant 96 : index
        %get3A_919 = tpu.vector_load %arg13[%get3A_917, %get3A_918] {strides = array<i32>} : memref<64x128xf32, #tpu.memory_space<vmem>>, vector<16xf32>,
        %mul3A_920 = arith.mulf %get3A_919, %gather3A_874 : vector<16xf32>
        %swap3A_921 = arith.index_cast %add3A_873 : i32 to index
        %swap3A_922 = arith.constant 96 : index
        %swap3A_923 = tpu.vector_load %arg13[%swap3A_921, %swap3A_922] {strides = array<i32>} : memref<64x128xf32, #tpu.memory_space<vmem>>, vector<16xf32>,
        tpu.vector_store %arg13[%swap3A_921, %swap3A_922], %mul3A_920 {strides = array<i32>} : memref<64x128xf32, #tpu.memory_space<vmem>>, vector<16xf32>,
        %get3A_924 = arith.index_cast %add3A_873 : i32 to index
        %get3A_925 = arith.constant 112 : index
        %get3A_926 = tpu.vector_load %arg13[%get3A_924, %get3A_925] {strides = array<i32>} : memref<64x128xf32, #tpu.memory_space<vmem>>, vector<16xf32>,
        %mul3A_927 = arith.mulf %get3A_926, %gather3A_874 : vector<16xf32>
        %swap3A_928 = arith.index_cast %add3A_873 : i32 to index
        %swap3A_929 = arith.constant 112 : index
        %swap3A_930 = tpu.vector_load %arg13[%swap3A_928, %swap3A_929] {strides = array<i32>} : memref<64x128xf32, #tpu.memory_space<vmem>>, vector<16xf32>,
        tpu.vector_store %arg13[%swap3A_928, %swap3A_929], %mul3A_927 {strides = array<i32>} : memref<64x128xf32, #tpu.memory_space<vmem>>, vector<16xf32>,
        %add3A_931 = arith.addi %add3A_869, %broadcast_in_dim3A_257 : vector<16xi32>
        %mul3A_932 = arith.constant 8 : i32
        %mul3A_933 = arith.muli %scan3A_497, %mul3A_932 : i32
        %add3A_934 = arith.constant 7 : i32
        %add3A_935 = arith.addi %mul3A_933, %add3A_934 : i32
        %gather3A_936 = tpu.vector_load_idx %arg10[%broadcast_in_dim3A_457, %add3A_931] : memref<84x128xf32, #tpu.memory_space<vmem>>[vector<16xi32>, vector<16xi32>], vector<16xf32>,
        %get3A_937 = arith.index_cast %add3A_935 : i32 to index
        %get3A_938 = arith.constant 0 : index
        %get3A_939 = tpu.vector_load %arg13[%get3A_937, %get3A_938] {strides = array<i32>} : memref<64x128xf32, #tpu.memory_space<vmem>>, vector<16xf32>,
        %mul3A_940 = arith.mulf %get3A_939, %gather3A_936 : vector<16xf32>
        %swap3A_941 = arith.index_cast %add3A_935 : i32 to index
        %swap3A_942 = arith.constant 0 : index
        %swap3A_943 = tpu.vector_load %arg13[%swap3A_941, %swap3A_942] {strides = array<i32>} : memref<64x128xf32, #tpu.memory_space<vmem>>, vector<16xf32>,
        tpu.vector_store %arg13[%swap3A_941, %swap3A_942], %mul3A_940 {strides = array<i32>} : memref<64x128xf32, #tpu.memory_space<vmem>>, vector<16xf32>,
        %get3A_944 = arith.index_cast %add3A_935 : i32 to index
        %get3A_945 = arith.constant 16 : index
        %get3A_946 = tpu.vector_load %arg13[%get3A_944, %get3A_945] {strides = array<i32>} : memref<64x128xf32, #tpu.memory_space<vmem>>, vector<16xf32>,
        %mul3A_947 = arith.mulf %get3A_946, %gather3A_936 : vector<16xf32>
        %swap3A_948 = arith.index_cast %add3A_935 : i32 to index
        %swap3A_949 = arith.constant 16 : index
        %swap3A_950 = tpu.vector_load %arg13[%swap3A_948, %swap3A_949] {strides = array<i32>} : memref<64x128xf32, #tpu.memory_space<vmem>>, vector<16xf32>,
        tpu.vector_store %arg13[%swap3A_948, %swap3A_949], %mul3A_947 {strides = array<i32>} : memref<64x128xf32, #tpu.memory_space<vmem>>, vector<16xf32>,
        %get3A_951 = arith.index_cast %add3A_935 : i32 to index
        %get3A_952 = arith.constant 32 : index
        %get3A_953 = tpu.vector_load %arg13[%get3A_951, %get3A_952] {strides = array<i32>} : memref<64x128xf32, #tpu.memory_space<vmem>>, vector<16xf32>,
        %mul3A_954 = arith.mulf %get3A_953, %gather3A_936 : vector<16xf32>
        %swap3A_955 = arith.index_cast %add3A_935 : i32 to index
        %swap3A_956 = arith.constant 32 : index
        %swap3A_957 = tpu.vector_load %arg13[%swap3A_955, %swap3A_956] {strides = array<i32>} : memref<64x128xf32, #tpu.memory_space<vmem>>, vector<16xf32>,
        tpu.vector_store %arg13[%swap3A_955, %swap3A_956], %mul3A_954 {strides = array<i32>} : memref<64x128xf32, #tpu.memory_space<vmem>>, vector<16xf32>,
        %get3A_958 = arith.index_cast %add3A_935 : i32 to index
        %get3A_959 = arith.constant 48 : index
        %get3A_960 = tpu.vector_load %arg13[%get3A_958, %get3A_959] {strides = array<i32>} : memref<64x128xf32, #tpu.memory_space<vmem>>, vector<16xf32>,
        %mul3A_961 = arith.mulf %get3A_960, %gather3A_936 : vector<16xf32>
        %swap3A_962 = arith.index_cast %add3A_935 : i32 to index
        %swap3A_963 = arith.constant 48 : index
        %swap3A_964 = tpu.vector_load %arg13[%swap3A_962, %swap3A_963] {strides = array<i32>} : memref<64x128xf32, #tpu.memory_space<vmem>>, vector<16xf32>,
        tpu.vector_store %arg13[%swap3A_962, %swap3A_963], %mul3A_961 {strides = array<i32>} : memref<64x128xf32, #tpu.memory_space<vmem>>, vector<16xf32>,
        %get3A_965 = arith.index_cast %add3A_935 : i32 to index
        %get3A_966 = arith.constant 64 : index
        %get3A_967 = tpu.vector_load %arg13[%get3A_965, %get3A_966] {strides = array<i32>} : memref<64x128xf32, #tpu.memory_space<vmem>>, vector<16xf32>,
        %mul3A_968 = arith.mulf %get3A_967, %gather3A_936 : vector<16xf32>
        %swap3A_969 = arith.index_cast %add3A_935 : i32 to index
        %swap3A_970 = arith.constant 64 : index
        %swap3A_971 = tpu.vector_load %arg13[%swap3A_969, %swap3A_970] {strides = array<i32>} : memref<64x128xf32, #tpu.memory_space<vmem>>, vector<16xf32>,
        tpu.vector_store %arg13[%swap3A_969, %swap3A_970], %mul3A_968 {strides = array<i32>} : memref<64x128xf32, #tpu.memory_space<vmem>>, vector<16xf32>,
        %get3A_972 = arith.index_cast %add3A_935 : i32 to index
        %get3A_973 = arith.constant 80 : index
        %get3A_974 = tpu.vector_load %arg13[%get3A_972, %get3A_973] {strides = array<i32>} : memref<64x128xf32, #tpu.memory_space<vmem>>, vector<16xf32>,
        %mul3A_975 = arith.mulf %get3A_974, %gather3A_936 : vector<16xf32>
        %swap3A_976 = arith.index_cast %add3A_935 : i32 to index
        %swap3A_977 = arith.constant 80 : index
        %swap3A_978 = tpu.vector_load %arg13[%swap3A_976, %swap3A_977] {strides = array<i32>} : memref<64x128xf32, #tpu.memory_space<vmem>>, vector<16xf32>,
        tpu.vector_store %arg13[%swap3A_976, %swap3A_977], %mul3A_975 {strides = array<i32>} : memref<64x128xf32, #tpu.memory_space<vmem>>, vector<16xf32>,
        %get3A_979 = arith.index_cast %add3A_935 : i32 to index
        %get3A_980 = arith.constant 96 : index
        %get3A_981 = tpu.vector_load %arg13[%get3A_979, %get3A_980] {strides = array<i32>} : memref<64x128xf32, #tpu.memory_space<vmem>>, vector<16xf32>,
        %mul3A_982 = arith.mulf %get3A_981, %gather3A_936 : vector<16xf32>
        %swap3A_983 = arith.index_cast %add3A_935 : i32 to index
        %swap3A_984 = arith.constant 96 : index
        %swap3A_985 = tpu.vector_load %arg13[%swap3A_983, %swap3A_984] {strides = array<i32>} : memref<64x128xf32, #tpu.memory_space<vmem>>, vector<16xf32>,
        tpu.vector_store %arg13[%swap3A_983, %swap3A_984], %mul3A_982 {strides = array<i32>} : memref<64x128xf32, #tpu.memory_space<vmem>>, vector<16xf32>,
        %get3A_986 = arith.index_cast %add3A_935 : i32 to index
        %get3A_987 = arith.constant 112 : index
        %get3A_988 = tpu.vector_load %arg13[%get3A_986, %get3A_987] {strides = array<i32>} : memref<64x128xf32, #tpu.memory_space<vmem>>, vector<16xf32>,
        %mul3A_989 = arith.mulf %get3A_988, %gather3A_936 : vector<16xf32>
        %swap3A_990 = arith.index_cast %add3A_935 : i32 to index
        %swap3A_991 = arith.constant 112 : index
        %swap3A_992 = tpu.vector_load %arg13[%swap3A_990, %swap3A_991] {strides = array<i32>} : memref<64x128xf32, #tpu.memory_space<vmem>>, vector<16xf32>,
        tpu.vector_store %arg13[%swap3A_990, %swap3A_991], %mul3A_989 {strides = array<i32>} : memref<64x128xf32, #tpu.memory_space<vmem>>, vector<16xf32>,
        %add3A_993 = arith.addi %add3A_931, %broadcast_in_dim3A_257 : vector<16xi32>
        scf.yield %add3A_993 : vector<16xi32>
      }
      %scan3A_482 = arith.constant 8 : i32
      %dma_start3A_483 = arith.constant 2 : i32
      %dma_start3A_484 = arith.constant 0 : i32
      %dma_start3A_485 = tpu.memref_slice %arg15[%dma_start3A_483, %dma_start3A_484] : memref<3x64xi32, #tpu.memory_space<vmem>> -> memref<1x64xi32, #tpu.memory_space<vmem>>
      %dma_start3A_486 = tpu.memref_squeeze %dma_start3A_485 : memref<1x64xi32, #tpu.memory_space<vmem>> -> memref<64xi32, #tpu.memory_space<vmem>>
      %dma_start3A_487 = arith.constant 0 : i32
      %dma_start3A_488 = arith.constant 0 : i32
      %dma_start3A_489 = tpu.memref_slice %arg18[%dma_start3A_487, %dma_start3A_488] : memref<10000x128xf32, #tpu.memory_space<vmem_shared>> -> memref<10000x128xf32, #tpu.memory_space<vmem_shared>>
      tpu.enqueue_indirect_dma source(%arg13 : memref<64x128xf32, #tpu.memory_space<vmem>>) target(%dma_start3A_489 : memref<10000x128xf32, #tpu.memory_space<vmem_shared>>) offsets(%dma_start3A_486 : memref<64xi32, #tpu.memory_space<vmem>>) semaphore(%arg24 : memref<!tpu.dma_semaphore, #tpu.memory_space<semaphore_mem>>) {add = true}
      %add3A_490 = arith.constant 1 : i32
      %add3A_491 = arith.addi %scan3A_297, %add3A_490 : i32
      %lt3A_492 = arith.constant 56 : i32
      %lt3A_493 = arith.cmpi slt, %add3A_491, %lt3A_492 : i32
      %convert_element_type3A_494 = arith.extui %lt3A_493 : i1 to i32
      %cond3A_495 = arith.constant 0 : i32
      %cond3A_496 = arith.cmpi ne, %convert_element_type3A_494, %cond3A_495 : i32
      scf.if %cond3A_496 {
        %dma_wait3A_497 = arith.constant 0 : i32
        %dma_wait3A_498 = arith.constant 0 : i32
        %dma_wait3A_499 = tpu.memref_slice %arg15[%dma_wait3A_497, %dma_wait3A_498] : memref<3x64xi32, #tpu.memory_space<vmem>> -> memref<1x64xi32, #tpu.memory_space<vmem>>
        %dma_wait3A_500 = tpu.memref_squeeze %dma_wait3A_499 : memref<1x64xi32, #tpu.memory_space<vmem>> -> memref<64xi32, #tpu.memory_space<vmem>>
        %dma_wait3A_501 = arith.constant 0 : i32
        %dma_wait3A_502 = arith.constant 0 : i32
        %dma_wait3A_503 = tpu.memref_slice %arg18[%dma_wait3A_501, %dma_wait3A_502] : memref<10000x128xf32, #tpu.memory_space<vmem_shared>> -> memref<10000x128xf32, #tpu.memory_space<vmem_shared>>
        tpu.wait_indirect_dma semaphore(%arg22 : memref<!tpu.dma_semaphore, #tpu.memory_space<semaphore_mem>>) src(%arg11 : memref<64x128xf32, #tpu.memory_space<vmem>>) dst(%dma_wait3A_503 : memref<10000x128xf32, #tpu.memory_space<vmem_shared>>)
        %add3A_504 = arith.constant 3 : i32
        %add3A_505 = arith.addi %mul3A_299, %add3A_504 : i32
        %add3A_506 = arith.constant 0 : i32
        %add3A_507 = arith.addi %add3A_505, %add3A_506 : i32
        %jit3A_508 = arith.constant 2 : i32
        %div3A_509 = arith.divsi %add3A_507, %jit3A_508 : i32
        %sign3A_510 = arith.constant 0 : i32
        %sign3A_511 = arith.cmpi sgt, %add3A_507, %sign3A_510 : i32
        %sign3A_512 = arith.extui %sign3A_511 : i1 to i32
        %sign3A_513 = arith.constant 0 : i32
        %sign3A_514 = arith.cmpi slt, %add3A_507, %sign3A_513 : i32
        %sign3A_515 = arith.extui %sign3A_514 : i1 to i32
        %sign3A_516 = arith.subi %sign3A_512, %sign3A_515 : i32
        %sign3A_517 = arith.constant 0 : i32
        %sign3A_518 = arith.cmpi sgt, %jit3A_508, %sign3A_517 : i32
        %sign3A_519 = arith.extui %sign3A_518 : i1 to i32
        %sign3A_520 = arith.constant 0 : i32
        %sign3A_521 = arith.cmpi slt, %jit3A_508, %sign3A_520 : i32
        %sign3A_522 = arith.extui %sign3A_521 : i1 to i32
        %sign3A_523 = arith.subi %sign3A_519, %sign3A_522 : i32
        %ne3A_524 = arith.cmpi ne, %sign3A_516, %sign3A_523 : i32
        %rem3A_525 = arith.remsi %add3A_507, %jit3A_508 : i32
        %ne3A_526 = arith.constant 0 : i32
        %ne3A_527 = arith.cmpi ne, %rem3A_525, %ne3A_526 : i32
        %and3A_528 = arith.andi %ne3A_524, %ne3A_527 : i1
        %sub3A_529 = arith.constant 1 : i32
        %sub3A_530 = arith.subi %div3A_509, %sub3A_529 : i32
        %select_n3A_531 = arith.select %and3A_528, %sub3A_530, %div3A_509 : i32
        %jit3A_532 = arith.constant 2 : i32
        %eq3A_533 = arith.constant 0 : i32
        %eq3A_534 = arith.cmpi eq, %jit3A_532, %eq3A_533 : i32
        %jit3A_535 = arith.constant 1 : i32
        %select_n3A_536 = arith.select %eq3A_534, %jit3A_535, %jit3A_532 : i32
        %rem3A_537 = arith.remsi %add3A_507, %select_n3A_536 : i32
        %ne3A_538 = arith.constant 0 : i32
        %ne3A_539 = arith.cmpi ne, %rem3A_537, %ne3A_538 : i32
        %lt3A_540 = arith.constant 0 : i32
        %lt3A_541 = arith.cmpi slt, %rem3A_537, %lt3A_540 : i32
        %lt3A_542 = arith.constant 0 : i32
        %lt3A_543 = arith.cmpi slt, %select_n3A_536, %lt3A_542 : i32
        %ne3A_544 = arith.xori %lt3A_541, %lt3A_543 : i1
        %and3A_545 = arith.andi %ne3A_544, %ne3A_539 : i1
        %add3A_546 = arith.addi %rem3A_537, %select_n3A_536 : i32
        %select_n3A_547 = arith.select %and3A_545, %add3A_546, %rem3A_537 : i32
        %mul3A_548 = arith.constant 64 : i32
        %mul3A_549 = arith.muli %select_n3A_547, %mul3A_548 : i32
        %add3A_550 = arith.constant 0 : i32
        %add3A_551 = arith.addi %mul3A_549, %add3A_550 : i32
        %get3A_552 = arith.index_cast %select_n3A_531 : i32 to index
        %get3A_553 = arith.index_cast %add3A_551 : i32 to index
        %get3A_554 = tpu.vector_load %arg9[%get3A_552, %get3A_553] {strides = array<i32>} : memref<84x128xi32, #tpu.memory_space<vmem>>, vector<16xi32>,
        %shift_right_logical3A_555 = arith.constant 14 : i32
        %shift_right_logical3A_556 = vector.broadcast %shift_right_logical3A_555 : i32 to vector<16xi32>
        %shift_right_logical3A_557 = arith.shrui %get3A_554, %shift_right_logical3A_556 : vector<16xi32>
        %swap3A_558 = arith.constant 0 : i32
        %swap3A_559 = arith.index_cast %swap3A_558 : i32 to index
        %swap3A_560 = arith.constant 0 : index
        %swap3A_561 = tpu.vector_load %arg14[%swap3A_559, %swap3A_560] {strides = array<i32>} : memref<3x64xi32, #tpu.memory_space<vmem>>, vector<16xi32>,
        tpu.vector_store %arg14[%swap3A_559, %swap3A_560], %shift_right_logical3A_557 {strides = array<i32>} : memref<3x64xi32, #tpu.memory_space<vmem>>, vector<16xi32>,
        %and3A_562 = arith.constant 16383 : i32
        %and3A_563 = vector.broadcast %and3A_562 : i32 to vector<16xi32>
        %and3A_564 = arith.andi %get3A_554, %and3A_563 : vector<16xi32>
        %swap3A_565 = arith.constant 0 : i32
        %swap3A_566 = arith.index_cast %swap3A_565 : i32 to index
        %swap3A_567 = arith.constant 0 : index
        %swap3A_568 = tpu.vector_load %arg15[%swap3A_566, %swap3A_567] {strides = array<i32>} : memref<3x64xi32, #tpu.memory_space<vmem>>, vector<16xi32>,
        tpu.vector_store %arg15[%swap3A_566, %swap3A_567], %and3A_564 {strides = array<i32>} : memref<3x64xi32, #tpu.memory_space<vmem>>, vector<16xi32>,
        %add3A_569 = arith.constant 16 : i32
        %add3A_570 = arith.addi %mul3A_549, %add3A_569 : i32
        %get3A_571 = arith.index_cast %select_n3A_531 : i32 to index
        %get3A_572 = arith.index_cast %add3A_570 : i32 to index
        %get3A_573 = tpu.vector_load %arg9[%get3A_571, %get3A_572] {strides = array<i32>} : memref<84x128xi32, #tpu.memory_space<vmem>>, vector<16xi32>,
        %shift_right_logical3A_574 = arith.constant 14 : i32
        %shift_right_logical3A_575 = vector.broadcast %shift_right_logical3A_574 : i32 to vector<16xi32>
        %shift_right_logical3A_576 = arith.shrui %get3A_573, %shift_right_logical3A_575 : vector<16xi32>
        %swap3A_577 = arith.constant 0 : i32
        %swap3A_578 = arith.index_cast %swap3A_577 : i32 to index
        %swap3A_579 = arith.constant 16 : index
        %swap3A_580 = tpu.vector_load %arg14[%swap3A_578, %swap3A_579] {strides = array<i32>} : memref<3x64xi32, #tpu.memory_space<vmem>>, vector<16xi32>,
        tpu.vector_store %arg14[%swap3A_578, %swap3A_579], %shift_right_logical3A_576 {strides = array<i32>} : memref<3x64xi32, #tpu.memory_space<vmem>>, vector<16xi32>,
        %and3A_581 = arith.constant 16383 : i32
        %and3A_582 = vector.broadcast %and3A_581 : i32 to vector<16xi32>
        %and3A_583 = arith.andi %get3A_573, %and3A_582 : vector<16xi32>
        %swap3A_584 = arith.constant 0 : i32
        %swap3A_585 = arith.index_cast %swap3A_584 : i32 to index
        %swap3A_586 = arith.constant 16 : index
        %swap3A_587 = tpu.vector_load %arg15[%swap3A_585, %swap3A_586] {strides = array<i32>} : memref<3x64xi32, #tpu.memory_space<vmem>>, vector<16xi32>,
        tpu.vector_store %arg15[%swap3A_585, %swap3A_586], %and3A_583 {strides = array<i32>} : memref<3x64xi32, #tpu.memory_space<vmem>>, vector<16xi32>,
        %add3A_588 = arith.constant 32 : i32
        %add3A_589 = arith.addi %mul3A_549, %add3A_588 : i32
        %get3A_590 = arith.index_cast %select_n3A_531 : i32 to index
        %get3A_591 = arith.index_cast %add3A_589 : i32 to index
        %get3A_592 = tpu.vector_load %arg9[%get3A_590, %get3A_591] {strides = array<i32>} : memref<84x128xi32, #tpu.memory_space<vmem>>, vector<16xi32>,
        %shift_right_logical3A_593 = arith.constant 14 : i32
        %shift_right_logical3A_594 = vector.broadcast %shift_right_logical3A_593 : i32 to vector<16xi32>
        %shift_right_logical3A_595 = arith.shrui %get3A_592, %shift_right_logical3A_594 : vector<16xi32>
        %swap3A_596 = arith.constant 0 : i32
        %swap3A_597 = arith.index_cast %swap3A_596 : i32 to index
        %swap3A_598 = arith.constant 32 : index
        %swap3A_599 = tpu.vector_load %arg14[%swap3A_597, %swap3A_598] {strides = array<i32>} : memref<3x64xi32, #tpu.memory_space<vmem>>, vector<16xi32>,
        tpu.vector_store %arg14[%swap3A_597, %swap3A_598], %shift_right_logical3A_595 {strides = array<i32>} : memref<3x64xi32, #tpu.memory_space<vmem>>, vector<16xi32>,
        %and3A_600 = arith.constant 16383 : i32
        %and3A_601 = vector.broadcast %and3A_600 : i32 to vector<16xi32>
        %and3A_602 = arith.andi %get3A_592, %and3A_601 : vector<16xi32>
        %swap3A_603 = arith.constant 0 : i32
        %swap3A_604 = arith.index_cast %swap3A_603 : i32 to index
        %swap3A_605 = arith.constant 32 : index
        %swap3A_606 = tpu.vector_load %arg15[%swap3A_604, %swap3A_605] {strides = array<i32>} : memref<3x64xi32, #tpu.memory_space<vmem>>, vector<16xi32>,
        tpu.vector_store %arg15[%swap3A_604, %swap3A_605], %and3A_602 {strides = array<i32>} : memref<3x64xi32, #tpu.memory_space<vmem>>, vector<16xi32>,
        %add3A_607 = arith.constant 48 : i32
        %add3A_608 = arith.addi %mul3A_549, %add3A_607 : i32
        %get3A_609 = arith.index_cast %select_n3A_531 : i32 to index
        %get3A_610 = arith.index_cast %add3A_608 : i32 to index
        %get3A_611 = tpu.vector_load %arg9[%get3A_609, %get3A_610] {strides = array<i32>} : memref<84x128xi32, #tpu.memory_space<vmem>>, vector<16xi32>,
        %shift_right_logical3A_612 = arith.constant 14 : i32
        %shift_right_logical3A_613 = vector.broadcast %shift_right_logical3A_612 : i32 to vector<16xi32>
        %shift_right_logical3A_614 = arith.shrui %get3A_611, %shift_right_logical3A_613 : vector<16xi32>
        %swap3A_615 = arith.constant 0 : i32
        %swap3A_616 = arith.index_cast %swap3A_615 : i32 to index
        %swap3A_617 = arith.constant 48 : index
        %swap3A_618 = tpu.vector_load %arg14[%swap3A_616, %swap3A_617] {strides = array<i32>} : memref<3x64xi32, #tpu.memory_space<vmem>>, vector<16xi32>,
        tpu.vector_store %arg14[%swap3A_616, %swap3A_617], %shift_right_logical3A_614 {strides = array<i32>} : memref<3x64xi32, #tpu.memory_space<vmem>>, vector<16xi32>,
        %and3A_619 = arith.constant 16383 : i32
        %and3A_620 = vector.broadcast %and3A_619 : i32 to vector<16xi32>
        %and3A_621 = arith.andi %get3A_611, %and3A_620 : vector<16xi32>
        %swap3A_622 = arith.constant 0 : i32
        %swap3A_623 = arith.index_cast %swap3A_622 : i32 to index
        %swap3A_624 = arith.constant 48 : index
        %swap3A_625 = tpu.vector_load %arg15[%swap3A_623, %swap3A_624] {strides = array<i32>} : memref<3x64xi32, #tpu.memory_space<vmem>>, vector<16xi32>,
        tpu.vector_store %arg15[%swap3A_623, %swap3A_624], %and3A_621 {strides = array<i32>} : memref<3x64xi32, #tpu.memory_space<vmem>>, vector<16xi32>,
        %eq3A_626 = arith.constant 0 : i32
        %eq3A_627 = arith.cmpi eq, %arg0, %eq3A_626 : i32
        %convert_element_type3A_628 = arith.extui %eq3A_627 : i1 to i32
        %cond3A_629 = arith.constant 0 : i32
        %cond3A_630 = arith.cmpi ne, %convert_element_type3A_628, %cond3A_629 : i32
        scf.if %cond3A_630 {
          %dma_start3A_914 = arith.constant 0 : i32
          %dma_start3A_915 = arith.constant 0 : i32
          %dma_start3A_916 = tpu.memref_slice %arg14[%dma_start3A_914, %dma_start3A_915] : memref<3x64xi32, #tpu.memory_space<vmem>> -> memref<1x64xi32, #tpu.memory_space<vmem>>
          %dma_start3A_917 = tpu.memref_squeeze %dma_start3A_916 : memref<1x64xi32, #tpu.memory_space<vmem>> -> memref<64xi32, #tpu.memory_space<vmem>>
          %dma_start3A_918 = arith.constant 0 : i32
          %dma_start3A_919 = arith.constant 0 : i32
          %dma_start3A_920 = tpu.memref_slice %arg2[%dma_start3A_918, %dma_start3A_919] : memref<10000x128xf32, #tpu.memory_space<hbm>> -> memref<10000x128xf32, #tpu.memory_space<hbm>>
          tpu.enqueue_indirect_dma source(%dma_start3A_920 : memref<10000x128xf32, #tpu.memory_space<hbm>>) target(%arg11 : memref<64x128xf32, #tpu.memory_space<vmem>>) offsets(%dma_start3A_917 : memref<64xi32, #tpu.memory_space<vmem>>) semaphore(%arg19 : memref<!tpu.dma_semaphore, #tpu.memory_space<semaphore_mem>>)
        } else {
        }
        %eq3A_631 = arith.constant 1 : i32
        %eq3A_632 = arith.cmpi eq, %arg0, %eq3A_631 : i32
        %convert_element_type3A_633 = arith.extui %eq3A_632 : i1 to i32
        %cond3A_634 = arith.constant 0 : i32
        %cond3A_635 = arith.cmpi ne, %convert_element_type3A_633, %cond3A_634 : i32
        scf.if %cond3A_635 {
          %dma_start3A_914 = arith.constant 0 : i32
          %dma_start3A_915 = arith.constant 0 : i32
          %dma_start3A_916 = tpu.memref_slice %arg14[%dma_start3A_914, %dma_start3A_915] : memref<3x64xi32, #tpu.memory_space<vmem>> -> memref<1x64xi32, #tpu.memory_space<vmem>>
          %dma_start3A_917 = tpu.memref_squeeze %dma_start3A_916 : memref<1x64xi32, #tpu.memory_space<vmem>> -> memref<64xi32, #tpu.memory_space<vmem>>
          %dma_start3A_918 = arith.constant 0 : i32
          %dma_start3A_919 = arith.constant 0 : i32
          %dma_start3A_920 = tpu.memref_slice %arg3[%dma_start3A_918, %dma_start3A_919] : memref<10000x128xf32, #tpu.memory_space<hbm>> -> memref<10000x128xf32, #tpu.memory_space<hbm>>
          tpu.enqueue_indirect_dma source(%dma_start3A_920 : memref<10000x128xf32, #tpu.memory_space<hbm>>) target(%arg11 : memref<64x128xf32, #tpu.memory_space<vmem>>) offsets(%dma_start3A_917 : memref<64xi32, #tpu.memory_space<vmem>>) semaphore(%arg19 : memref<!tpu.dma_semaphore, #tpu.memory_space<semaphore_mem>>)
        } else {
        }
        %dma_wait3A_636 = arith.constant 1 : i32
        %dma_wait3A_637 = arith.constant 0 : i32
        %dma_wait3A_638 = tpu.memref_slice %arg15[%dma_wait3A_636, %dma_wait3A_637] : memref<3x64xi32, #tpu.memory_space<vmem>> -> memref<1x64xi32, #tpu.memory_space<vmem>>
        %dma_wait3A_639 = tpu.memref_squeeze %dma_wait3A_638 : memref<1x64xi32, #tpu.memory_space<vmem>> -> memref<64xi32, #tpu.memory_space<vmem>>
        %dma_wait3A_640 = arith.constant 0 : i32
        %dma_wait3A_641 = arith.constant 0 : i32
        %dma_wait3A_642 = tpu.memref_slice %arg18[%dma_wait3A_640, %dma_wait3A_641] : memref<10000x128xf32, #tpu.memory_space<vmem_shared>> -> memref<10000x128xf32, #tpu.memory_space<vmem_shared>>
        tpu.wait_indirect_dma semaphore(%arg23 : memref<!tpu.dma_semaphore, #tpu.memory_space<semaphore_mem>>) src(%arg12 : memref<64x128xf32, #tpu.memory_space<vmem>>) dst(%dma_wait3A_642 : memref<10000x128xf32, #tpu.memory_space<vmem_shared>>)
        %add3A_643 = arith.constant 3 : i32
        %add3A_644 = arith.addi %mul3A_299, %add3A_643 : i32
        %add3A_645 = arith.constant 1 : i32
        %add3A_646 = arith.addi %add3A_644, %add3A_645 : i32
        %jit3A_647 = arith.constant 2 : i32
        %div3A_648 = arith.divsi %add3A_646, %jit3A_647 : i32
        %sign3A_649 = arith.constant 0 : i32
        %sign3A_650 = arith.cmpi sgt, %add3A_646, %sign3A_649 : i32
        %sign3A_651 = arith.extui %sign3A_650 : i1 to i32
        %sign3A_652 = arith.constant 0 : i32
        %sign3A_653 = arith.cmpi slt, %add3A_646, %sign3A_652 : i32
        %sign3A_654 = arith.extui %sign3A_653 : i1 to i32
        %sign3A_655 = arith.subi %sign3A_651, %sign3A_654 : i32
        %sign3A_656 = arith.constant 0 : i32
        %sign3A_657 = arith.cmpi sgt, %jit3A_647, %sign3A_656 : i32
        %sign3A_658 = arith.extui %sign3A_657 : i1 to i32
        %sign3A_659 = arith.constant 0 : i32
        %sign3A_660 = arith.cmpi slt, %jit3A_647, %sign3A_659 : i32
        %sign3A_661 = arith.extui %sign3A_660 : i1 to i32
        %sign3A_662 = arith.subi %sign3A_658, %sign3A_661 : i32
        %ne3A_663 = arith.cmpi ne, %sign3A_655, %sign3A_662 : i32
        %rem3A_664 = arith.remsi %add3A_646, %jit3A_647 : i32
        %ne3A_665 = arith.constant 0 : i32
        %ne3A_666 = arith.cmpi ne, %rem3A_664, %ne3A_665 : i32
        %and3A_667 = arith.andi %ne3A_663, %ne3A_666 : i1
        %sub3A_668 = arith.constant 1 : i32
        %sub3A_669 = arith.subi %div3A_648, %sub3A_668 : i32
        %select_n3A_670 = arith.select %and3A_667, %sub3A_669, %div3A_648 : i32
        %jit3A_671 = arith.constant 2 : i32
        %eq3A_672 = arith.constant 0 : i32
        %eq3A_673 = arith.cmpi eq, %jit3A_671, %eq3A_672 : i32
        %jit3A_674 = arith.constant 1 : i32
        %select_n3A_675 = arith.select %eq3A_673, %jit3A_674, %jit3A_671 : i32
        %rem3A_676 = arith.remsi %add3A_646, %select_n3A_675 : i32
        %ne3A_677 = arith.constant 0 : i32
        %ne3A_678 = arith.cmpi ne, %rem3A_676, %ne3A_677 : i32
        %lt3A_679 = arith.constant 0 : i32
        %lt3A_680 = arith.cmpi slt, %rem3A_676, %lt3A_679 : i32
        %lt3A_681 = arith.constant 0 : i32
        %lt3A_682 = arith.cmpi slt, %select_n3A_675, %lt3A_681 : i32
        %ne3A_683 = arith.xori %lt3A_680, %lt3A_682 : i1
        %and3A_684 = arith.andi %ne3A_683, %ne3A_678 : i1
        %add3A_685 = arith.addi %rem3A_676, %select_n3A_675 : i32
        %select_n3A_686 = arith.select %and3A_684, %add3A_685, %rem3A_676 : i32
        %mul3A_687 = arith.constant 64 : i32
        %mul3A_688 = arith.muli %select_n3A_686, %mul3A_687 : i32
        %add3A_689 = arith.constant 0 : i32
        %add3A_690 = arith.addi %mul3A_688, %add3A_689 : i32
        %get3A_691 = arith.index_cast %select_n3A_670 : i32 to index
        %get3A_692 = arith.index_cast %add3A_690 : i32 to index
        %get3A_693 = tpu.vector_load %arg9[%get3A_691, %get3A_692] {strides = array<i32>} : memref<84x128xi32, #tpu.memory_space<vmem>>, vector<16xi32>,
        %shift_right_logical3A_694 = arith.constant 14 : i32
        %shift_right_logical3A_695 = vector.broadcast %shift_right_logical3A_694 : i32 to vector<16xi32>
        %shift_right_logical3A_696 = arith.shrui %get3A_693, %shift_right_logical3A_695 : vector<16xi32>
        %swap3A_697 = arith.constant 1 : i32
        %swap3A_698 = arith.index_cast %swap3A_697 : i32 to index
        %swap3A_699 = arith.constant 0 : index
        %swap3A_700 = tpu.vector_load %arg14[%swap3A_698, %swap3A_699] {strides = array<i32>} : memref<3x64xi32, #tpu.memory_space<vmem>>, vector<16xi32>,
        tpu.vector_store %arg14[%swap3A_698, %swap3A_699], %shift_right_logical3A_696 {strides = array<i32>} : memref<3x64xi32, #tpu.memory_space<vmem>>, vector<16xi32>,
        %and3A_701 = arith.constant 16383 : i32
        %and3A_702 = vector.broadcast %and3A_701 : i32 to vector<16xi32>
        %and3A_703 = arith.andi %get3A_693, %and3A_702 : vector<16xi32>
        %swap3A_704 = arith.constant 1 : i32
        %swap3A_705 = arith.index_cast %swap3A_704 : i32 to index
        %swap3A_706 = arith.constant 0 : index
        %swap3A_707 = tpu.vector_load %arg15[%swap3A_705, %swap3A_706] {strides = array<i32>} : memref<3x64xi32, #tpu.memory_space<vmem>>, vector<16xi32>,
        tpu.vector_store %arg15[%swap3A_705, %swap3A_706], %and3A_703 {strides = array<i32>} : memref<3x64xi32, #tpu.memory_space<vmem>>, vector<16xi32>,
        %add3A_708 = arith.constant 16 : i32
        %add3A_709 = arith.addi %mul3A_688, %add3A_708 : i32
        %get3A_710 = arith.index_cast %select_n3A_670 : i32 to index
        %get3A_711 = arith.index_cast %add3A_709 : i32 to index
        %get3A_712 = tpu.vector_load %arg9[%get3A_710, %get3A_711] {strides = array<i32>} : memref<84x128xi32, #tpu.memory_space<vmem>>, vector<16xi32>,
        %shift_right_logical3A_713 = arith.constant 14 : i32
        %shift_right_logical3A_714 = vector.broadcast %shift_right_logical3A_713 : i32 to vector<16xi32>
        %shift_right_logical3A_715 = arith.shrui %get3A_712, %shift_right_logical3A_714 : vector<16xi32>
        %swap3A_716 = arith.constant 1 : i32
        %swap3A_717 = arith.index_cast %swap3A_716 : i32 to index
        %swap3A_718 = arith.constant 16 : index
        %swap3A_719 = tpu.vector_load %arg14[%swap3A_717, %swap3A_718] {strides = array<i32>} : memref<3x64xi32, #tpu.memory_space<vmem>>, vector<16xi32>,
        tpu.vector_store %arg14[%swap3A_717, %swap3A_718], %shift_right_logical3A_715 {strides = array<i32>} : memref<3x64xi32, #tpu.memory_space<vmem>>, vector<16xi32>,
        %and3A_720 = arith.constant 16383 : i32
        %and3A_721 = vector.broadcast %and3A_720 : i32 to vector<16xi32>
        %and3A_722 = arith.andi %get3A_712, %and3A_721 : vector<16xi32>
        %swap3A_723 = arith.constant 1 : i32
        %swap3A_724 = arith.index_cast %swap3A_723 : i32 to index
        %swap3A_725 = arith.constant 16 : index
        %swap3A_726 = tpu.vector_load %arg15[%swap3A_724, %swap3A_725] {strides = array<i32>} : memref<3x64xi32, #tpu.memory_space<vmem>>, vector<16xi32>,
        tpu.vector_store %arg15[%swap3A_724, %swap3A_725], %and3A_722 {strides = array<i32>} : memref<3x64xi32, #tpu.memory_space<vmem>>, vector<16xi32>,
        %add3A_727 = arith.constant 32 : i32
        %add3A_728 = arith.addi %mul3A_688, %add3A_727 : i32
        %get3A_729 = arith.index_cast %select_n3A_670 : i32 to index
        %get3A_730 = arith.index_cast %add3A_728 : i32 to index
        %get3A_731 = tpu.vector_load %arg9[%get3A_729, %get3A_730] {strides = array<i32>} : memref<84x128xi32, #tpu.memory_space<vmem>>, vector<16xi32>,
        %shift_right_logical3A_732 = arith.constant 14 : i32
        %shift_right_logical3A_733 = vector.broadcast %shift_right_logical3A_732 : i32 to vector<16xi32>
        %shift_right_logical3A_734 = arith.shrui %get3A_731, %shift_right_logical3A_733 : vector<16xi32>
        %swap3A_735 = arith.constant 1 : i32
        %swap3A_736 = arith.index_cast %swap3A_735 : i32 to index
        %swap3A_737 = arith.constant 32 : index
        %swap3A_738 = tpu.vector_load %arg14[%swap3A_736, %swap3A_737] {strides = array<i32>} : memref<3x64xi32, #tpu.memory_space<vmem>>, vector<16xi32>,
        tpu.vector_store %arg14[%swap3A_736, %swap3A_737], %shift_right_logical3A_734 {strides = array<i32>} : memref<3x64xi32, #tpu.memory_space<vmem>>, vector<16xi32>,
        %and3A_739 = arith.constant 16383 : i32
        %and3A_740 = vector.broadcast %and3A_739 : i32 to vector<16xi32>
        %and3A_741 = arith.andi %get3A_731, %and3A_740 : vector<16xi32>
        %swap3A_742 = arith.constant 1 : i32
        %swap3A_743 = arith.index_cast %swap3A_742 : i32 to index
        %swap3A_744 = arith.constant 32 : index
        %swap3A_745 = tpu.vector_load %arg15[%swap3A_743, %swap3A_744] {strides = array<i32>} : memref<3x64xi32, #tpu.memory_space<vmem>>, vector<16xi32>,
        tpu.vector_store %arg15[%swap3A_743, %swap3A_744], %and3A_741 {strides = array<i32>} : memref<3x64xi32, #tpu.memory_space<vmem>>, vector<16xi32>,
        %add3A_746 = arith.constant 48 : i32
        %add3A_747 = arith.addi %mul3A_688, %add3A_746 : i32
        %get3A_748 = arith.index_cast %select_n3A_670 : i32 to index
        %get3A_749 = arith.index_cast %add3A_747 : i32 to index
        %get3A_750 = tpu.vector_load %arg9[%get3A_748, %get3A_749] {strides = array<i32>} : memref<84x128xi32, #tpu.memory_space<vmem>>, vector<16xi32>,
        %shift_right_logical3A_751 = arith.constant 14 : i32
        %shift_right_logical3A_752 = vector.broadcast %shift_right_logical3A_751 : i32 to vector<16xi32>
        %shift_right_logical3A_753 = arith.shrui %get3A_750, %shift_right_logical3A_752 : vector<16xi32>
        %swap3A_754 = arith.constant 1 : i32
        %swap3A_755 = arith.index_cast %swap3A_754 : i32 to index
        %swap3A_756 = arith.constant 48 : index
        %swap3A_757 = tpu.vector_load %arg14[%swap3A_755, %swap3A_756] {strides = array<i32>} : memref<3x64xi32, #tpu.memory_space<vmem>>, vector<16xi32>,
        tpu.vector_store %arg14[%swap3A_755, %swap3A_756], %shift_right_logical3A_753 {strides = array<i32>} : memref<3x64xi32, #tpu.memory_space<vmem>>, vector<16xi32>,
        %and3A_758 = arith.constant 16383 : i32
        %and3A_759 = vector.broadcast %and3A_758 : i32 to vector<16xi32>
        %and3A_760 = arith.andi %get3A_750, %and3A_759 : vector<16xi32>
        %swap3A_761 = arith.constant 1 : i32
        %swap3A_762 = arith.index_cast %swap3A_761 : i32 to index
        %swap3A_763 = arith.constant 48 : index
        %swap3A_764 = tpu.vector_load %arg15[%swap3A_762, %swap3A_763] {strides = array<i32>} : memref<3x64xi32, #tpu.memory_space<vmem>>, vector<16xi32>,
        tpu.vector_store %arg15[%swap3A_762, %swap3A_763], %and3A_760 {strides = array<i32>} : memref<3x64xi32, #tpu.memory_space<vmem>>, vector<16xi32>,
        %eq3A_765 = arith.constant 0 : i32
        %eq3A_766 = arith.cmpi eq, %arg0, %eq3A_765 : i32
        %convert_element_type3A_767 = arith.extui %eq3A_766 : i1 to i32
        %cond3A_768 = arith.constant 0 : i32
        %cond3A_769 = arith.cmpi ne, %convert_element_type3A_767, %cond3A_768 : i32
        scf.if %cond3A_769 {
          %dma_start3A_914 = arith.constant 1 : i32
          %dma_start3A_915 = arith.constant 0 : i32
          %dma_start3A_916 = tpu.memref_slice %arg14[%dma_start3A_914, %dma_start3A_915] : memref<3x64xi32, #tpu.memory_space<vmem>> -> memref<1x64xi32, #tpu.memory_space<vmem>>
          %dma_start3A_917 = tpu.memref_squeeze %dma_start3A_916 : memref<1x64xi32, #tpu.memory_space<vmem>> -> memref<64xi32, #tpu.memory_space<vmem>>
          %dma_start3A_918 = arith.constant 0 : i32
          %dma_start3A_919 = arith.constant 0 : i32
          %dma_start3A_920 = tpu.memref_slice %arg2[%dma_start3A_918, %dma_start3A_919] : memref<10000x128xf32, #tpu.memory_space<hbm>> -> memref<10000x128xf32, #tpu.memory_space<hbm>>
          tpu.enqueue_indirect_dma source(%dma_start3A_920 : memref<10000x128xf32, #tpu.memory_space<hbm>>) target(%arg12 : memref<64x128xf32, #tpu.memory_space<vmem>>) offsets(%dma_start3A_917 : memref<64xi32, #tpu.memory_space<vmem>>) semaphore(%arg20 : memref<!tpu.dma_semaphore, #tpu.memory_space<semaphore_mem>>)
        } else {
        }
        %eq3A_770 = arith.constant 1 : i32
        %eq3A_771 = arith.cmpi eq, %arg0, %eq3A_770 : i32
        %convert_element_type3A_772 = arith.extui %eq3A_771 : i1 to i32
        %cond3A_773 = arith.constant 0 : i32
        %cond3A_774 = arith.cmpi ne, %convert_element_type3A_772, %cond3A_773 : i32
        scf.if %cond3A_774 {
          %dma_start3A_914 = arith.constant 1 : i32
          %dma_start3A_915 = arith.constant 0 : i32
          %dma_start3A_916 = tpu.memref_slice %arg14[%dma_start3A_914, %dma_start3A_915] : memref<3x64xi32, #tpu.memory_space<vmem>> -> memref<1x64xi32, #tpu.memory_space<vmem>>
          %dma_start3A_917 = tpu.memref_squeeze %dma_start3A_916 : memref<1x64xi32, #tpu.memory_space<vmem>> -> memref<64xi32, #tpu.memory_space<vmem>>
          %dma_start3A_918 = arith.constant 0 : i32
          %dma_start3A_919 = arith.constant 0 : i32
          %dma_start3A_920 = tpu.memref_slice %arg3[%dma_start3A_918, %dma_start3A_919] : memref<10000x128xf32, #tpu.memory_space<hbm>> -> memref<10000x128xf32, #tpu.memory_space<hbm>>
          tpu.enqueue_indirect_dma source(%dma_start3A_920 : memref<10000x128xf32, #tpu.memory_space<hbm>>) target(%arg12 : memref<64x128xf32, #tpu.memory_space<vmem>>) offsets(%dma_start3A_917 : memref<64xi32, #tpu.memory_space<vmem>>) semaphore(%arg20 : memref<!tpu.dma_semaphore, #tpu.memory_space<semaphore_mem>>)
        } else {
        }
        %dma_wait3A_775 = arith.constant 2 : i32
        %dma_wait3A_776 = arith.constant 0 : i32
        %dma_wait3A_777 = tpu.memref_slice %arg15[%dma_wait3A_775, %dma_wait3A_776] : memref<3x64xi32, #tpu.memory_space<vmem>> -> memref<1x64xi32, #tpu.memory_space<vmem>>
        %dma_wait3A_778 = tpu.memref_squeeze %dma_wait3A_777 : memref<1x64xi32, #tpu.memory_space<vmem>> -> memref<64xi32, #tpu.memory_space<vmem>>
        %dma_wait3A_779 = arith.constant 0 : i32
        %dma_wait3A_780 = arith.constant 0 : i32
        %dma_wait3A_781 = tpu.memref_slice %arg18[%dma_wait3A_779, %dma_wait3A_780] : memref<10000x128xf32, #tpu.memory_space<vmem_shared>> -> memref<10000x128xf32, #tpu.memory_space<vmem_shared>>
        tpu.wait_indirect_dma semaphore(%arg24 : memref<!tpu.dma_semaphore, #tpu.memory_space<semaphore_mem>>) src(%arg13 : memref<64x128xf32, #tpu.memory_space<vmem>>) dst(%dma_wait3A_781 : memref<10000x128xf32, #tpu.memory_space<vmem_shared>>)
        %add3A_782 = arith.constant 3 : i32
        %add3A_783 = arith.addi %mul3A_299, %add3A_782 : i32
        %add3A_784 = arith.constant 2 : i32
        %add3A_785 = arith.addi %add3A_783, %add3A_784 : i32
        %jit3A_786 = arith.constant 2 : i32
        %div3A_787 = arith.divsi %add3A_785, %jit3A_786 : i32
        %sign3A_788 = arith.constant 0 : i32
        %sign3A_789 = arith.cmpi sgt, %add3A_785, %sign3A_788 : i32
        %sign3A_790 = arith.extui %sign3A_789 : i1 to i32
        %sign3A_791 = arith.constant 0 : i32
        %sign3A_792 = arith.cmpi slt, %add3A_785, %sign3A_791 : i32
        %sign3A_793 = arith.extui %sign3A_792 : i1 to i32
        %sign3A_794 = arith.subi %sign3A_790, %sign3A_793 : i32
        %sign3A_795 = arith.constant 0 : i32
        %sign3A_796 = arith.cmpi sgt, %jit3A_786, %sign3A_795 : i32
        %sign3A_797 = arith.extui %sign3A_796 : i1 to i32
        %sign3A_798 = arith.constant 0 : i32
        %sign3A_799 = arith.cmpi slt, %jit3A_786, %sign3A_798 : i32
        %sign3A_800 = arith.extui %sign3A_799 : i1 to i32
        %sign3A_801 = arith.subi %sign3A_797, %sign3A_800 : i32
        %ne3A_802 = arith.cmpi ne, %sign3A_794, %sign3A_801 : i32
        %rem3A_803 = arith.remsi %add3A_785, %jit3A_786 : i32
        %ne3A_804 = arith.constant 0 : i32
        %ne3A_805 = arith.cmpi ne, %rem3A_803, %ne3A_804 : i32
        %and3A_806 = arith.andi %ne3A_802, %ne3A_805 : i1
        %sub3A_807 = arith.constant 1 : i32
        %sub3A_808 = arith.subi %div3A_787, %sub3A_807 : i32
        %select_n3A_809 = arith.select %and3A_806, %sub3A_808, %div3A_787 : i32
        %jit3A_810 = arith.constant 2 : i32
        %eq3A_811 = arith.constant 0 : i32
        %eq3A_812 = arith.cmpi eq, %jit3A_810, %eq3A_811 : i32
        %jit3A_813 = arith.constant 1 : i32
        %select_n3A_814 = arith.select %eq3A_812, %jit3A_813, %jit3A_810 : i32
        %rem3A_815 = arith.remsi %add3A_785, %select_n3A_814 : i32
        %ne3A_816 = arith.constant 0 : i32
        %ne3A_817 = arith.cmpi ne, %rem3A_815, %ne3A_816 : i32
        %lt3A_818 = arith.constant 0 : i32
        %lt3A_819 = arith.cmpi slt, %rem3A_815, %lt3A_818 : i32
        %lt3A_820 = arith.constant 0 : i32
        %lt3A_821 = arith.cmpi slt, %select_n3A_814, %lt3A_820 : i32
        %ne3A_822 = arith.xori %lt3A_819, %lt3A_821 : i1
        %and3A_823 = arith.andi %ne3A_822, %ne3A_817 : i1
        %add3A_824 = arith.addi %rem3A_815, %select_n3A_814 : i32
        %select_n3A_825 = arith.select %and3A_823, %add3A_824, %rem3A_815 : i32
        %mul3A_826 = arith.constant 64 : i32
        %mul3A_827 = arith.muli %select_n3A_825, %mul3A_826 : i32
        %add3A_828 = arith.constant 0 : i32
        %add3A_829 = arith.addi %mul3A_827, %add3A_828 : i32
        %get3A_830 = arith.index_cast %select_n3A_809 : i32 to index
        %get3A_831 = arith.index_cast %add3A_829 : i32 to index
        %get3A_832 = tpu.vector_load %arg9[%get3A_830, %get3A_831] {strides = array<i32>} : memref<84x128xi32, #tpu.memory_space<vmem>>, vector<16xi32>,
        %shift_right_logical3A_833 = arith.constant 14 : i32
        %shift_right_logical3A_834 = vector.broadcast %shift_right_logical3A_833 : i32 to vector<16xi32>
        %shift_right_logical3A_835 = arith.shrui %get3A_832, %shift_right_logical3A_834 : vector<16xi32>
        %swap3A_836 = arith.constant 2 : i32
        %swap3A_837 = arith.index_cast %swap3A_836 : i32 to index
        %swap3A_838 = arith.constant 0 : index
        %swap3A_839 = tpu.vector_load %arg14[%swap3A_837, %swap3A_838] {strides = array<i32>} : memref<3x64xi32, #tpu.memory_space<vmem>>, vector<16xi32>,
        tpu.vector_store %arg14[%swap3A_837, %swap3A_838], %shift_right_logical3A_835 {strides = array<i32>} : memref<3x64xi32, #tpu.memory_space<vmem>>, vector<16xi32>,
        %and3A_840 = arith.constant 16383 : i32
        %and3A_841 = vector.broadcast %and3A_840 : i32 to vector<16xi32>
        %and3A_842 = arith.andi %get3A_832, %and3A_841 : vector<16xi32>
        %swap3A_843 = arith.constant 2 : i32
        %swap3A_844 = arith.index_cast %swap3A_843 : i32 to index
        %swap3A_845 = arith.constant 0 : index
        %swap3A_846 = tpu.vector_load %arg15[%swap3A_844, %swap3A_845] {strides = array<i32>} : memref<3x64xi32, #tpu.memory_space<vmem>>, vector<16xi32>,
        tpu.vector_store %arg15[%swap3A_844, %swap3A_845], %and3A_842 {strides = array<i32>} : memref<3x64xi32, #tpu.memory_space<vmem>>, vector<16xi32>,
        %add3A_847 = arith.constant 16 : i32
        %add3A_848 = arith.addi %mul3A_827, %add3A_847 : i32
        %get3A_849 = arith.index_cast %select_n3A_809 : i32 to index
        %get3A_850 = arith.index_cast %add3A_848 : i32 to index
        %get3A_851 = tpu.vector_load %arg9[%get3A_849, %get3A_850] {strides = array<i32>} : memref<84x128xi32, #tpu.memory_space<vmem>>, vector<16xi32>,
        %shift_right_logical3A_852 = arith.constant 14 : i32
        %shift_right_logical3A_853 = vector.broadcast %shift_right_logical3A_852 : i32 to vector<16xi32>
        %shift_right_logical3A_854 = arith.shrui %get3A_851, %shift_right_logical3A_853 : vector<16xi32>
        %swap3A_855 = arith.constant 2 : i32
        %swap3A_856 = arith.index_cast %swap3A_855 : i32 to index
        %swap3A_857 = arith.constant 16 : index
        %swap3A_858 = tpu.vector_load %arg14[%swap3A_856, %swap3A_857] {strides = array<i32>} : memref<3x64xi32, #tpu.memory_space<vmem>>, vector<16xi32>,
        tpu.vector_store %arg14[%swap3A_856, %swap3A_857], %shift_right_logical3A_854 {strides = array<i32>} : memref<3x64xi32, #tpu.memory_space<vmem>>, vector<16xi32>,
        %and3A_859 = arith.constant 16383 : i32
        %and3A_860 = vector.broadcast %and3A_859 : i32 to vector<16xi32>
        %and3A_861 = arith.andi %get3A_851, %and3A_860 : vector<16xi32>
        %swap3A_862 = arith.constant 2 : i32
        %swap3A_863 = arith.index_cast %swap3A_862 : i32 to index
        %swap3A_864 = arith.constant 16 : index
        %swap3A_865 = tpu.vector_load %arg15[%swap3A_863, %swap3A_864] {strides = array<i32>} : memref<3x64xi32, #tpu.memory_space<vmem>>, vector<16xi32>,
        tpu.vector_store %arg15[%swap3A_863, %swap3A_864], %and3A_861 {strides = array<i32>} : memref<3x64xi32, #tpu.memory_space<vmem>>, vector<16xi32>,
        %add3A_866 = arith.constant 32 : i32
        %add3A_867 = arith.addi %mul3A_827, %add3A_866 : i32
        %get3A_868 = arith.index_cast %select_n3A_809 : i32 to index
        %get3A_869 = arith.index_cast %add3A_867 : i32 to index
        %get3A_870 = tpu.vector_load %arg9[%get3A_868, %get3A_869] {strides = array<i32>} : memref<84x128xi32, #tpu.memory_space<vmem>>, vector<16xi32>,
        %shift_right_logical3A_871 = arith.constant 14 : i32
        %shift_right_logical3A_872 = vector.broadcast %shift_right_logical3A_871 : i32 to vector<16xi32>
        %shift_right_logical3A_873 = arith.shrui %get3A_870, %shift_right_logical3A_872 : vector<16xi32>
        %swap3A_874 = arith.constant 2 : i32
        %swap3A_875 = arith.index_cast %swap3A_874 : i32 to index
        %swap3A_876 = arith.constant 32 : index
        %swap3A_877 = tpu.vector_load %arg14[%swap3A_875, %swap3A_876] {strides = array<i32>} : memref<3x64xi32, #tpu.memory_space<vmem>>, vector<16xi32>,
        tpu.vector_store %arg14[%swap3A_875, %swap3A_876], %shift_right_logical3A_873 {strides = array<i32>} : memref<3x64xi32, #tpu.memory_space<vmem>>, vector<16xi32>,
        %and3A_878 = arith.constant 16383 : i32
        %and3A_879 = vector.broadcast %and3A_878 : i32 to vector<16xi32>
        %and3A_880 = arith.andi %get3A_870, %and3A_879 : vector<16xi32>
        %swap3A_881 = arith.constant 2 : i32
        %swap3A_882 = arith.index_cast %swap3A_881 : i32 to index
        %swap3A_883 = arith.constant 32 : index
        %swap3A_884 = tpu.vector_load %arg15[%swap3A_882, %swap3A_883] {strides = array<i32>} : memref<3x64xi32, #tpu.memory_space<vmem>>, vector<16xi32>,
        tpu.vector_store %arg15[%swap3A_882, %swap3A_883], %and3A_880 {strides = array<i32>} : memref<3x64xi32, #tpu.memory_space<vmem>>, vector<16xi32>,
        %add3A_885 = arith.constant 48 : i32
        %add3A_886 = arith.addi %mul3A_827, %add3A_885 : i32
        %get3A_887 = arith.index_cast %select_n3A_809 : i32 to index
        %get3A_888 = arith.index_cast %add3A_886 : i32 to index
        %get3A_889 = tpu.vector_load %arg9[%get3A_887, %get3A_888] {strides = array<i32>} : memref<84x128xi32, #tpu.memory_space<vmem>>, vector<16xi32>,
        %shift_right_logical3A_890 = arith.constant 14 : i32
        %shift_right_logical3A_891 = vector.broadcast %shift_right_logical3A_890 : i32 to vector<16xi32>
        %shift_right_logical3A_892 = arith.shrui %get3A_889, %shift_right_logical3A_891 : vector<16xi32>
        %swap3A_893 = arith.constant 2 : i32
        %swap3A_894 = arith.index_cast %swap3A_893 : i32 to index
        %swap3A_895 = arith.constant 48 : index
        %swap3A_896 = tpu.vector_load %arg14[%swap3A_894, %swap3A_895] {strides = array<i32>} : memref<3x64xi32, #tpu.memory_space<vmem>>, vector<16xi32>,
        tpu.vector_store %arg14[%swap3A_894, %swap3A_895], %shift_right_logical3A_892 {strides = array<i32>} : memref<3x64xi32, #tpu.memory_space<vmem>>, vector<16xi32>,
        %and3A_897 = arith.constant 16383 : i32
        %and3A_898 = vector.broadcast %and3A_897 : i32 to vector<16xi32>
        %and3A_899 = arith.andi %get3A_889, %and3A_898 : vector<16xi32>
        %swap3A_900 = arith.constant 2 : i32
        %swap3A_901 = arith.index_cast %swap3A_900 : i32 to index
        %swap3A_902 = arith.constant 48 : index
        %swap3A_903 = tpu.vector_load %arg15[%swap3A_901, %swap3A_902] {strides = array<i32>} : memref<3x64xi32, #tpu.memory_space<vmem>>, vector<16xi32>,
        tpu.vector_store %arg15[%swap3A_901, %swap3A_902], %and3A_899 {strides = array<i32>} : memref<3x64xi32, #tpu.memory_space<vmem>>, vector<16xi32>,
        %eq3A_904 = arith.constant 0 : i32
        %eq3A_905 = arith.cmpi eq, %arg0, %eq3A_904 : i32
        %convert_element_type3A_906 = arith.extui %eq3A_905 : i1 to i32
        %cond3A_907 = arith.constant 0 : i32
        %cond3A_908 = arith.cmpi ne, %convert_element_type3A_906, %cond3A_907 : i32
        scf.if %cond3A_908 {
          %dma_start3A_914 = arith.constant 2 : i32
          %dma_start3A_915 = arith.constant 0 : i32
          %dma_start3A_916 = tpu.memref_slice %arg14[%dma_start3A_914, %dma_start3A_915] : memref<3x64xi32, #tpu.memory_space<vmem>> -> memref<1x64xi32, #tpu.memory_space<vmem>>
          %dma_start3A_917 = tpu.memref_squeeze %dma_start3A_916 : memref<1x64xi32, #tpu.memory_space<vmem>> -> memref<64xi32, #tpu.memory_space<vmem>>
          %dma_start3A_918 = arith.constant 0 : i32
          %dma_start3A_919 = arith.constant 0 : i32
          %dma_start3A_920 = tpu.memref_slice %arg2[%dma_start3A_918, %dma_start3A_919] : memref<10000x128xf32, #tpu.memory_space<hbm>> -> memref<10000x128xf32, #tpu.memory_space<hbm>>
          tpu.enqueue_indirect_dma source(%dma_start3A_920 : memref<10000x128xf32, #tpu.memory_space<hbm>>) target(%arg13 : memref<64x128xf32, #tpu.memory_space<vmem>>) offsets(%dma_start3A_917 : memref<64xi32, #tpu.memory_space<vmem>>) semaphore(%arg21 : memref<!tpu.dma_semaphore, #tpu.memory_space<semaphore_mem>>)
        } else {
        }
        %eq3A_909 = arith.constant 1 : i32
        %eq3A_910 = arith.cmpi eq, %arg0, %eq3A_909 : i32
        %convert_element_type3A_911 = arith.extui %eq3A_910 : i1 to i32
        %cond3A_912 = arith.constant 0 : i32
        %cond3A_913 = arith.cmpi ne, %convert_element_type3A_911, %cond3A_912 : i32
        scf.if %cond3A_913 {
          %dma_start3A_914 = arith.constant 2 : i32
          %dma_start3A_915 = arith.constant 0 : i32
          %dma_start3A_916 = tpu.memref_slice %arg14[%dma_start3A_914, %dma_start3A_915] : memref<3x64xi32, #tpu.memory_space<vmem>> -> memref<1x64xi32, #tpu.memory_space<vmem>>
          %dma_start3A_917 = tpu.memref_squeeze %dma_start3A_916 : memref<1x64xi32, #tpu.memory_space<vmem>> -> memref<64xi32, #tpu.memory_space<vmem>>
          %dma_start3A_918 = arith.constant 0 : i32
          %dma_start3A_919 = arith.constant 0 : i32
          %dma_start3A_920 = tpu.memref_slice %arg3[%dma_start3A_918, %dma_start3A_919] : memref<10000x128xf32, #tpu.memory_space<hbm>> -> memref<10000x128xf32, #tpu.memory_space<hbm>>
          tpu.enqueue_indirect_dma source(%dma_start3A_920 : memref<10000x128xf32, #tpu.memory_space<hbm>>) target(%arg13 : memref<64x128xf32, #tpu.memory_space<vmem>>) offsets(%dma_start3A_917 : memref<64xi32, #tpu.memory_space<vmem>>) semaphore(%arg21 : memref<!tpu.dma_semaphore, #tpu.memory_space<semaphore_mem>>)
        } else {
        }
      } else {
      }
    }
    %scan3A_263 = arith.constant 56 : i32
    %dma_wait3A = arith.constant 0 : i32
    %dma_wait3A_264 = arith.constant 0 : i32
    %dma_wait3A_265 = tpu.memref_slice %arg15[%dma_wait3A, %dma_wait3A_264] : memref<3x64xi32, #tpu.memory_space<vmem>> -> memref<1x64xi32, #tpu.memory_space<vmem>>
    %dma_wait3A_266 = tpu.memref_squeeze %dma_wait3A_265 : memref<1x64xi32, #tpu.memory_space<vmem>> -> memref<64xi32, #tpu.memory_space<vmem>>
    %dma_wait3A_267 = arith.constant 0 : i32
    %dma_wait3A_268 = arith.constant 0 : i32
    %dma_wait3A_269 = tpu.memref_slice %arg18[%dma_wait3A_267, %dma_wait3A_268] : memref<10000x128xf32, #tpu.memory_space<vmem_shared>> -> memref<10000x128xf32, #tpu.memory_space<vmem_shared>>
    tpu.wait_indirect_dma semaphore(%arg22 : memref<!tpu.dma_semaphore, #tpu.memory_space<semaphore_mem>>) src(%arg11 : memref<64x128xf32, #tpu.memory_space<vmem>>) dst(%dma_wait3A_269 : memref<10000x128xf32, #tpu.memory_space<vmem_shared>>)
    %dma_wait3A_270 = arith.constant 1 : i32
    %dma_wait3A_271 = arith.constant 0 : i32
    %dma_wait3A_272 = tpu.memref_slice %arg15[%dma_wait3A_270, %dma_wait3A_271] : memref<3x64xi32, #tpu.memory_space<vmem>> -> memref<1x64xi32, #tpu.memory_space<vmem>>
    %dma_wait3A_273 = tpu.memref_squeeze %dma_wait3A_272 : memref<1x64xi32, #tpu.memory_space<vmem>> -> memref<64xi32, #tpu.memory_space<vmem>>
    %dma_wait3A_274 = arith.constant 0 : i32
    %dma_wait3A_275 = arith.constant 0 : i32
    %dma_wait3A_276 = tpu.memref_slice %arg18[%dma_wait3A_274, %dma_wait3A_275] : memref<10000x128xf32, #tpu.memory_space<vmem_shared>> -> memref<10000x128xf32, #tpu.memory_space<vmem_shared>>
    tpu.wait_indirect_dma semaphore(%arg23 : memref<!tpu.dma_semaphore, #tpu.memory_space<semaphore_mem>>) src(%arg12 : memref<64x128xf32, #tpu.memory_space<vmem>>) dst(%dma_wait3A_276 : memref<10000x128xf32, #tpu.memory_space<vmem_shared>>)
    %dma_wait3A_277 = arith.constant 2 : i32
    %dma_wait3A_278 = arith.constant 0 : i32
    %dma_wait3A_279 = tpu.memref_slice %arg15[%dma_wait3A_277, %dma_wait3A_278] : memref<3x64xi32, #tpu.memory_space<vmem>> -> memref<1x64xi32, #tpu.memory_space<vmem>>
    %dma_wait3A_280 = tpu.memref_squeeze %dma_wait3A_279 : memref<1x64xi32, #tpu.memory_space<vmem>> -> memref<64xi32, #tpu.memory_space<vmem>>
    %dma_wait3A_281 = arith.constant 0 : i32
    %dma_wait3A_282 = arith.constant 0 : i32
    %dma_wait3A_283 = tpu.memref_slice %arg18[%dma_wait3A_281, %dma_wait3A_282] : memref<10000x128xf32, #tpu.memory_space<vmem_shared>> -> memref<10000x128xf32, #tpu.memory_space<vmem_shared>>
    tpu.wait_indirect_dma semaphore(%arg24 : memref<!tpu.dma_semaphore, #tpu.memory_space<semaphore_mem>>) src(%arg13 : memref<64x128xf32, #tpu.memory_space<vmem>>) dst(%dma_wait3A_283 : memref<10000x128xf32, #tpu.memory_space<vmem_shared>>)
    %barrier3A_284 = arith.constant 0 : index
    tpu.barrier barrier_id(%barrier3A_284)
    "tpu.region"() ({
      %run_scoped3A = tpu.sem_alloc : memref<!tpu.dma_semaphore, #tpu.memory_space<semaphore_mem>>
      %dma_start3A = tpu.memref_slice %arg6[%mul3A_0] : memref<10240xf32, #tpu.memory_space<hbm>> -> memref<640xf32, #tpu.memory_space<hbm>>
      %dma_start3A_297 = tpu.memref_slice %arg6[%mul3A_0] : memref<10240xf32, #tpu.memory_space<hbm>> -> memref<640xf32, #tpu.memory_space<hbm>>
      tpu.enqueue_dma source(%dma_start3A_297 : memref<640xf32, #tpu.memory_space<hbm>>) target(%arg16 : memref<640xf32, #tpu.memory_space<vmem>>) target_semaphore(%run_scoped3A : memref<!tpu.dma_semaphore, #tpu.memory_space<semaphore_mem>>)
      %dma_wait3A_298 = tpu.memref_slice %arg6[%mul3A_0] : memref<10240xf32, #tpu.memory_space<hbm>> -> memref<640xf32, #tpu.memory_space<hbm>>
      %dma_wait3A_299 = tpu.memref_slice %arg6[%mul3A_0] : memref<10240xf32, #tpu.memory_space<hbm>> -> memref<640xf32, #tpu.memory_space<hbm>>
      tpu.wait_dma2 semaphore(%run_scoped3A : memref<!tpu.dma_semaphore, #tpu.memory_space<semaphore_mem>>) src(%dma_wait3A_299 : memref<640xf32, #tpu.memory_space<hbm>>) dst(%arg16 : memref<640xf32, #tpu.memory_space<vmem>>)
      tpu.yield
    }) : () -> ()
    %mul3A_285 = arith.constant 128 : i32
    %mul3A_286 = arith.muli %arg0, %mul3A_285 : i32
    "tpu.region"() ({
      %run_scoped3A = tpu.sem_alloc : memref<!tpu.dma_semaphore, #tpu.memory_space<semaphore_mem>>
      %dma_start3A = tpu.memref_slice %arg7[%mul3A_286] : memref<256xf32, #tpu.memory_space<hbm>> -> memref<128xf32, #tpu.memory_space<hbm>>
      %dma_start3A_297 = tpu.memref_slice %arg7[%mul3A_286] : memref<256xf32, #tpu.memory_space<hbm>> -> memref<128xf32, #tpu.memory_space<hbm>>
      tpu.enqueue_dma source(%dma_start3A_297 : memref<128xf32, #tpu.memory_space<hbm>>) target(%arg17 : memref<128xf32, #tpu.memory_space<vmem>>) target_semaphore(%run_scoped3A : memref<!tpu.dma_semaphore, #tpu.memory_space<semaphore_mem>>)
      %dma_wait3A_298 = tpu.memref_slice %arg7[%mul3A_286] : memref<256xf32, #tpu.memory_space<hbm>> -> memref<128xf32, #tpu.memory_space<hbm>>
      %dma_wait3A_299 = tpu.memref_slice %arg7[%mul3A_286] : memref<256xf32, #tpu.memory_space<hbm>> -> memref<128xf32, #tpu.memory_space<hbm>>
      tpu.wait_dma2 semaphore(%run_scoped3A : memref<!tpu.dma_semaphore, #tpu.memory_space<semaphore_mem>>) src(%dma_wait3A_299 : memref<128xf32, #tpu.memory_space<hbm>>) dst(%arg17 : memref<128xf32, #tpu.memory_space<vmem>>)
      tpu.yield
    }) : () -> ()
    %while3A_287 = arith.constant 0 : i32
    %while3A_288 = arith.constant 0 : i32
    %while3A_289 = arith.subi %select_n3A, %while3A_288 : i32
    %while3A_290 = arith.addi %while3A_288, %while3A_289 : i32
    %while3A_291 = arith.constant 1 : i32
    %while3A_292 = arith.divsi %while3A_289, %while3A_291 : i32
    %while3A_293 = arith.muli %while3A_292, %while3A_291 : i32
    %while3A_294 = arith.addi %while3A_288, %while3A_293 : i32
    %while3A_295 = arith.constant 1 : i32
    scf.for %while3A_297 = %while3A_288 to %while3A_294 step %while3A_295  : i32 {
      %mul3A_298 = arith.constant 16 : i32
      %mul3A_299 = arith.muli %while3A_297, %mul3A_298 : i32
      %add3A = arith.addi %mul3A_0, %mul3A_299 : i32
      "tpu.region"() ({
        %run_scoped3A = tpu.sem_alloc : memref<!tpu.dma_semaphore, #tpu.memory_space<semaphore_mem>>
        %dma_start3A = arith.constant 0 : i32
        %dma_start3A_308 = arith.constant 0 : i32
        %dma_start3A_309 = tpu.memref_slice %arg11[%dma_start3A, %dma_start3A_308] : memref<64x128xf32, #tpu.memory_space<vmem>> -> memref<16x128xf32, #tpu.memory_space<vmem>>
        %dma_start3A_310 = arith.constant 0 : i32
        %dma_start3A_311 = tpu.memref_slice %arg18[%add3A, %dma_start3A_310] : memref<10000x128xf32, #tpu.memory_space<vmem_shared>> -> memref<16x128xf32, #tpu.memory_space<vmem_shared>>
        %dma_start3A_312 = arith.constant 0 : i32
        %dma_start3A_313 = arith.constant 0 : i32
        %dma_start3A_314 = tpu.memref_slice %arg11[%dma_start3A_312, %dma_start3A_313] : memref<64x128xf32, #tpu.memory_space<vmem>> -> memref<16x128xf32, #tpu.memory_space<vmem>>
        %dma_start3A_315 = arith.constant 0 : i32
        %dma_start3A_316 = tpu.memref_slice %arg18[%add3A, %dma_start3A_315] : memref<10000x128xf32, #tpu.memory_space<vmem_shared>> -> memref<16x128xf32, #tpu.memory_space<vmem_shared>>
        tpu.enqueue_dma source(%dma_start3A_316 : memref<16x128xf32, #tpu.memory_space<vmem_shared>>) target(%dma_start3A_314 : memref<16x128xf32, #tpu.memory_space<vmem>>) target_semaphore(%run_scoped3A : memref<!tpu.dma_semaphore, #tpu.memory_space<semaphore_mem>>)
        %dma_wait3A_317 = arith.constant 0 : i32
        %dma_wait3A_318 = arith.constant 0 : i32
        %dma_wait3A_319 = tpu.memref_slice %arg11[%dma_wait3A_317, %dma_wait3A_318] : memref<64x128xf32, #tpu.memory_space<vmem>> -> memref<16x128xf32, #tpu.memory_space<vmem>>
        %dma_wait3A_320 = arith.constant 0 : i32
        %dma_wait3A_321 = tpu.memref_slice %arg18[%add3A, %dma_wait3A_320] : memref<10000x128xf32, #tpu.memory_space<vmem_shared>> -> memref<16x128xf32, #tpu.memory_space<vmem_shared>>
        %dma_wait3A_322 = arith.constant 0 : i32
        %dma_wait3A_323 = arith.constant 0 : i32
        %dma_wait3A_324 = tpu.memref_slice %arg11[%dma_wait3A_322, %dma_wait3A_323] : memref<64x128xf32, #tpu.memory_space<vmem>> -> memref<16x128xf32, #tpu.memory_space<vmem>>
        %dma_wait3A_325 = arith.constant 0 : i32
        %dma_wait3A_326 = tpu.memref_slice %arg18[%add3A, %dma_wait3A_325] : memref<10000x128xf32, #tpu.memory_space<vmem_shared>> -> memref<16x128xf32, #tpu.memory_space<vmem_shared>>
        tpu.wait_dma2 semaphore(%run_scoped3A : memref<!tpu.dma_semaphore, #tpu.memory_space<semaphore_mem>>) src(%dma_wait3A_326 : memref<16x128xf32, #tpu.memory_space<vmem_shared>>) dst(%dma_wait3A_324 : memref<16x128xf32, #tpu.memory_space<vmem>>)
        tpu.yield
      }) : () -> ()
      %scan3A_300 = arith.constant 0 : i32
      %scan3A_301 = arith.constant 0 : i32
      %scan3A_302 = arith.constant 16 : i32
      %scan3A_303 = arith.addi %scan3A_301, %scan3A_302 : i32
      %scan3A_304 = arith.constant 1 : i32
      scf.for %scan3A_308 = %scan3A_301 to %scan3A_303 step %scan3A_304  : i32 {
        %add3A_309 = arith.addi %mul3A_299, %scan3A_308 : i32
        %broadcast_in_dim3A_310 = vector.broadcast %add3A_309 : i32 to vector<16xi32>
        %gather3A = tpu.vector_load_idx %arg16[%broadcast_in_dim3A_310] : memref<640xf32, #tpu.memory_space<vmem>>[vector<16xi32>], vector<16xf32>,
        %get3A_311 = arith.index_cast %scan3A_308 : i32 to index
        %get3A_312 = arith.constant 0 : index
        %get3A_313 = tpu.vector_load %arg11[%get3A_311, %get3A_312] {strides = array<i32>} : memref<64x128xf32, #tpu.memory_space<vmem>>, vector<16xf32>,
        %mul3A_314 = arith.mulf %get3A_313, %gather3A : vector<16xf32>
        %get3A_315 = arith.constant 0 : index
        %get3A_316 = tpu.vector_load %arg17[%get3A_315] {strides = array<i32>} : memref<128xf32, #tpu.memory_space<vmem>>, vector<16xf32>,
        %add3A_317 = arith.addf %mul3A_314, %get3A_316 : vector<16xf32>
        %swap3A_318 = arith.index_cast %scan3A_308 : i32 to index
        %swap3A_319 = arith.constant 0 : index
        %swap3A_320 = tpu.vector_load %arg11[%swap3A_318, %swap3A_319] {strides = array<i32>} : memref<64x128xf32, #tpu.memory_space<vmem>>, vector<16xf32>,
        tpu.vector_store %arg11[%swap3A_318, %swap3A_319], %add3A_317 {strides = array<i32>} : memref<64x128xf32, #tpu.memory_space<vmem>>, vector<16xf32>,
        %get3A_321 = arith.index_cast %scan3A_308 : i32 to index
        %get3A_322 = arith.constant 16 : index
        %get3A_323 = tpu.vector_load %arg11[%get3A_321, %get3A_322] {strides = array<i32>} : memref<64x128xf32, #tpu.memory_space<vmem>>, vector<16xf32>,
        %mul3A_324 = arith.mulf %get3A_323, %gather3A : vector<16xf32>
        %get3A_325 = arith.constant 16 : index
        %get3A_326 = tpu.vector_load %arg17[%get3A_325] {strides = array<i32>} : memref<128xf32, #tpu.memory_space<vmem>>, vector<16xf32>,
        %add3A_327 = arith.addf %mul3A_324, %get3A_326 : vector<16xf32>
        %swap3A_328 = arith.index_cast %scan3A_308 : i32 to index
        %swap3A_329 = arith.constant 16 : index
        %swap3A_330 = tpu.vector_load %arg11[%swap3A_328, %swap3A_329] {strides = array<i32>} : memref<64x128xf32, #tpu.memory_space<vmem>>, vector<16xf32>,
        tpu.vector_store %arg11[%swap3A_328, %swap3A_329], %add3A_327 {strides = array<i32>} : memref<64x128xf32, #tpu.memory_space<vmem>>, vector<16xf32>,
        %get3A_331 = arith.index_cast %scan3A_308 : i32 to index
        %get3A_332 = arith.constant 32 : index
        %get3A_333 = tpu.vector_load %arg11[%get3A_331, %get3A_332] {strides = array<i32>} : memref<64x128xf32, #tpu.memory_space<vmem>>, vector<16xf32>,
        %mul3A_334 = arith.mulf %get3A_333, %gather3A : vector<16xf32>
        %get3A_335 = arith.constant 32 : index
        %get3A_336 = tpu.vector_load %arg17[%get3A_335] {strides = array<i32>} : memref<128xf32, #tpu.memory_space<vmem>>, vector<16xf32>,
        %add3A_337 = arith.addf %mul3A_334, %get3A_336 : vector<16xf32>
        %swap3A_338 = arith.index_cast %scan3A_308 : i32 to index
        %swap3A_339 = arith.constant 32 : index
        %swap3A_340 = tpu.vector_load %arg11[%swap3A_338, %swap3A_339] {strides = array<i32>} : memref<64x128xf32, #tpu.memory_space<vmem>>, vector<16xf32>,
        tpu.vector_store %arg11[%swap3A_338, %swap3A_339], %add3A_337 {strides = array<i32>} : memref<64x128xf32, #tpu.memory_space<vmem>>, vector<16xf32>,
        %get3A_341 = arith.index_cast %scan3A_308 : i32 to index
        %get3A_342 = arith.constant 48 : index
        %get3A_343 = tpu.vector_load %arg11[%get3A_341, %get3A_342] {strides = array<i32>} : memref<64x128xf32, #tpu.memory_space<vmem>>, vector<16xf32>,
        %mul3A_344 = arith.mulf %get3A_343, %gather3A : vector<16xf32>
        %get3A_345 = arith.constant 48 : index
        %get3A_346 = tpu.vector_load %arg17[%get3A_345] {strides = array<i32>} : memref<128xf32, #tpu.memory_space<vmem>>, vector<16xf32>,
        %add3A_347 = arith.addf %mul3A_344, %get3A_346 : vector<16xf32>
        %swap3A_348 = arith.index_cast %scan3A_308 : i32 to index
        %swap3A_349 = arith.constant 48 : index
        %swap3A_350 = tpu.vector_load %arg11[%swap3A_348, %swap3A_349] {strides = array<i32>} : memref<64x128xf32, #tpu.memory_space<vmem>>, vector<16xf32>,
        tpu.vector_store %arg11[%swap3A_348, %swap3A_349], %add3A_347 {strides = array<i32>} : memref<64x128xf32, #tpu.memory_space<vmem>>, vector<16xf32>,
        %get3A_351 = arith.index_cast %scan3A_308 : i32 to index
        %get3A_352 = arith.constant 64 : index
        %get3A_353 = tpu.vector_load %arg11[%get3A_351, %get3A_352] {strides = array<i32>} : memref<64x128xf32, #tpu.memory_space<vmem>>, vector<16xf32>,
        %mul3A_354 = arith.mulf %get3A_353, %gather3A : vector<16xf32>
        %get3A_355 = arith.constant 64 : index
        %get3A_356 = tpu.vector_load %arg17[%get3A_355] {strides = array<i32>} : memref<128xf32, #tpu.memory_space<vmem>>, vector<16xf32>,
        %add3A_357 = arith.addf %mul3A_354, %get3A_356 : vector<16xf32>
        %swap3A_358 = arith.index_cast %scan3A_308 : i32 to index
        %swap3A_359 = arith.constant 64 : index
        %swap3A_360 = tpu.vector_load %arg11[%swap3A_358, %swap3A_359] {strides = array<i32>} : memref<64x128xf32, #tpu.memory_space<vmem>>, vector<16xf32>,
        tpu.vector_store %arg11[%swap3A_358, %swap3A_359], %add3A_357 {strides = array<i32>} : memref<64x128xf32, #tpu.memory_space<vmem>>, vector<16xf32>,
        %get3A_361 = arith.index_cast %scan3A_308 : i32 to index
        %get3A_362 = arith.constant 80 : index
        %get3A_363 = tpu.vector_load %arg11[%get3A_361, %get3A_362] {strides = array<i32>} : memref<64x128xf32, #tpu.memory_space<vmem>>, vector<16xf32>,
        %mul3A_364 = arith.mulf %get3A_363, %gather3A : vector<16xf32>
        %get3A_365 = arith.constant 80 : index
        %get3A_366 = tpu.vector_load %arg17[%get3A_365] {strides = array<i32>} : memref<128xf32, #tpu.memory_space<vmem>>, vector<16xf32>,
        %add3A_367 = arith.addf %mul3A_364, %get3A_366 : vector<16xf32>
        %swap3A_368 = arith.index_cast %scan3A_308 : i32 to index
        %swap3A_369 = arith.constant 80 : index
        %swap3A_370 = tpu.vector_load %arg11[%swap3A_368, %swap3A_369] {strides = array<i32>} : memref<64x128xf32, #tpu.memory_space<vmem>>, vector<16xf32>,
        tpu.vector_store %arg11[%swap3A_368, %swap3A_369], %add3A_367 {strides = array<i32>} : memref<64x128xf32, #tpu.memory_space<vmem>>, vector<16xf32>,
        %get3A_371 = arith.index_cast %scan3A_308 : i32 to index
        %get3A_372 = arith.constant 96 : index
        %get3A_373 = tpu.vector_load %arg11[%get3A_371, %get3A_372] {strides = array<i32>} : memref<64x128xf32, #tpu.memory_space<vmem>>, vector<16xf32>,
        %mul3A_374 = arith.mulf %get3A_373, %gather3A : vector<16xf32>
        %get3A_375 = arith.constant 96 : index
        %get3A_376 = tpu.vector_load %arg17[%get3A_375] {strides = array<i32>} : memref<128xf32, #tpu.memory_space<vmem>>, vector<16xf32>,
        %add3A_377 = arith.addf %mul3A_374, %get3A_376 : vector<16xf32>
        %swap3A_378 = arith.index_cast %scan3A_308 : i32 to index
        %swap3A_379 = arith.constant 96 : index
        %swap3A_380 = tpu.vector_load %arg11[%swap3A_378, %swap3A_379] {strides = array<i32>} : memref<64x128xf32, #tpu.memory_space<vmem>>, vector<16xf32>,
        tpu.vector_store %arg11[%swap3A_378, %swap3A_379], %add3A_377 {strides = array<i32>} : memref<64x128xf32, #tpu.memory_space<vmem>>, vector<16xf32>,
        %get3A_381 = arith.index_cast %scan3A_308 : i32 to index
        %get3A_382 = arith.constant 112 : index
        %get3A_383 = tpu.vector_load %arg11[%get3A_381, %get3A_382] {strides = array<i32>} : memref<64x128xf32, #tpu.memory_space<vmem>>, vector<16xf32>,
        %mul3A_384 = arith.mulf %get3A_383, %gather3A : vector<16xf32>
        %get3A_385 = arith.constant 112 : index
        %get3A_386 = tpu.vector_load %arg17[%get3A_385] {strides = array<i32>} : memref<128xf32, #tpu.memory_space<vmem>>, vector<16xf32>,
        %add3A_387 = arith.addf %mul3A_384, %get3A_386 : vector<16xf32>
        %swap3A_388 = arith.index_cast %scan3A_308 : i32 to index
        %swap3A_389 = arith.constant 112 : index
        %swap3A_390 = tpu.vector_load %arg11[%swap3A_388, %swap3A_389] {strides = array<i32>} : memref<64x128xf32, #tpu.memory_space<vmem>>, vector<16xf32>,
        tpu.vector_store %arg11[%swap3A_388, %swap3A_389], %add3A_387 {strides = array<i32>} : memref<64x128xf32, #tpu.memory_space<vmem>>, vector<16xf32>,
      }
      %scan3A_305 = arith.constant 16 : i32
      %mul3A_306 = arith.constant 128 : i32
      %mul3A_307 = arith.muli %arg0, %mul3A_306 : i32
      "tpu.region"() ({
        %run_scoped3A = tpu.sem_alloc : memref<!tpu.dma_semaphore, #tpu.memory_space<semaphore_mem>>
        %dma_start3A = arith.constant 0 : i32
        %dma_start3A_308 = arith.constant 0 : i32
        %dma_start3A_309 = tpu.memref_slice %arg11[%dma_start3A, %dma_start3A_308] : memref<64x128xf32, #tpu.memory_space<vmem>> -> memref<16x128xf32, #tpu.memory_space<vmem>>
        %dma_start3A_310 = tpu.memref_slice %arg8[%add3A, %mul3A_307] : memref<10000x256xf32, #tpu.memory_space<hbm>> -> memref<16x128xf32, #tpu.memory_space<hbm>>
        %dma_start3A_311 = tpu.memref_slice %arg8[%add3A, %mul3A_307] : memref<10000x256xf32, #tpu.memory_space<hbm>> -> memref<16x128xf32, #tpu.memory_space<hbm>>
        %dma_start3A_312 = arith.constant 0 : i32
        %dma_start3A_313 = arith.constant 0 : i32
        %dma_start3A_314 = tpu.memref_slice %arg11[%dma_start3A_312, %dma_start3A_313] : memref<64x128xf32, #tpu.memory_space<vmem>> -> memref<16x128xf32, #tpu.memory_space<vmem>>
        tpu.enqueue_dma source(%dma_start3A_314 : memref<16x128xf32, #tpu.memory_space<vmem>>) target(%dma_start3A_311 : memref<16x128xf32, #tpu.memory_space<hbm>>) target_semaphore(%run_scoped3A : memref<!tpu.dma_semaphore, #tpu.memory_space<semaphore_mem>>)
        %dma_wait3A_315 = arith.constant 0 : i32
        %dma_wait3A_316 = arith.constant 0 : i32
        %dma_wait3A_317 = tpu.memref_slice %arg11[%dma_wait3A_315, %dma_wait3A_316] : memref<64x128xf32, #tpu.memory_space<vmem>> -> memref<16x128xf32, #tpu.memory_space<vmem>>
        %dma_wait3A_318 = tpu.memref_slice %arg8[%add3A, %mul3A_307] : memref<10000x256xf32, #tpu.memory_space<hbm>> -> memref<16x128xf32, #tpu.memory_space<hbm>>
        %dma_wait3A_319 = tpu.memref_slice %arg8[%add3A, %mul3A_307] : memref<10000x256xf32, #tpu.memory_space<hbm>> -> memref<16x128xf32, #tpu.memory_space<hbm>>
        %dma_wait3A_320 = arith.constant 0 : i32
        %dma_wait3A_321 = arith.constant 0 : i32
        %dma_wait3A_322 = tpu.memref_slice %arg11[%dma_wait3A_320, %dma_wait3A_321] : memref<64x128xf32, #tpu.memory_space<vmem>> -> memref<16x128xf32, #tpu.memory_space<vmem>>
        tpu.wait_dma2 semaphore(%run_scoped3A : memref<!tpu.dma_semaphore, #tpu.memory_space<semaphore_mem>>) src(%dma_wait3A_322 : memref<16x128xf32, #tpu.memory_space<vmem>>) dst(%dma_wait3A_319 : memref<16x128xf32, #tpu.memory_space<hbm>>)
        tpu.yield
      }) : () -> ()
    }
    %while3A_296 = arith.constant 1 : i32
    scf.for %while3A_297 = %while3A_294 to %while3A_290 step %while3A_296  : i32 {
      %mul3A_298 = arith.constant 16 : i32
      %mul3A_299 = arith.muli %while3A_297, %mul3A_298 : i32
      %add3A = arith.addi %mul3A_0, %mul3A_299 : i32
      "tpu.region"() ({
        %run_scoped3A = tpu.sem_alloc : memref<!tpu.dma_semaphore, #tpu.memory_space<semaphore_mem>>
        %dma_start3A = arith.constant 0 : i32
        %dma_start3A_308 = arith.constant 0 : i32
        %dma_start3A_309 = tpu.memref_slice %arg11[%dma_start3A, %dma_start3A_308] : memref<64x128xf32, #tpu.memory_space<vmem>> -> memref<16x128xf32, #tpu.memory_space<vmem>>
        %dma_start3A_310 = arith.constant 0 : i32
        %dma_start3A_311 = tpu.memref_slice %arg18[%add3A, %dma_start3A_310] : memref<10000x128xf32, #tpu.memory_space<vmem_shared>> -> memref<16x128xf32, #tpu.memory_space<vmem_shared>>
        %dma_start3A_312 = arith.constant 0 : i32
        %dma_start3A_313 = arith.constant 0 : i32
        %dma_start3A_314 = tpu.memref_slice %arg11[%dma_start3A_312, %dma_start3A_313] : memref<64x128xf32, #tpu.memory_space<vmem>> -> memref<16x128xf32, #tpu.memory_space<vmem>>
        %dma_start3A_315 = arith.constant 0 : i32
        %dma_start3A_316 = tpu.memref_slice %arg18[%add3A, %dma_start3A_315] : memref<10000x128xf32, #tpu.memory_space<vmem_shared>> -> memref<16x128xf32, #tpu.memory_space<vmem_shared>>
        tpu.enqueue_dma source(%dma_start3A_316 : memref<16x128xf32, #tpu.memory_space<vmem_shared>>) target(%dma_start3A_314 : memref<16x128xf32, #tpu.memory_space<vmem>>) target_semaphore(%run_scoped3A : memref<!tpu.dma_semaphore, #tpu.memory_space<semaphore_mem>>)
        %dma_wait3A_317 = arith.constant 0 : i32
        %dma_wait3A_318 = arith.constant 0 : i32
        %dma_wait3A_319 = tpu.memref_slice %arg11[%dma_wait3A_317, %dma_wait3A_318] : memref<64x128xf32, #tpu.memory_space<vmem>> -> memref<16x128xf32, #tpu.memory_space<vmem>>
        %dma_wait3A_320 = arith.constant 0 : i32
        %dma_wait3A_321 = tpu.memref_slice %arg18[%add3A, %dma_wait3A_320] : memref<10000x128xf32, #tpu.memory_space<vmem_shared>> -> memref<16x128xf32, #tpu.memory_space<vmem_shared>>
        %dma_wait3A_322 = arith.constant 0 : i32
        %dma_wait3A_323 = arith.constant 0 : i32
        %dma_wait3A_324 = tpu.memref_slice %arg11[%dma_wait3A_322, %dma_wait3A_323] : memref<64x128xf32, #tpu.memory_space<vmem>> -> memref<16x128xf32, #tpu.memory_space<vmem>>
        %dma_wait3A_325 = arith.constant 0 : i32
        %dma_wait3A_326 = tpu.memref_slice %arg18[%add3A, %dma_wait3A_325] : memref<10000x128xf32, #tpu.memory_space<vmem_shared>> -> memref<16x128xf32, #tpu.memory_space<vmem_shared>>
        tpu.wait_dma2 semaphore(%run_scoped3A : memref<!tpu.dma_semaphore, #tpu.memory_space<semaphore_mem>>) src(%dma_wait3A_326 : memref<16x128xf32, #tpu.memory_space<vmem_shared>>) dst(%dma_wait3A_324 : memref<16x128xf32, #tpu.memory_space<vmem>>)
        tpu.yield
      }) : () -> ()
      %scan3A_300 = arith.constant 0 : i32
      %scan3A_301 = arith.constant 0 : i32
      %scan3A_302 = arith.constant 16 : i32
      %scan3A_303 = arith.addi %scan3A_301, %scan3A_302 : i32
      %scan3A_304 = arith.constant 1 : i32
      scf.for %scan3A_308 = %scan3A_301 to %scan3A_303 step %scan3A_304  : i32 {
        %add3A_309 = arith.addi %mul3A_299, %scan3A_308 : i32
        %broadcast_in_dim3A_310 = vector.broadcast %add3A_309 : i32 to vector<16xi32>
        %gather3A = tpu.vector_load_idx %arg16[%broadcast_in_dim3A_310] : memref<640xf32, #tpu.memory_space<vmem>>[vector<16xi32>], vector<16xf32>,
        %get3A_311 = arith.index_cast %scan3A_308 : i32 to index
        %get3A_312 = arith.constant 0 : index
        %get3A_313 = tpu.vector_load %arg11[%get3A_311, %get3A_312] {strides = array<i32>} : memref<64x128xf32, #tpu.memory_space<vmem>>, vector<16xf32>,
        %mul3A_314 = arith.mulf %get3A_313, %gather3A : vector<16xf32>
        %get3A_315 = arith.constant 0 : index
        %get3A_316 = tpu.vector_load %arg17[%get3A_315] {strides = array<i32>} : memref<128xf32, #tpu.memory_space<vmem>>, vector<16xf32>,
        %add3A_317 = arith.addf %mul3A_314, %get3A_316 : vector<16xf32>
        %swap3A_318 = arith.index_cast %scan3A_308 : i32 to index
        %swap3A_319 = arith.constant 0 : index
        %swap3A_320 = tpu.vector_load %arg11[%swap3A_318, %swap3A_319] {strides = array<i32>} : memref<64x128xf32, #tpu.memory_space<vmem>>, vector<16xf32>,
        tpu.vector_store %arg11[%swap3A_318, %swap3A_319], %add3A_317 {strides = array<i32>} : memref<64x128xf32, #tpu.memory_space<vmem>>, vector<16xf32>,
        %get3A_321 = arith.index_cast %scan3A_308 : i32 to index
        %get3A_322 = arith.constant 16 : index
        %get3A_323 = tpu.vector_load %arg11[%get3A_321, %get3A_322] {strides = array<i32>} : memref<64x128xf32, #tpu.memory_space<vmem>>, vector<16xf32>,
        %mul3A_324 = arith.mulf %get3A_323, %gather3A : vector<16xf32>
        %get3A_325 = arith.constant 16 : index
        %get3A_326 = tpu.vector_load %arg17[%get3A_325] {strides = array<i32>} : memref<128xf32, #tpu.memory_space<vmem>>, vector<16xf32>,
        %add3A_327 = arith.addf %mul3A_324, %get3A_326 : vector<16xf32>
        %swap3A_328 = arith.index_cast %scan3A_308 : i32 to index
        %swap3A_329 = arith.constant 16 : index
        %swap3A_330 = tpu.vector_load %arg11[%swap3A_328, %swap3A_329] {strides = array<i32>} : memref<64x128xf32, #tpu.memory_space<vmem>>, vector<16xf32>,
        tpu.vector_store %arg11[%swap3A_328, %swap3A_329], %add3A_327 {strides = array<i32>} : memref<64x128xf32, #tpu.memory_space<vmem>>, vector<16xf32>,
        %get3A_331 = arith.index_cast %scan3A_308 : i32 to index
        %get3A_332 = arith.constant 32 : index
        %get3A_333 = tpu.vector_load %arg11[%get3A_331, %get3A_332] {strides = array<i32>} : memref<64x128xf32, #tpu.memory_space<vmem>>, vector<16xf32>,
        %mul3A_334 = arith.mulf %get3A_333, %gather3A : vector<16xf32>
        %get3A_335 = arith.constant 32 : index
        %get3A_336 = tpu.vector_load %arg17[%get3A_335] {strides = array<i32>} : memref<128xf32, #tpu.memory_space<vmem>>, vector<16xf32>,
        %add3A_337 = arith.addf %mul3A_334, %get3A_336 : vector<16xf32>
        %swap3A_338 = arith.index_cast %scan3A_308 : i32 to index
        %swap3A_339 = arith.constant 32 : index
        %swap3A_340 = tpu.vector_load %arg11[%swap3A_338, %swap3A_339] {strides = array<i32>} : memref<64x128xf32, #tpu.memory_space<vmem>>, vector<16xf32>,
        tpu.vector_store %arg11[%swap3A_338, %swap3A_339], %add3A_337 {strides = array<i32>} : memref<64x128xf32, #tpu.memory_space<vmem>>, vector<16xf32>,
        %get3A_341 = arith.index_cast %scan3A_308 : i32 to index
        %get3A_342 = arith.constant 48 : index
        %get3A_343 = tpu.vector_load %arg11[%get3A_341, %get3A_342] {strides = array<i32>} : memref<64x128xf32, #tpu.memory_space<vmem>>, vector<16xf32>,
        %mul3A_344 = arith.mulf %get3A_343, %gather3A : vector<16xf32>
        %get3A_345 = arith.constant 48 : index
        %get3A_346 = tpu.vector_load %arg17[%get3A_345] {strides = array<i32>} : memref<128xf32, #tpu.memory_space<vmem>>, vector<16xf32>,
        %add3A_347 = arith.addf %mul3A_344, %get3A_346 : vector<16xf32>
        %swap3A_348 = arith.index_cast %scan3A_308 : i32 to index
        %swap3A_349 = arith.constant 48 : index
        %swap3A_350 = tpu.vector_load %arg11[%swap3A_348, %swap3A_349] {strides = array<i32>} : memref<64x128xf32, #tpu.memory_space<vmem>>, vector<16xf32>,
        tpu.vector_store %arg11[%swap3A_348, %swap3A_349], %add3A_347 {strides = array<i32>} : memref<64x128xf32, #tpu.memory_space<vmem>>, vector<16xf32>,
        %get3A_351 = arith.index_cast %scan3A_308 : i32 to index
        %get3A_352 = arith.constant 64 : index
        %get3A_353 = tpu.vector_load %arg11[%get3A_351, %get3A_352] {strides = array<i32>} : memref<64x128xf32, #tpu.memory_space<vmem>>, vector<16xf32>,
        %mul3A_354 = arith.mulf %get3A_353, %gather3A : vector<16xf32>
        %get3A_355 = arith.constant 64 : index
        %get3A_356 = tpu.vector_load %arg17[%get3A_355] {strides = array<i32>} : memref<128xf32, #tpu.memory_space<vmem>>, vector<16xf32>,
        %add3A_357 = arith.addf %mul3A_354, %get3A_356 : vector<16xf32>
        %swap3A_358 = arith.index_cast %scan3A_308 : i32 to index
        %swap3A_359 = arith.constant 64 : index
        %swap3A_360 = tpu.vector_load %arg11[%swap3A_358, %swap3A_359] {strides = array<i32>} : memref<64x128xf32, #tpu.memory_space<vmem>>, vector<16xf32>,
        tpu.vector_store %arg11[%swap3A_358, %swap3A_359], %add3A_357 {strides = array<i32>} : memref<64x128xf32, #tpu.memory_space<vmem>>, vector<16xf32>,
        %get3A_361 = arith.index_cast %scan3A_308 : i32 to index
        %get3A_362 = arith.constant 80 : index
        %get3A_363 = tpu.vector_load %arg11[%get3A_361, %get3A_362] {strides = array<i32>} : memref<64x128xf32, #tpu.memory_space<vmem>>, vector<16xf32>,
        %mul3A_364 = arith.mulf %get3A_363, %gather3A : vector<16xf32>
        %get3A_365 = arith.constant 80 : index
        %get3A_366 = tpu.vector_load %arg17[%get3A_365] {strides = array<i32>} : memref<128xf32, #tpu.memory_space<vmem>>, vector<16xf32>,
        %add3A_367 = arith.addf %mul3A_364, %get3A_366 : vector<16xf32>
        %swap3A_368 = arith.index_cast %scan3A_308 : i32 to index
        %swap3A_369 = arith.constant 80 : index
        %swap3A_370 = tpu.vector_load %arg11[%swap3A_368, %swap3A_369] {strides = array<i32>} : memref<64x128xf32, #tpu.memory_space<vmem>>, vector<16xf32>,
        tpu.vector_store %arg11[%swap3A_368, %swap3A_369], %add3A_367 {strides = array<i32>} : memref<64x128xf32, #tpu.memory_space<vmem>>, vector<16xf32>,
        %get3A_371 = arith.index_cast %scan3A_308 : i32 to index
        %get3A_372 = arith.constant 96 : index
        %get3A_373 = tpu.vector_load %arg11[%get3A_371, %get3A_372] {strides = array<i32>} : memref<64x128xf32, #tpu.memory_space<vmem>>, vector<16xf32>,
        %mul3A_374 = arith.mulf %get3A_373, %gather3A : vector<16xf32>
        %get3A_375 = arith.constant 96 : index
        %get3A_376 = tpu.vector_load %arg17[%get3A_375] {strides = array<i32>} : memref<128xf32, #tpu.memory_space<vmem>>, vector<16xf32>,
        %add3A_377 = arith.addf %mul3A_374, %get3A_376 : vector<16xf32>
        %swap3A_378 = arith.index_cast %scan3A_308 : i32 to index
        %swap3A_379 = arith.constant 96 : index
        %swap3A_380 = tpu.vector_load %arg11[%swap3A_378, %swap3A_379] {strides = array<i32>} : memref<64x128xf32, #tpu.memory_space<vmem>>, vector<16xf32>,
        tpu.vector_store %arg11[%swap3A_378, %swap3A_379], %add3A_377 {strides = array<i32>} : memref<64x128xf32, #tpu.memory_space<vmem>>, vector<16xf32>,
        %get3A_381 = arith.index_cast %scan3A_308 : i32 to index
        %get3A_382 = arith.constant 112 : index
        %get3A_383 = tpu.vector_load %arg11[%get3A_381, %get3A_382] {strides = array<i32>} : memref<64x128xf32, #tpu.memory_space<vmem>>, vector<16xf32>,
        %mul3A_384 = arith.mulf %get3A_383, %gather3A : vector<16xf32>
        %get3A_385 = arith.constant 112 : index
        %get3A_386 = tpu.vector_load %arg17[%get3A_385] {strides = array<i32>} : memref<128xf32, #tpu.memory_space<vmem>>, vector<16xf32>,
        %add3A_387 = arith.addf %mul3A_384, %get3A_386 : vector<16xf32>
        %swap3A_388 = arith.index_cast %scan3A_308 : i32 to index
        %swap3A_389 = arith.constant 112 : index
        %swap3A_390 = tpu.vector_load %arg11[%swap3A_388, %swap3A_389] {strides = array<i32>} : memref<64x128xf32, #tpu.memory_space<vmem>>, vector<16xf32>,
        tpu.vector_store %arg11[%swap3A_388, %swap3A_389], %add3A_387 {strides = array<i32>} : memref<64x128xf32, #tpu.memory_space<vmem>>, vector<16xf32>,
      }
      %scan3A_305 = arith.constant 16 : i32
      %mul3A_306 = arith.constant 128 : i32
      %mul3A_307 = arith.muli %arg0, %mul3A_306 : i32
      "tpu.region"() ({
        %run_scoped3A = tpu.sem_alloc : memref<!tpu.dma_semaphore, #tpu.memory_space<semaphore_mem>>
        %dma_start3A = arith.constant 0 : i32
        %dma_start3A_308 = arith.constant 0 : i32
        %dma_start3A_309 = tpu.memref_slice %arg11[%dma_start3A, %dma_start3A_308] : memref<64x128xf32, #tpu.memory_space<vmem>> -> memref<16x128xf32, #tpu.memory_space<vmem>>
        %dma_start3A_310 = tpu.memref_slice %arg8[%add3A, %mul3A_307] : memref<10000x256xf32, #tpu.memory_space<hbm>> -> memref<16x128xf32, #tpu.memory_space<hbm>>
        %dma_start3A_311 = tpu.memref_slice %arg8[%add3A, %mul3A_307] : memref<10000x256xf32, #tpu.memory_space<hbm>> -> memref<16x128xf32, #tpu.memory_space<hbm>>
        %dma_start3A_312 = arith.constant 0 : i32
        %dma_start3A_313 = arith.constant 0 : i32
        %dma_start3A_314 = tpu.memref_slice %arg11[%dma_start3A_312, %dma_start3A_313] : memref<64x128xf32, #tpu.memory_space<vmem>> -> memref<16x128xf32, #tpu.memory_space<vmem>>
        tpu.enqueue_dma source(%dma_start3A_314 : memref<16x128xf32, #tpu.memory_space<vmem>>) target(%dma_start3A_311 : memref<16x128xf32, #tpu.memory_space<hbm>>) target_semaphore(%run_scoped3A : memref<!tpu.dma_semaphore, #tpu.memory_space<semaphore_mem>>)
        %dma_wait3A_315 = arith.constant 0 : i32
        %dma_wait3A_316 = arith.constant 0 : i32
        %dma_wait3A_317 = tpu.memref_slice %arg11[%dma_wait3A_315, %dma_wait3A_316] : memref<64x128xf32, #tpu.memory_space<vmem>> -> memref<16x128xf32, #tpu.memory_space<vmem>>
        %dma_wait3A_318 = tpu.memref_slice %arg8[%add3A, %mul3A_307] : memref<10000x256xf32, #tpu.memory_space<hbm>> -> memref<16x128xf32, #tpu.memory_space<hbm>>
        %dma_wait3A_319 = tpu.memref_slice %arg8[%add3A, %mul3A_307] : memref<10000x256xf32, #tpu.memory_space<hbm>> -> memref<16x128xf32, #tpu.memory_space<hbm>>
        %dma_wait3A_320 = arith.constant 0 : i32
        %dma_wait3A_321 = arith.constant 0 : i32
        %dma_wait3A_322 = tpu.memref_slice %arg11[%dma_wait3A_320, %dma_wait3A_321] : memref<64x128xf32, #tpu.memory_space<vmem>> -> memref<16x128xf32, #tpu.memory_space<vmem>>
        tpu.wait_dma2 semaphore(%run_scoped3A : memref<!tpu.dma_semaphore, #tpu.memory_space<semaphore_mem>>) src(%dma_wait3A_322 : memref<16x128xf32, #tpu.memory_space<vmem>>) dst(%dma_wait3A_319 : memref<16x128xf32, #tpu.memory_space<hbm>>)
        tpu.yield
      }) : () -> ()
    }
    return
  }
}

module attributes {stable_mosaic.version = 14 : i64} {
  func.func @_mm_body(%arg0: i32, %arg1: memref<400x256xf32, #tpu.memory_space<vmem>>, %arg2: memref<256x128xf32, #tpu.memory_space<vmem>>, %arg3: memref<400x128xf32, #tpu.memory_space<vmem>>) attributes {dimension_semantics = [#tpu.dimension_semantics<arbitrary>], iteration_bounds = array<i64: 25>, scalar_prefetch = 0 : i64, scratch_operands = 0 : i64, tpu.core_type = #tpu.core_type<tc>, window_params = [{transform_indices = @transform_0, window_bounds = array<i64: 400, 256>}, {pipeline_mode = #tpu.pipeline_mode<synchronous>, transform_indices = @transform_1, window_bounds = array<i64: 256, 128>}, {transform_indices = @transform_2, window_bounds = array<i64: 400, 128>}]} {
    %get3A = arith.constant 0 : index
    %get3A_0 = arith.constant 0 : index
    %get3A_1 = vector.load %arg1[%get3A, %get3A_0] : memref<400x256xf32, #tpu.memory_space<vmem>>, vector<400x256xf32>
    %get3A_2 = arith.constant 0 : index
    %get3A_3 = arith.constant 0 : index
    %get3A_4 = vector.load %arg2[%get3A_2, %get3A_3] : memref<256x128xf32, #tpu.memory_space<vmem>>, vector<256x128xf32>
    %dot_general3A = arith.constant dense<0.000000e+00> : vector<400x128xf32>
    %dot_general3A_5 = tpu.matmul %get3A_1, %get3A_4, %dot_general3A {dimension_numbers = #tpu.dot_dimension_numbers<[1], [0], [0], [1], [0, 0, 1, 1], [], []>, transpose_lhs_hint = false} : vector<400x256xf32>, vector<256x128xf32>, vector<400x128xf32> -> vector<400x128xf32>
    %swap3A = arith.constant 0 : index
    %swap3A_6 = arith.constant 0 : index
    %swap3A_7 = vector.load %arg3[%swap3A, %swap3A_6] : memref<400x128xf32, #tpu.memory_space<vmem>>, vector<400x128xf32>
    tpu.vector_store %arg3[%swap3A, %swap3A_6], %dot_general3A_5 {strides = array<i32>} : memref<400x128xf32, #tpu.memory_space<vmem>>, vector<400x128xf32>,
    return
  }
  func.func @transform_0(%arg0: i32) -> (i32, i32) {
    %c0_i32 = arith.constant 0 : i32
    %c0_i32_0 = arith.constant 0 : i32
    return %arg0, %c0_i32 : i32, i32
  }
  func.func @transform_1(%arg0: i32) -> (i32, i32) {
    %c0_i32 = arith.constant 0 : i32
    %c0_i32_0 = arith.constant 0 : i32
    %c0_i32_1 = arith.constant 0 : i32
    return %c0_i32, %c0_i32_0 : i32, i32
  }
  func.func @transform_2(%arg0: i32) -> (i32, i32) {
    %c0_i32 = arith.constant 0 : i32
    %c0_i32_0 = arith.constant 0 : i32
    return %arg0, %c0_i32 : i32, i32
  }
}

</mosaic_0001>

<sc_bundles>
// kernel: kernel.6.cloned.1.call-start
scs
__scs_entry_jumppad:
0x0: {  	(pc) =	sbr.rel $0x88, $3  }
0x1: {  	(tag) =	ssettag $0x0;
	lr =	simm.s32 $0x1  }
0x2: {  	[smem:$0x3F9C] =	sst lr;
	_ =	strace $0xD0000000  }
0x3: {  	_ = 	snop  }
0x4: {  	_ = 	snop  }
0x5: {  	_ = 	snop  }
0x6: {  	_ = 	snop  }
0x7: {  	_ = 	snop  }
__scs_overlays_trampoline_lowered:
0x8: {  	[smem:$0x3FAB] =	sst s0  }
0x9: {  	[smem:$0x3FAC] =	sst s1  }
0xa: {  	[smem:$0x3FAD] =	sst s2  }
0xb: {  	[smem:$0x3FAE] =	sst s3  }
0xc: {  	[smem:$0x3FAF] =	sst s4  }
0xd: {  	[smem:$0x3FB0] =	sst s5  }
0xe: {  	[smem:$0x3FB1] =	sst s6  }
0xf: {  	[smem:$0x3FB2] =	sst s7  }
0x10: {  	[smem:$0x3FB3] =	sst s8  }
0x11: {  	[smem:$0x3FB4] =	sst s9;
	s0 =	simm.s32 @!p0 $0x0  }
0x12: {  	s1 =	sld [smem:$0x3F9A];
	s0 =	simm.s32 @p0 $0x1  }
0x13: {  	[smem:$0x3FB5] =	sst s0;
	s0 =	simm.s32 @!p1 $0x0  }
0x14: {  	s2 =	sld [smem:$0x3F99];
	s0 =	simm.s32 @p1 $0x1  }
0x15: {  	[smem:$0x3FB6] =	sst s0;
	s0 =	simm.s32 @!p2 $0x0  }
0x16: {  	s3 =	sld [smem:$0x3FDB];
	s0 =	simm.s32 @p2 $0x1  }
0x17: {  	s4 =	simm.s32 $0x1BF5;
	[smem:$0x3FB8] =	sst s0  }
0x18: {  	s0 =	sld [smem:$0x3F9B];
	_ =	swait.ge [sflag:s4], $0x0  }
0x19: {  	s7 =	sld [smem:$0x3F9C]  }
0x1a: {  	s8 =	sadd.s32 $0xFFFFE003, lr  }
0x1b: {  	s9 =	sadd.s32 $0xFFFFFEF7, lr;
	s5 =	simm.s32 $0xFFFFFFFF;
	p2 =	slt.u32 s8, $0xFFFFF086  }
0x1c: {  	p1 =	slt.u32 s9, $0xF7A;
	s5 =	simm.s32 @!p2 $0x0  }
0x1d: {  	s5 =	simm.s32 @p1 $0x1;
	p0 =	seq.s32 s7, s2  }
0x1e: {  	s7 =	smul.u32 @!p0 $0xF7A, s2;
	p2 =	seq.s32 @!p0 s5, $0x0  }
0x1f: {  	s9 =	smul.u32 $0xF7A, s1;
	s8 =	simm.s32 @!p0 $0x1BF5;
	p2 =	por !p2, p0  }
0x20: {  	[sflag:s8] =	ssyncset.s32 @!p0 $0xFFFFF086;
	s6 =	sadd.s32 @!p0 s3, s7;
	s7 =	simm.s32 @!p0 $0x108  }
0x21: {  	s3 =	sadd.s32 s3, s9;
	s6 =	sadd.s32 @!p0 $0x88, s6;
	s7 =	simm.s32 @p2 $0x1082  }
0x22: {  	[simem:s7], [sflag:s8] =	dma.local @!p0 [hbm:s6], $0xF7A  }
0x23: {  	s9 =	sor.u32 $0xD0000000, s2;
	s6 =	simm.s32 $0x108;
	_ =	swait.ge @!p0 [sflag:s8], $0x0  }
0x24: {  	s3 =	sadd.s32 $0x88, s3;
	s6 =	simm.s32 @!p1 $0x1082;
	[sflag:s4] =	ssyncset.s32 $0xFFFFF086  }
0x25: {  	[simem:s6], [sflag:s4] =	dma.local [hbm:s3], $0xF7A  }
0x26: {  	[smem:$0x3F9C] =	sst s1;
	(tag) =	ssettag s2;
	_ =	strace s9  }
0x27: {  	s1 =	sld [smem:$0x3FAC]  }
0x28: {  	s2 =	sld [smem:$0x3FAD]  }
0x29: {  	s4 =	sld [smem:$0x3FAF]  }
0x2a: {  	p0 =	seq.s32 s5, $0x0;
	s5 =	sld [smem:$0x3FB0]  }
0x2b: {  	s6 =	sld [smem:$0x3FB1]  }
0x2c: {  	s7 =	sld [smem:$0x3FB2]  }
0x2d: {  	s3 =	simm.s32 $0x108;
	s8 =	sld [smem:$0x3FB3]  }
0x2e: {  	s3 =	simm.s32 @!p0 $0x1082;
	s9 =	sld [smem:$0x3FB4]  }
0x2f: {  	lr =	sadd.s32 s0, s3;
	s0 =	sld [smem:$0x3FAB]  }
0x30: {  	s3 =	sld [smem:$0x3FAE]  }
0x31: {  	[smem:$0x3FB7] =	sst s10  }
0x32: {  	s10 =	sld [smem:$0x3FB5];
	_ =	sdelay $0x3  }
0x33: {  	p0 =	seq.s32 s10, $0x1;
	s10 =	sld [smem:$0x3FB7];
	_ =	sdelay $0x3  }
0x34: {  	[smem:$0x3FB7] =	sst s10  }
0x35: {  	s10 =	sld [smem:$0x3FB6];
	_ =	sdelay $0x3  }
0x36: {  	p1 =	seq.s32 s10, $0x1;
	s10 =	sld [smem:$0x3FB7];
	_ =	sdelay $0x3  }
0x37: {  	[smem:$0x3FB7] =	sst s10  }
0x38: {  	s10 =	sld [smem:$0x3FB8]  }
0x39: {  	_ = 	snop;
	(pc) =	sbr.ind lr, $3  }
0x3a: {  	_ = 	snop  }
0x3b: {  	_ = 	snop  }
0x3c: {  	p2 =	seq.s32 s10, $0x1;
	s10 =	sld [smem:$0x3FB7]  }
0x3d: {  	_ =	shalt  }
0x3e: {  	_ =	shalt  }
0x3f: {  	_ =	shalt  }
0x40: {  	_ =	shalt  }
0x41: {  	_ =	shalt  }
0x42: {  	_ =	shalt  }
0x43: {  	_ =	shalt  }
0x44: {  	_ =	shalt  }
0x45: {  	_ =	shalt  }
0x46: {  	_ =	shalt  }
0x47: {  	_ =	shalt  }
0x48: {  	_ =	shalt  }
0x49: {  	_ =	shalt  }
0x4a: {  	_ =	shalt  }
0x4b: {  	_ =	shalt  }
0x4c: {  	_ =	shalt  }
0x4d: {  	_ =	shalt  }
0x4e: {  	_ =	shalt  }
0x4f: {  	_ =	shalt  }
0x50: {  	_ =	shalt  }
0x51: {  	_ =	shalt  }
0x52: {  	_ =	shalt  }
0x53: {  	_ =	shalt  }
0x54: {  	_ =	shalt  }
0x55: {  	_ =	shalt  }
0x56: {  	_ =	shalt  }
0x57: {  	_ =	shalt  }
0x58: {  	_ =	shalt  }
0x59: {  	_ =	shalt  }
0x5a: {  	_ =	shalt  }
0x5b: {  	_ =	shalt  }
0x5c: {  	_ =	shalt  }
0x5d: {  	_ =	shalt  }
0x5e: {  	_ =	shalt  }
0x5f: {  	_ =	shalt  }
0x60: {  	_ =	shalt  }
0x61: {  	_ =	shalt  }
0x62: {  	_ =	shalt  }
0x63: {  	_ =	shalt  }
0x64: {  	_ =	shalt  }
0x65: {  	_ =	shalt  }
0x66: {  	_ =	shalt  }
0x67: {  	_ =	shalt  }
0x68: {  	_ =	shalt  }
0x69: {  	_ =	shalt  }
0x6a: {  	_ =	shalt  }
0x6b: {  	_ =	shalt  }
0x6c: {  	_ =	shalt  }
0x6d: {  	_ =	shalt  }
0x6e: {  	_ =	shalt  }
0x6f: {  	_ =	shalt  }
0x70: {  	_ =	shalt  }
0x71: {  	_ =	shalt  }
0x72: {  	_ =	shalt  }
0x73: {  	_ =	shalt  }
0x74: {  	_ =	shalt  }
0x75: {  	_ =	shalt  }
0x76: {  	_ =	shalt  }
0x77: {  	_ =	shalt  }
0x78: {  	_ =	shalt  }
0x79: {  	_ =	shalt  }
0x7a: {  	_ =	shalt  }
0x7b: {  	_ =	shalt  }
0x7c: {  	_ =	shalt  }
0x7d: {  	_ =	shalt  }
0x7e: {  	_ =	shalt  }
0x7f: {  	_ =	shalt  }
0x80: {  	_ =	shalt  }
0x81: {  	_ =	shalt  }
0x82: {  	_ =	shalt  }
0x83: {  	_ =	shalt  }
0x84: {  	_ =	shalt  }
0x85: {  	_ =	shalt  }
0x86: {  	_ =	shalt  }
0x87: {  	_ =	shalt  }
.Lfunc_end0:
.L_simem_size_0:
called_computation_lowered:
.L_overlay_start_0:
0x88: {  	s2 =	sld [smem:$0x3FD9]  }
0x89: {  	s3 =	sld [smem:$0x3FFE];
	_ =	sdelay $0x1  }
0x8a: {  	s1 =	srdreg.scid  }
0x8b: {  	s0 =	sand.u32 $0x1, s1  }
0x8c: {  	s17 =	sshll.u32 s0, $0xA;
	s2 =	sadd.s32 s3, s2  }
0x8d: {  	s2 =	sadd.s32 s2, s17  }
0x8e: {  	[smem:$0x3FC3] =	sst s2  }
0x8f: {  	_ = 	snop  }
0x90: {  	s2 =	sld [smem:$0x3FD0];
	(tm) =	ssettm $0x1  }
0x91: {  	s18 =	sld [smem:$0x3FFB];
	_ =	sdelay $0x3  }
0x92: {  	_ =	strace s18  }
0x93: {  	s3 =	sld [smem:$0x3FFC];
	_ =	sdelay $0x3  }
0x94: {  	_ =	strace s3  }
0x95: {  	s3 =	sld [smem:$0x3FFD];
	_ =	sdelay $0x3  }
0x96: {  	_ =	strace s3  }
0x97: {  	_ =	strace $0x8FFFFFFF  }
0x98: {  	s19 =	sld [smem:$0x3FDB];
	_ =	sdelay $0x1  }
0x99: {  	s4 =	simm.s32 $_scs_section_size  }
0x9a: {  	s5 =	simm.s32 $_size__tile_overlayer_lowered;
	s6 =	simm.s32 $_tile_overlayer_lowered  }
0x9b: {  	s22 =	simm.s32 $0x1BFF;
	s21 =	sshll.u32 s6, $0x1;
	s3 =	sadd.s32 s4, s19  }
0x9c: {  	s7 =	simm.s32 $0x0;
	s20 =	sshll.u32 s5, $0x1;
	s5 =	sadd.s32 s21, s3  }
0x9d: {  	[timem:s7], [sflag:s22] =	dma.local [hbm:s5], s20  }
0x9e: {  	_ =	swait.ge [sflag:s22], s20  }
0x9f: {  	s4 =	ssub.s32 $0x0, s20;
	[sflag:s22] =	ssyncset.done $0x0  }
0xa0: {  	[sflag:s22] =	ssyncadd.s32 s4;
	_ =	sdelay $0x1  }
0xa1: {  	s23 =	simm.s32 $0x1B8B  }
0xa2: {  	_ =	swait.ge [sflag:s23], $0x1  }
0xa3: {  	[sflag:s23] =	ssyncset.done $0x0  }
0xa4: {  	s25 =	simm.s32 $0x1B8E;
	s24 =	sld [smem:$0x3FFE];
	[sflag:s23] =	ssyncadd.s32 $0xFFFFFFFF  }
0xa5: {  	s26 =	simm.s32 $execute0_lowered;
	[smem:$0x3FD2] =	sst s25  }
0xa6: {  	s5 =	sshll.u32 s26, $0x1;
	_ =	strace $0x80000046;
	[dreg:$0x1] =	wrdreg $0xFFFFFFFF  }
0xa7: {  	s28 =	simm.s32 $_size_execute0_lowered;
	s3 =	sadd.s32 s3, s5;
	[dreg:$0x0] =	wrdreg $0x0  }
0xa8: {  	s5 =	sshll.u32 s28, $0x1;
	[dreg:$0x2] =	wrdreg s3  }
0xa9: {  	[dreg:$0x3] =	wrdreg s5  }
0xaa: {  	[dreg:$0x4] =	wrdreg $0xC0  }
0xab: {  	_ =	task [dreg:s7], $0x5FFFF  }
0xac: {  	[dreg:$0x1] =	wrdreg $0xFFFFFFFF  }
0xad: {  	[dreg:$0x0] =	wrdreg $0x60  }
0xae: {  	[dreg:$0x2] =	wrdreg s24  }
0xaf: {  	[dreg:$0x3] =	wrdreg s2  }
0xb0: {  	[dreg:$0x4] =	wrdreg $0xDA800  }
0xb1: {  	[dreg:$0x5] =	wrdreg $0xDD000  }
0xb2: {  	[dreg:$0x6] =	wrdreg $0x9  }
0xb3: {  	_ =	task.clear_ibuf [dreg:s7], $0x7FFFF;
	_ =	strace $0x90000046  }
0xb4: {  	s29 =	simm.s32 $0x9;
	_ =	strace $0x80000048  }
0xb5: {  	_ =	swait.ge [sflag:s29], $0x1  }
0xb6: {  	[sflag:s29] =	ssyncadd.s32 $0xFFFFFFFF  }
0xb7: {  	_ =	strace $0x90000048  }
0xb8: {  	_ =	sfence  }
0xb9: {  	s30 =	sld [smem:$0x0];
	_ =	sdelay $0x2  }
0xba: {  	s31 =	sshll.u32 s1, $0xD;
	s1 =	sshrl.u32 s1, $0x2  }
0xbb: {  	s3 =	sand.u32 $0x4000, s31;
	s1 =	sadd.s32 s1, s30  }
0xbc: {  	s0 =	sor.u32 s3, s0;
	s1 =	sshll.u32 s1, $0x11  }
0xbd: {  	s0 =	sor.u32 s1, s0  }
0xbe: {  	s0 =	sadd.s32 $0x8F2B, s0  }
0xbf: {  	[sflag:s0] =	ssyncadd.remote.s32 $0x1  }
0xc0: {  	_ =	sfence.sel $0xFFFF  }
0xc1: {  	[dreg:$0x0] =	wrdreg $0xFFFFFFFF;
	(pc) =	sbr.abs _section_cstart, $3  }
0xc2: {  	[dreg:$0x1] =	wrdreg $0xFFFFFFFF  }
0xc3: {  	_ =	task.clear_ibuf [dreg:s7], $0x2FFFF;
	_ =	strace $0x9FFFFFFF  }
0xc4: {  	(tm) =	ssettm $0x7FFFFFFF  }
0xc5: {  	_ =	shalt  }
tec
execute0_lowered:
.L_overlay_start_1:
0x0: {  	(tag) =	ssettag $0x1  }
0x1: {  	s1 =	srdreg.scid  }
0x2: {  	s4 =	sand.u32 $0x1, s1  }
0x3: {  	s6 =	rddreg [dreg:$0x0];
	p1 =	seq.s32 s4, $0x1  }
.Ltmp0:
0x4: {  	s3 =	rddreg [dreg:$0x1];
	(pc) =	sbr.rel @p1 .LBB2_12-.Ltmp0, $4  }
0x5: {  	s5 =	rddreg [dreg:$0x2]  }
0x6: {  	s2 =	rddreg [dreg:$0x3];
	s7 =	simm.s32 $0x0  }
0x7: {  	[smem:$0x7FF] =	sst s7;
	s1 =	stileid.u32  }
0x8: {  	s0 =	rddreg [dreg:$0x4];
	_ =	strace $0x80000047;
	p0 =	sne.s32 s1, $0x0  }
0x9: {  	s8 =	smul.u32 $0x580, s1  }
0xa: {  	s4 =	sadd.s32 $0x1200, s6  }
0xb: {  	s4 =	sadd.s32 s4, s8  }
0xc: {  	[tilespmem:s7], [sflag:$0x1] =	stream.linear.gather [hbm4b:s4+s7], $0x2A00, $0x38;
	[tilespmem:$0xDF80] =	vst v63  }
0xd: {  	s4 =	simm.s32 $0x1  }
0xe: {  	_ =	swait.ge [sflag:s4], $0x2A00  }
0xf: {  	s1 =	smul.u32 $0x280, s1;
	s9 =	simm.s32 $0x2C00;
	[sflag:s4] =	ssyncset.done $0x0  }
.Ltmp1:
0x10: {  	s3 =	sadd.s32 s3, s8;
	[sflag:s4] =	ssyncadd.s32 $0xFFFFD600;
	(pc) =	sbr.rel @p0 .LBB2_3-.Ltmp1, $4  }
0x11: {  	[tilespmem:s9], [sflag:$0x1] =	stream.linear.gather [hbm4b:s3+s7], $0x2A00, $0x38;
	[tilespmem:$0xDF80] =	vst v63  }
0x12: {  	_ =	swait.ge [sflag:s4], $0x2A00  }
0x13: {  	s31 =	sshrl.u32 s1, $0x3;
	[sflag:s4] =	ssyncset.done $0x0  }
0x14: {  	s3 =	sadd.s32 s31, s6;
	s6 =	sadd.s32 s8, s6;
	[sflag:s4] =	ssyncadd.s32 $0xFFFFD600  }
0x15: {  	v0 =	vimm.f32 $0.0e+00  }
0x16: {  	[tilespmem:$0xB000] =	vst v0  }
0x17: {  	[tilespmem:$0xB010] =	vst v0  }
0x18: {  	[tilespmem:$0xB020] =	vst v0  }
0x19: {  	[tilespmem:$0xB030] =	vst v0  }
0x1a: {  	[tilespmem:$0xB040] =	vst v0  }
0x1b: {  	[tilespmem:$0xB050] =	vst v0  }
0x1c: {  	[tilespmem:$0xB060] =	vst v0  }
0x1d: {  	[tilespmem:$0xB070] =	vst v0  }
0x1e: {  	[tilespmem:$0xB080] =	vst v0  }
0x1f: {  	[tilespmem:$0xB090] =	vst v0  }
0x20: {  	[tilespmem:$0xB0A0] =	vst v0  }
0x21: {  	[tilespmem:$0xB0B0] =	vst v0  }
0x22: {  	[tilespmem:$0xB0C0] =	vst v0  }
0x23: {  	[tilespmem:$0xB0D0] =	vst v0  }
0x24: {  	[tilespmem:$0xB0E0] =	vst v0  }
0x25: {  	[tilespmem:$0xB0F0] =	vst v0  }
0x26: {  	[tilespmem:$0xB100] =	vst v0  }
0x27: {  	[tilespmem:$0xB110] =	vst v0  }
0x28: {  	[tilespmem:$0xB120] =	vst v0  }
0x29: {  	[tilespmem:$0xB130] =	vst v0  }
0x2a: {  	[tilespmem:$0xB140] =	vst v0  }
0x2b: {  	[tilespmem:$0xB150] =	vst v0  }
0x2c: {  	[tilespmem:$0xB160] =	vst v0  }
0x2d: {  	[tilespmem:$0xB170] =	vst v0  }
0x2e: {  	[tilespmem:$0xB180] =	vst v0  }
0x2f: {  	[tilespmem:$0xB190] =	vst v0  }
0x30: {  	[tilespmem:$0xB1A0] =	vst v0  }
0x31: {  	[tilespmem:$0xB1B0] =	vst v0  }
0x32: {  	[tilespmem:$0xB1C0] =	vst v0  }
0x33: {  	[tilespmem:$0xB1D0] =	vst v0  }
0x34: {  	[tilespmem:$0xB1E0] =	vst v0  }
0x35: {  	[tilespmem:$0xB1F0] =	vst v0  }
0x36: {  	[tilespmem:$0xB200] =	vst v0  }
0x37: {  	[tilespmem:$0xB210] =	vst v0  }
0x38: {  	[tilespmem:$0xB220] =	vst v0  }
0x39: {  	[tilespmem:$0xB230] =	vst v0  }
0x3a: {  	[tilespmem:$0xB240] =	vst v0  }
0x3b: {  	[tilespmem:$0xB250] =	vst v0  }
0x3c: {  	[tilespmem:$0xB260] =	vst v0  }
0x3d: {  	s7 =	simm.s32 $0xB000;
	[tilespmem:$0xB270] =	vst v0  }
0x3e: {  	[spmem:s5] =	stream.linear.scatter [tilespmem:s7], [sflag:$0x1], $0x280, $0x38;
	[tilespmem:$0xDF80] =	vst v63  }
0x3f: {  	_ =	swait.ge [sflag:s4], $0x280  }
0x40: {  	[sflag:s4] =	ssyncset.done $0x0  }
0x41: {  	s8 =	sadd.s32 $0x280, s5;
	[sflag:s4] =	ssyncadd.s32 $0xFFFFFD80  }
0x42: {  	[spmem:s8] =	stream.linear.scatter [tilespmem:s7], [sflag:$0x1], $0x280, $0x38;
	[tilespmem:$0xDF80] =	vst v63  }
0x43: {  	_ =	swait.ge [sflag:s4], $0x280  }
0x44: {  	[sflag:s4] =	ssyncset.done $0x0  }
0x45: {  	s17 =	sadd.s32 $0x500, s5;
	[sflag:s4] =	ssyncadd.s32 $0xFFFFFD80  }
0x46: {  	[spmem:s17] =	stream.linear.scatter [tilespmem:s7], [sflag:$0x1], $0x280, $0x38;
	[tilespmem:$0xDF80] =	vst v63  }
0x47: {  	_ =	swait.ge [sflag:s4], $0x280  }
0x48: {  	[sflag:s4] =	ssyncset.done $0x0  }
0x49: {  	s18 =	sadd.s32 $0x780, s5;
	[sflag:s4] =	ssyncadd.s32 $0xFFFFFD80  }
0x4a: {  	[spmem:s18] =	stream.linear.scatter [tilespmem:s7], [sflag:$0x1], $0x280, $0x38;
	[tilespmem:$0xDF80] =	vst v63  }
0x4b: {  	_ =	swait.ge [sflag:s4], $0x280  }
0x4c: {  	[sflag:s4] =	ssyncset.done $0x0  }
0x4d: {  	s19 =	sadd.s32 $0xA00, s5;
	[sflag:s4] =	ssyncadd.s32 $0xFFFFFD80  }
0x4e: {  	[spmem:s19] =	stream.linear.scatter [tilespmem:s7], [sflag:$0x1], $0x280, $0x38;
	[tilespmem:$0xDF80] =	vst v63  }
0x4f: {  	_ =	swait.ge [sflag:s4], $0x280  }
0x50: {  	[sflag:s4] =	ssyncset.done $0x0  }
0x51: {  	s20 =	sadd.s32 $0xC80, s5;
	[sflag:s4] =	ssyncadd.s32 $0xFFFFFD80  }
0x52: {  	[spmem:s20] =	stream.linear.scatter [tilespmem:s7], [sflag:$0x1], $0x280, $0x38;
	[tilespmem:$0xDF80] =	vst v63  }
0x53: {  	_ =	swait.ge [sflag:s4], $0x280  }
0x54: {  	[sflag:s4] =	ssyncset.done $0x0  }
0x55: {  	s21 =	sadd.s32 $0xF00, s5;
	[sflag:s4] =	ssyncadd.s32 $0xFFFFFD80  }
0x56: {  	[spmem:s21] =	stream.linear.scatter [tilespmem:s7], [sflag:$0x1], $0x280, $0x38;
	[tilespmem:$0xDF80] =	vst v63  }
0x57: {  	_ =	swait.ge [sflag:s4], $0x280  }
0x58: {  	[sflag:s4] =	ssyncset.done $0x0  }
0x59: {  	s22 =	sadd.s32 $0x1180, s5;
	[sflag:s4] =	ssyncadd.s32 $0xFFFFFD80  }
0x5a: {  	[spmem:s22] =	stream.linear.scatter [tilespmem:s7], [sflag:$0x1], $0x280, $0x38;
	[tilespmem:$0xDF80] =	vst v63  }
0x5b: {  	_ =	swait.ge [sflag:s4], $0x280  }
0x5c: {  	[sflag:s4] =	ssyncset.done $0x0  }
0x5d: {  	s23 =	sadd.s32 $0x1400, s5;
	[sflag:s4] =	ssyncadd.s32 $0xFFFFFD80  }
0x5e: {  	[spmem:s23] =	stream.linear.scatter [tilespmem:s7], [sflag:$0x1], $0x280, $0x38;
	[tilespmem:$0xDF80] =	vst v63  }
0x5f: {  	_ =	swait.ge [sflag:s4], $0x280  }
0x60: {  	[sflag:s4] =	ssyncset.done $0x0  }
0x61: {  	s24 =	sadd.s32 $0x1680, s5;
	[sflag:s4] =	ssyncadd.s32 $0xFFFFFD80  }
0x62: {  	[spmem:s24] =	stream.linear.scatter [tilespmem:s7], [sflag:$0x1], $0x280, $0x38;
	[tilespmem:$0xDF80] =	vst v63  }
0x63: {  	_ =	swait.ge [sflag:s4], $0x280  }
0x64: {  	[sflag:s4] =	ssyncset.done $0x0  }
0x65: {  	s25 =	sadd.s32 $0x1900, s5;
	[sflag:s4] =	ssyncadd.s32 $0xFFFFFD80  }
0x66: {  	[spmem:s25] =	stream.linear.scatter [tilespmem:s7], [sflag:$0x1], $0x280, $0x38;
	[tilespmem:$0xDF80] =	vst v63  }
0x67: {  	_ =	swait.ge [sflag:s4], $0x280  }
0x68: {  	[sflag:s4] =	ssyncset.done $0x0  }
0x69: {  	s26 =	sadd.s32 $0x1B80, s5;
	[sflag:s4] =	ssyncadd.s32 $0xFFFFFD80  }
0x6a: {  	[spmem:s26] =	stream.linear.scatter [tilespmem:s7], [sflag:$0x1], $0x280, $0x38;
	[tilespmem:$0xDF80] =	vst v63  }
0x6b: {  	_ =	swait.ge [sflag:s4], $0x280  }
0x6c: {  	[sflag:s4] =	ssyncset.done $0x0  }
0x6d: {  	s28 =	sadd.s32 $0x1E00, s5;
	[sflag:s4] =	ssyncadd.s32 $0xFFFFFD80  }
0x6e: {  	[spmem:s28] =	stream.linear.scatter [tilespmem:s7], [sflag:$0x1], $0x280, $0x38;
	[tilespmem:$0xDF80] =	vst v63  }
0x6f: {  	_ =	swait.ge [sflag:s4], $0x280  }
0x70: {  	[sflag:s4] =	ssyncset.done $0x0  }
0x71: {  	s29 =	sadd.s32 $0x2080, s5;
	[sflag:s4] =	ssyncadd.s32 $0xFFFFFD80  }
0x72: {  	[spmem:s29] =	stream.linear.scatter [tilespmem:s7], [sflag:$0x1], $0x280, $0x38;
	[tilespmem:$0xDF80] =	vst v63  }
0x73: {  	_ =	swait.ge [sflag:s4], $0x280  }
0x74: {  	[sflag:s4] =	ssyncset.done $0x0  }
0x75: {  	s30 =	sadd.s32 $0x2300, s5;
	[sflag:s4] =	ssyncadd.s32 $0xFFFFFD80  }
0x76: {  	[spmem:s30] =	stream.linear.scatter [tilespmem:s7], [sflag:$0x1], $0x280, $0x38;
	[tilespmem:$0xDF80] =	vst v63  }
0x77: {  	_ =	swait.ge [sflag:s4], $0x280  }
0x78: {  	[sflag:s4] =	ssyncset.done $0x0  }
0x79: {  	s31 =	sadd.s32 $0x2580, s5;
	[sflag:s4] =	ssyncadd.s32 $0xFFFFFD80  }
0x7a: {  	[spmem:s31] =	stream.linear.scatter [tilespmem:s7], [sflag:$0x1], $0x280, $0x38;
	[tilespmem:$0xDF80] =	vst v63  }
0x7b: {  	_ =	swait.ge [sflag:s4], $0x280  }
0x7c: {  	[sflag:s4] =	ssyncset.done $0x0  }
0x7d: {  	[sflag:s4] =	ssyncadd.s32 $0xFFFFFD80  }
.LBB2_3:
0x7e: {  	s8 =	simm.s32 $0x0  }
0x7f: {  	v1 =	vld [tilespmem:s8+$0x70]  }
0x80: {  	v4 =	vld [tilespmem:s8+$0x0]  }
0x81: {  	v5 =	vld [tilespmem:s8+$0x10]  }
0x82: {  	v3 =	vld [tilespmem:s8+$0x20]  }
0x83: {  	v2 =	vld [tilespmem:s8+$0x30]  }
0x84: {  	v0 =	vld [tilespmem:s8+$0x40];
	v6 =	vand.u32 $0x3FFF, v1  }
0x85: {  	s7 =	sadd.s32 s1, s5;
	s4 =	sadd.s32 $0x6A00, s3;
	s3 =	sadd.s32 s1, s2;
	v1 =	vld [tilespmem:s8+$0x50];
	v4 =	vand.u32 $0x3FFF, v4;
	[tilespmem:s8+$0x5870] =	vst v6  }
0x86: {  	s1 =	sadd.s32 $0x7000, s6;
	s6 =	simm.s32 $0x80;
	s9 =	simm.s32 $0x400;
	v5 =	vand.u32 $0x3FFF, v5;
	[tilespmem:s8+$0x5800] =	vst v4;
	v4 =	vld [tilespmem:s8+$0x60]  }
.LBB2_4:
0x87: {  	p1 =	sne.s32 s9, $0xA600;
	v6 =	vld [tilespmem:s6+$0x70];
	[tilespmem:s8+$0x5810] =	vst v5;
	v3 =	vand.u32 $0x3FFF, v3  }
0x88: {  	v5 =	vld [tilespmem:s6+$0x0];
	[tilespmem:s8+$0x5820] =	vst v3;
	v2 =	vand.u32 $0x3FFF, v2  }
0x89: {  	v7 =	vld [tilespmem:s6+$0x10];
	[tilespmem:s8+$0x5830] =	vst v2;
	v0 =	vand.u32 $0x3FFF, v0  }
.Ltmp2:
0x8a: {  	v3 =	vld [tilespmem:s6+$0x20];
	[tilespmem:s8+$0x5840] =	vst v0;
	v0 =	vand.u32 $0x3FFF, v1;
	(pc) =	sbr.rel @p1 .LBB2_4-.Ltmp2, $4  }
0x8b: {  	v2 =	vld [tilespmem:s6+$0x30];
	[tilespmem:s8+$0x5850] =	vst v0;
	v1 =	vand.u32 $0x3FFF, v4  }
0x8c: {  	v0 =	vld [tilespmem:s6+$0x40];
	v4 =	vand.u32 $0x3FFF, v6;
	[tilespmem:s8+$0x5860] =	vst v1;
	s8 =	smov.u32 s6  }
0x8d: {  	v5 =	vand.u32 $0x3FFF, v5;
	v1 =	vld [tilespmem:s8+$0x50];
	[tilespmem:s8+$0x5870] =	vst v4  }
0x8e: {  	s6 =	sshra.s32 s9, $0x2;
	s9 =	sadd.s32 $0x200, s9;
	[tilespmem:s8+$0x5800] =	vst v5;
	v5 =	vand.u32 $0x3FFF, v7;
	v4 =	vld [tilespmem:s8+$0x60]  }
0x8f: {  	v6 =	vld [tilespmem:s6+$0x70];
	[tilespmem:s8+$0x5810] =	vst v5;
	v3 =	vand.u32 $0x3FFF, v3  }
0x90: {  	v5 =	vld [tilespmem:s6+$0x0];
	[tilespmem:s8+$0x5820] =	vst v3;
	v2 =	vand.u32 $0x3FFF, v2  }
0x91: {  	v3 =	vld [tilespmem:s6+$0x10];
	[tilespmem:s8+$0x5830] =	vst v2;
	v0 =	vand.u32 $0x3FFF, v0  }
0x92: {  	v2 =	vld [tilespmem:s6+$0x20];
	[tilespmem:s8+$0x5840] =	vst v0;
	v51 =	vand.u32 $0x3FFF, v1  }
0x93: {  	v52 =	vld [tilespmem:s6+$0x30];
	[tilespmem:s8+$0x5850] =	vst v51;
	v53 =	vand.u32 $0x3FFF, v4  }
0x94: {  	v54 =	vld [tilespmem:s6+$0x40];
	[tilespmem:s8+$0x5860] =	vst v53;
	v55 =	vand.u32 $0x3FFF, v6  }
0x95: {  	v56 =	vld [tilespmem:s6+$0x50];
	v5 =	vand.u32 $0x3FFF, v5;
	[tilespmem:s6+$0x5870] =	vst v55  }
0x96: {  	v58 =	vld [tilespmem:s6+$0x60];
	[tilespmem:s6+$0x5800] =	vst v5;
	v57 =	vand.u32 $0x3FFF, v3  }
0x97: {  	[tilespmem:s6+$0x5810] =	vst v57;
	v59 =	vand.u32 $0x3FFF, v2  }
0x98: {  	[tilespmem:s6+$0x5820] =	vst v59;
	v60 =	vand.u32 $0x3FFF, v52  }
0x99: {  	[tilespmem:s6+$0x5830] =	vst v60;
	v61 =	vand.u32 $0x3FFF, v54  }
0x9a: {  	[tilespmem:s6+$0x5840] =	vst v61;
	v62 =	vand.u32 $0x3FFF, v56  }
0x9b: {  	v63 =	vand.u32 $0x3FFF, v58;
	[tilespmem:s6+$0x5850] =	vst v62  }
0x9c: {  	s31 =	simm.s32 $0x2C00;
	s9 =	simm.s32 $0x5800;
	[tilespmem:s6+$0x5860] =	vst v63  }
0x9d: {  	s8 =	simm.s32 $0x1;
	s6 =	simm.s32 $0x80;
	[bflag:$0x0] =	sbarrier.arrive $0xFFFF  }
0x9e: {  	[spmem:s5] =	stream.indirect.scatter.add.f32 [tilespmem:s31], [sflag:$0x1], $0x1, s9, s6, $0xb8;
	[tilespmem:$0xDF80] =	vst v63  }
0x9f: {  	s9 =	simm.s32 $0x200;
	_ =	swait.ge [sflag:s8], $0x80  }
.LBB2_6:
0xa0: {  	s10 =	sshra.s32 s9, $0x2  }
0xa1: {  	[sflag:s8] =	ssyncset.done $0x0;
	p1 =	sne.s32 s9, $0xA600;
	s11 =	sadd.s32 $0x2C00, s10  }
.Ltmp3:
0xa2: {  	s10 =	sadd.s32 $0x5800, s10;
	[sflag:s8] =	ssyncadd.s32 $0xFFFFFF80;
	(pc) =	sbr.rel @p1 .LBB2_6-.Ltmp3, $3  }
0xa3: {  	[spmem:s5] =	stream.indirect.scatter.add.f32 [tilespmem:s11], [sflag:$0x1], $0x1, s10, s6, $0xb8;
	[tilespmem:$0xDF80] =	vst v63  }
0xa4: {  	s9 =	sadd.s32 $0x200, s9;
	_ =	sdelay $0x1  }
0xa5: {  	_ =	swait.ge [sflag:s8], $0x80  }
0xa6: {  	[sflag:s8] =	ssyncset.done $0x0  }
0xa7: {  	[sflag:s8] =	ssyncadd.s32 $0xFFFFFF80  }
0xa8: {  	s5 =	simm.s32 $0xB000;
	s31 =	simm.s32 $0x1;
	[bflag:$0x0] =	sbarrier.arrive $0xFFFF  }
0xa9: {  	[tilespmem:s5], [sflag:$0x1] =	stream.linear.gather [spmem:s7], $0x280, $0x38;
	[tilespmem:$0xDF80] =	vst v63  }
0xaa: {  	_ =	swait.ge [sflag:s31], $0x280  }
0xab: {  	[sflag:s31] =	ssyncset.done $0x0  }
0xac: {  	s5 =	simm.s32 $0x0;
	[sflag:s31] =	ssyncadd.s32 $0xFFFFFD80  }
0xad: {  	v0 =	vld [tilespmem:s5+$0xB000];
	_ =	sdelay $0x4  }
0xae: {  	vm0 =	vgt.f32 v0, $0.0e+00  }
0xaf: {  	v0 =	vnsel vm0, $0x3F800000, v0  }
0xb0: {  	(erf) = vrcp.f32 v0;
	_ =	sdelay $0x8  }
0xb1: {  	v1 =	vpop (erf)  }
0xb2: {  	v2 =	vmul.f32 v1, v0;
	_ =	sdelay $0x1  }
0xb3: {  	v2 =	vmul.f32 v2, v1;
	_ =	sdelay $0x1  }
0xb4: {  	v1 =	vmul.f32 $5.000000000e-01, v1;
	v2 =	vsub.f32 $3.000000000e+00, v2;
	_ =	sdelay $0x1  }
0xb5: {  	v1 =	vmul.f32 v2, v1;
	_ =	sdelay $0x1  }
0xb6: {  	v2 =	vmul.f32 v1, v0;
	_ =	sdelay $0x1  }
0xb7: {  	v2 =	vmul.f32 v2, v1;
	_ =	sdelay $0x1  }
0xb8: {  	v1 =	vmul.f32 $5.000000000e-01, v1;
	v2 =	vsub.f32 $3.000000000e+00, v2;
	_ =	sdelay $0x1  }
0xb9: {  	v1 =	vmul.f32 v2, v1;
	_ =	sdelay $0x1  }
0xba: {  	v2 =	vmul.f32 v1, v0;
	_ =	sdelay $0x1  }
0xbb: {  	v2 =	vmul.f32 v2, v1;
	_ =	sdelay $0x1  }
0xbc: {  	v1 =	vmul.f32 $5.000000000e-01, v1;
	v2 =	vsub.f32 $3.000000000e+00, v2;
	_ =	sdelay $0x1  }
0xbd: {  	v1 =	vmul.f32 v2, v1;
	_ =	sdelay $0x1  }
0xbe: {  	v2 =	vmul.f32 v1, v0;
	_ =	sdelay $0x1  }
0xbf: {  	v2 =	vmul.f32 v2, v1;
	_ =	sdelay $0x1  }
0xc0: {  	v1 =	vmul.f32 $5.000000000e-01, v1;
	v2 =	vsub.f32 $3.000000000e+00, v2;
	_ =	sdelay $0x1  }
0xc1: {  	v1 =	vmul.f32 v2, v1;
	_ =	sdelay $0x1  }
0xc2: {  	v2 =	vmul.f32 v1, v0;
	_ =	sdelay $0x1  }
0xc3: {  	v2 =	vmul.f32 v2, v1;
	_ =	sdelay $0x1  }
0xc4: {  	v1 =	vmul.f32 $5.000000000e-01, v1;
	v2 =	vsub.f32 $3.000000000e+00, v2;
	_ =	sdelay $0x1  }
0xc5: {  	v1 =	vmul.f32 v2, v1;
	_ =	sdelay $0x1  }
0xc6: {  	v2 =	vmul.f32 v1, v0;
	_ =	sdelay $0x1  }
0xc7: {  	v2 =	vmul.f32 v2, v1;
	_ =	sdelay $0x1  }
0xc8: {  	v1 =	vmul.f32 $5.000000000e-01, v1;
	v2 =	vsub.f32 $3.000000000e+00, v2;
	_ =	sdelay $0x1  }
0xc9: {  	v1 =	vmul.f32 v2, v1;
	_ =	sdelay $0x1  }
0xca: {  	v2 =	vmul.f32 v1, v0;
	_ =	sdelay $0x1  }
0xcb: {  	v2 =	vmul.f32 v2, v1;
	_ =	sdelay $0x1  }
0xcc: {  	v1 =	vmul.f32 $5.000000000e-01, v1;
	v2 =	vsub.f32 $3.000000000e+00, v2;
	_ =	sdelay $0x1  }
0xcd: {  	v1 =	vmul.f32 v2, v1;
	_ =	sdelay $0x1  }
0xce: {  	v2 =	vmul.f32 v1, v0;
	_ =	sdelay $0x1  }
0xcf: {  	v2 =	vmul.f32 v2, v1;
	_ =	sdelay $0x1  }
0xd0: {  	v1 =	vmul.f32 $5.000000000e-01, v1;
	v2 =	vsub.f32 $3.000000000e+00, v2;
	_ =	sdelay $0x1  }
0xd1: {  	v1 =	vmul.f32 v2, v1;
	_ =	sdelay $0x1  }
0xd2: {  	v2 =	vmul.f32 v1, v0;
	_ =	sdelay $0x1  }
0xd3: {  	v2 =	vmul.f32 v2, v1;
	_ =	sdelay $0x1  }
0xd4: {  	v1 =	vmul.f32 $5.000000000e-01, v1;
	v2 =	vsub.f32 $3.000000000e+00, v2;
	_ =	sdelay $0x1  }
0xd5: {  	v1 =	vmul.f32 v2, v1;
	_ =	sdelay $0x1  }
0xd6: {  	v2 =	vmul.f32 v1, v0;
	_ =	sdelay $0x1  }
0xd7: {  	v2 =	vmul.f32 v2, v1;
	_ =	sdelay $0x1  }
0xd8: {  	v1 =	vmul.f32 $5.000000000e-01, v1;
	v2 =	vsub.f32 $3.000000000e+00, v2;
	_ =	sdelay $0x1  }
0xd9: {  	v1 =	vmul.f32 v2, v1;
	_ =	sdelay $0x1  }
0xda: {  	v2 =	vmul.f32 v1, v0;
	_ =	sdelay $0x1  }
0xdb: {  	v2 =	vmul.f32 v2, v1;
	_ =	sdelay $0x1  }
0xdc: {  	v1 =	vmul.f32 $5.000000000e-01, v1;
	v2 =	vsub.f32 $3.000000000e+00, v2;
	_ =	sdelay $0x1  }
0xdd: {  	v1 =	vmul.f32 v2, v1;
	_ =	sdelay $0x1  }
0xde: {  	v2 =	vmul.f32 v1, v0;
	_ =	sdelay $0x1  }
0xdf: {  	v2 =	vmul.f32 v2, v1;
	_ =	sdelay $0x1  }
0xe0: {  	v1 =	vmul.f32 $5.000000000e-01, v1;
	v2 =	vsub.f32 $3.000000000e+00, v2;
	_ =	sdelay $0x1  }
0xe1: {  	v1 =	vmul.f32 v2, v1;
	_ =	sdelay $0x1  }
0xe2: {  	v2 =	vmul.f32 v1, v0;
	_ =	sdelay $0x1  }
0xe3: {  	v2 =	vmul.f32 v2, v1;
	_ =	sdelay $0x1  }
0xe4: {  	v1 =	vmul.f32 $5.000000000e-01, v1;
	v2 =	vsub.f32 $3.000000000e+00, v2;
	_ =	sdelay $0x1  }
0xe5: {  	v1 =	vmul.f32 v2, v1;
	_ =	sdelay $0x1  }
0xe6: {  	v2 =	vmul.f32 v1, v0;
	_ =	sdelay $0x1  }
0xe7: {  	v2 =	vmul.f32 v2, v1;
	_ =	sdelay $0x1  }
0xe8: {  	v1 =	vmul.f32 $5.000000000e-01, v1;
	v2 =	vsub.f32 $3.000000000e+00, v2;
	_ =	sdelay $0x1  }
0xe9: {  	v1 =	vmul.f32 v2, v1;
	_ =	sdelay $0x1  }
0xea: {  	v2 =	vmul.f32 v1, v0;
	_ =	sdelay $0x1  }
0xeb: {  	v2 =	vmul.f32 v2, v1;
	_ =	sdelay $0x1  }
0xec: {  	v1 =	vmul.f32 $5.000000000e-01, v1;
	v2 =	vsub.f32 $3.000000000e+00, v2;
	_ =	sdelay $0x1  }
0xed: {  	v1 =	vmul.f32 v2, v1;
	_ =	sdelay $0x1  }
0xee: {  	v2 =	vmul.f32 v1, v0;
	_ =	sdelay $0x1  }
0xef: {  	v2 =	vmul.f32 v2, v1;
	_ =	sdelay $0x1  }
0xf0: {  	v1 =	vmul.f32 $5.000000000e-01, v1;
	v2 =	vsub.f32 $3.000000000e+00, v2;
	_ =	sdelay $0x1  }
0xf1: {  	v1 =	vmul.f32 v2, v1;
	_ =	sdelay $0x1  }
0xf2: {  	v2 =	vmul.f32 v1, v0;
	_ =	sdelay $0x1  }
0xf3: {  	v2 =	vmul.f32 v2, v1;
	_ =	sdelay $0x1  }
0xf4: {  	v1 =	vmul.f32 $5.000000000e-01, v1;
	v2 =	vsub.f32 $3.000000000e+00, v2;
	_ =	sdelay $0x1  }
0xf5: {  	v1 =	vmul.f32 v2, v1;
	_ =	sdelay $0x1  }
0xf6: {  	v2 =	vmul.f32 v1, v0;
	_ =	sdelay $0x1  }
0xf7: {  	v2 =	vmul.f32 v2, v1;
	_ =	sdelay $0x1  }
0xf8: {  	v1 =	vmul.f32 $5.000000000e-01, v1;
	v2 =	vsub.f32 $3.000000000e+00, v2;
	_ =	sdelay $0x1  }
0xf9: {  	v1 =	vmul.f32 v2, v1;
	_ =	sdelay $0x1  }
0xfa: {  	v2 =	vmul.f32 v1, v0;
	_ =	sdelay $0x1  }
0xfb: {  	v2 =	vmul.f32 v2, v1;
	_ =	sdelay $0x1  }
0xfc: {  	v1 =	vmul.f32 $5.000000000e-01, v1;
	v2 =	vsub.f32 $3.000000000e+00, v2;
	_ =	sdelay $0x1  }
0xfd: {  	v1 =	vmul.f32 v2, v1;
	_ =	sdelay $0x1  }
0xfe: {  	v2 =	vmul.f32 v1, v0;
	_ =	sdelay $0x1  }
0xff: {  	v2 =	vmul.f32 v2, v1;
	_ =	sdelay $0x1  }
0x100: {  	v1 =	vmul.f32 $5.000000000e-01, v1;
	v2 =	vsub.f32 $3.000000000e+00, v2;
	_ =	sdelay $0x1  }
0x101: {  	v1 =	vmul.f32 v2, v1;
	_ =	sdelay $0x1  }
0x102: {  	v2 =	vmul.f32 v1, v0;
	_ =	sdelay $0x1  }
0x103: {  	v2 =	vmul.f32 v2, v1;
	_ =	sdelay $0x1  }
0x104: {  	v1 =	vmul.f32 $5.000000000e-01, v1;
	v2 =	vsub.f32 $3.000000000e+00, v2;
	_ =	sdelay $0x1  }
0x105: {  	v1 =	vmul.f32 v2, v1;
	_ =	sdelay $0x1  }
0x106: {  	v0 =	vmul.f32 v1, v0;
	_ =	sdelay $0x1  }
0x107: {  	v0 =	vmul.f32 v0, v1;
	_ =	sdelay $0x1  }
0x108: {  	v1 =	vmul.f32 $5.000000000e-01, v1;
	v0 =	vsub.f32 $3.000000000e+00, v0;
	_ =	sdelay $0x1  }
0x109: {  	v0 =	vmul.f32 v0, v1;
	_ =	sdelay $0x1  }
0x10a: {  	s6 =	simm.s32 $0x40;
	s7 =	simm.s32 $0x80;
	v0 =	vnsel vm0, $0x0, v0  }
.LBB2_8:
0x10b: {  	p1 =	sne.s32 s7, $0x9C0  }
0x10c: {  	[tilespmem:s5+$0xB000] =	vst v0;
	s5 =	sshra.s32 s6, $0x2;
	s6 =	smov.u32 s7;
	s7 =	sadd.s32 $0x40, s7  }
0x10d: {  	v0 =	vld [tilespmem:s5+$0xB000];
	_ =	sdelay $0x4  }
0x10e: {  	vm0 =	vgt.f32 v0, $0.0e+00  }
0x10f: {  	v0 =	vnsel vm0, $0x3F800000, v0  }
0x110: {  	(erf) = vrcp.f32 v0;
	_ =	sdelay $0x8  }
0x111: {  	v1 =	vpop (erf)  }
0x112: {  	v2 =	vmul.f32 v1, v0;
	_ =	sdelay $0x1  }
0x113: {  	v2 =	vmul.f32 v2, v1;
	_ =	sdelay $0x1  }
0x114: {  	v1 =	vmul.f32 $5.000000000e-01, v1;
	v2 =	vsub.f32 $3.000000000e+00, v2;
	_ =	sdelay $0x1  }
0x115: {  	v1 =	vmul.f32 v2, v1;
	_ =	sdelay $0x1  }
0x116: {  	v2 =	vmul.f32 v1, v0;
	_ =	sdelay $0x1  }
0x117: {  	v2 =	vmul.f32 v2, v1;
	_ =	sdelay $0x1  }
0x118: {  	v1 =	vmul.f32 $5.000000000e-01, v1;
	v2 =	vsub.f32 $3.000000000e+00, v2;
	_ =	sdelay $0x1  }
0x119: {  	v1 =	vmul.f32 v2, v1;
	_ =	sdelay $0x1  }
0x11a: {  	v2 =	vmul.f32 v1, v0;
	_ =	sdelay $0x1  }
0x11b: {  	v2 =	vmul.f32 v2, v1;
	_ =	sdelay $0x1  }
0x11c: {  	v1 =	vmul.f32 $5.000000000e-01, v1;
	v2 =	vsub.f32 $3.000000000e+00, v2;
	_ =	sdelay $0x1  }
0x11d: {  	v1 =	vmul.f32 v2, v1;
	_ =	sdelay $0x1  }
0x11e: {  	v2 =	vmul.f32 v1, v0;
	_ =	sdelay $0x1  }
0x11f: {  	v2 =	vmul.f32 v2, v1;
	_ =	sdelay $0x1  }
0x120: {  	v1 =	vmul.f32 $5.000000000e-01, v1;
	v2 =	vsub.f32 $3.000000000e+00, v2;
	_ =	sdelay $0x1  }
0x121: {  	v1 =	vmul.f32 v2, v1;
	_ =	sdelay $0x1  }
0x122: {  	v2 =	vmul.f32 v1, v0;
	_ =	sdelay $0x1  }
0x123: {  	v2 =	vmul.f32 v2, v1;
	_ =	sdelay $0x1  }
0x124: {  	v1 =	vmul.f32 $5.000000000e-01, v1;
	v2 =	vsub.f32 $3.000000000e+00, v2;
	_ =	sdelay $0x1  }
0x125: {  	v1 =	vmul.f32 v2, v1;
	_ =	sdelay $0x1  }
0x126: {  	v2 =	vmul.f32 v1, v0;
	_ =	sdelay $0x1  }
0x127: {  	v2 =	vmul.f32 v2, v1;
	_ =	sdelay $0x1  }
0x128: {  	v1 =	vmul.f32 $5.000000000e-01, v1;
	v2 =	vsub.f32 $3.000000000e+00, v2;
	_ =	sdelay $0x1  }
0x129: {  	v1 =	vmul.f32 v2, v1;
	_ =	sdelay $0x1  }
0x12a: {  	v2 =	vmul.f32 v1, v0;
	_ =	sdelay $0x1  }
0x12b: {  	v2 =	vmul.f32 v2, v1;
	_ =	sdelay $0x1  }
0x12c: {  	v1 =	vmul.f32 $5.000000000e-01, v1;
	v2 =	vsub.f32 $3.000000000e+00, v2;
	_ =	sdelay $0x1  }
0x12d: {  	v1 =	vmul.f32 v2, v1;
	_ =	sdelay $0x1  }
0x12e: {  	v2 =	vmul.f32 v1, v0;
	_ =	sdelay $0x1  }
0x12f: {  	v2 =	vmul.f32 v2, v1;
	_ =	sdelay $0x1  }
0x130: {  	v1 =	vmul.f32 $5.000000000e-01, v1;
	v2 =	vsub.f32 $3.000000000e+00, v2;
	_ =	sdelay $0x1  }
0x131: {  	v1 =	vmul.f32 v2, v1;
	_ =	sdelay $0x1  }
0x132: {  	v2 =	vmul.f32 v1, v0;
	_ =	sdelay $0x1  }
0x133: {  	v2 =	vmul.f32 v2, v1;
	_ =	sdelay $0x1  }
0x134: {  	v1 =	vmul.f32 $5.000000000e-01, v1;
	v2 =	vsub.f32 $3.000000000e+00, v2;
	_ =	sdelay $0x1  }
0x135: {  	v1 =	vmul.f32 v2, v1;
	_ =	sdelay $0x1  }
0x136: {  	v2 =	vmul.f32 v1, v0;
	_ =	sdelay $0x1  }
0x137: {  	v2 =	vmul.f32 v2, v1;
	_ =	sdelay $0x1  }
0x138: {  	v1 =	vmul.f32 $5.000000000e-01, v1;
	v2 =	vsub.f32 $3.000000000e+00, v2;
	_ =	sdelay $0x1  }
0x139: {  	v1 =	vmul.f32 v2, v1;
	_ =	sdelay $0x1  }
0x13a: {  	v2 =	vmul.f32 v1, v0;
	_ =	sdelay $0x1  }
0x13b: {  	v2 =	vmul.f32 v2, v1;
	_ =	sdelay $0x1  }
0x13c: {  	v1 =	vmul.f32 $5.000000000e-01, v1;
	v2 =	vsub.f32 $3.000000000e+00, v2;
	_ =	sdelay $0x1  }
0x13d: {  	v1 =	vmul.f32 v2, v1;
	_ =	sdelay $0x1  }
0x13e: {  	v2 =	vmul.f32 v1, v0;
	_ =	sdelay $0x1  }
0x13f: {  	v2 =	vmul.f32 v2, v1;
	_ =	sdelay $0x1  }
0x140: {  	v1 =	vmul.f32 $5.000000000e-01, v1;
	v2 =	vsub.f32 $3.000000000e+00, v2;
	_ =	sdelay $0x1  }
0x141: {  	v1 =	vmul.f32 v2, v1;
	_ =	sdelay $0x1  }
0x142: {  	v2 =	vmul.f32 v1, v0;
	_ =	sdelay $0x1  }
0x143: {  	v2 =	vmul.f32 v2, v1;
	_ =	sdelay $0x1  }
0x144: {  	v1 =	vmul.f32 $5.000000000e-01, v1;
	v2 =	vsub.f32 $3.000000000e+00, v2;
	_ =	sdelay $0x1  }
0x145: {  	v1 =	vmul.f32 v2, v1;
	_ =	sdelay $0x1  }
0x146: {  	v2 =	vmul.f32 v1, v0;
	_ =	sdelay $0x1  }
0x147: {  	v2 =	vmul.f32 v2, v1;
	_ =	sdelay $0x1  }
0x148: {  	v1 =	vmul.f32 $5.000000000e-01, v1;
	v2 =	vsub.f32 $3.000000000e+00, v2;
	_ =	sdelay $0x1  }
0x149: {  	v1 =	vmul.f32 v2, v1;
	_ =	sdelay $0x1  }
0x14a: {  	v2 =	vmul.f32 v1, v0;
	_ =	sdelay $0x1  }
0x14b: {  	v2 =	vmul.f32 v2, v1;
	_ =	sdelay $0x1  }
0x14c: {  	v1 =	vmul.f32 $5.000000000e-01, v1;
	v2 =	vsub.f32 $3.000000000e+00, v2;
	_ =	sdelay $0x1  }
0x14d: {  	v1 =	vmul.f32 v2, v1;
	_ =	sdelay $0x1  }
0x14e: {  	v2 =	vmul.f32 v1, v0;
	_ =	sdelay $0x1  }
0x14f: {  	v2 =	vmul.f32 v2, v1;
	_ =	sdelay $0x1  }
0x150: {  	v1 =	vmul.f32 $5.000000000e-01, v1;
	v2 =	vsub.f32 $3.000000000e+00, v2;
	_ =	sdelay $0x1  }
0x151: {  	v1 =	vmul.f32 v2, v1;
	_ =	sdelay $0x1  }
0x152: {  	v2 =	vmul.f32 v1, v0;
	_ =	sdelay $0x1  }
0x153: {  	v2 =	vmul.f32 v2, v1;
	_ =	sdelay $0x1  }
0x154: {  	v1 =	vmul.f32 $5.000000000e-01, v1;
	v2 =	vsub.f32 $3.000000000e+00, v2;
	_ =	sdelay $0x1  }
0x155: {  	v1 =	vmul.f32 v2, v1;
	_ =	sdelay $0x1  }
0x156: {  	v2 =	vmul.f32 v1, v0;
	_ =	sdelay $0x1  }
0x157: {  	v2 =	vmul.f32 v2, v1;
	_ =	sdelay $0x1  }
0x158: {  	v1 =	vmul.f32 $5.000000000e-01, v1;
	v2 =	vsub.f32 $3.000000000e+00, v2;
	_ =	sdelay $0x1  }
0x159: {  	v1 =	vmul.f32 v2, v1;
	_ =	sdelay $0x1  }
0x15a: {  	v2 =	vmul.f32 v1, v0;
	_ =	sdelay $0x1  }
0x15b: {  	v2 =	vmul.f32 v2, v1;
	_ =	sdelay $0x1  }
0x15c: {  	v1 =	vmul.f32 $5.000000000e-01, v1;
	v2 =	vsub.f32 $3.000000000e+00, v2;
	_ =	sdelay $0x1  }
0x15d: {  	v1 =	vmul.f32 v2, v1;
	_ =	sdelay $0x1  }
0x15e: {  	v2 =	vmul.f32 v1, v0;
	_ =	sdelay $0x1  }
0x15f: {  	v2 =	vmul.f32 v2, v1;
	_ =	sdelay $0x1  }
0x160: {  	v1 =	vmul.f32 $5.000000000e-01, v1;
	v2 =	vsub.f32 $3.000000000e+00, v2;
	_ =	sdelay $0x1  }
0x161: {  	v1 =	vmul.f32 v2, v1;
	_ =	sdelay $0x1  }
0x162: {  	v2 =	vmul.f32 v1, v0;
	_ =	sdelay $0x1  }
0x163: {  	v2 =	vmul.f32 v2, v1;
	_ =	sdelay $0x1  }
0x164: {  	v1 =	vmul.f32 $5.000000000e-01, v1;
	v2 =	vsub.f32 $3.000000000e+00, v2;
	_ =	sdelay $0x1  }
0x165: {  	v1 =	vmul.f32 v2, v1;
	_ =	sdelay $0x1  }
0x166: {  	v0 =	vmul.f32 v1, v0;
	_ =	sdelay $0x1  }
0x167: {  	v0 =	vmul.f32 v0, v1;
	_ =	sdelay $0x1  }
.Ltmp4:
0x168: {  	v1 =	vmul.f32 $5.000000000e-01, v1;
	v0 =	vsub.f32 $3.000000000e+00, v0;
	(pc) =	sbr.rel @p1 .LBB2_8-.Ltmp4, $3  }
0x169: {  	_ = 	snop  }
0x16a: {  	v0 =	vmul.f32 v0, v1;
	_ =	sdelay $0x1  }
0x16b: {  	v0 =	vnsel vm0, $0x0, v0  }
0x16c: {  	s6 =	sshra.s32 s6, $0x2;
	[tilespmem:s5+$0xB000] =	vst v0  }
0x16d: {  	v0 =	vld [tilespmem:s6+$0xB000];
	_ =	sdelay $0x4  }
0x16e: {  	vm0 =	vgt.f32 v0, $0.0e+00  }
0x16f: {  	v0 =	vnsel vm0, $0x3F800000, v0  }
0x170: {  	(erf) = vrcp.f32 v0;
	_ =	sdelay $0x8  }
0x171: {  	v1 =	vpop (erf)  }
0x172: {  	v2 =	vmul.f32 v1, v0;
	_ =	sdelay $0x1  }
0x173: {  	v2 =	vmul.f32 v2, v1;
	_ =	sdelay $0x1  }
0x174: {  	v1 =	vmul.f32 $5.000000000e-01, v1;
	v2 =	vsub.f32 $3.000000000e+00, v2;
	_ =	sdelay $0x1  }
0x175: {  	v1 =	vmul.f32 v2, v1;
	_ =	sdelay $0x1  }
0x176: {  	v2 =	vmul.f32 v1, v0;
	_ =	sdelay $0x1  }
0x177: {  	v2 =	vmul.f32 v2, v1;
	_ =	sdelay $0x1  }
0x178: {  	v1 =	vmul.f32 $5.000000000e-01, v1;
	v2 =	vsub.f32 $3.000000000e+00, v2;
	_ =	sdelay $0x1  }
0x179: {  	v1 =	vmul.f32 v2, v1;
	_ =	sdelay $0x1  }
0x17a: {  	v2 =	vmul.f32 v1, v0;
	_ =	sdelay $0x1  }
0x17b: {  	v2 =	vmul.f32 v2, v1;
	_ =	sdelay $0x1  }
0x17c: {  	v1 =	vmul.f32 $5.000000000e-01, v1;
	v2 =	vsub.f32 $3.000000000e+00, v2;
	_ =	sdelay $0x1  }
0x17d: {  	v1 =	vmul.f32 v2, v1;
	_ =	sdelay $0x1  }
0x17e: {  	v2 =	vmul.f32 v1, v0;
	_ =	sdelay $0x1  }
0x17f: {  	v2 =	vmul.f32 v2, v1;
	_ =	sdelay $0x1  }
0x180: {  	v1 =	vmul.f32 $5.000000000e-01, v1;
	v2 =	vsub.f32 $3.000000000e+00, v2;
	_ =	sdelay $0x1  }
0x181: {  	v1 =	vmul.f32 v2, v1;
	_ =	sdelay $0x1  }
0x182: {  	v2 =	vmul.f32 v1, v0;
	_ =	sdelay $0x1  }
0x183: {  	v2 =	vmul.f32 v2, v1;
	_ =	sdelay $0x1  }
0x184: {  	v1 =	vmul.f32 $5.000000000e-01, v1;
	v2 =	vsub.f32 $3.000000000e+00, v2;
	_ =	sdelay $0x1  }
0x185: {  	v1 =	vmul.f32 v2, v1;
	_ =	sdelay $0x1  }
0x186: {  	v2 =	vmul.f32 v1, v0;
	_ =	sdelay $0x1  }
0x187: {  	v2 =	vmul.f32 v2, v1;
	_ =	sdelay $0x1  }
0x188: {  	v1 =	vmul.f32 $5.000000000e-01, v1;
	v2 =	vsub.f32 $3.000000000e+00, v2;
	_ =	sdelay $0x1  }
0x189: {  	v1 =	vmul.f32 v2, v1;
	_ =	sdelay $0x1  }
0x18a: {  	v2 =	vmul.f32 v1, v0;
	_ =	sdelay $0x1  }
0x18b: {  	v2 =	vmul.f32 v2, v1;
	_ =	sdelay $0x1  }
0x18c: {  	v1 =	vmul.f32 $5.000000000e-01, v1;
	v2 =	vsub.f32 $3.000000000e+00, v2;
	_ =	sdelay $0x1  }
0x18d: {  	v1 =	vmul.f32 v2, v1;
	_ =	sdelay $0x1  }
0x18e: {  	v2 =	vmul.f32 v1, v0;
	_ =	sdelay $0x1  }
0x18f: {  	v2 =	vmul.f32 v2, v1;
	_ =	sdelay $0x1  }
0x190: {  	v1 =	vmul.f32 $5.000000000e-01, v1;
	v2 =	vsub.f32 $3.000000000e+00, v2;
	_ =	sdelay $0x1  }
0x191: {  	v1 =	vmul.f32 v2, v1;
	_ =	sdelay $0x1  }
0x192: {  	v2 =	vmul.f32 v1, v0;
	_ =	sdelay $0x1  }
0x193: {  	v2 =	vmul.f32 v2, v1;
	_ =	sdelay $0x1  }
0x194: {  	v1 =	vmul.f32 $5.000000000e-01, v1;
	v2 =	vsub.f32 $3.000000000e+00, v2;
	_ =	sdelay $0x1  }
0x195: {  	v1 =	vmul.f32 v2, v1;
	_ =	sdelay $0x1  }
0x196: {  	v2 =	vmul.f32 v1, v0;
	_ =	sdelay $0x1  }
0x197: {  	v2 =	vmul.f32 v2, v1;
	_ =	sdelay $0x1  }
0x198: {  	v1 =	vmul.f32 $5.000000000e-01, v1;
	v2 =	vsub.f32 $3.000000000e+00, v2;
	_ =	sdelay $0x1  }
0x199: {  	v1 =	vmul.f32 v2, v1;
	_ =	sdelay $0x1  }
0x19a: {  	v2 =	vmul.f32 v1, v0;
	_ =	sdelay $0x1  }
0x19b: {  	v2 =	vmul.f32 v2, v1;
	_ =	sdelay $0x1  }
0x19c: {  	v1 =	vmul.f32 $5.000000000e-01, v1;
	v2 =	vsub.f32 $3.000000000e+00, v2;
	_ =	sdelay $0x1  }
0x19d: {  	v1 =	vmul.f32 v2, v1;
	_ =	sdelay $0x1  }
0x19e: {  	v2 =	vmul.f32 v1, v0;
	_ =	sdelay $0x1  }
0x19f: {  	v2 =	vmul.f32 v2, v1;
	_ =	sdelay $0x1  }
0x1a0: {  	v1 =	vmul.f32 $5.000000000e-01, v1;
	v2 =	vsub.f32 $3.000000000e+00, v2;
	_ =	sdelay $0x1  }
0x1a1: {  	v1 =	vmul.f32 v2, v1;
	_ =	sdelay $0x1  }
0x1a2: {  	v2 =	vmul.f32 v1, v0;
	_ =	sdelay $0x1  }
0x1a3: {  	v2 =	vmul.f32 v2, v1;
	_ =	sdelay $0x1  }
0x1a4: {  	v1 =	vmul.f32 $5.000000000e-01, v1;
	v2 =	vsub.f32 $3.000000000e+00, v2;
	_ =	sdelay $0x1  }
0x1a5: {  	v1 =	vmul.f32 v2, v1;
	_ =	sdelay $0x1  }
0x1a6: {  	v2 =	vmul.f32 v1, v0;
	_ =	sdelay $0x1  }
0x1a7: {  	v2 =	vmul.f32 v2, v1;
	_ =	sdelay $0x1  }
0x1a8: {  	v1 =	vmul.f32 $5.000000000e-01, v1;
	v2 =	vsub.f32 $3.000000000e+00, v2;
	_ =	sdelay $0x1  }
0x1a9: {  	v1 =	vmul.f32 v2, v1;
	_ =	sdelay $0x1  }
0x1aa: {  	v2 =	vmul.f32 v1, v0;
	_ =	sdelay $0x1  }
0x1ab: {  	v2 =	vmul.f32 v2, v1;
	_ =	sdelay $0x1  }
0x1ac: {  	v1 =	vmul.f32 $5.000000000e-01, v1;
	v2 =	vsub.f32 $3.000000000e+00, v2;
	_ =	sdelay $0x1  }
0x1ad: {  	v1 =	vmul.f32 v2, v1;
	_ =	sdelay $0x1  }
0x1ae: {  	v2 =	vmul.f32 v1, v0;
	_ =	sdelay $0x1  }
0x1af: {  	v2 =	vmul.f32 v2, v1;
	_ =	sdelay $0x1  }
0x1b0: {  	v1 =	vmul.f32 $5.000000000e-01, v1;
	v2 =	vsub.f32 $3.000000000e+00, v2;
	_ =	sdelay $0x1  }
0x1b1: {  	v1 =	vmul.f32 v2, v1;
	_ =	sdelay $0x1  }
0x1b2: {  	v2 =	vmul.f32 v1, v0;
	_ =	sdelay $0x1  }
0x1b3: {  	v2 =	vmul.f32 v2, v1;
	_ =	sdelay $0x1  }
0x1b4: {  	v1 =	vmul.f32 $5.000000000e-01, v1;
	v2 =	vsub.f32 $3.000000000e+00, v2;
	_ =	sdelay $0x1  }
0x1b5: {  	v1 =	vmul.f32 v2, v1;
	_ =	sdelay $0x1  }
0x1b6: {  	v2 =	vmul.f32 v1, v0;
	_ =	sdelay $0x1  }
0x1b7: {  	v2 =	vmul.f32 v2, v1;
	_ =	sdelay $0x1  }
0x1b8: {  	v1 =	vmul.f32 $5.000000000e-01, v1;
	v2 =	vsub.f32 $3.000000000e+00, v2;
	_ =	sdelay $0x1  }
0x1b9: {  	v1 =	vmul.f32 v2, v1;
	_ =	sdelay $0x1  }
0x1ba: {  	v2 =	vmul.f32 v1, v0;
	_ =	sdelay $0x1  }
0x1bb: {  	v2 =	vmul.f32 v2, v1;
	_ =	sdelay $0x1  }
0x1bc: {  	v1 =	vmul.f32 $5.000000000e-01, v1;
	v2 =	vsub.f32 $3.000000000e+00, v2;
	_ =	sdelay $0x1  }
0x1bd: {  	v1 =	vmul.f32 v2, v1;
	_ =	sdelay $0x1  }
0x1be: {  	v2 =	vmul.f32 v1, v0;
	_ =	sdelay $0x1  }
0x1bf: {  	v2 =	vmul.f32 v2, v1;
	_ =	sdelay $0x1  }
0x1c0: {  	v1 =	vmul.f32 $5.000000000e-01, v1;
	v2 =	vsub.f32 $3.000000000e+00, v2;
	_ =	sdelay $0x1  }
0x1c1: {  	v1 =	vmul.f32 v2, v1;
	_ =	sdelay $0x1  }
0x1c2: {  	v2 =	vmul.f32 v1, v0;
	_ =	sdelay $0x1  }
0x1c3: {  	v2 =	vmul.f32 v2, v1;
	_ =	sdelay $0x1  }
0x1c4: {  	v1 =	vmul.f32 $5.000000000e-01, v1;
	v2 =	vsub.f32 $3.000000000e+00, v2;
	_ =	sdelay $0x1  }
0x1c5: {  	v1 =	vmul.f32 v2, v1;
	_ =	sdelay $0x1  }
0x1c6: {  	v0 =	vmul.f32 v1, v0;
	_ =	sdelay $0x1  }
0x1c7: {  	v0 =	vmul.f32 v0, v1;
	_ =	sdelay $0x1  }
0x1c8: {  	v1 =	vmul.f32 $5.000000000e-01, v1;
	v0 =	vsub.f32 $3.000000000e+00, v0;
	_ =	sdelay $0x1  }
0x1c9: {  	v0 =	vmul.f32 v0, v1;
	_ =	sdelay $0x1  }
0x1ca: {  	v0 =	vnsel vm0, $0x0, v0  }
0x1cb: {  	s29 =	simm.s32 $0x0;
	s30 =	simm.s32 $0xB000;
	s31 =	simm.s32 $0x1;
	[tilespmem:s6+$0xB000] =	vst v0  }
0x1cc: {  	[hbm4b:s4+s29] =	stream.linear.scatter [tilespmem:s30], [sflag:$0x1], $0x280, $0x38;
	[tilespmem:$0xDF80] =	vst v63  }
0x1cd: {  	_ =	swait.ge [sflag:s31], $0x280  }
0x1ce: {  	[sflag:s31] =	ssyncset.done $0x0  }
0x1cf: {  	[sflag:s31] =	ssyncadd.s32 $0xFFFFFD80  }
0x1d0: {  	[spmem:s3] =	stream.linear.scatter [tilespmem:s30], [sflag:$0x1], $0x280, $0x38;
	[tilespmem:$0xDF80] =	vst v63  }
0x1d1: {  	_ =	swait.ge [sflag:s31], $0x280  }
0x1d2: {  	[sflag:s31] =	ssyncset.done $0x0  }
0x1d3: {  	[sflag:s31] =	ssyncadd.s32 $0xFFFFFD80  }
0x1d4: {  	s3 =	simm.s32 $0xB280;
	[bflag:$0x0] =	sbarrier.arrive $0xFFFF  }
0x1d5: {  	[tilespmem:s3], [sflag:$0x1] =	stream.linear.gather [spmem:s2], $0x2800, $0x38;
	[tilespmem:$0xDF80] =	vst v63  }
0x1d6: {  	_ =	swait.ge [sflag:s31], $0x2800  }
0x1d7: {  	[sflag:s31] =	ssyncset.done $0x0  }
0x1d8: {  	s2 =	simm.s32 $0x0;
	[sflag:s31] =	ssyncadd.s32 $0xFFFFD800  }
0x1d9: {  	v0 =	vld [tilespmem:s2+$0x0];
	_ =	sdelay $0x4  }
0x1da: {  	v0 =	vshrl.u32 v0, $0xE;
	_ =	sdelay $0x2  }
0x1db: {  	v1 =	vld [tilespmem:s2+$0x10]  }
0x1dc: {  	v2 =	vld [tilespmem:s2+$0x2C00]  }
0x1dd: {  	v0 =	vld.idx.msk [tilespmem:v0+s3+$0x0], $0xffff;
	_ =	sdelay $0x2  }
0x1de: {  	v1 =	vshrl.u32 v1, $0xE;
	_ =	sdelay $0x1  }
0x1df: {  	v0 =	vmul.f32 v2, v0  }
0x1e0: {  	v2 =	vld [tilespmem:s2+$0x2C10]  }
0x1e1: {  	[tilespmem:s2+$0x8400] =	vst v0;
	v0 =	vld [tilespmem:s2+$0x20]  }
0x1e2: {  	v1 =	vld.idx.msk [tilespmem:v1+s3+$0x0], $0xffff;
	_ =	sdelay $0x3  }
0x1e3: {  	v0 =	vshrl.u32 v0, $0xE  }
0x1e4: {  	v1 =	vmul.f32 v2, v1;
	_ =	sdelay $0x1  }
0x1e5: {  	[tilespmem:s2+$0x8410] =	vst v1;
	v1 =	vld [tilespmem:s2+$0x30]  }
0x1e6: {  	v2 =	vld [tilespmem:s2+$0x2C20]  }
0x1e7: {  	v0 =	vld.idx.msk [tilespmem:v0+s3+$0x0], $0xffff;
	_ =	sdelay $0x2  }
0x1e8: {  	v1 =	vshrl.u32 v1, $0xE;
	_ =	sdelay $0x1  }
0x1e9: {  	v0 =	vmul.f32 v2, v0  }
0x1ea: {  	v2 =	vld [tilespmem:s2+$0x2C30]  }
0x1eb: {  	[tilespmem:s2+$0x8420] =	vst v0;
	v0 =	vld [tilespmem:s2+$0x40]  }
0x1ec: {  	v1 =	vld.idx.msk [tilespmem:v1+s3+$0x0], $0xffff;
	_ =	sdelay $0x3  }
0x1ed: {  	v0 =	vshrl.u32 v0, $0xE  }
0x1ee: {  	v1 =	vmul.f32 v2, v1;
	_ =	sdelay $0x1  }
0x1ef: {  	[tilespmem:s2+$0x8430] =	vst v1;
	v1 =	vld [tilespmem:s2+$0x50]  }
0x1f0: {  	v2 =	vld [tilespmem:s2+$0x2C40]  }
0x1f1: {  	v0 =	vld.idx.msk [tilespmem:v0+s3+$0x0], $0xffff;
	_ =	sdelay $0x2  }
0x1f2: {  	v1 =	vshrl.u32 v1, $0xE;
	_ =	sdelay $0x1  }
0x1f3: {  	v0 =	vmul.f32 v2, v0  }
0x1f4: {  	v2 =	vld [tilespmem:s2+$0x2C50]  }
0x1f5: {  	[tilespmem:s2+$0x8440] =	vst v0;
	v0 =	vld [tilespmem:s2+$0x60]  }
0x1f6: {  	v1 =	vld.idx.msk [tilespmem:v1+s3+$0x0], $0xffff;
	_ =	sdelay $0x3  }
0x1f7: {  	v0 =	vshrl.u32 v0, $0xE  }
0x1f8: {  	v1 =	vmul.f32 v2, v1;
	_ =	sdelay $0x1  }
0x1f9: {  	[tilespmem:s2+$0x8450] =	vst v1;
	v1 =	vld [tilespmem:s2+$0x70]  }
0x1fa: {  	v3 =	vld [tilespmem:s2+$0x2C60]  }
0x1fb: {  	v2 =	vld.idx.msk [tilespmem:v0+s3+$0x0], $0xffff;
	_ =	sdelay $0x2  }
0x1fc: {  	v0 =	vshrl.u32 v1, $0xE;
	_ =	sdelay $0x1  }
0x1fd: {  	v1 =	vmul.f32 v3, v2  }
0x1fe: {  	s5 =	simm.s32 $0x80;
	s4 =	simm.s32 $0x400  }
.LBB2_10:
0x1ff: {  	p1 =	sne.s32 s4, $0xA600;
	v2 =	vld [tilespmem:s5+$0x0];
	[tilespmem:s2+$0x8460] =	vst v1  }
0x200: {  	v0 =	vld.idx.msk [tilespmem:v0+s3+$0x0], $0xffff  }
0x201: {  	v1 =	vld [tilespmem:s2+$0x2C70];
	_ =	sdelay $0x2  }
0x202: {  	v2 =	vshrl.u32 v2, $0xE;
	_ =	sdelay $0x1  }
0x203: {  	v0 =	vmul.f32 v1, v0;
	_ =	sdelay $0x1  }
0x204: {  	v1 =	vld [tilespmem:s5+$0x10];
	[tilespmem:s2+$0x8470] =	vst v0;
	s2 =	smov.u32 s5  }
0x205: {  	v0 =	vld.idx.msk [tilespmem:v2+s3+$0x0], $0xffff  }
0x206: {  	v2 =	vld [tilespmem:s2+$0x2C00];
	_ =	sdelay $0x2  }
0x207: {  	v1 =	vshrl.u32 v1, $0xE;
	_ =	sdelay $0x1  }
0x208: {  	v0 =	vmul.f32 v2, v0;
	_ =	sdelay $0x1  }
0x209: {  	[tilespmem:s2+$0x8400] =	vst v0;
	v0 =	vld [tilespmem:s2+$0x20]  }
0x20a: {  	v1 =	vld.idx.msk [tilespmem:v1+s3+$0x0], $0xffff  }
0x20b: {  	v2 =	vld [tilespmem:s2+$0x2C10];
	_ =	sdelay $0x2  }
0x20c: {  	v0 =	vshrl.u32 v0, $0xE;
	_ =	sdelay $0x1  }
0x20d: {  	v1 =	vmul.f32 v2, v1;
	_ =	sdelay $0x1  }
0x20e: {  	[tilespmem:s2+$0x8410] =	vst v1;
	v1 =	vld [tilespmem:s2+$0x30]  }
0x20f: {  	v0 =	vld.idx.msk [tilespmem:v0+s3+$0x0], $0xffff  }
0x210: {  	v2 =	vld [tilespmem:s2+$0x2C20];
	_ =	sdelay $0x2  }
0x211: {  	v1 =	vshrl.u32 v1, $0xE;
	_ =	sdelay $0x1  }
0x212: {  	v0 =	vmul.f32 v2, v0;
	_ =	sdelay $0x1  }
0x213: {  	[tilespmem:s2+$0x8420] =	vst v0;
	v0 =	vld [tilespmem:s2+$0x40]  }
0x214: {  	v1 =	vld.idx.msk [tilespmem:v1+s3+$0x0], $0xffff  }
0x215: {  	v2 =	vld [tilespmem:s2+$0x2C30];
	_ =	sdelay $0x2  }
0x216: {  	v0 =	vshrl.u32 v0, $0xE;
	_ =	sdelay $0x1  }
0x217: {  	v1 =	vmul.f32 v2, v1;
	_ =	sdelay $0x1  }
0x218: {  	[tilespmem:s2+$0x8430] =	vst v1;
	v1 =	vld [tilespmem:s2+$0x50]  }
0x219: {  	v0 =	vld.idx.msk [tilespmem:v0+s3+$0x0], $0xffff  }
0x21a: {  	v2 =	vld [tilespmem:s2+$0x2C40];
	_ =	sdelay $0x2  }
0x21b: {  	v1 =	vshrl.u32 v1, $0xE;
	_ =	sdelay $0x1  }
0x21c: {  	v0 =	vmul.f32 v2, v0;
	_ =	sdelay $0x1  }
0x21d: {  	[tilespmem:s2+$0x8440] =	vst v0;
	v0 =	vld [tilespmem:s2+$0x60]  }
0x21e: {  	v1 =	vld.idx.msk [tilespmem:v1+s3+$0x0], $0xffff  }
0x21f: {  	v2 =	vld [tilespmem:s2+$0x2C50];
	_ =	sdelay $0x2  }
0x220: {  	v0 =	vshrl.u32 v0, $0xE;
	_ =	sdelay $0x1  }
0x221: {  	v1 =	vmul.f32 v2, v1;
	_ =	sdelay $0x1  }
0x222: {  	[tilespmem:s2+$0x8450] =	vst v1;
	v1 =	vld [tilespmem:s2+$0x70]  }
0x223: {  	v2 =	vld.idx.msk [tilespmem:v0+s3+$0x0], $0xffff  }
0x224: {  	v3 =	vld [tilespmem:s2+$0x2C60];
	_ =	sdelay $0x1  }
.Ltmp5:
0x225: {  	(pc) =	sbr.rel @p1 .LBB2_10-.Ltmp5, $3  }
0x226: {  	v0 =	vshrl.u32 v1, $0xE;
	_ =	sdelay $0x1  }
0x227: {  	v1 =	vmul.f32 v3, v2  }
0x228: {  	s5 =	sshra.s32 s4, $0x2;
	s4 =	sadd.s32 $0x200, s4  }
0x229: {  	_ =	sdelay $0x1  }
0x22a: {  	v2 =	vld [tilespmem:s5+$0x0]  }
0x22b: {  	[tilespmem:s2+$0x8460] =	vst v1;
	v48 =	vld [tilespmem:s2+$0x2C70]  }
0x22c: {  	v0 =	vld.idx.msk [tilespmem:v0+s3+$0x0], $0xffff;
	_ =	sdelay $0x3  }
0x22d: {  	v2 =	vshrl.u32 v2, $0xE  }
0x22e: {  	v0 =	vmul.f32 v48, v0;
	_ =	sdelay $0x1  }
0x22f: {  	v49 =	vld [tilespmem:s5+$0x10];
	[tilespmem:s2+$0x8470] =	vst v0  }
0x230: {  	v50 =	vld [tilespmem:s5+$0x2C00]  }
0x231: {  	v0 =	vld.idx.msk [tilespmem:v2+s3+$0x0], $0xffff;
	_ =	sdelay $0x2  }
0x232: {  	v1 =	vshrl.u32 v49, $0xE;
	_ =	sdelay $0x1  }
0x233: {  	v0 =	vmul.f32 v50, v0  }
0x234: {  	v51 =	vld [tilespmem:s5+$0x20]  }
0x235: {  	v52 =	vld [tilespmem:s5+$0x2C10];
	[tilespmem:s5+$0x8400] =	vst v0  }
0x236: {  	v1 =	vld.idx.msk [tilespmem:v1+s3+$0x0], $0xffff;
	_ =	sdelay $0x2  }
0x237: {  	v0 =	vshrl.u32 v51, $0xE;
	_ =	sdelay $0x1  }
0x238: {  	v1 =	vmul.f32 v52, v1  }
0x239: {  	v53 =	vld [tilespmem:s5+$0x30]  }
0x23a: {  	v54 =	vld [tilespmem:s5+$0x2C20];
	[tilespmem:s5+$0x8410] =	vst v1  }
0x23b: {  	v0 =	vld.idx.msk [tilespmem:v0+s3+$0x0], $0xffff;
	_ =	sdelay $0x2  }
0x23c: {  	v1 =	vshrl.u32 v53, $0xE;
	_ =	sdelay $0x1  }
0x23d: {  	v0 =	vmul.f32 v54, v0  }
0x23e: {  	v55 =	vld [tilespmem:s5+$0x40]  }
0x23f: {  	v56 =	vld [tilespmem:s5+$0x2C30];
	[tilespmem:s5+$0x8420] =	vst v0  }
0x240: {  	v1 =	vld.idx.msk [tilespmem:v1+s3+$0x0], $0xffff;
	_ =	sdelay $0x2  }
0x241: {  	v0 =	vshrl.u32 v55, $0xE;
	_ =	sdelay $0x1  }
0x242: {  	v1 =	vmul.f32 v56, v1  }
0x243: {  	v57 =	vld [tilespmem:s5+$0x50]  }
0x244: {  	v58 =	vld [tilespmem:s5+$0x2C40];
	[tilespmem:s5+$0x8430] =	vst v1  }
0x245: {  	v0 =	vld.idx.msk [tilespmem:v0+s3+$0x0], $0xffff;
	_ =	sdelay $0x2  }
0x246: {  	v1 =	vshrl.u32 v57, $0xE;
	_ =	sdelay $0x1  }
0x247: {  	v0 =	vmul.f32 v58, v0  }
0x248: {  	v59 =	vld [tilespmem:s5+$0x60]  }
0x249: {  	v60 =	vld [tilespmem:s5+$0x2C50];
	[tilespmem:s5+$0x8440] =	vst v0  }
0x24a: {  	v1 =	vld.idx.msk [tilespmem:v1+s3+$0x0], $0xffff;
	_ =	sdelay $0x2  }
0x24b: {  	v0 =	vshrl.u32 v59, $0xE;
	_ =	sdelay $0x1  }
0x24c: {  	v1 =	vmul.f32 v60, v1  }
0x24d: {  	v61 =	vld [tilespmem:s5+$0x70]  }
0x24e: {  	v62 =	vld [tilespmem:s5+$0x2C60];
	[tilespmem:s5+$0x8450] =	vst v1  }
0x24f: {  	v0 =	vld.idx.msk [tilespmem:v0+s3+$0x0], $0xffff;
	_ =	sdelay $0x2  }
0x250: {  	v1 =	vshrl.u32 v61, $0xE;
	_ =	sdelay $0x1  }
0x251: {  	v0 =	vmul.f32 v62, v0;
	_ =	sdelay $0x1  }
0x252: {  	v63 =	vld [tilespmem:s5+$0x2C70];
	[tilespmem:s5+$0x8460] =	vst v0  }
0x253: {  	v0 =	vld.idx.msk [tilespmem:v1+s3+$0x0], $0xffff;
	_ =	sdelay $0x4  }
0x254: {  	v0 =	vmul.f32 v63, v0;
	_ =	sdelay $0x1  }
0x255: {  	s29 =	simm.s32 $0x0;
	s30 =	simm.s32 $0x8400;
	s31 =	simm.s32 $0x1;
	[tilespmem:s5+$0x8470] =	vst v0  }
0x256: {  	[hbm4b:s1+s29] =	stream.linear.scatter [tilespmem:s30], [sflag:$0x1], $0x2A00, $0x38;
	[tilespmem:$0xDF80] =	vst v63  }
0x257: {  	_ =	swait.ge [sflag:s31], $0x2A00  }
0x258: {  	[sflag:s31] =	ssyncset.done $0x0  }
0x259: {  	[sflag:s31] =	ssyncadd.s32 $0xFFFFD600  }
.LBB2_12:
0x25a: {  	_ =	sfence.sel $0x180000  }
0x25b: {  	[bflag:$0x0] =	sbarrier.arrive $0xFFFF  }
0x25c: {  	_ =	strace $0x90000047  }
0x25d: {  	s0 =	sadd.s32 @!p0 $0x100000, s0;
	[bflag:$0x2] =	sbarrier.arrive $0xFFFF  }
0x25e: {  	[sflag:s0] =	ssyncadd.tile.s32 @!p0 $0x1;
	_ =	shalt  }
.Lfunc_end2:
_tile_overlayer_lowered:
.L_overlay_start_2:
0x25f: {  	(tag) =	ssettag $0x2  }
0x260: {  	s0 =	rddreg [dreg:$0x0];
	s2 =	stileid.u32  }
0x261: {  	s1 =	rddreg [dreg:$0x1];
	p0 =	sne.s32 s2, $0x0  }
0x262: {  	s3 =	rddreg [dreg:$0x2];
	[bflag:$0x3] =	sbarrier.arrive $0xFFFF;
	s2 =	simm.s32 @!p0 $0x1C01  }
0x263: {  	[timem:s3], [sflag:s2] =	dma.local @!p0 [hbm:s0], s1  }
0x264: {  	s0 =	simm.s32 @!p0 $0x1  }
0x265: {  	_ =	swait.ge @!p0 [sflag:s0], s1  }
0x266: {  	s1 =	ssub.s32 @!p0 $0x0, s1;
	[sflag:s0] =	ssyncset.done @!p0 $0x0  }
0x267: {  	[sflag:s0] =	ssyncadd.s32 @!p0 s1  }
0x268: {  	[bflag:$0x3] =	sbarrier.arrive $0xFFFF  }
0x269: {  	_ =	shalt  }

// kernel: kernel.9.cloned.1.call-start
scs
__scs_entry_jumppad:
0x0: {  	(pc) =	sbr.rel $0x88, $3  }
0x1: {  	(tag) =	ssettag $0x0;
	lr =	simm.s32 $0x1  }
0x2: {  	[smem:$0x3F9C] =	sst lr;
	_ =	strace $0xD0000000  }
0x3: {  	_ = 	snop  }
0x4: {  	_ = 	snop  }
0x5: {  	_ = 	snop  }
0x6: {  	_ = 	snop  }
0x7: {  	_ = 	snop  }
__scs_overlays_trampoline_lowered:
0x8: {  	[smem:$0x3FAB] =	sst s0  }
0x9: {  	[smem:$0x3FAC] =	sst s1  }
0xa: {  	[smem:$0x3FAD] =	sst s2  }
0xb: {  	[smem:$0x3FAE] =	sst s3  }
0xc: {  	[smem:$0x3FAF] =	sst s4  }
0xd: {  	[smem:$0x3FB0] =	sst s5  }
0xe: {  	[smem:$0x3FB1] =	sst s6  }
0xf: {  	[smem:$0x3FB2] =	sst s7  }
0x10: {  	[smem:$0x3FB3] =	sst s8  }
0x11: {  	[smem:$0x3FB4] =	sst s9;
	s0 =	simm.s32 @!p0 $0x0  }
0x12: {  	s1 =	sld [smem:$0x3F9A];
	s0 =	simm.s32 @p0 $0x1  }
0x13: {  	[smem:$0x3FB5] =	sst s0;
	s0 =	simm.s32 @!p1 $0x0  }
0x14: {  	s2 =	sld [smem:$0x3F99];
	s0 =	simm.s32 @p1 $0x1  }
0x15: {  	[smem:$0x3FB6] =	sst s0;
	s0 =	simm.s32 @!p2 $0x0  }
0x16: {  	s3 =	sld [smem:$0x3FDB];
	s0 =	simm.s32 @p2 $0x1  }
0x17: {  	s4 =	simm.s32 $0x1BF5;
	[smem:$0x3FB8] =	sst s0  }
0x18: {  	s0 =	sld [smem:$0x3F9B];
	_ =	swait.ge [sflag:s4], $0x0  }
0x19: {  	s7 =	sld [smem:$0x3F9C]  }
0x1a: {  	s8 =	sadd.s32 $0xFFFFE003, lr  }
0x1b: {  	s9 =	sadd.s32 $0xFFFFFEF7, lr;
	s5 =	simm.s32 $0xFFFFFFFF;
	p2 =	slt.u32 s8, $0xFFFFF086  }
0x1c: {  	p1 =	slt.u32 s9, $0xF7A;
	s5 =	simm.s32 @!p2 $0x0  }
0x1d: {  	s5 =	simm.s32 @p1 $0x1;
	p0 =	seq.s32 s7, s2  }
0x1e: {  	s7 =	smul.u32 @!p0 $0xF7A, s2;
	p2 =	seq.s32 @!p0 s5, $0x0  }
0x1f: {  	s9 =	smul.u32 $0xF7A, s1;
	s8 =	simm.s32 @!p0 $0x1BF5;
	p2 =	por !p2, p0  }
0x20: {  	[sflag:s8] =	ssyncset.s32 @!p0 $0xFFFFF086;
	s6 =	sadd.s32 @!p0 s3, s7;
	s7 =	simm.s32 @!p0 $0x108  }
0x21: {  	s3 =	sadd.s32 s3, s9;
	s6 =	sadd.s32 @!p0 $0x88, s6;
	s7 =	simm.s32 @p2 $0x1082  }
0x22: {  	[simem:s7], [sflag:s8] =	dma.local @!p0 [hbm:s6], $0xF7A  }
0x23: {  	s9 =	sor.u32 $0xD0000000, s2;
	s6 =	simm.s32 $0x108;
	_ =	swait.ge @!p0 [sflag:s8], $0x0  }
0x24: {  	s3 =	sadd.s32 $0x88, s3;
	s6 =	simm.s32 @!p1 $0x1082;
	[sflag:s4] =	ssyncset.s32 $0xFFFFF086  }
0x25: {  	[simem:s6], [sflag:s4] =	dma.local [hbm:s3], $0xF7A  }
0x26: {  	[smem:$0x3F9C] =	sst s1;
	(tag) =	ssettag s2;
	_ =	strace s9  }
0x27: {  	s1 =	sld [smem:$0x3FAC]  }
0x28: {  	s2 =	sld [smem:$0x3FAD]  }
0x29: {  	s4 =	sld [smem:$0x3FAF]  }
0x2a: {  	p0 =	seq.s32 s5, $0x0;
	s5 =	sld [smem:$0x3FB0]  }
0x2b: {  	s6 =	sld [smem:$0x3FB1]  }
0x2c: {  	s7 =	sld [smem:$0x3FB2]  }
0x2d: {  	s3 =	simm.s32 $0x108;
	s8 =	sld [smem:$0x3FB3]  }
0x2e: {  	s3 =	simm.s32 @!p0 $0x1082;
	s9 =	sld [smem:$0x3FB4]  }
0x2f: {  	lr =	sadd.s32 s0, s3;
	s0 =	sld [smem:$0x3FAB]  }
0x30: {  	s3 =	sld [smem:$0x3FAE]  }
0x31: {  	[smem:$0x3FB7] =	sst s10  }
0x32: {  	s10 =	sld [smem:$0x3FB5];
	_ =	sdelay $0x3  }
0x33: {  	p0 =	seq.s32 s10, $0x1;
	s10 =	sld [smem:$0x3FB7];
	_ =	sdelay $0x3  }
0x34: {  	[smem:$0x3FB7] =	sst s10  }
0x35: {  	s10 =	sld [smem:$0x3FB6];
	_ =	sdelay $0x3  }
0x36: {  	p1 =	seq.s32 s10, $0x1;
	s10 =	sld [smem:$0x3FB7];
	_ =	sdelay $0x3  }
0x37: {  	[smem:$0x3FB7] =	sst s10  }
0x38: {  	s10 =	sld [smem:$0x3FB8]  }
0x39: {  	_ = 	snop;
	(pc) =	sbr.ind lr, $3  }
0x3a: {  	_ = 	snop  }
0x3b: {  	_ = 	snop  }
0x3c: {  	p2 =	seq.s32 s10, $0x1;
	s10 =	sld [smem:$0x3FB7]  }
0x3d: {  	_ =	shalt  }
0x3e: {  	_ =	shalt  }
0x3f: {  	_ =	shalt  }
0x40: {  	_ =	shalt  }
0x41: {  	_ =	shalt  }
0x42: {  	_ =	shalt  }
0x43: {  	_ =	shalt  }
0x44: {  	_ =	shalt  }
0x45: {  	_ =	shalt  }
0x46: {  	_ =	shalt  }
0x47: {  	_ =	shalt  }
0x48: {  	_ =	shalt  }
0x49: {  	_ =	shalt  }
0x4a: {  	_ =	shalt  }
0x4b: {  	_ =	shalt  }
0x4c: {  	_ =	shalt  }
0x4d: {  	_ =	shalt  }
0x4e: {  	_ =	shalt  }
0x4f: {  	_ =	shalt  }
0x50: {  	_ =	shalt  }
0x51: {  	_ =	shalt  }
0x52: {  	_ =	shalt  }
0x53: {  	_ =	shalt  }
0x54: {  	_ =	shalt  }
0x55: {  	_ =	shalt  }
0x56: {  	_ =	shalt  }
0x57: {  	_ =	shalt  }
0x58: {  	_ =	shalt  }
0x59: {  	_ =	shalt  }
0x5a: {  	_ =	shalt  }
0x5b: {  	_ =	shalt  }
0x5c: {  	_ =	shalt  }
0x5d: {  	_ =	shalt  }
0x5e: {  	_ =	shalt  }
0x5f: {  	_ =	shalt  }
0x60: {  	_ =	shalt  }
0x61: {  	_ =	shalt  }
0x62: {  	_ =	shalt  }
0x63: {  	_ =	shalt  }
0x64: {  	_ =	shalt  }
0x65: {  	_ =	shalt  }
0x66: {  	_ =	shalt  }
0x67: {  	_ =	shalt  }
0x68: {  	_ =	shalt  }
0x69: {  	_ =	shalt  }
0x6a: {  	_ =	shalt  }
0x6b: {  	_ =	shalt  }
0x6c: {  	_ =	shalt  }
0x6d: {  	_ =	shalt  }
0x6e: {  	_ =	shalt  }
0x6f: {  	_ =	shalt  }
0x70: {  	_ =	shalt  }
0x71: {  	_ =	shalt  }
0x72: {  	_ =	shalt  }
0x73: {  	_ =	shalt  }
0x74: {  	_ =	shalt  }
0x75: {  	_ =	shalt  }
0x76: {  	_ =	shalt  }
0x77: {  	_ =	shalt  }
0x78: {  	_ =	shalt  }
0x79: {  	_ =	shalt  }
0x7a: {  	_ =	shalt  }
0x7b: {  	_ =	shalt  }
0x7c: {  	_ =	shalt  }
0x7d: {  	_ =	shalt  }
0x7e: {  	_ =	shalt  }
0x7f: {  	_ =	shalt  }
0x80: {  	_ =	shalt  }
0x81: {  	_ =	shalt  }
0x82: {  	_ =	shalt  }
0x83: {  	_ =	shalt  }
0x84: {  	_ =	shalt  }
0x85: {  	_ =	shalt  }
0x86: {  	_ =	shalt  }
0x87: {  	_ =	shalt  }
.Lfunc_end0:
.L_simem_size_0:
called_computation.1_lowered:
.L_overlay_start_0:
0x88: {  	s2 =	sld [smem:$0x3FD9]  }
0x89: {  	s3 =	sld [smem:$0x3FFE];
	_ =	sdelay $0x1  }
0x8a: {  	s1 =	srdreg.scid  }
0x8b: {  	s0 =	sand.u32 $0x1, s1  }
0x8c: {  	s17 =	sshll.u32 s0, $0xA;
	s2 =	sadd.s32 s3, s2  }
0x8d: {  	s2 =	sadd.s32 s2, s17  }
0x8e: {  	[smem:$0x3FC3] =	sst s2  }
0x8f: {  	_ = 	snop  }
0x90: {  	s2 =	sld [smem:$0x3FC5]  }
0x91: {  	s18 =	sld [smem:$0x3FD0];
	(tm) =	ssettm $0x1  }
0x92: {  	s4 =	sld [smem:$0x3FFB];
	_ =	sdelay $0x3  }
0x93: {  	_ =	strace s4  }
0x94: {  	s4 =	sld [smem:$0x3FFC];
	_ =	sdelay $0x3  }
0x95: {  	_ =	strace s4  }
0x96: {  	s4 =	sld [smem:$0x3FFD];
	_ =	sdelay $0x3  }
0x97: {  	_ =	strace s4  }
0x98: {  	_ =	strace $0x8FFFFFFF  }
0x99: {  	s19 =	sld [smem:$0x3FDB];
	_ =	sdelay $0x1  }
0x9a: {  	s5 =	simm.s32 $_scs_section_size  }
0x9b: {  	s6 =	simm.s32 $_size__tile_overlayer_lowered;
	s7 =	simm.s32 $_tile_overlayer_lowered  }
0x9c: {  	s22 =	simm.s32 $0x1BFF;
	s21 =	sshll.u32 s7, $0x1;
	s4 =	sadd.s32 s5, s19  }
0x9d: {  	s8 =	simm.s32 $0x0;
	s20 =	sshll.u32 s6, $0x1;
	s6 =	sadd.s32 s21, s4  }
0x9e: {  	[timem:s8], [sflag:s22] =	dma.local [hbm:s6], s20  }
0x9f: {  	_ =	swait.ge [sflag:s22], s20  }
0xa0: {  	s5 =	ssub.s32 $0x0, s20;
	[sflag:s22] =	ssyncset.done $0x0  }
0xa1: {  	[sflag:s22] =	ssyncadd.s32 s5;
	_ =	sdelay $0x1  }
0xa2: {  	s23 =	simm.s32 $0x1B8B  }
0xa3: {  	_ =	swait.ge [sflag:s23], $0x1  }
0xa4: {  	[sflag:s23] =	ssyncset.done $0x0  }
0xa5: {  	s25 =	simm.s32 $0x1B8E;
	s24 =	sld [smem:$0x3FFE];
	[sflag:s23] =	ssyncadd.s32 $0xFFFFFFFF  }
0xa6: {  	s26 =	simm.s32 $execute0_lowered;
	[smem:$0x3FD2] =	sst s25  }
0xa7: {  	s6 =	sshll.u32 s26, $0x1;
	_ =	strace $0x80000049;
	[dreg:$0x1] =	wrdreg $0xFFFFFFFF  }
0xa8: {  	s28 =	simm.s32 $_size_execute0_lowered;
	s4 =	sadd.s32 s4, s6;
	[dreg:$0x0] =	wrdreg $0x0  }
0xa9: {  	s6 =	sshll.u32 s28, $0x1;
	[dreg:$0x2] =	wrdreg s4  }
0xaa: {  	[dreg:$0x3] =	wrdreg s6  }
0xab: {  	[dreg:$0x4] =	wrdreg $0xC0  }
0xac: {  	_ =	task [dreg:s8], $0x5FFFF  }
0xad: {  	[dreg:$0x1] =	wrdreg $0xFFFFFFFF  }
0xae: {  	[dreg:$0x0] =	wrdreg $0x60  }
0xaf: {  	[dreg:$0x2] =	wrdreg s24  }
0xb0: {  	[dreg:$0x3] =	wrdreg s2  }
0xb1: {  	[dreg:$0x4] =	wrdreg s18  }
0xb2: {  	[dreg:$0x5] =	wrdreg $0xBF000  }
0xb3: {  	[dreg:$0x6] =	wrdreg $0x9  }
0xb4: {  	_ =	task.clear_ibuf [dreg:s8], $0x7FFFF;
	_ =	strace $0x90000049  }
0xb5: {  	s29 =	simm.s32 $0x9;
	_ =	strace $0x8000004B  }
0xb6: {  	_ =	swait.ge [sflag:s29], $0x1  }
0xb7: {  	[sflag:s29] =	ssyncadd.s32 $0xFFFFFFFF  }
0xb8: {  	_ =	strace $0x9000004B  }
0xb9: {  	_ =	sfence  }
0xba: {  	s30 =	sld [smem:$0x0];
	_ =	sdelay $0x2  }
0xbb: {  	s31 =	sshll.u32 s1, $0xD;
	s1 =	sshrl.u32 s1, $0x2  }
0xbc: {  	s3 =	sand.u32 $0x4000, s31;
	s1 =	sadd.s32 s1, s30  }
0xbd: {  	s0 =	sor.u32 s3, s0;
	s1 =	sshll.u32 s1, $0x11  }
0xbe: {  	s0 =	sor.u32 s1, s0  }
0xbf: {  	s0 =	sadd.s32 $0x8F2B, s0  }
0xc0: {  	[sflag:s0] =	ssyncadd.remote.s32 $0x1  }
0xc1: {  	_ =	sfence.sel $0xFFFF  }
0xc2: {  	[dreg:$0x0] =	wrdreg $0xFFFFFFFF;
	(pc) =	sbr.abs _section_cstart, $3  }
0xc3: {  	[dreg:$0x1] =	wrdreg $0xFFFFFFFF  }
0xc4: {  	_ =	task.clear_ibuf [dreg:s8], $0x2FFFF;
	_ =	strace $0x9FFFFFFF  }
0xc5: {  	(tm) =	ssettm $0x7FFFFFFF  }
tec
execute0_lowered:
.L_overlay_start_1:
0x0: {  	(tag) =	ssettag $0x1  }
0x1: {  	s0 =	rddreg [dreg:$0x0]  }
0x2: {  	s2 =	rddreg [dreg:$0x1]  }
0x3: {  	s1 =	rddreg [dreg:$0x2]  }
0x4: {  	s3 =	rddreg [dreg:$0x3];
	s4 =	simm.s32 $0x0;
	s13 =	stileid.u32  }
0x5: {  	s6 =	srdreg.scid;
	s15 =	simm.s32 $0x5800;
	s16 =	simm.s32 $0x7  }
0x6: {  	s17 =	simm.s32 $0x2C00;
	s18 =	simm.s32 $0x40;
	s28 =	simm.s32 $0xBA80  }
0x7: {  	s29 =	simm.s32 $0x3;
	s30 =	simm.s32 $0xBB00;
	s5 =	smul.u32 $0x270, s13  }
0x8: {  	s19 =	simm.s32 $0xBC00;
	s20 =	simm.s32 $0x800;
	s7 =	smul.u32 $0x580, s13  }
0x9: {  	[smem:$0x7FF] =	sst s4;
	s8 =	sand.u32 $0x1, s6;
	s10 =	smul.u32 $0x4E000, s13  }
0xa: {  	p0 =	seq.s32 s13, $0xF;
	s6 =	simm.s32 $0x28;
	_ =	strace $0x8000004A  }
0xb: {  	s9 =	ssub.s32 $0x2, s8;
	s6 =	simm.s32 @!p0 $0x27;
	p0 =	seq.s32 s8, $0x0  }
0xc: {  	s26 =	sshll.u32 s8, $0x4;
	s21 =	sshrl.u32 s5, $0x3;
	s11 =	sadd.s32 s7, s0  }
0xd: {  	s22 =	sshrl.u32 s9, $0x1;
	s10 =	sshrl.u32 s10, $0x2;
	s2 =	sadd.s32 s2, s26  }
0xe: {  	s26 =	simm.s32 $0x2;
	s12 =	sadd.s32 s21, s0;
	s9 =	ssub.s32 s9, s22  }
0xf: {  	s7 =	sadd.s32 s10, s3;
	s23 =	sadd.s32 $0x1200, s11;
	s24 =	sadd.s32 $0x7000, s11  }
0x10: {  	s11 =	simm.s32 $0x33A00;
	[dreg:$0x8] =	wrdreg s2;
	s21 =	simm.s32 $0x7800  }
0x11: {  	s2 =	simm.s32 $0x6;
	s22 =	simm.s32 $0x400;
	[dreg:$0x5] =	wrdreg s23  }
0x12: {  	[dreg:$0x6] =	wrdreg s24;
	s25 =	sadd.s32 $0x6A00, s12;
	s12 =	sshll.u32 s8, $0xA  }
0x13: {  	s11 =	simm.s32 @!p0 $0xC800;
	s31 =	smax.u32 s9, $0x1;
	[dreg:$0x7] =	wrdreg s25  }
0x14: {  	s23 =	simm.s32 $0x9800;
	s24 =	simm.s32 $0x1;
	[dreg:$0x9] =	wrdreg s31  }
0x15: {  	v0 =	vimm.f32 $0.0e+00;
	s14 =	sadd.s32 s11, s0;
	s25 =	simm.s32 $0xBA00;
	s0 =	simm.s32 $0x5  }
.LBB2_1:
0x16: {  	s8 =	simm.s32 $0x0;
	s9 =	simm.s32 $0x200  }
.LBB2_2:
0x17: {  	p0 =	sne.s32 s9, $0x1E00;
	[tilespmem:s8+$0x5870] =	vst v0  }
0x18: {  	[tilespmem:s8+$0x5800] =	vst v0  }
0x19: {  	[tilespmem:s8+$0x5810] =	vst v0  }
.Ltmp0:
0x1a: {  	[tilespmem:s8+$0x5820] =	vst v0;
	(pc) =	sbr.rel @p0 .LBB2_2-.Ltmp0, $4  }
0x1b: {  	[tilespmem:s8+$0x5830] =	vst v0  }
0x1c: {  	[tilespmem:s8+$0x5840] =	vst v0  }
0x1d: {  	[tilespmem:s8+$0x5850] =	vst v0  }
0x1e: {  	[tilespmem:s8+$0x5860] =	vst v0;
	s8 =	sshra.s32 s9, $0x2;
	s9 =	sadd.s32 $0x200, s9  }
0x1f: {  	[tilespmem:s8+$0x5870] =	vst v0  }
0x20: {  	[tilespmem:s8+$0x5800] =	vst v0  }
0x21: {  	[tilespmem:s8+$0x5810] =	vst v0  }
0x22: {  	[tilespmem:s8+$0x5820] =	vst v0  }
0x23: {  	[tilespmem:s8+$0x5830] =	vst v0  }
0x24: {  	[tilespmem:s8+$0x5840] =	vst v0;
	p0 =	sne.s32 s6, $0x1  }
.Ltmp1:
0x25: {  	[tilespmem:s8+$0x5850] =	vst v0;
	(pc) =	sbr.rel @!p0 .LBB2_5-.Ltmp1, $4  }
0x26: {  	[tilespmem:s8+$0x5860] =	vst v0  }
0x27: {  	[spmem:s7] =	stream.linear.scatter [tilespmem:s15], [sflag:$0x7], $0x800, $0x38;
	[tilespmem:$0x1F780] =	vst v63  }
0x28: {  	_ =	swait.ge [sflag:s16], $0x800  }
0x29: {  	s8 =	sadd.s32 $0xFFFFFFFF, s6;
	s9 =	smov.u32 s7;
	[sflag:s16] =	ssyncset.done $0x0  }
.LBB2_4:
0x2a: {  	p0 =	sne.s32 s8, $0x1;
	[sflag:s16] =	ssyncadd.s32 $0xFFFFF800;
	s9 =	sadd.s32 $0x800, s9  }
.Ltmp2:
0x2b: {  	s8 =	sadd.s32 $0xFFFFFFFF, s8;
	(pc) =	sbr.rel @p0 .LBB2_4-.Ltmp2, $4  }
0x2c: {  	_ = 	snop  }
0x2d: {  	[spmem:s9] =	stream.linear.scatter [tilespmem:s15], [sflag:$0x7], $0x800, $0x38;
	[tilespmem:$0x1F780] =	vst v63  }
0x2e: {  	_ =	swait.ge [sflag:s16], $0x800  }
0x2f: {  	[sflag:s16] =	ssyncset.done $0x0  }
.LBB2_5:
0x30: {  	[sflag:s16] =	ssyncadd.s32 $0xFFFFF800  }
0x31: {  	[bflag:$0x0] =	sbarrier.arrive $0xFFFF  }
0x32: {  	s8 =	simm.s32 $0x0;
	s9 =	rddreg [dreg:$0x5]  }
0x33: {  	[tilespmem:s8], [sflag:$0x7] =	stream.linear.gather [hbm4b:s9+s8], $0x2A00, $0x38;
	[tilespmem:$0x1F780] =	vst v63  }
0x34: {  	_ =	swait.ge [sflag:s16], $0x2A00  }
0x35: {  	[sflag:s16] =	ssyncset.done $0x0  }
0x36: {  	s10 =	rddreg [dreg:$0x6];
	[sflag:s16] =	ssyncadd.s32 $0xFFFFD600  }
0x37: {  	[tilespmem:s17], [sflag:$0x7] =	stream.linear.gather [hbm4b:s10+s8], $0x2A00, $0x38;
	[tilespmem:$0x1F780] =	vst v63  }
0x38: {  	_ =	swait.ge [sflag:s16], $0x2A00  }
0x39: {  	[sflag:s16] =	ssyncset.done $0x0  }
0x3a: {  	[sflag:s16] =	ssyncadd.s32 $0xFFFFD600  }
0x3b: {  	v1 =	vld [tilespmem:$0x0];
	_ =	sdelay $0x1  }
0x3c: {  	v2 =	vld [tilespmem:$0x10];
	_ =	sdelay $0x1  }
0x3d: {  	v3 =	vld [tilespmem:$0x20]  }
0x3e: {  	v4 =	vshrl.u32 v1, $0xE  }
0x3f: {  	v59 =	vld [tilespmem:$0x30];
	v1 =	vand.u32 $0x3FFF, v1;
	[tilespmem:$0xB800] =	vst v4  }
0x40: {  	[tilespmem:$0xBA00] =	vst v1;
	v1 =	vshrl.u32 v2, $0xE  }
0x41: {  	[tilespmem:$0xB810] =	vst v1;
	v1 =	vand.u32 $0x3FFF, v2  }
0x42: {  	[tilespmem:$0xBA10] =	vst v1;
	v1 =	vshrl.u32 v3, $0xE  }
0x43: {  	[tilespmem:$0xB820] =	vst v1;
	v1 =	vand.u32 $0x3FFF, v3  }
0x44: {  	[tilespmem:$0xBA20] =	vst v1;
	v1 =	vshrl.u32 v59, $0xE  }
0x45: {  	[tilespmem:$0xB830] =	vst v1;
	v1 =	vand.u32 $0x3FFF, v59  }
0x46: {  	s11 =	simm.s32 $0xB800;
	[tilespmem:$0xBA30] =	vst v1  }
0x47: {  	[tilespmem:s15], [sflag:$0x1] =	stream.indirect.gather [hbm4b:s14+s18], $0x80, s11, s18, $0xb8;
	[tilespmem:$0x1F780] =	vst v63  }
0x48: {  	v1 =	vld [tilespmem:$0x40];
	_ =	sdelay $0x1  }
0x49: {  	v2 =	vld [tilespmem:$0x50];
	_ =	sdelay $0x1  }
0x4a: {  	v3 =	vld [tilespmem:$0x60]  }
0x4b: {  	v60 =	vshrl.u32 v1, $0xE  }
0x4c: {  	v61 =	vld [tilespmem:$0x70];
	v1 =	vand.u32 $0x3FFF, v1;
	[tilespmem:$0xB880] =	vst v60  }
0x4d: {  	[tilespmem:$0xBA80] =	vst v1;
	v1 =	vshrl.u32 v2, $0xE  }
0x4e: {  	[tilespmem:$0xB890] =	vst v1;
	v1 =	vand.u32 $0x3FFF, v2  }
0x4f: {  	[tilespmem:$0xBA90] =	vst v1;
	v1 =	vshrl.u32 v3, $0xE  }
0x50: {  	[tilespmem:$0xB8A0] =	vst v1;
	v1 =	vand.u32 $0x3FFF, v3  }
0x51: {  	[tilespmem:$0xBAA0] =	vst v1;
	v1 =	vshrl.u32 v61, $0xE  }
0x52: {  	[tilespmem:$0xB8B0] =	vst v1;
	v1 =	vand.u32 $0x3FFF, v61  }
0x53: {  	s13 =	simm.s32 $0xB880;
	[tilespmem:$0xBAB0] =	vst v1  }
0x54: {  	[tilespmem:s21], [sflag:$0x2] =	stream.indirect.gather [hbm4b:s14+s18], $0x80, s13, s18, $0xb8;
	[tilespmem:$0x1F780] =	vst v63  }
0x55: {  	v1 =	vld [tilespmem:$0x80];
	_ =	sdelay $0x1  }
0x56: {  	v2 =	vld [tilespmem:$0x90];
	_ =	sdelay $0x1  }
0x57: {  	v3 =	vld [tilespmem:$0xA0]  }
0x58: {  	v62 =	vshrl.u32 v1, $0xE  }
0x59: {  	v63 =	vld [tilespmem:$0xB0];
	v1 =	vand.u32 $0x3FFF, v1;
	[tilespmem:$0xB900] =	vst v62  }
0x5a: {  	[tilespmem:$0xBB00] =	vst v1;
	v1 =	vshrl.u32 v2, $0xE  }
0x5b: {  	[tilespmem:$0xB910] =	vst v1;
	v1 =	vand.u32 $0x3FFF, v2  }
0x5c: {  	[tilespmem:$0xBB10] =	vst v1;
	v1 =	vshrl.u32 v3, $0xE  }
0x5d: {  	[tilespmem:$0xB920] =	vst v1;
	v1 =	vand.u32 $0x3FFF, v3  }
0x5e: {  	[tilespmem:$0xBB20] =	vst v1;
	v1 =	vshrl.u32 v63, $0xE  }
0x5f: {  	[tilespmem:$0xB930] =	vst v1;
	v1 =	vand.u32 $0x3FFF, v63  }
0x60: {  	s31 =	simm.s32 $0xB900;
	[tilespmem:$0xBB30] =	vst v1  }
0x61: {  	[tilespmem:s23], [sflag:$0x3] =	stream.indirect.gather [hbm4b:s14+s18], $0x80, s31, s18, $0xb8;
	[tilespmem:$0x1F780] =	vst v63  }
.LBB2_6:
0x62: {  	s10 =	smul.u32 $0x3, s8  }
0x63: {  	s9 =	sshll.u32 s8, $0x6  }
0x64: {  	s9 =	sand.u32 $0x40, s9;
	s10 =	sshll.u32 s10, $0x6  }
0x65: {  	v1 =	vmov s9;
	s11 =	sand.u32 $0xFFFFFF80, s10  }
0x66: {  	v3 =	vand.u32 $0xFFFFFF80, v1;
	v5 =	vmov s11  }
0x67: {  	v2 =	vand.u32 $0x78, v1;
	v4 =	vadd.s32 v5, v3  }
0x68: {  	v4 =	vor.u32 v2, v4  }
0x69: {  	_ =	swait.ge [sflag:s24], $0x2000  }
0x6a: {  	[sflag:s24] =	ssyncset.done $0x0  }
0x6b: {  	[sflag:s24] =	ssyncadd.s32 $0xFFFFE000;
	s11 =	simm.s32 $0x0  }
0x6c: {  	v7 =	vld [tilespmem:s11+$0x5810]  }
0x6d: {  	v6 =	vld.idx.msk [tilespmem:v4+s17+$0x0], $0xffff  }
0x6e: {  	v8 =	vld [tilespmem:s11+$0x5840]  }
0x6f: {  	v9 =	vld [tilespmem:s11+$0x5850]  }
0x70: {  	v11 =	vld [tilespmem:s11+$0x5820]  }
0x71: {  	v10 =	vld [tilespmem:s11+$0x5800]  }
0x72: {  	v13 =	vld [tilespmem:s11+$0x5830];
	v14 =	vmul.f32 v7, v6  }
0x73: {  	v15 =	vld [tilespmem:s11+$0x5870];
	v16 =	vmul.f32 v8, v6  }
0x74: {  	v12 =	vld [tilespmem:s11+$0x5860];
	v9 =	vmul.f32 v9, v6;
	[tilespmem:s11+$0x5810] =	vst v14  }
0x75: {  	v11 =	vmul.f32 v11, v6;
	[tilespmem:s11+$0x5840] =	vst v16  }
0x76: {  	v10 =	vmul.f32 v10, v6;
	[tilespmem:s11+$0x5850] =	vst v9  }
0x77: {  	v9 =	vmul.f32 v13, v6;
	[tilespmem:s11+$0x5820] =	vst v11;
	v11 =	vor.u32 $0x1, v4  }
0x78: {  	[tilespmem:s11+$0x5800] =	vst v10;
	v13 =	vmul.f32 v15, v6  }
0x79: {  	v6 =	vmul.f32 v12, v6;
	[tilespmem:s11+$0x5830] =	vst v9  }
0x7a: {  	[tilespmem:s11+$0x5870] =	vst v13  }
0x7b: {  	[tilespmem:s11+$0x5860] =	vst v6  }
0x7c: {  	v6 =	vld.idx.msk [tilespmem:v11+s17+$0x0], $0xffff  }
0x7d: {  	v11 =	vld [tilespmem:s11+$0x5880]  }
0x7e: {  	v9 =	vld [tilespmem:s11+$0x58F0]  }
0x7f: {  	v13 =	vld [tilespmem:s11+$0x5890]  }
0x80: {  	v12 =	vld [tilespmem:s11+$0x58B0]  }
0x81: {  	v14 =	vld [tilespmem:s11+$0x58C0]  }
0x82: {  	v10 =	vld [tilespmem:s11+$0x58E0];
	v11 =	vmul.f32 v11, v6  }
0x83: {  	v15 =	vld [tilespmem:s11+$0x58A0];
	v9 =	vmul.f32 v9, v6  }
0x84: {  	v16 =	vld [tilespmem:s11+$0x58D0];
	v13 =	vmul.f32 v13, v6;
	[tilespmem:s11+$0x5880] =	vst v11  }
0x85: {  	[tilespmem:s11+$0x58F0] =	vst v9;
	v9 =	vmul.f32 v12, v6  }
0x86: {  	v11 =	vmul.f32 v14, v6;
	[tilespmem:s11+$0x5890] =	vst v13  }
0x87: {  	v10 =	vmul.f32 v10, v6;
	[tilespmem:s11+$0x58B0] =	vst v9;
	v9 =	vor.u32 $0x2, v4  }
0x88: {  	[tilespmem:s11+$0x58C0] =	vst v11;
	v11 =	vmul.f32 v15, v6  }
0x89: {  	[tilespmem:s11+$0x58E0] =	vst v10;
	v6 =	vmul.f32 v16, v6  }
0x8a: {  	[tilespmem:s11+$0x58A0] =	vst v11  }
0x8b: {  	[tilespmem:s11+$0x58D0] =	vst v6;
	v6 =	vld [tilespmem:s11+$0x5910]  }
0x8c: {  	v9 =	vld.idx.msk [tilespmem:v9+s17+$0x0], $0xffff  }
0x8d: {  	v13 =	vld [tilespmem:s11+$0x5920]  }
0x8e: {  	v10 =	vld [tilespmem:s11+$0x5970]  }
0x8f: {  	v12 =	vld [tilespmem:s11+$0x5950]  }
0x90: {  	v14 =	vld [tilespmem:s11+$0x5960]  }
0x91: {  	v16 =	vld [tilespmem:s11+$0x5940];
	v6 =	vmul.f32 v6, v9  }
0x92: {  	v15 =	vld [tilespmem:s11+$0x5900];
	v13 =	vmul.f32 v13, v9  }
0x93: {  	v11 =	vld [tilespmem:s11+$0x5930];
	v10 =	vmul.f32 v10, v9;
	[tilespmem:s11+$0x5910] =	vst v6  }
0x94: {  	v6 =	vmul.f32 v12, v9;
	[tilespmem:s11+$0x5920] =	vst v13  }
0x95: {  	v12 =	vmul.f32 v14, v9;
	[tilespmem:s11+$0x5970] =	vst v10  }
0x96: {  	v13 =	vor.u32 $0x3, v4;
	[tilespmem:s11+$0x5950] =	vst v6;
	v6 =	vmul.f32 v16, v9  }
0x97: {  	[tilespmem:s11+$0x5960] =	vst v12;
	v12 =	vmul.f32 v15, v9  }
0x98: {  	v9 =	vmul.f32 v11, v9;
	[tilespmem:s11+$0x5940] =	vst v6  }
0x99: {  	[tilespmem:s11+$0x5900] =	vst v12  }
0x9a: {  	[tilespmem:s11+$0x5930] =	vst v9;
	v12 =	vld [tilespmem:s11+$0x5980]  }
0x9b: {  	v9 =	vld.idx.msk [tilespmem:v13+s17+$0x0], $0xffff  }
0x9c: {  	v13 =	vld [tilespmem:s11+$0x59A0]  }
0x9d: {  	v10 =	vld [tilespmem:s11+$0x59F0]  }
0x9e: {  	v15 =	vld [tilespmem:s11+$0x59E0]  }
0x9f: {  	v11 =	vld [tilespmem:s11+$0x59B0]  }
0xa0: {  	v6 =	vld [tilespmem:s11+$0x59D0];
	v12 =	vmul.f32 v12, v9  }
0xa1: {  	v14 =	vld [tilespmem:s11+$0x59C0];
	v13 =	vmul.f32 v13, v9  }
0xa2: {  	v16 =	vld [tilespmem:s11+$0x5990];
	v10 =	vmul.f32 v10, v9;
	[tilespmem:s11+$0x5980] =	vst v12  }
0xa3: {  	[tilespmem:s11+$0x59A0] =	vst v13;
	v13 =	vmul.f32 v15, v9  }
0xa4: {  	v7 =	vld [tilespmem:s11+$0x5A60];
	v11 =	vmul.f32 v11, v9;
	[tilespmem:s11+$0x59F0] =	vst v10  }
0xa5: {  	v8 =	vld [tilespmem:s11+$0x5A70];
	v6 =	vmul.f32 v6, v9;
	[tilespmem:s11+$0x59E0] =	vst v13;
	v13 =	vor.u32 $0x4, v4  }
0xa6: {  	v12 =	vmul.f32 v14, v9;
	[tilespmem:s11+$0x59B0] =	vst v11;
	v11 =	vld [tilespmem:s11+$0x5A30]  }
0xa7: {  	v10 =	vmul.f32 v16, v9;
	[tilespmem:s11+$0x59D0] =	vst v6;
	v15 =	vld [tilespmem:s11+$0x5A00]  }
0xa8: {  	v14 =	vld [tilespmem:s11+$0x5A40];
	[tilespmem:s11+$0x59C0] =	vst v12  }
0xa9: {  	[tilespmem:s11+$0x5990] =	vst v10;
	v12 =	vld [tilespmem:s11+$0x5A10]  }
0xaa: {  	v9 =	vld.idx.msk [tilespmem:v13+s17+$0x0], $0xffff  }
0xab: {  	v13 =	vld [tilespmem:s11+$0x5A20]  }
0xac: {  	s13 =	simm.s32 $0x1000;
	v10 =	vld [tilespmem:s11+$0x5A50];
	v6 =	vmov v1  }
.LBB2_7:
0xad: {  	p0 =	sne.s32 s13, $0x7000;
	v6 =	vadd.s32 $0x8, v6;
	s31 =	smov.u32 s13;
	s13 =	sadd.s32 $0x1000, s13  }
0xae: {  	_ = 	snop  }
0xaf: {  	v12 =	vmul.f32 v12, v9;
	v15 =	vmul.f32 v15, v9  }
0xb0: {  	v11 =	vmul.f32 v11, v9;
	v13 =	vmul.f32 v13, v9  }
0xb1: {  	v10 =	vmul.f32 v10, v9;
	[tilespmem:s11+$0x5A00] =	vst v15;
	v14 =	vmul.f32 v14, v9  }
0xb2: {  	v7 =	vmul.f32 v7, v9;
	v8 =	vmul.f32 v8, v9;
	[tilespmem:s11+$0x5A10] =	vst v12  }
0xb3: {  	[tilespmem:s11+$0x5A40] =	vst v14  }
0xb4: {  	v9 =	vor.u32 $0x5, v4;
	[tilespmem:s11+$0x5A20] =	vst v13  }
0xb5: {  	[tilespmem:s11+$0x5A50] =	vst v10;
	v10 =	vld [tilespmem:s11+$0x5AE0]  }
0xb6: {  	[tilespmem:s11+$0x5A70] =	vst v8;
	v8 =	vld [tilespmem:s11+$0x5AF0]  }
0xb7: {  	[tilespmem:s11+$0x5A30] =	vst v11;
	v11 =	vld [tilespmem:s11+$0x5AB0]  }
0xb8: {  	[tilespmem:s11+$0x5A60] =	vst v7;
	v7 =	vld [tilespmem:s11+$0x5A90]  }
0xb9: {  	v9 =	vld.idx.msk [tilespmem:v9+s17+$0x0], $0xffff  }
0xba: {  	v12 =	vld [tilespmem:s11+$0x5A80]  }
0xbb: {  	v13 =	vld [tilespmem:s11+$0x5AA0]  }
0xbc: {  	v14 =	vld [tilespmem:s11+$0x5AC0]  }
0xbd: {  	v15 =	vld [tilespmem:s11+$0x5AD0];
	_ =	sdelay $0x1  }
0xbe: {  	v7 =	vmul.f32 v7, v9;
	v12 =	vmul.f32 v12, v9  }
0xbf: {  	v11 =	vmul.f32 v11, v9;
	v13 =	vmul.f32 v13, v9  }
0xc0: {  	v8 =	vmul.f32 v8, v9;
	[tilespmem:s11+$0x5A80] =	vst v12;
	v12 =	vmul.f32 v14, v9  }
0xc1: {  	[tilespmem:s11+$0x5A90] =	vst v7;
	v7 =	vmul.f32 v15, v9;
	v9 =	vmul.f32 v10, v9  }
0xc2: {  	[tilespmem:s11+$0x5AF0] =	vst v8  }
0xc3: {  	[tilespmem:s11+$0x5AD0] =	vst v7;
	v7 =	vor.u32 $0x6, v4  }
0xc4: {  	[tilespmem:s11+$0x5AA0] =	vst v13;
	v8 =	vld [tilespmem:s11+$0x5B70]  }
0xc5: {  	[tilespmem:s11+$0x5AE0] =	vst v9;
	v9 =	vld [tilespmem:s11+$0x5B50]  }
0xc6: {  	[tilespmem:s11+$0x5AB0] =	vst v11;
	v10 =	vld [tilespmem:s11+$0x5B30]  }
0xc7: {  	[tilespmem:s11+$0x5AC0] =	vst v12;
	v11 =	vld [tilespmem:s11+$0x5B10]  }
0xc8: {  	v7 =	vld.idx.msk [tilespmem:v7+s17+$0x0], $0xffff  }
0xc9: {  	v12 =	vld [tilespmem:s11+$0x5B00]  }
0xca: {  	v13 =	vld [tilespmem:s11+$0x5B20]  }
0xcb: {  	v14 =	vld [tilespmem:s11+$0x5B40]  }
0xcc: {  	v15 =	vld [tilespmem:s11+$0x5B60];
	_ =	sdelay $0x1  }
0xcd: {  	v11 =	vmul.f32 v11, v7;
	v12 =	vmul.f32 v12, v7  }
0xce: {  	v10 =	vmul.f32 v10, v7;
	v13 =	vmul.f32 v13, v7  }
0xcf: {  	v9 =	vmul.f32 v9, v7;
	[tilespmem:s11+$0x5B00] =	vst v12;
	v12 =	vmul.f32 v14, v7  }
0xd0: {  	[tilespmem:s11+$0x5B10] =	vst v11;
	v11 =	vmul.f32 v15, v7;
	v7 =	vmul.f32 v8, v7  }
0xd1: {  	[tilespmem:s11+$0x5B50] =	vst v9  }
0xd2: {  	v4 =	vor.u32 $0x7, v4;
	[tilespmem:s11+$0x5B30] =	vst v10  }
0xd3: {  	[tilespmem:s11+$0x5B20] =	vst v13;
	v8 =	vld [tilespmem:s11+$0x5BF0]  }
0xd4: {  	[tilespmem:s11+$0x5B60] =	vst v11;
	v9 =	vld [tilespmem:s11+$0x5BD0]  }
0xd5: {  	[tilespmem:s11+$0x5B40] =	vst v12;
	v10 =	vld [tilespmem:s11+$0x5BB0]  }
0xd6: {  	[tilespmem:s11+$0x5B70] =	vst v7;
	v7 =	vld [tilespmem:s11+$0x5B90]  }
0xd7: {  	v4 =	vld.idx.msk [tilespmem:v4+s17+$0x0], $0xffff  }
0xd8: {  	v11 =	vld [tilespmem:s11+$0x5B80]  }
0xd9: {  	v12 =	vld [tilespmem:s11+$0x5BA0]  }
0xda: {  	v13 =	vld [tilespmem:s11+$0x5BC0]  }
0xdb: {  	v14 =	vld [tilespmem:s11+$0x5BE0];
	_ =	sdelay $0x1  }
0xdc: {  	v7 =	vmul.f32 v7, v4;
	v11 =	vmul.f32 v11, v4  }
0xdd: {  	v10 =	vmul.f32 v10, v4;
	v12 =	vmul.f32 v12, v4  }
0xde: {  	v9 =	vmul.f32 v9, v4;
	[tilespmem:s11+$0x5B80] =	vst v11;
	v11 =	vmul.f32 v13, v4  }
0xdf: {  	v8 =	vmul.f32 v8, v4;
	v13 =	vand.u32 $0xFFFFFF80, v6;
	[tilespmem:s11+$0x5B90] =	vst v7;
	v7 =	vmul.f32 v14, v4  }
0xe0: {  	v4 =	vand.u32 $0x78, v6;
	v13 =	vadd.s32 v5, v13;
	[tilespmem:s11+$0x5BD0] =	vst v9  }
0xe1: {  	v4 =	vor.u32 v4, v13;
	[tilespmem:s11+$0x5BE0] =	vst v7  }
0xe2: {  	[tilespmem:s11+$0x5BB0] =	vst v10  }
0xe3: {  	[tilespmem:s11+$0x5BF0] =	vst v8  }
0xe4: {  	[tilespmem:s11+$0x5BA0] =	vst v12  }
0xe5: {  	[tilespmem:s11+$0x5BC0] =	vst v11  }
0xe6: {  	s11 =	sshra.s32 s31, $0x2;
	v9 =	vld.idx.msk [tilespmem:v4+s17+$0x0], $0xffff  }
0xe7: {  	v7 =	vld [tilespmem:s11+$0x5840]  }
0xe8: {  	v8 =	vld [tilespmem:s11+$0x5850]  }
0xe9: {  	v10 =	vld [tilespmem:s11+$0x5810]  }
0xea: {  	v11 =	vld [tilespmem:s11+$0x5800]  }
0xeb: {  	v12 =	vld [tilespmem:s11+$0x5820]  }
0xec: {  	v13 =	vld [tilespmem:s11+$0x5860]  }
0xed: {  	v14 =	vld [tilespmem:s11+$0x5830]  }
0xee: {  	v10 =	vmul.f32 v10, v9;
	v15 =	vld [tilespmem:s11+$0x5870]  }
0xef: {  	v16 =	vmul.f32 v7, v9;
	v17 =	vmul.f32 v8, v9;
	v7 =	vld [tilespmem:s11+$0x5A60]  }
0xf0: {  	v11 =	vmul.f32 v11, v9;
	[tilespmem:s11+$0x5810] =	vst v10;
	v10 =	vmul.f32 v12, v9;
	v8 =	vld [tilespmem:s11+$0x5A70]  }
0xf1: {  	[tilespmem:s11+$0x5840] =	vst v16;
	v12 =	vmul.f32 v13, v9;
	v13 =	vor.u32 $0x1, v4  }
0xf2: {  	[tilespmem:s11+$0x5800] =	vst v11;
	v11 =	vmul.f32 v14, v9  }
0xf3: {  	[tilespmem:s11+$0x5850] =	vst v17;
	v9 =	vmul.f32 v15, v9  }
0xf4: {  	[tilespmem:s11+$0x5820] =	vst v10;
	v10 =	vld [tilespmem:s11+$0x58E0]  }
0xf5: {  	[tilespmem:s11+$0x5830] =	vst v11;
	v11 =	vld [tilespmem:s11+$0x58F0]  }
0xf6: {  	[tilespmem:s11+$0x5870] =	vst v9;
	v9 =	vld [tilespmem:s11+$0x58B0]  }
0xf7: {  	[tilespmem:s11+$0x5860] =	vst v12;
	v12 =	vld [tilespmem:s11+$0x58A0]  }
0xf8: {  	v13 =	vld.idx.msk [tilespmem:v13+s17+$0x0], $0xffff  }
0xf9: {  	v14 =	vld [tilespmem:s11+$0x5880]  }
0xfa: {  	v15 =	vld [tilespmem:s11+$0x5890]  }
0xfb: {  	v16 =	vld [tilespmem:s11+$0x58C0]  }
0xfc: {  	v17 =	vld [tilespmem:s11+$0x58D0];
	_ =	sdelay $0x1  }
0xfd: {  	v12 =	vmul.f32 v12, v13;
	v14 =	vmul.f32 v14, v13  }
0xfe: {  	v9 =	vmul.f32 v9, v13;
	v15 =	vmul.f32 v15, v13  }
0xff: {  	v11 =	vmul.f32 v11, v13;
	[tilespmem:s11+$0x5880] =	vst v14;
	v14 =	vmul.f32 v16, v13  }
0x100: {  	v10 =	vmul.f32 v10, v13;
	[tilespmem:s11+$0x5890] =	vst v15;
	v15 =	vmul.f32 v17, v13;
	v13 =	vor.u32 $0x2, v4  }
0x101: {  	[tilespmem:s11+$0x58C0] =	vst v14  }
0x102: {  	[tilespmem:s11+$0x58F0] =	vst v11  }
0x103: {  	[tilespmem:s11+$0x58E0] =	vst v10;
	v10 =	vld [tilespmem:s11+$0x5970]  }
0x104: {  	[tilespmem:s11+$0x58B0] =	vst v9;
	v9 =	vld [tilespmem:s11+$0x5950]  }
0x105: {  	[tilespmem:s11+$0x58A0] =	vst v12;
	v11 =	vld [tilespmem:s11+$0x5930]  }
0x106: {  	[tilespmem:s11+$0x58D0] =	vst v15;
	v12 =	vld [tilespmem:s11+$0x5910]  }
0x107: {  	v13 =	vld.idx.msk [tilespmem:v13+s17+$0x0], $0xffff  }
0x108: {  	v14 =	vld [tilespmem:s11+$0x5900]  }
0x109: {  	v15 =	vld [tilespmem:s11+$0x5920]  }
0x10a: {  	v16 =	vld [tilespmem:s11+$0x5940]  }
0x10b: {  	v17 =	vld [tilespmem:s11+$0x5960];
	_ =	sdelay $0x1  }
0x10c: {  	v12 =	vmul.f32 v12, v13;
	v14 =	vmul.f32 v14, v13  }
0x10d: {  	v11 =	vmul.f32 v11, v13;
	v15 =	vmul.f32 v15, v13  }
0x10e: {  	v9 =	vmul.f32 v9, v13;
	[tilespmem:s11+$0x5910] =	vst v12;
	v12 =	vmul.f32 v16, v13  }
0x10f: {  	v10 =	vmul.f32 v10, v13;
	[tilespmem:s11+$0x5920] =	vst v15;
	v15 =	vmul.f32 v17, v13;
	v13 =	vor.u32 $0x3, v4  }
0x110: {  	[tilespmem:s11+$0x5950] =	vst v9  }
0x111: {  	[tilespmem:s11+$0x5960] =	vst v15  }
0x112: {  	[tilespmem:s11+$0x5970] =	vst v10;
	v9 =	vld [tilespmem:s11+$0x59F0]  }
0x113: {  	[tilespmem:s11+$0x5940] =	vst v12;
	v10 =	vld [tilespmem:s11+$0x59D0]  }
0x114: {  	[tilespmem:s11+$0x5900] =	vst v14;
	v12 =	vld [tilespmem:s11+$0x59B0]  }
0x115: {  	[tilespmem:s11+$0x5930] =	vst v11;
	v11 =	vld [tilespmem:s11+$0x5990]  }
0x116: {  	v13 =	vld.idx.msk [tilespmem:v13+s17+$0x0], $0xffff  }
0x117: {  	v14 =	vld [tilespmem:s11+$0x5980]  }
0x118: {  	v15 =	vld [tilespmem:s11+$0x59A0]  }
0x119: {  	v16 =	vld [tilespmem:s11+$0x59C0]  }
0x11a: {  	v17 =	vld [tilespmem:s11+$0x59E0];
	_ =	sdelay $0x1  }
0x11b: {  	v11 =	vmul.f32 v11, v13;
	v14 =	vmul.f32 v14, v13  }
0x11c: {  	v12 =	vmul.f32 v12, v13;
	v15 =	vmul.f32 v15, v13  }
0x11d: {  	[tilespmem:s11+$0x5980] =	vst v14;
	v14 =	vmul.f32 v16, v13;
	v16 =	vmul.f32 v10, v13  }
0x11e: {  	v9 =	vmul.f32 v9, v13;
	[tilespmem:s11+$0x59A0] =	vst v15;
	v10 =	vmul.f32 v17, v13  }
0x11f: {  	[tilespmem:s11+$0x59C0] =	vst v14  }
0x120: {  	[tilespmem:s11+$0x59F0] =	vst v9  }
0x121: {  	v9 =	vor.u32 $0x4, v4;
	[tilespmem:s11+$0x59E0] =	vst v10  }
0x122: {  	[tilespmem:s11+$0x59B0] =	vst v12  }
0x123: {  	[tilespmem:s11+$0x5990] =	vst v11;
	v10 =	vld [tilespmem:s11+$0x5A50]  }
0x124: {  	v11 =	vld [tilespmem:s11+$0x5A30]  }
.Ltmp3:
0x125: {  	[tilespmem:s11+$0x59D0] =	vst v16;
	v12 =	vld [tilespmem:s11+$0x5A10];
	(pc) =	sbr.rel @p0 .LBB2_7-.Ltmp3, $4  }
0x126: {  	v9 =	vld.idx.msk [tilespmem:v9+s17+$0x0], $0xffff  }
0x127: {  	v15 =	vld [tilespmem:s11+$0x5A00]  }
0x128: {  	v13 =	vld [tilespmem:s11+$0x5A20]  }
0x129: {  	v14 =	vld [tilespmem:s11+$0x5A40]  }
0x12a: {  	_ = 	snop  }
0x12b: {  	v6 =	vmul.f32 v12, v9  }
0x12c: {  	v7 =	vmul.f32 v7, v9  }
0x12d: {  	v5 =	vmul.f32 v15, v9;
	[tilespmem:s11+$0x5A10] =	vst v6  }
0x12e: {  	v12 =	vmul.f32 v13, v9;
	[tilespmem:s11+$0x5A60] =	vst v7  }
0x12f: {  	[tilespmem:s11+$0x5A00] =	vst v5;
	v5 =	vmul.f32 v14, v9  }
0x130: {  	v6 =	vmul.f32 v10, v9;
	v10 =	vor.u32 $0x5, v4;
	[tilespmem:s11+$0x5A20] =	vst v12  }
0x131: {  	[tilespmem:s11+$0x5A40] =	vst v5;
	v5 =	vmul.f32 v8, v9  }
0x132: {  	[tilespmem:s11+$0x5A50] =	vst v6;
	v8 =	vmul.f32 v11, v9  }
0x133: {  	[tilespmem:s11+$0x5A70] =	vst v5  }
0x134: {  	v9 =	vld [tilespmem:s11+$0x5A80];
	[tilespmem:s11+$0x5A30] =	vst v8  }
0x135: {  	v7 =	vld.idx.msk [tilespmem:v10+s17+$0x0], $0xffff  }
0x136: {  	v10 =	vld [tilespmem:s11+$0x5A90]  }
0x137: {  	v5 =	vld [tilespmem:s11+$0x5AF0]  }
0x138: {  	v11 =	vld [tilespmem:s11+$0x5AD0]  }
0x139: {  	v8 =	vld [tilespmem:s11+$0x5AB0]  }
0x13a: {  	v12 =	vld [tilespmem:s11+$0x5AA0];
	v9 =	vmul.f32 v9, v7  }
0x13b: {  	v6 =	vld [tilespmem:s11+$0x5AE0];
	v10 =	vmul.f32 v10, v7  }
0x13c: {  	v13 =	vld [tilespmem:s11+$0x5AC0];
	v5 =	vmul.f32 v5, v7;
	[tilespmem:s11+$0x5A80] =	vst v9  }
0x13d: {  	[tilespmem:s11+$0x5A90] =	vst v10;
	v9 =	vmul.f32 v11, v7  }
0x13e: {  	v8 =	vmul.f32 v8, v7;
	[tilespmem:s11+$0x5AF0] =	vst v5  }
0x13f: {  	v10 =	vmul.f32 v12, v7;
	[tilespmem:s11+$0x5AD0] =	vst v9;
	v9 =	vor.u32 $0x6, v4  }
0x140: {  	v5 =	vmul.f32 v6, v7;
	[tilespmem:s11+$0x5AB0] =	vst v8  }
0x141: {  	v7 =	vmul.f32 v13, v7;
	[tilespmem:s11+$0x5AA0] =	vst v10  }
0x142: {  	[tilespmem:s11+$0x5AE0] =	vst v5  }
0x143: {  	[tilespmem:s11+$0x5AC0] =	vst v7  }
0x144: {  	v7 =	vld.idx.msk [tilespmem:v9+s17+$0x0], $0xffff  }
0x145: {  	v9 =	vld [tilespmem:s11+$0x5B00]  }
0x146: {  	v10 =	vld [tilespmem:s11+$0x5B10]  }
0x147: {  	v5 =	vld [tilespmem:s11+$0x5B50]  }
0x148: {  	v8 =	vld [tilespmem:s11+$0x5B30]  }
0x149: {  	v6 =	vld [tilespmem:s11+$0x5B70]  }
0x14a: {  	v11 =	vld [tilespmem:s11+$0x5B20];
	v9 =	vmul.f32 v9, v7  }
0x14b: {  	v13 =	vld [tilespmem:s11+$0x5B60];
	v10 =	vmul.f32 v10, v7  }
0x14c: {  	v12 =	vld [tilespmem:s11+$0x5B40];
	v5 =	vmul.f32 v5, v7;
	[tilespmem:s11+$0x5B00] =	vst v9  }
0x14d: {  	v8 =	vmul.f32 v8, v7;
	[tilespmem:s11+$0x5B10] =	vst v10  }
0x14e: {  	v6 =	vmul.f32 v6, v7;
	[tilespmem:s11+$0x5B50] =	vst v5  }
0x14f: {  	v4 =	vor.u32 $0x7, v4;
	v9 =	vmul.f32 v11, v7;
	[tilespmem:s11+$0x5B30] =	vst v8  }
0x150: {  	v5 =	vmul.f32 v13, v7;
	[tilespmem:s11+$0x5B70] =	vst v6  }
0x151: {  	[tilespmem:s11+$0x5B20] =	vst v9;
	v9 =	vmul.f32 v12, v7  }
0x152: {  	[tilespmem:s11+$0x5B60] =	vst v5  }
0x153: {  	v6 =	vld [tilespmem:s11+$0x5B80];
	[tilespmem:s11+$0x5B40] =	vst v9  }
0x154: {  	v4 =	vld.idx.msk [tilespmem:v4+s17+$0x0], $0xffff  }
0x155: {  	v9 =	vld [tilespmem:s11+$0x5B90]  }
0x156: {  	v5 =	vld [tilespmem:s11+$0x5BD0]  }
0x157: {  	v7 =	vld [tilespmem:s11+$0x5BB0]  }
0x158: {  	v8 =	vld [tilespmem:s11+$0x5BF0]  }
0x159: {  	v10 =	vld [tilespmem:s11+$0x5BE0];
	v6 =	vmul.f32 v6, v4  }
0x15a: {  	v11 =	vld [tilespmem:s11+$0x5BA0];
	v9 =	vmul.f32 v9, v4  }
0x15b: {  	v12 =	vld [tilespmem:s11+$0x5BC0];
	v5 =	vmul.f32 v5, v4;
	[tilespmem:s11+$0x5B80] =	vst v6  }
0x15c: {  	v7 =	vmul.f32 v7, v4;
	[tilespmem:s11+$0x5B90] =	vst v9  }
0x15d: {  	v8 =	vmul.f32 v8, v4;
	[tilespmem:s11+$0x5BD0] =	vst v5  }
0x15e: {  	s13 =	sadd.s32 $0x40, s10;
	v6 =	vmul.f32 v10, v4;
	[tilespmem:s11+$0x5BB0] =	vst v7  }
0x15f: {  	s31 =	sand.u32 $0x40, s13;
	v9 =	vmul.f32 v11, v4;
	[tilespmem:s11+$0x5BF0] =	vst v8  }
0x160: {  	s13 =	sand.u32 $0xFFFFFF80, s13;
	v5 =	vmov s31;
	v4 =	vmul.f32 v12, v4;
	[tilespmem:s11+$0x5BE0] =	vst v6  }
0x161: {  	v7 =	vand.u32 $0xFFFFFF80, v5;
	v6 =	vmov s13;
	[tilespmem:s11+$0x5BA0] =	vst v9  }
0x162: {  	v8 =	vand.u32 $0x78, v5;
	[tilespmem:s11+$0x5BC0] =	vst v4;
	v7 =	vadd.s32 v6, v7  }
0x163: {  	[spmem:s3] =	stream.indirect.scatter.add.f32 [tilespmem:s15], [sflag:$0x4], $0x80, s25, s18, $0xb8;
	v4 =	vor.u32 v8, v7;
	[tilespmem:$0x1F780] =	vst v63  }
0x164: {  	_ =	swait.ge [sflag:s26], $0x2000  }
0x165: {  	[sflag:s26] =	ssyncset.done $0x0  }
0x166: {  	s11 =	simm.s32 $0x0;
	[sflag:s26] =	ssyncadd.s32 $0xFFFFE000  }
0x167: {  	v7 =	vld [tilespmem:s11+$0x7810]  }
0x168: {  	v9 =	vld.idx.msk [tilespmem:v4+s17+$0x0], $0xffff  }
0x169: {  	v8 =	vld [tilespmem:s11+$0x7840]  }
0x16a: {  	v10 =	vld [tilespmem:s11+$0x7850]  }
0x16b: {  	v12 =	vld [tilespmem:s11+$0x7820]  }
0x16c: {  	v11 =	vld [tilespmem:s11+$0x7800]  }
0x16d: {  	v14 =	vld [tilespmem:s11+$0x7830];
	v15 =	vmul.f32 v7, v9  }
0x16e: {  	v16 =	vld [tilespmem:s11+$0x7870];
	v17 =	vmul.f32 v8, v9  }
0x16f: {  	v13 =	vld [tilespmem:s11+$0x7860];
	v10 =	vmul.f32 v10, v9;
	[tilespmem:s11+$0x7810] =	vst v15  }
0x170: {  	v12 =	vmul.f32 v12, v9;
	[tilespmem:s11+$0x7840] =	vst v17  }
0x171: {  	v11 =	vmul.f32 v11, v9;
	[tilespmem:s11+$0x7850] =	vst v10  }
0x172: {  	v10 =	vmul.f32 v14, v9;
	[tilespmem:s11+$0x7820] =	vst v12;
	v12 =	vor.u32 $0x1, v4  }
0x173: {  	[tilespmem:s11+$0x7800] =	vst v11;
	v14 =	vmul.f32 v16, v9  }
0x174: {  	v9 =	vmul.f32 v13, v9;
	[tilespmem:s11+$0x7830] =	vst v10  }
0x175: {  	[tilespmem:s11+$0x7870] =	vst v14  }
0x176: {  	[tilespmem:s11+$0x7860] =	vst v9  }
0x177: {  	v9 =	vld.idx.msk [tilespmem:v12+s17+$0x0], $0xffff  }
0x178: {  	v12 =	vld [tilespmem:s11+$0x7880]  }
0x179: {  	v10 =	vld [tilespmem:s11+$0x78F0]  }
0x17a: {  	v14 =	vld [tilespmem:s11+$0x7890]  }
0x17b: {  	v13 =	vld [tilespmem:s11+$0x78B0]  }
0x17c: {  	v15 =	vld [tilespmem:s11+$0x78C0]  }
0x17d: {  	v11 =	vld [tilespmem:s11+$0x78E0];
	v12 =	vmul.f32 v12, v9  }
0x17e: {  	v16 =	vld [tilespmem:s11+$0x78A0];
	v10 =	vmul.f32 v10, v9  }
0x17f: {  	v17 =	vld [tilespmem:s11+$0x78D0];
	v14 =	vmul.f32 v14, v9;
	[tilespmem:s11+$0x7880] =	vst v12  }
0x180: {  	[tilespmem:s11+$0x78F0] =	vst v10;
	v10 =	vmul.f32 v13, v9  }
0x181: {  	v12 =	vmul.f32 v15, v9;
	[tilespmem:s11+$0x7890] =	vst v14  }
0x182: {  	v11 =	vmul.f32 v11, v9;
	[tilespmem:s11+$0x78B0] =	vst v10;
	v10 =	vor.u32 $0x2, v4  }
0x183: {  	[tilespmem:s11+$0x78C0] =	vst v12;
	v12 =	vmul.f32 v16, v9  }
0x184: {  	[tilespmem:s11+$0x78E0] =	vst v11;
	v9 =	vmul.f32 v17, v9  }
0x185: {  	[tilespmem:s11+$0x78A0] =	vst v12  }
0x186: {  	[tilespmem:s11+$0x78D0] =	vst v9;
	v9 =	vld [tilespmem:s11+$0x7910]  }
0x187: {  	v10 =	vld.idx.msk [tilespmem:v10+s17+$0x0], $0xffff  }
0x188: {  	v14 =	vld [tilespmem:s11+$0x7920]  }
0x189: {  	v11 =	vld [tilespmem:s11+$0x7970]  }
0x18a: {  	v13 =	vld [tilespmem:s11+$0x7950]  }
0x18b: {  	v15 =	vld [tilespmem:s11+$0x7960]  }
0x18c: {  	v17 =	vld [tilespmem:s11+$0x7940];
	v9 =	vmul.f32 v9, v10  }
0x18d: {  	v16 =	vld [tilespmem:s11+$0x7900];
	v14 =	vmul.f32 v14, v10  }
0x18e: {  	v12 =	vld [tilespmem:s11+$0x7930];
	v11 =	vmul.f32 v11, v10;
	[tilespmem:s11+$0x7910] =	vst v9  }
0x18f: {  	v9 =	vmul.f32 v13, v10;
	[tilespmem:s11+$0x7920] =	vst v14  }
0x190: {  	v13 =	vmul.f32 v15, v10;
	[tilespmem:s11+$0x7970] =	vst v11  }
0x191: {  	v14 =	vor.u32 $0x3, v4;
	[tilespmem:s11+$0x7950] =	vst v9;
	v9 =	vmul.f32 v17, v10  }
0x192: {  	[tilespmem:s11+$0x7960] =	vst v13;
	v13 =	vmul.f32 v16, v10  }
0x193: {  	v10 =	vmul.f32 v12, v10;
	[tilespmem:s11+$0x7940] =	vst v9  }
0x194: {  	v11 =	vld [tilespmem:s11+$0x79F0];
	[tilespmem:s11+$0x7900] =	vst v13  }
0x195: {  	[tilespmem:s11+$0x7930] =	vst v10;
	v13 =	vld [tilespmem:s11+$0x7980]  }
0x196: {  	v10 =	vld.idx.msk [tilespmem:v14+s17+$0x0], $0xffff  }
0x197: {  	v14 =	vld [tilespmem:s11+$0x79A0]  }
0x198: {  	v15 =	vld [tilespmem:s11+$0x79C0]  }
0x199: {  	v12 =	vld [tilespmem:s11+$0x79B0]  }
0x19a: {  	v16 =	vld [tilespmem:s11+$0x79E0]  }
0x19b: {  	v9 =	vld [tilespmem:s11+$0x79D0];
	v13 =	vmul.f32 v13, v10  }
0x19c: {  	v17 =	vld [tilespmem:s11+$0x7990];
	v14 =	vmul.f32 v14, v10  }
0x19d: {  	v11 =	vmul.f32 v11, v10;
	[tilespmem:s11+$0x7980] =	vst v13  }
0x19e: {  	v13 =	vmul.f32 v15, v10;
	[tilespmem:s11+$0x79A0] =	vst v14  }
0x19f: {  	v7 =	vld [tilespmem:s11+$0x7A60];
	v12 =	vmul.f32 v12, v10;
	[tilespmem:s11+$0x79F0] =	vst v11  }
0x1a0: {  	v8 =	vld [tilespmem:s11+$0x7A70];
	v9 =	vmul.f32 v9, v10;
	[tilespmem:s11+$0x79C0] =	vst v13;
	v13 =	vor.u32 $0x4, v4  }
0x1a1: {  	v14 =	vmul.f32 v16, v10;
	v11 =	vmul.f32 v17, v10;
	[tilespmem:s11+$0x79B0] =	vst v12;
	v10 =	vld [tilespmem:s11+$0x7A50]  }
0x1a2: {  	[tilespmem:s11+$0x79D0] =	vst v9;
	v12 =	vld [tilespmem:s11+$0x7A10]  }
0x1a3: {  	v15 =	vld [tilespmem:s11+$0x7A00];
	[tilespmem:s11+$0x79E0] =	vst v14  }
0x1a4: {  	[tilespmem:s11+$0x7990] =	vst v11;
	v11 =	vld [tilespmem:s11+$0x7A30]  }
0x1a5: {  	v9 =	vld.idx.msk [tilespmem:v13+s17+$0x0], $0xffff  }
0x1a6: {  	v13 =	vld [tilespmem:s11+$0x7A20]  }
0x1a7: {  	s13 =	simm.s32 $0x1000;
	v14 =	vld [tilespmem:s11+$0x7A40]  }
.LBB2_9:
0x1a8: {  	p0 =	sne.s32 s13, $0x7000;
	v5 =	vadd.s32 $0x8, v5;
	s31 =	smov.u32 s13;
	s13 =	sadd.s32 $0x1000, s13  }
0x1a9: {  	_ = 	snop  }
0x1aa: {  	v12 =	vmul.f32 v12, v9;
	v15 =	vmul.f32 v15, v9  }
0x1ab: {  	v11 =	vmul.f32 v11, v9;
	v13 =	vmul.f32 v13, v9  }
0x1ac: {  	v10 =	vmul.f32 v10, v9;
	[tilespmem:s11+$0x7A00] =	vst v15;
	v14 =	vmul.f32 v14, v9  }
0x1ad: {  	v7 =	vmul.f32 v7, v9;
	v8 =	vmul.f32 v8, v9;
	[tilespmem:s11+$0x7A10] =	vst v12  }
0x1ae: {  	[tilespmem:s11+$0x7A40] =	vst v14  }
0x1af: {  	v9 =	vor.u32 $0x5, v4;
	[tilespmem:s11+$0x7A20] =	vst v13  }
0x1b0: {  	[tilespmem:s11+$0x7A50] =	vst v10;
	v10 =	vld [tilespmem:s11+$0x7AE0]  }
0x1b1: {  	[tilespmem:s11+$0x7A70] =	vst v8;
	v8 =	vld [tilespmem:s11+$0x7AF0]  }
0x1b2: {  	[tilespmem:s11+$0x7A30] =	vst v11;
	v11 =	vld [tilespmem:s11+$0x7AB0]  }
0x1b3: {  	[tilespmem:s11+$0x7A60] =	vst v7;
	v7 =	vld [tilespmem:s11+$0x7A90]  }
0x1b4: {  	v9 =	vld.idx.msk [tilespmem:v9+s17+$0x0], $0xffff  }
0x1b5: {  	v12 =	vld [tilespmem:s11+$0x7A80]  }
0x1b6: {  	v13 =	vld [tilespmem:s11+$0x7AA0]  }
0x1b7: {  	v14 =	vld [tilespmem:s11+$0x7AC0]  }
0x1b8: {  	v15 =	vld [tilespmem:s11+$0x7AD0];
	_ =	sdelay $0x1  }
0x1b9: {  	v7 =	vmul.f32 v7, v9;
	v12 =	vmul.f32 v12, v9  }
0x1ba: {  	v11 =	vmul.f32 v11, v9;
	v13 =	vmul.f32 v13, v9  }
0x1bb: {  	v8 =	vmul.f32 v8, v9;
	[tilespmem:s11+$0x7A80] =	vst v12;
	v12 =	vmul.f32 v14, v9  }
0x1bc: {  	[tilespmem:s11+$0x7A90] =	vst v7;
	v7 =	vmul.f32 v15, v9;
	v9 =	vmul.f32 v10, v9  }
0x1bd: {  	[tilespmem:s11+$0x7AF0] =	vst v8  }
0x1be: {  	[tilespmem:s11+$0x7AD0] =	vst v7;
	v7 =	vor.u32 $0x6, v4  }
0x1bf: {  	[tilespmem:s11+$0x7AA0] =	vst v13;
	v8 =	vld [tilespmem:s11+$0x7B70]  }
0x1c0: {  	[tilespmem:s11+$0x7AE0] =	vst v9;
	v9 =	vld [tilespmem:s11+$0x7B50]  }
0x1c1: {  	[tilespmem:s11+$0x7AB0] =	vst v11;
	v10 =	vld [tilespmem:s11+$0x7B30]  }
0x1c2: {  	[tilespmem:s11+$0x7AC0] =	vst v12;
	v11 =	vld [tilespmem:s11+$0x7B10]  }
0x1c3: {  	v7 =	vld.idx.msk [tilespmem:v7+s17+$0x0], $0xffff  }
0x1c4: {  	v12 =	vld [tilespmem:s11+$0x7B00]  }
0x1c5: {  	v13 =	vld [tilespmem:s11+$0x7B20]  }
0x1c6: {  	v14 =	vld [tilespmem:s11+$0x7B40]  }
0x1c7: {  	v15 =	vld [tilespmem:s11+$0x7B60];
	_ =	sdelay $0x1  }
0x1c8: {  	v11 =	vmul.f32 v11, v7;
	v12 =	vmul.f32 v12, v7  }
0x1c9: {  	v10 =	vmul.f32 v10, v7;
	v13 =	vmul.f32 v13, v7  }
0x1ca: {  	v9 =	vmul.f32 v9, v7;
	[tilespmem:s11+$0x7B00] =	vst v12;
	v12 =	vmul.f32 v14, v7  }
0x1cb: {  	[tilespmem:s11+$0x7B10] =	vst v11;
	v11 =	vmul.f32 v15, v7;
	v7 =	vmul.f32 v8, v7  }
0x1cc: {  	[tilespmem:s11+$0x7B50] =	vst v9  }
0x1cd: {  	v4 =	vor.u32 $0x7, v4;
	[tilespmem:s11+$0x7B30] =	vst v10  }
0x1ce: {  	[tilespmem:s11+$0x7B20] =	vst v13;
	v8 =	vld [tilespmem:s11+$0x7BF0]  }
0x1cf: {  	[tilespmem:s11+$0x7B60] =	vst v11;
	v9 =	vld [tilespmem:s11+$0x7BD0]  }
0x1d0: {  	[tilespmem:s11+$0x7B40] =	vst v12;
	v10 =	vld [tilespmem:s11+$0x7BB0]  }
0x1d1: {  	[tilespmem:s11+$0x7B70] =	vst v7;
	v7 =	vld [tilespmem:s11+$0x7B90]  }
0x1d2: {  	v4 =	vld.idx.msk [tilespmem:v4+s17+$0x0], $0xffff  }
0x1d3: {  	v11 =	vld [tilespmem:s11+$0x7B80]  }
0x1d4: {  	v12 =	vld [tilespmem:s11+$0x7BA0]  }
0x1d5: {  	v13 =	vld [tilespmem:s11+$0x7BC0]  }
0x1d6: {  	v14 =	vld [tilespmem:s11+$0x7BE0];
	_ =	sdelay $0x1  }
0x1d7: {  	v7 =	vmul.f32 v7, v4;
	v11 =	vmul.f32 v11, v4  }
0x1d8: {  	v10 =	vmul.f32 v10, v4;
	v12 =	vmul.f32 v12, v4  }
0x1d9: {  	v9 =	vmul.f32 v9, v4;
	[tilespmem:s11+$0x7B80] =	vst v11;
	v11 =	vmul.f32 v13, v4  }
0x1da: {  	v8 =	vmul.f32 v8, v4;
	v13 =	vand.u32 $0xFFFFFF80, v5;
	[tilespmem:s11+$0x7B90] =	vst v7;
	v7 =	vmul.f32 v14, v4  }
0x1db: {  	v4 =	vand.u32 $0x78, v5;
	v13 =	vadd.s32 v6, v13;
	[tilespmem:s11+$0x7BD0] =	vst v9  }
0x1dc: {  	v4 =	vor.u32 v4, v13;
	[tilespmem:s11+$0x7BE0] =	vst v7  }
0x1dd: {  	[tilespmem:s11+$0x7BB0] =	vst v10  }
0x1de: {  	[tilespmem:s11+$0x7BF0] =	vst v8  }
0x1df: {  	[tilespmem:s11+$0x7BA0] =	vst v12  }
0x1e0: {  	[tilespmem:s11+$0x7BC0] =	vst v11  }
0x1e1: {  	s11 =	sshra.s32 s31, $0x2;
	v9 =	vld.idx.msk [tilespmem:v4+s17+$0x0], $0xffff  }
0x1e2: {  	v7 =	vld [tilespmem:s11+$0x7840]  }
0x1e3: {  	v8 =	vld [tilespmem:s11+$0x7850]  }
0x1e4: {  	v10 =	vld [tilespmem:s11+$0x7810]  }
0x1e5: {  	v11 =	vld [tilespmem:s11+$0x7800]  }
0x1e6: {  	v12 =	vld [tilespmem:s11+$0x7820]  }
0x1e7: {  	v13 =	vld [tilespmem:s11+$0x7860]  }
0x1e8: {  	v14 =	vld [tilespmem:s11+$0x7830]  }
0x1e9: {  	v10 =	vmul.f32 v10, v9;
	v15 =	vld [tilespmem:s11+$0x7870]  }
0x1ea: {  	v16 =	vmul.f32 v7, v9;
	v17 =	vmul.f32 v8, v9;
	v7 =	vld [tilespmem:s11+$0x7A60]  }
0x1eb: {  	v11 =	vmul.f32 v11, v9;
	[tilespmem:s11+$0x7810] =	vst v10;
	v10 =	vmul.f32 v12, v9;
	v8 =	vld [tilespmem:s11+$0x7A70]  }
0x1ec: {  	[tilespmem:s11+$0x7840] =	vst v16;
	v12 =	vmul.f32 v13, v9;
	v13 =	vor.u32 $0x1, v4  }
0x1ed: {  	[tilespmem:s11+$0x7800] =	vst v11;
	v11 =	vmul.f32 v14, v9  }
0x1ee: {  	[tilespmem:s11+$0x7850] =	vst v17;
	v9 =	vmul.f32 v15, v9  }
0x1ef: {  	[tilespmem:s11+$0x7820] =	vst v10;
	v10 =	vld [tilespmem:s11+$0x78E0]  }
0x1f0: {  	[tilespmem:s11+$0x7830] =	vst v11;
	v11 =	vld [tilespmem:s11+$0x78F0]  }
0x1f1: {  	[tilespmem:s11+$0x7870] =	vst v9;
	v9 =	vld [tilespmem:s11+$0x78B0]  }
0x1f2: {  	[tilespmem:s11+$0x7860] =	vst v12;
	v12 =	vld [tilespmem:s11+$0x78A0]  }
0x1f3: {  	v13 =	vld.idx.msk [tilespmem:v13+s17+$0x0], $0xffff  }
0x1f4: {  	v14 =	vld [tilespmem:s11+$0x7880]  }
0x1f5: {  	v15 =	vld [tilespmem:s11+$0x7890]  }
0x1f6: {  	v16 =	vld [tilespmem:s11+$0x78C0]  }
0x1f7: {  	v17 =	vld [tilespmem:s11+$0x78D0];
	_ =	sdelay $0x1  }
0x1f8: {  	v12 =	vmul.f32 v12, v13;
	v14 =	vmul.f32 v14, v13  }
0x1f9: {  	v9 =	vmul.f32 v9, v13;
	v15 =	vmul.f32 v15, v13  }
0x1fa: {  	v11 =	vmul.f32 v11, v13;
	[tilespmem:s11+$0x7880] =	vst v14;
	v14 =	vmul.f32 v16, v13  }
0x1fb: {  	v10 =	vmul.f32 v10, v13;
	[tilespmem:s11+$0x7890] =	vst v15;
	v15 =	vmul.f32 v17, v13;
	v13 =	vor.u32 $0x2, v4  }
0x1fc: {  	[tilespmem:s11+$0x78C0] =	vst v14  }
0x1fd: {  	[tilespmem:s11+$0x78F0] =	vst v11  }
0x1fe: {  	[tilespmem:s11+$0x78E0] =	vst v10;
	v10 =	vld [tilespmem:s11+$0x7970]  }
0x1ff: {  	[tilespmem:s11+$0x78B0] =	vst v9;
	v9 =	vld [tilespmem:s11+$0x7950]  }
0x200: {  	[tilespmem:s11+$0x78A0] =	vst v12;
	v11 =	vld [tilespmem:s11+$0x7930]  }
0x201: {  	[tilespmem:s11+$0x78D0] =	vst v15;
	v12 =	vld [tilespmem:s11+$0x7910]  }
0x202: {  	v13 =	vld.idx.msk [tilespmem:v13+s17+$0x0], $0xffff  }
0x203: {  	v14 =	vld [tilespmem:s11+$0x7900]  }
0x204: {  	v15 =	vld [tilespmem:s11+$0x7920]  }
0x205: {  	v16 =	vld [tilespmem:s11+$0x7940]  }
0x206: {  	v17 =	vld [tilespmem:s11+$0x7960];
	_ =	sdelay $0x1  }
0x207: {  	v12 =	vmul.f32 v12, v13;
	v14 =	vmul.f32 v14, v13  }
0x208: {  	v11 =	vmul.f32 v11, v13;
	v15 =	vmul.f32 v15, v13  }
0x209: {  	v9 =	vmul.f32 v9, v13;
	[tilespmem:s11+$0x7910] =	vst v12;
	v12 =	vmul.f32 v16, v13  }
0x20a: {  	v10 =	vmul.f32 v10, v13;
	[tilespmem:s11+$0x7920] =	vst v15;
	v15 =	vmul.f32 v17, v13;
	v13 =	vor.u32 $0x3, v4  }
0x20b: {  	[tilespmem:s11+$0x7950] =	vst v9  }
0x20c: {  	[tilespmem:s11+$0x7960] =	vst v15  }
0x20d: {  	[tilespmem:s11+$0x7970] =	vst v10;
	v9 =	vld [tilespmem:s11+$0x79F0]  }
0x20e: {  	[tilespmem:s11+$0x7940] =	vst v12;
	v10 =	vld [tilespmem:s11+$0x79D0]  }
0x20f: {  	[tilespmem:s11+$0x7900] =	vst v14;
	v12 =	vld [tilespmem:s11+$0x79B0]  }
0x210: {  	[tilespmem:s11+$0x7930] =	vst v11;
	v11 =	vld [tilespmem:s11+$0x7990]  }
0x211: {  	v13 =	vld.idx.msk [tilespmem:v13+s17+$0x0], $0xffff  }
0x212: {  	v14 =	vld [tilespmem:s11+$0x7980]  }
0x213: {  	v15 =	vld [tilespmem:s11+$0x79A0]  }
0x214: {  	v16 =	vld [tilespmem:s11+$0x79C0]  }
0x215: {  	v17 =	vld [tilespmem:s11+$0x79E0];
	_ =	sdelay $0x1  }
0x216: {  	v11 =	vmul.f32 v11, v13;
	v14 =	vmul.f32 v14, v13  }
0x217: {  	v12 =	vmul.f32 v12, v13;
	v15 =	vmul.f32 v15, v13  }
0x218: {  	[tilespmem:s11+$0x7980] =	vst v14;
	v14 =	vmul.f32 v16, v13;
	v16 =	vmul.f32 v10, v13  }
0x219: {  	v9 =	vmul.f32 v9, v13;
	[tilespmem:s11+$0x79A0] =	vst v15;
	v10 =	vmul.f32 v17, v13  }
0x21a: {  	[tilespmem:s11+$0x79C0] =	vst v14  }
0x21b: {  	[tilespmem:s11+$0x79F0] =	vst v9  }
0x21c: {  	v9 =	vor.u32 $0x4, v4;
	[tilespmem:s11+$0x79E0] =	vst v10  }
0x21d: {  	[tilespmem:s11+$0x79B0] =	vst v12  }
0x21e: {  	[tilespmem:s11+$0x7990] =	vst v11;
	v10 =	vld [tilespmem:s11+$0x7A50]  }
0x21f: {  	v11 =	vld [tilespmem:s11+$0x7A30]  }
.Ltmp4:
0x220: {  	[tilespmem:s11+$0x79D0] =	vst v16;
	v12 =	vld [tilespmem:s11+$0x7A10];
	(pc) =	sbr.rel @p0 .LBB2_9-.Ltmp4, $4  }
0x221: {  	v9 =	vld.idx.msk [tilespmem:v9+s17+$0x0], $0xffff  }
0x222: {  	v15 =	vld [tilespmem:s11+$0x7A00]  }
0x223: {  	v13 =	vld [tilespmem:s11+$0x7A20]  }
0x224: {  	v14 =	vld [tilespmem:s11+$0x7A40]  }
0x225: {  	_ = 	snop  }
0x226: {  	v6 =	vmul.f32 v12, v9  }
0x227: {  	v7 =	vmul.f32 v7, v9  }
0x228: {  	v5 =	vmul.f32 v15, v9;
	[tilespmem:s11+$0x7A10] =	vst v6  }
0x229: {  	v12 =	vmul.f32 v13, v9;
	[tilespmem:s11+$0x7A60] =	vst v7  }
0x22a: {  	[tilespmem:s11+$0x7A00] =	vst v5;
	v5 =	vmul.f32 v14, v9  }
0x22b: {  	v6 =	vmul.f32 v10, v9;
	v10 =	vor.u32 $0x5, v4;
	[tilespmem:s11+$0x7A20] =	vst v12  }
0x22c: {  	[tilespmem:s11+$0x7A40] =	vst v5;
	v5 =	vmul.f32 v8, v9  }
0x22d: {  	[tilespmem:s11+$0x7A50] =	vst v6;
	v8 =	vmul.f32 v11, v9  }
0x22e: {  	[tilespmem:s11+$0x7A70] =	vst v5  }
0x22f: {  	v9 =	vld [tilespmem:s11+$0x7A80];
	[tilespmem:s11+$0x7A30] =	vst v8  }
0x230: {  	v7 =	vld.idx.msk [tilespmem:v10+s17+$0x0], $0xffff  }
0x231: {  	v10 =	vld [tilespmem:s11+$0x7A90]  }
0x232: {  	v5 =	vld [tilespmem:s11+$0x7AF0]  }
0x233: {  	v11 =	vld [tilespmem:s11+$0x7AD0]  }
0x234: {  	v8 =	vld [tilespmem:s11+$0x7AB0]  }
0x235: {  	v12 =	vld [tilespmem:s11+$0x7AA0];
	v9 =	vmul.f32 v9, v7  }
0x236: {  	v6 =	vld [tilespmem:s11+$0x7AE0];
	v10 =	vmul.f32 v10, v7  }
0x237: {  	v13 =	vld [tilespmem:s11+$0x7AC0];
	v5 =	vmul.f32 v5, v7;
	[tilespmem:s11+$0x7A80] =	vst v9  }
0x238: {  	[tilespmem:s11+$0x7A90] =	vst v10;
	v9 =	vmul.f32 v11, v7  }
0x239: {  	v8 =	vmul.f32 v8, v7;
	[tilespmem:s11+$0x7AF0] =	vst v5  }
0x23a: {  	v10 =	vmul.f32 v12, v7;
	[tilespmem:s11+$0x7AD0] =	vst v9;
	v9 =	vor.u32 $0x6, v4  }
0x23b: {  	v5 =	vmul.f32 v6, v7;
	[tilespmem:s11+$0x7AB0] =	vst v8  }
0x23c: {  	v7 =	vmul.f32 v13, v7;
	[tilespmem:s11+$0x7AA0] =	vst v10  }
0x23d: {  	[tilespmem:s11+$0x7AE0] =	vst v5  }
0x23e: {  	[tilespmem:s11+$0x7AC0] =	vst v7  }
0x23f: {  	v7 =	vld.idx.msk [tilespmem:v9+s17+$0x0], $0xffff  }
0x240: {  	v9 =	vld [tilespmem:s11+$0x7B00]  }
0x241: {  	v10 =	vld [tilespmem:s11+$0x7B10]  }
0x242: {  	v5 =	vld [tilespmem:s11+$0x7B50]  }
0x243: {  	v8 =	vld [tilespmem:s11+$0x7B30]  }
0x244: {  	v6 =	vld [tilespmem:s11+$0x7B70]  }
0x245: {  	v11 =	vld [tilespmem:s11+$0x7B20];
	v9 =	vmul.f32 v9, v7  }
0x246: {  	v13 =	vld [tilespmem:s11+$0x7B60];
	v10 =	vmul.f32 v10, v7  }
0x247: {  	v12 =	vld [tilespmem:s11+$0x7B40];
	v5 =	vmul.f32 v5, v7;
	[tilespmem:s11+$0x7B00] =	vst v9  }
0x248: {  	v8 =	vmul.f32 v8, v7;
	[tilespmem:s11+$0x7B10] =	vst v10  }
0x249: {  	v6 =	vmul.f32 v6, v7;
	[tilespmem:s11+$0x7B50] =	vst v5  }
0x24a: {  	v4 =	vor.u32 $0x7, v4;
	v9 =	vmul.f32 v11, v7;
	[tilespmem:s11+$0x7B30] =	vst v8  }
0x24b: {  	v5 =	vmul.f32 v13, v7;
	[tilespmem:s11+$0x7B70] =	vst v6  }
0x24c: {  	[tilespmem:s11+$0x7B20] =	vst v9;
	v9 =	vmul.f32 v12, v7  }
0x24d: {  	[tilespmem:s11+$0x7B60] =	vst v5  }
0x24e: {  	v6 =	vld [tilespmem:s11+$0x7B80];
	[tilespmem:s11+$0x7B40] =	vst v9  }
0x24f: {  	v4 =	vld.idx.msk [tilespmem:v4+s17+$0x0], $0xffff  }
0x250: {  	v9 =	vld [tilespmem:s11+$0x7B90]  }
0x251: {  	v5 =	vld [tilespmem:s11+$0x7BD0]  }
0x252: {  	v7 =	vld [tilespmem:s11+$0x7BB0]  }
0x253: {  	v10 =	vld [tilespmem:s11+$0x7BE0]  }
0x254: {  	v8 =	vld [tilespmem:s11+$0x7BF0];
	v6 =	vmul.f32 v6, v4  }
0x255: {  	v12 =	vld [tilespmem:s11+$0x7BC0];
	v9 =	vmul.f32 v9, v4  }
0x256: {  	v11 =	vld [tilespmem:s11+$0x7BA0];
	v5 =	vmul.f32 v5, v4;
	[tilespmem:s11+$0x7B80] =	vst v6  }
0x257: {  	v7 =	vmul.f32 v7, v4;
	[tilespmem:s11+$0x7B90] =	vst v9  }
0x258: {  	v6 =	vmul.f32 v10, v4;
	[tilespmem:s11+$0x7BD0] =	vst v5  }
0x259: {  	s10 =	sadd.s32 $0x80, s10;
	v5 =	vmul.f32 v8, v4;
	[tilespmem:s11+$0x7BB0] =	vst v7  }
0x25a: {  	s10 =	sand.u32 $0xFFFFFF80, s10;
	v7 =	vmul.f32 v12, v4;
	[tilespmem:s11+$0x7BE0] =	vst v6  }
0x25b: {  	v6 =	vmul.f32 v11, v4;
	[tilespmem:s11+$0x7BF0] =	vst v5;
	v4 =	vmov s10  }
0x25c: {  	[tilespmem:s11+$0x7BC0] =	vst v7;
	v3 =	vadd.s32 v4, v3  }
0x25d: {  	[tilespmem:s11+$0x7BA0] =	vst v6;
	v2 =	vor.u32 v2, v3  }
0x25e: {  	[spmem:s3] =	stream.indirect.scatter.add.f32 [tilespmem:s21], [sflag:$0x5], $0x80, s28, s18, $0xb8;
	[tilespmem:$0x1F780] =	vst v63  }
0x25f: {  	_ =	swait.ge [sflag:s29], $0x2000  }
0x260: {  	[sflag:s29] =	ssyncset.done $0x0  }
0x261: {  	[sflag:s29] =	ssyncadd.s32 $0xFFFFE000  }
0x262: {  	s10 =	simm.s32 $0x0;
	v6 =	vld.idx.msk [tilespmem:v2+s17+$0x0], $0xffff  }
0x263: {  	v3 =	vld [tilespmem:s10+$0x9810]  }
0x264: {  	v5 =	vld [tilespmem:s10+$0x9840]  }
0x265: {  	v7 =	vld [tilespmem:s10+$0x9850]  }
0x266: {  	v9 =	vld [tilespmem:s10+$0x9820]  }
0x267: {  	v8 =	vld [tilespmem:s10+$0x9800]  }
0x268: {  	v11 =	vld [tilespmem:s10+$0x9830];
	v12 =	vmul.f32 v3, v6  }
0x269: {  	v13 =	vld [tilespmem:s10+$0x9870];
	v14 =	vmul.f32 v5, v6  }
0x26a: {  	v10 =	vld [tilespmem:s10+$0x9860];
	v7 =	vmul.f32 v7, v6;
	[tilespmem:s10+$0x9810] =	vst v12  }
0x26b: {  	v9 =	vmul.f32 v9, v6;
	[tilespmem:s10+$0x9840] =	vst v14  }
0x26c: {  	v8 =	vmul.f32 v8, v6;
	[tilespmem:s10+$0x9850] =	vst v7  }
0x26d: {  	v7 =	vmul.f32 v11, v6;
	[tilespmem:s10+$0x9820] =	vst v9;
	v9 =	vor.u32 $0x1, v2  }
0x26e: {  	[tilespmem:s10+$0x9800] =	vst v8;
	v11 =	vmul.f32 v13, v6  }
0x26f: {  	v6 =	vmul.f32 v10, v6;
	[tilespmem:s10+$0x9830] =	vst v7  }
0x270: {  	[tilespmem:s10+$0x9870] =	vst v11  }
0x271: {  	[tilespmem:s10+$0x9860] =	vst v6  }
0x272: {  	v6 =	vld.idx.msk [tilespmem:v9+s17+$0x0], $0xffff  }
0x273: {  	v9 =	vld [tilespmem:s10+$0x9880]  }
0x274: {  	v7 =	vld [tilespmem:s10+$0x98F0]  }
0x275: {  	v11 =	vld [tilespmem:s10+$0x9890]  }
0x276: {  	v10 =	vld [tilespmem:s10+$0x98B0]  }
0x277: {  	v12 =	vld [tilespmem:s10+$0x98C0]  }
0x278: {  	v8 =	vld [tilespmem:s10+$0x98E0];
	v9 =	vmul.f32 v9, v6  }
0x279: {  	v13 =	vld [tilespmem:s10+$0x98A0];
	v7 =	vmul.f32 v7, v6  }
0x27a: {  	v14 =	vld [tilespmem:s10+$0x98D0];
	v11 =	vmul.f32 v11, v6;
	[tilespmem:s10+$0x9880] =	vst v9  }
0x27b: {  	[tilespmem:s10+$0x98F0] =	vst v7;
	v7 =	vmul.f32 v10, v6  }
0x27c: {  	v9 =	vmul.f32 v12, v6;
	[tilespmem:s10+$0x9890] =	vst v11  }
0x27d: {  	v8 =	vmul.f32 v8, v6;
	[tilespmem:s10+$0x98B0] =	vst v7;
	v7 =	vor.u32 $0x2, v2  }
0x27e: {  	[tilespmem:s10+$0x98C0] =	vst v9;
	v9 =	vmul.f32 v13, v6  }
0x27f: {  	[tilespmem:s10+$0x98E0] =	vst v8;
	v6 =	vmul.f32 v14, v6  }
0x280: {  	[tilespmem:s10+$0x98A0] =	vst v9  }
0x281: {  	[tilespmem:s10+$0x98D0] =	vst v6;
	v6 =	vld [tilespmem:s10+$0x9910]  }
0x282: {  	v7 =	vld.idx.msk [tilespmem:v7+s17+$0x0], $0xffff  }
0x283: {  	v11 =	vld [tilespmem:s10+$0x9920]  }
0x284: {  	v8 =	vld [tilespmem:s10+$0x9970]  }
0x285: {  	v10 =	vld [tilespmem:s10+$0x9950]  }
0x286: {  	v12 =	vld [tilespmem:s10+$0x9960]  }
0x287: {  	v14 =	vld [tilespmem:s10+$0x9940];
	v6 =	vmul.f32 v6, v7  }
0x288: {  	v13 =	vld [tilespmem:s10+$0x9900];
	v11 =	vmul.f32 v11, v7  }
0x289: {  	v9 =	vld [tilespmem:s10+$0x9930];
	v8 =	vmul.f32 v8, v7;
	[tilespmem:s10+$0x9910] =	vst v6  }
0x28a: {  	v6 =	vmul.f32 v10, v7;
	[tilespmem:s10+$0x9920] =	vst v11  }
0x28b: {  	v10 =	vmul.f32 v12, v7;
	[tilespmem:s10+$0x9970] =	vst v8  }
0x28c: {  	v11 =	vor.u32 $0x3, v2;
	[tilespmem:s10+$0x9950] =	vst v6;
	v6 =	vmul.f32 v14, v7  }
0x28d: {  	[tilespmem:s10+$0x9960] =	vst v10;
	v10 =	vmul.f32 v13, v7  }
0x28e: {  	v7 =	vmul.f32 v9, v7;
	[tilespmem:s10+$0x9940] =	vst v6  }
0x28f: {  	v8 =	vld [tilespmem:s10+$0x99F0];
	[tilespmem:s10+$0x9900] =	vst v10  }
0x290: {  	[tilespmem:s10+$0x9930] =	vst v7;
	v10 =	vld [tilespmem:s10+$0x9980]  }
0x291: {  	v7 =	vld.idx.msk [tilespmem:v11+s17+$0x0], $0xffff  }
0x292: {  	v11 =	vld [tilespmem:s10+$0x99A0]  }
0x293: {  	v12 =	vld [tilespmem:s10+$0x99C0]  }
0x294: {  	v9 =	vld [tilespmem:s10+$0x99B0]  }
0x295: {  	v13 =	vld [tilespmem:s10+$0x99E0]  }
0x296: {  	v6 =	vld [tilespmem:s10+$0x99D0];
	v10 =	vmul.f32 v10, v7  }
0x297: {  	v14 =	vld [tilespmem:s10+$0x9990];
	v11 =	vmul.f32 v11, v7  }
0x298: {  	v8 =	vmul.f32 v8, v7;
	[tilespmem:s10+$0x9980] =	vst v10  }
0x299: {  	v10 =	vmul.f32 v12, v7;
	[tilespmem:s10+$0x99A0] =	vst v11  }
0x29a: {  	v3 =	vld [tilespmem:s10+$0x9A60];
	v9 =	vmul.f32 v9, v7;
	[tilespmem:s10+$0x99F0] =	vst v8  }
0x29b: {  	v5 =	vld [tilespmem:s10+$0x9A70];
	v6 =	vmul.f32 v6, v7;
	[tilespmem:s10+$0x99C0] =	vst v10;
	v10 =	vor.u32 $0x4, v2  }
0x29c: {  	v11 =	vmul.f32 v13, v7;
	v8 =	vmul.f32 v14, v7;
	[tilespmem:s10+$0x99B0] =	vst v9;
	v7 =	vld [tilespmem:s10+$0x9A50]  }
0x29d: {  	[tilespmem:s10+$0x99D0] =	vst v6;
	v9 =	vld [tilespmem:s10+$0x9A10]  }
0x29e: {  	v12 =	vld [tilespmem:s10+$0x9A00];
	[tilespmem:s10+$0x99E0] =	vst v11  }
0x29f: {  	[tilespmem:s10+$0x9990] =	vst v8;
	v8 =	vld [tilespmem:s10+$0x9A30]  }
0x2a0: {  	v6 =	vld.idx.msk [tilespmem:v10+s17+$0x0], $0xffff  }
0x2a1: {  	v10 =	vld [tilespmem:s10+$0x9A20]  }
0x2a2: {  	s11 =	simm.s32 $0x1000;
	v11 =	vld [tilespmem:s10+$0x9A40]  }
.LBB2_11:
0x2a3: {  	p0 =	sne.s32 s11, $0x7000;
	v1 =	vadd.s32 $0x8, v1;
	s13 =	smov.u32 s11;
	s11 =	sadd.s32 $0x1000, s11  }
0x2a4: {  	_ = 	snop  }
0x2a5: {  	v9 =	vmul.f32 v9, v6;
	v12 =	vmul.f32 v12, v6  }
0x2a6: {  	v8 =	vmul.f32 v8, v6;
	v10 =	vmul.f32 v10, v6  }
0x2a7: {  	v7 =	vmul.f32 v7, v6;
	[tilespmem:s10+$0x9A00] =	vst v12;
	v11 =	vmul.f32 v11, v6  }
0x2a8: {  	v3 =	vmul.f32 v3, v6;
	v5 =	vmul.f32 v5, v6;
	[tilespmem:s10+$0x9A10] =	vst v9  }
0x2a9: {  	[tilespmem:s10+$0x9A40] =	vst v11  }
0x2aa: {  	v6 =	vor.u32 $0x5, v2;
	[tilespmem:s10+$0x9A20] =	vst v10  }
0x2ab: {  	[tilespmem:s10+$0x9A50] =	vst v7;
	v7 =	vld [tilespmem:s10+$0x9AE0]  }
0x2ac: {  	[tilespmem:s10+$0x9A70] =	vst v5;
	v5 =	vld [tilespmem:s10+$0x9AF0]  }
0x2ad: {  	[tilespmem:s10+$0x9A30] =	vst v8;
	v8 =	vld [tilespmem:s10+$0x9AB0]  }
0x2ae: {  	[tilespmem:s10+$0x9A60] =	vst v3;
	v3 =	vld [tilespmem:s10+$0x9A90]  }
0x2af: {  	v6 =	vld.idx.msk [tilespmem:v6+s17+$0x0], $0xffff  }
0x2b0: {  	v9 =	vld [tilespmem:s10+$0x9A80]  }
0x2b1: {  	v10 =	vld [tilespmem:s10+$0x9AA0]  }
0x2b2: {  	v11 =	vld [tilespmem:s10+$0x9AC0]  }
0x2b3: {  	v12 =	vld [tilespmem:s10+$0x9AD0];
	_ =	sdelay $0x1  }
0x2b4: {  	v3 =	vmul.f32 v3, v6;
	v9 =	vmul.f32 v9, v6  }
0x2b5: {  	v8 =	vmul.f32 v8, v6;
	v10 =	vmul.f32 v10, v6  }
0x2b6: {  	v5 =	vmul.f32 v5, v6;
	[tilespmem:s10+$0x9A80] =	vst v9;
	v9 =	vmul.f32 v11, v6  }
0x2b7: {  	[tilespmem:s10+$0x9A90] =	vst v3;
	v3 =	vmul.f32 v12, v6;
	v6 =	vmul.f32 v7, v6  }
0x2b8: {  	[tilespmem:s10+$0x9AF0] =	vst v5  }
0x2b9: {  	[tilespmem:s10+$0x9AD0] =	vst v3;
	v3 =	vor.u32 $0x6, v2  }
0x2ba: {  	[tilespmem:s10+$0x9AA0] =	vst v10;
	v5 =	vld [tilespmem:s10+$0x9B70]  }
0x2bb: {  	[tilespmem:s10+$0x9AE0] =	vst v6;
	v6 =	vld [tilespmem:s10+$0x9B50]  }
0x2bc: {  	[tilespmem:s10+$0x9AB0] =	vst v8;
	v7 =	vld [tilespmem:s10+$0x9B30]  }
0x2bd: {  	[tilespmem:s10+$0x9AC0] =	vst v9;
	v8 =	vld [tilespmem:s10+$0x9B10]  }
0x2be: {  	v3 =	vld.idx.msk [tilespmem:v3+s17+$0x0], $0xffff  }
0x2bf: {  	v9 =	vld [tilespmem:s10+$0x9B00]  }
0x2c0: {  	v10 =	vld [tilespmem:s10+$0x9B20]  }
0x2c1: {  	v11 =	vld [tilespmem:s10+$0x9B40]  }
0x2c2: {  	v12 =	vld [tilespmem:s10+$0x9B60];
	_ =	sdelay $0x1  }
0x2c3: {  	v8 =	vmul.f32 v8, v3;
	v9 =	vmul.f32 v9, v3  }
0x2c4: {  	v7 =	vmul.f32 v7, v3;
	v10 =	vmul.f32 v10, v3  }
0x2c5: {  	v6 =	vmul.f32 v6, v3;
	[tilespmem:s10+$0x9B00] =	vst v9;
	v9 =	vmul.f32 v11, v3  }
0x2c6: {  	[tilespmem:s10+$0x9B10] =	vst v8;
	v8 =	vmul.f32 v12, v3;
	v3 =	vmul.f32 v5, v3  }
0x2c7: {  	[tilespmem:s10+$0x9B50] =	vst v6  }
0x2c8: {  	v2 =	vor.u32 $0x7, v2;
	[tilespmem:s10+$0x9B30] =	vst v7  }
0x2c9: {  	[tilespmem:s10+$0x9B20] =	vst v10;
	v5 =	vld [tilespmem:s10+$0x9BF0]  }
0x2ca: {  	[tilespmem:s10+$0x9B60] =	vst v8;
	v6 =	vld [tilespmem:s10+$0x9BD0]  }
0x2cb: {  	[tilespmem:s10+$0x9B40] =	vst v9;
	v7 =	vld [tilespmem:s10+$0x9BB0]  }
0x2cc: {  	[tilespmem:s10+$0x9B70] =	vst v3;
	v3 =	vld [tilespmem:s10+$0x9B90]  }
0x2cd: {  	v2 =	vld.idx.msk [tilespmem:v2+s17+$0x0], $0xffff  }
0x2ce: {  	v8 =	vld [tilespmem:s10+$0x9B80]  }
0x2cf: {  	v9 =	vld [tilespmem:s10+$0x9BA0]  }
0x2d0: {  	v10 =	vld [tilespmem:s10+$0x9BC0]  }
0x2d1: {  	v11 =	vld [tilespmem:s10+$0x9BE0];
	_ =	sdelay $0x1  }
0x2d2: {  	v3 =	vmul.f32 v3, v2;
	v8 =	vmul.f32 v8, v2  }
0x2d3: {  	v7 =	vmul.f32 v7, v2;
	v9 =	vmul.f32 v9, v2  }
0x2d4: {  	v6 =	vmul.f32 v6, v2;
	[tilespmem:s10+$0x9B80] =	vst v8;
	v8 =	vmul.f32 v10, v2  }
0x2d5: {  	v5 =	vmul.f32 v5, v2;
	v10 =	vand.u32 $0xFFFFFF80, v1;
	[tilespmem:s10+$0x9B90] =	vst v3;
	v3 =	vmul.f32 v11, v2  }
0x2d6: {  	v2 =	vand.u32 $0x78, v1;
	v10 =	vadd.s32 v4, v10;
	[tilespmem:s10+$0x9BD0] =	vst v6  }
0x2d7: {  	v2 =	vor.u32 v2, v10;
	[tilespmem:s10+$0x9BE0] =	vst v3  }
0x2d8: {  	[tilespmem:s10+$0x9BB0] =	vst v7  }
0x2d9: {  	[tilespmem:s10+$0x9BF0] =	vst v5  }
0x2da: {  	[tilespmem:s10+$0x9BA0] =	vst v9  }
0x2db: {  	[tilespmem:s10+$0x9BC0] =	vst v8  }
0x2dc: {  	s10 =	sshra.s32 s13, $0x2;
	v6 =	vld.idx.msk [tilespmem:v2+s17+$0x0], $0xffff  }
0x2dd: {  	v3 =	vld [tilespmem:s10+$0x9840]  }
0x2de: {  	v5 =	vld [tilespmem:s10+$0x9850]  }
0x2df: {  	v7 =	vld [tilespmem:s10+$0x9810]  }
0x2e0: {  	v8 =	vld [tilespmem:s10+$0x9800]  }
0x2e1: {  	v9 =	vld [tilespmem:s10+$0x9820]  }
0x2e2: {  	v10 =	vld [tilespmem:s10+$0x9860]  }
0x2e3: {  	v11 =	vld [tilespmem:s10+$0x9830]  }
0x2e4: {  	v7 =	vmul.f32 v7, v6;
	v12 =	vld [tilespmem:s10+$0x9870]  }
0x2e5: {  	v13 =	vmul.f32 v3, v6;
	v14 =	vmul.f32 v5, v6;
	v3 =	vld [tilespmem:s10+$0x9A60]  }
0x2e6: {  	v8 =	vmul.f32 v8, v6;
	[tilespmem:s10+$0x9810] =	vst v7;
	v7 =	vmul.f32 v9, v6;
	v5 =	vld [tilespmem:s10+$0x9A70]  }
0x2e7: {  	[tilespmem:s10+$0x9840] =	vst v13;
	v9 =	vmul.f32 v10, v6;
	v10 =	vor.u32 $0x1, v2  }
0x2e8: {  	[tilespmem:s10+$0x9800] =	vst v8;
	v8 =	vmul.f32 v11, v6  }
0x2e9: {  	[tilespmem:s10+$0x9850] =	vst v14;
	v6 =	vmul.f32 v12, v6  }
0x2ea: {  	[tilespmem:s10+$0x9820] =	vst v7;
	v7 =	vld [tilespmem:s10+$0x98E0]  }
0x2eb: {  	[tilespmem:s10+$0x9830] =	vst v8;
	v8 =	vld [tilespmem:s10+$0x98F0]  }
0x2ec: {  	[tilespmem:s10+$0x9870] =	vst v6;
	v6 =	vld [tilespmem:s10+$0x98B0]  }
0x2ed: {  	[tilespmem:s10+$0x9860] =	vst v9;
	v9 =	vld [tilespmem:s10+$0x98A0]  }
0x2ee: {  	v10 =	vld.idx.msk [tilespmem:v10+s17+$0x0], $0xffff  }
0x2ef: {  	v11 =	vld [tilespmem:s10+$0x9880]  }
0x2f0: {  	v12 =	vld [tilespmem:s10+$0x9890]  }
0x2f1: {  	v13 =	vld [tilespmem:s10+$0x98C0]  }
0x2f2: {  	v14 =	vld [tilespmem:s10+$0x98D0];
	_ =	sdelay $0x1  }
0x2f3: {  	v9 =	vmul.f32 v9, v10;
	v11 =	vmul.f32 v11, v10  }
0x2f4: {  	v6 =	vmul.f32 v6, v10;
	v12 =	vmul.f32 v12, v10  }
0x2f5: {  	v8 =	vmul.f32 v8, v10;
	[tilespmem:s10+$0x9880] =	vst v11;
	v11 =	vmul.f32 v13, v10  }
0x2f6: {  	v7 =	vmul.f32 v7, v10;
	[tilespmem:s10+$0x9890] =	vst v12;
	v12 =	vmul.f32 v14, v10;
	v10 =	vor.u32 $0x2, v2  }
0x2f7: {  	[tilespmem:s10+$0x98C0] =	vst v11  }
0x2f8: {  	[tilespmem:s10+$0x98F0] =	vst v8  }
0x2f9: {  	[tilespmem:s10+$0x98E0] =	vst v7;
	v7 =	vld [tilespmem:s10+$0x9970]  }
0x2fa: {  	[tilespmem:s10+$0x98B0] =	vst v6;
	v6 =	vld [tilespmem:s10+$0x9950]  }
0x2fb: {  	[tilespmem:s10+$0x98A0] =	vst v9;
	v8 =	vld [tilespmem:s10+$0x9930]  }
0x2fc: {  	[tilespmem:s10+$0x98D0] =	vst v12;
	v9 =	vld [tilespmem:s10+$0x9910]  }
0x2fd: {  	v10 =	vld.idx.msk [tilespmem:v10+s17+$0x0], $0xffff  }
0x2fe: {  	v11 =	vld [tilespmem:s10+$0x9900]  }
0x2ff: {  	v12 =	vld [tilespmem:s10+$0x9920]  }
0x300: {  	v13 =	vld [tilespmem:s10+$0x9940]  }
0x301: {  	v14 =	vld [tilespmem:s10+$0x9960];
	_ =	sdelay $0x1  }
0x302: {  	v9 =	vmul.f32 v9, v10;
	v11 =	vmul.f32 v11, v10  }
0x303: {  	v8 =	vmul.f32 v8, v10;
	v12 =	vmul.f32 v12, v10  }
0x304: {  	v6 =	vmul.f32 v6, v10;
	[tilespmem:s10+$0x9910] =	vst v9;
	v9 =	vmul.f32 v13, v10  }
0x305: {  	v7 =	vmul.f32 v7, v10;
	[tilespmem:s10+$0x9920] =	vst v12;
	v12 =	vmul.f32 v14, v10;
	v10 =	vor.u32 $0x3, v2  }
0x306: {  	[tilespmem:s10+$0x9950] =	vst v6  }
0x307: {  	[tilespmem:s10+$0x9960] =	vst v12  }
0x308: {  	[tilespmem:s10+$0x9970] =	vst v7;
	v6 =	vld [tilespmem:s10+$0x99F0]  }
0x309: {  	[tilespmem:s10+$0x9940] =	vst v9;
	v7 =	vld [tilespmem:s10+$0x99D0]  }
0x30a: {  	[tilespmem:s10+$0x9900] =	vst v11;
	v9 =	vld [tilespmem:s10+$0x99B0]  }
0x30b: {  	[tilespmem:s10+$0x9930] =	vst v8;
	v8 =	vld [tilespmem:s10+$0x9990]  }
0x30c: {  	v10 =	vld.idx.msk [tilespmem:v10+s17+$0x0], $0xffff  }
0x30d: {  	v11 =	vld [tilespmem:s10+$0x9980]  }
0x30e: {  	v12 =	vld [tilespmem:s10+$0x99A0]  }
0x30f: {  	v13 =	vld [tilespmem:s10+$0x99C0]  }
0x310: {  	v14 =	vld [tilespmem:s10+$0x99E0];
	_ =	sdelay $0x1  }
0x311: {  	v8 =	vmul.f32 v8, v10;
	v11 =	vmul.f32 v11, v10  }
0x312: {  	v9 =	vmul.f32 v9, v10;
	v12 =	vmul.f32 v12, v10  }
0x313: {  	[tilespmem:s10+$0x9980] =	vst v11;
	v11 =	vmul.f32 v13, v10;
	v13 =	vmul.f32 v7, v10  }
0x314: {  	v6 =	vmul.f32 v6, v10;
	[tilespmem:s10+$0x99A0] =	vst v12;
	v7 =	vmul.f32 v14, v10  }
0x315: {  	[tilespmem:s10+$0x99C0] =	vst v11  }
0x316: {  	[tilespmem:s10+$0x99F0] =	vst v6  }
0x317: {  	v6 =	vor.u32 $0x4, v2;
	[tilespmem:s10+$0x99E0] =	vst v7  }
0x318: {  	[tilespmem:s10+$0x99B0] =	vst v9  }
0x319: {  	[tilespmem:s10+$0x9990] =	vst v8;
	v7 =	vld [tilespmem:s10+$0x9A50]  }
0x31a: {  	v8 =	vld [tilespmem:s10+$0x9A30]  }
.Ltmp5:
0x31b: {  	[tilespmem:s10+$0x99D0] =	vst v13;
	v9 =	vld [tilespmem:s10+$0x9A10];
	(pc) =	sbr.rel @p0 .LBB2_11-.Ltmp5, $4  }
0x31c: {  	v6 =	vld.idx.msk [tilespmem:v6+s17+$0x0], $0xffff  }
0x31d: {  	v12 =	vld [tilespmem:s10+$0x9A00]  }
0x31e: {  	v10 =	vld [tilespmem:s10+$0x9A20]  }
0x31f: {  	v11 =	vld [tilespmem:s10+$0x9A40]  }
0x320: {  	_ = 	snop  }
0x321: {  	v4 =	vmul.f32 v9, v6  }
0x322: {  	v36 =	vmul.f32 v7, v6  }
0x323: {  	v38 =	vmul.f32 v8, v6;
	[tilespmem:s10+$0x9A10] =	vst v4  }
0x324: {  	v1 =	vmul.f32 v12, v6;
	[tilespmem:s10+$0x9A50] =	vst v36  }
0x325: {  	v3 =	vmul.f32 v3, v6;
	[tilespmem:s10+$0x9A30] =	vst v38  }
0x326: {  	v39 =	vor.u32 $0x5, v2;
	[tilespmem:s10+$0x9A00] =	vst v1;
	v1 =	vmul.f32 v11, v6  }
0x327: {  	v35 =	vmul.f32 v10, v6;
	[tilespmem:s10+$0x9A60] =	vst v3  }
0x328: {  	[tilespmem:s10+$0x9A40] =	vst v1;
	v1 =	vmul.f32 v5, v6  }
0x329: {  	[tilespmem:s10+$0x9A20] =	vst v35  }
0x32a: {  	v41 =	vld [tilespmem:s10+$0x9A80];
	[tilespmem:s10+$0x9A70] =	vst v1  }
0x32b: {  	v3 =	vld.idx.msk [tilespmem:v39+s17+$0x0], $0xffff  }
0x32c: {  	v42 =	vld [tilespmem:s10+$0x9A90]  }
0x32d: {  	v1 =	vld [tilespmem:s10+$0x9AF0]  }
0x32e: {  	v43 =	vld [tilespmem:s10+$0x9AD0]  }
0x32f: {  	v44 =	vld [tilespmem:s10+$0x9AA0]  }
0x330: {  	v40 =	vld [tilespmem:s10+$0x9AB0];
	v6 =	vmul.f32 v41, v3  }
0x331: {  	v37 =	vld [tilespmem:s10+$0x9AE0];
	v7 =	vmul.f32 v42, v3  }
0x332: {  	v45 =	vld [tilespmem:s10+$0x9AC0];
	v1 =	vmul.f32 v1, v3;
	[tilespmem:s10+$0x9A80] =	vst v6  }
0x333: {  	v46 =	vmul.f32 v43, v3;
	[tilespmem:s10+$0x9A90] =	vst v7  }
0x334: {  	v47 =	vmul.f32 v44, v3;
	[tilespmem:s10+$0x9AF0] =	vst v1  }
0x335: {  	v49 =	vor.u32 $0x6, v2;
	v5 =	vmul.f32 v40, v3;
	[tilespmem:s10+$0x9AD0] =	vst v46  }
0x336: {  	v1 =	vmul.f32 v37, v3;
	[tilespmem:s10+$0x9AA0] =	vst v47  }
0x337: {  	v3 =	vmul.f32 v45, v3;
	[tilespmem:s10+$0x9AB0] =	vst v5  }
0x338: {  	[tilespmem:s10+$0x9AE0] =	vst v1  }
0x339: {  	v51 =	vld [tilespmem:s10+$0x9B00];
	[tilespmem:s10+$0x9AC0] =	vst v3  }
0x33a: {  	v3 =	vld.idx.msk [tilespmem:v49+s17+$0x0], $0xffff  }
0x33b: {  	v52 =	vld [tilespmem:s10+$0x9B10]  }
0x33c: {  	v1 =	vld [tilespmem:s10+$0x9B50]  }
0x33d: {  	v50 =	vld [tilespmem:s10+$0x9B30]  }
0x33e: {  	v53 =	vld [tilespmem:s10+$0x9B20]  }
0x33f: {  	v54 =	vld [tilespmem:s10+$0x9B40];
	v6 =	vmul.f32 v51, v3  }
0x340: {  	v55 =	vld [tilespmem:s10+$0x9B60];
	v7 =	vmul.f32 v52, v3  }
0x341: {  	v48 =	vld [tilespmem:s10+$0x9B70];
	v1 =	vmul.f32 v1, v3;
	[tilespmem:s10+$0x9B00] =	vst v6  }
0x342: {  	v5 =	vmul.f32 v50, v3;
	[tilespmem:s10+$0x9B10] =	vst v7  }
0x343: {  	v56 =	vmul.f32 v53, v3;
	[tilespmem:s10+$0x9B50] =	vst v1  }
0x344: {  	v2 =	vor.u32 $0x7, v2;
	v58 =	vmul.f32 v54, v3;
	[tilespmem:s10+$0x9B30] =	vst v5  }
0x345: {  	v1 =	vmul.f32 v55, v3;
	[tilespmem:s10+$0x9B20] =	vst v56  }
0x346: {  	v3 =	vmul.f32 v48, v3;
	[tilespmem:s10+$0x9B40] =	vst v58  }
0x347: {  	[tilespmem:s10+$0x9B60] =	vst v1  }
0x348: {  	[tilespmem:s10+$0x9B70] =	vst v3;
	v3 =	vld [tilespmem:s10+$0x9B80]  }
0x349: {  	v2 =	vld.idx.msk [tilespmem:v2+s17+$0x0], $0xffff  }
0x34a: {  	v60 =	vld [tilespmem:s10+$0x9B90]  }
0x34b: {  	v1 =	vld [tilespmem:s10+$0x9BD0]  }
0x34c: {  	v59 =	vld [tilespmem:s10+$0x9BB0]  }
0x34d: {  	v61 =	vld [tilespmem:s10+$0x9BE0]  }
0x34e: {  	v57 =	vld [tilespmem:s10+$0x9BF0];
	v3 =	vmul.f32 v3, v2  }
0x34f: {  	v62 =	vld [tilespmem:s10+$0x9BA0];
	v6 =	vmul.f32 v60, v2  }
0x350: {  	v63 =	vld [tilespmem:s10+$0x9BC0];
	v1 =	vmul.f32 v1, v2;
	[tilespmem:s10+$0x9B80] =	vst v3  }
0x351: {  	v4 =	vmul.f32 v59, v2;
	[tilespmem:s10+$0x9B90] =	vst v6  }
0x352: {  	v3 =	vmul.f32 v61, v2;
	[tilespmem:s10+$0x9BD0] =	vst v1  }
0x353: {  	v1 =	vmul.f32 v57, v2;
	[tilespmem:s10+$0x9BB0] =	vst v4  }
0x354: {  	[tilespmem:s10+$0x9BE0] =	vst v3;
	v3 =	vmul.f32 v62, v2  }
0x355: {  	v2 =	vmul.f32 v63, v2;
	[tilespmem:s10+$0x9BF0] =	vst v1  }
0x356: {  	p0 =	seq.s32 s8, $0x37;
	[tilespmem:s10+$0x9BA0] =	vst v3  }
0x357: {  	s11 =	simm.s32 @!p0 $0x4;
	[tilespmem:s10+$0x9BC0] =	vst v2;
	s10 =	smul.u32 @!p0 $0xC0, s8  }
0x358: {  	[spmem:s3] =	stream.indirect.scatter.add.f32 [tilespmem:s23], [sflag:$0x6], $0x80, s30, s18, $0xb8;
	[tilespmem:$0x1F780] =	vst v63  }
0x359: {  	_ =	swait.ge @!p0 [sflag:s11], $0x2000  }
0x35a: {  	s13 =	sadd.s32 @!p0 $0xC0, s10;
	[sflag:s11] =	ssyncset.done @!p0 $0x0  }
0x35b: {  	[sflag:s11] =	ssyncadd.s32 @!p0 $0xFFFFE000;
	s11 =	sand.u32 @!p0 $0x7FC0, s13  }
0x35c: {  	v1 =	vld @!p0 [tilespmem:s11+$0x0];
	_ =	sdelay $0x4  }
0x35d: {  	v2 =	vshrl.u32 @!p0 v1, $0xE  }
0x35e: {  	v1 =	vand.u32 @!p0 $0x3FFF, v1;
	[tilespmem:$0xB800] =	vst @!p0 v2  }
0x35f: {  	[tilespmem:$0xBA00] =	vst @!p0 v1  }
0x360: {  	v1 =	vld @!p0 [tilespmem:s11+$0x10];
	_ =	sdelay $0x4  }
0x361: {  	v2 =	vshrl.u32 @!p0 v1, $0xE  }
0x362: {  	v1 =	vand.u32 @!p0 $0x3FFF, v1;
	[tilespmem:$0xB810] =	vst @!p0 v2  }
0x363: {  	[tilespmem:$0xBA10] =	vst @!p0 v1  }
0x364: {  	v1 =	vld @!p0 [tilespmem:s11+$0x20];
	_ =	sdelay $0x4  }
0x365: {  	v2 =	vshrl.u32 @!p0 v1, $0xE  }
0x366: {  	v1 =	vand.u32 @!p0 $0x3FFF, v1;
	[tilespmem:$0xB820] =	vst @!p0 v2  }
0x367: {  	[tilespmem:$0xBA20] =	vst @!p0 v1  }
0x368: {  	v1 =	vld @!p0 [tilespmem:s11+$0x30];
	_ =	sdelay $0x4  }
0x369: {  	v2 =	vshrl.u32 @!p0 v1, $0xE  }
0x36a: {  	v1 =	vand.u32 @!p0 $0x3FFF, v1;
	[tilespmem:$0xB830] =	vst @!p0 v2  }
0x36b: {  	s31 =	simm.s32 @!p0 $0x5800;
	s13 =	simm.s32 @!p0 $0xB800;
	s11 =	simm.s32 @!p0 $0x40;
	[tilespmem:$0xBA30] =	vst @!p0 v1  }
0x36c: {  	[tilespmem:s31], [sflag:$0x1] =	stream.indirect.gather @!p0 [hbm4b:s14+s11], $0x80, s13, s11, $0xb8;
	[tilespmem:$0x1F780] =	vst v63  }
0x36d: {  	s13 =	simm.s32 @!p0 $0x5  }
0x36e: {  	s31 =	sadd.s32 @!p0 $0x100, s10;
	_ =	swait.ge @!p0 [sflag:s13], $0x2000  }
0x36f: {  	s31 =	sand.u32 @!p0 $0x7F80, s31;
	[sflag:s13] =	ssyncset.done @!p0 $0x0  }
0x370: {  	s9 =	sor.u32 @!p0 s9, s31;
	[sflag:s13] =	ssyncadd.s32 @!p0 $0xFFFFE000  }
0x371: {  	v1 =	vld @!p0 [tilespmem:s9+$0x0];
	_ =	sdelay $0x4  }
0x372: {  	v2 =	vshrl.u32 @!p0 v1, $0xE  }
0x373: {  	v1 =	vand.u32 @!p0 $0x3FFF, v1;
	[tilespmem:$0xB880] =	vst @!p0 v2  }
0x374: {  	[tilespmem:$0xBA80] =	vst @!p0 v1  }
0x375: {  	v1 =	vld @!p0 [tilespmem:s9+$0x10];
	_ =	sdelay $0x4  }
0x376: {  	v2 =	vshrl.u32 @!p0 v1, $0xE  }
0x377: {  	v1 =	vand.u32 @!p0 $0x3FFF, v1;
	[tilespmem:$0xB890] =	vst @!p0 v2  }
0x378: {  	[tilespmem:$0xBA90] =	vst @!p0 v1  }
0x379: {  	v1 =	vld @!p0 [tilespmem:s9+$0x20];
	_ =	sdelay $0x4  }
0x37a: {  	v2 =	vshrl.u32 @!p0 v1, $0xE  }
0x37b: {  	v1 =	vand.u32 @!p0 $0x3FFF, v1;
	[tilespmem:$0xB8A0] =	vst @!p0 v2  }
0x37c: {  	[tilespmem:$0xBAA0] =	vst @!p0 v1  }
0x37d: {  	v1 =	vld @!p0 [tilespmem:s9+$0x30];
	_ =	sdelay $0x4  }
0x37e: {  	v2 =	vshrl.u32 @!p0 v1, $0xE  }
0x37f: {  	v1 =	vand.u32 @!p0 $0x3FFF, v1;
	[tilespmem:$0xB8B0] =	vst @!p0 v2  }
0x380: {  	s13 =	simm.s32 @!p0 $0x7800;
	s9 =	simm.s32 @!p0 $0xB880;
	[tilespmem:$0xBAB0] =	vst @!p0 v1  }
0x381: {  	[tilespmem:s13], [sflag:$0x2] =	stream.indirect.gather @!p0 [hbm4b:s14+s11], $0x80, s9, s11, $0xb8;
	[tilespmem:$0x1F780] =	vst v63  }
0x382: {  	s9 =	simm.s32 @!p0 $0x6  }
0x383: {  	_ =	swait.ge @!p0 [sflag:s9], $0x2000  }
0x384: {  	s10 =	sadd.s32 @!p0 $0x140, s10;
	[sflag:s9] =	ssyncset.done @!p0 $0x0  }
0x385: {  	[sflag:s9] =	ssyncadd.s32 @!p0 $0xFFFFE000;
	s9 =	sand.u32 @!p0 $0x7FC0, s10  }
0x386: {  	v1 =	vld @!p0 [tilespmem:s9+$0x0];
	_ =	sdelay $0x4  }
0x387: {  	v2 =	vshrl.u32 @!p0 v1, $0xE  }
0x388: {  	v1 =	vand.u32 @!p0 $0x3FFF, v1;
	[tilespmem:$0xB900] =	vst @!p0 v2  }
0x389: {  	[tilespmem:$0xBB00] =	vst @!p0 v1  }
0x38a: {  	v1 =	vld @!p0 [tilespmem:s9+$0x10];
	_ =	sdelay $0x4  }
0x38b: {  	v2 =	vshrl.u32 @!p0 v1, $0xE  }
0x38c: {  	v1 =	vand.u32 @!p0 $0x3FFF, v1;
	[tilespmem:$0xB910] =	vst @!p0 v2  }
0x38d: {  	[tilespmem:$0xBB10] =	vst @!p0 v1  }
0x38e: {  	v1 =	vld @!p0 [tilespmem:s9+$0x20];
	_ =	sdelay $0x4  }
0x38f: {  	v2 =	vshrl.u32 @!p0 v1, $0xE  }
0x390: {  	v1 =	vand.u32 @!p0 $0x3FFF, v1;
	[tilespmem:$0xB920] =	vst @!p0 v2  }
0x391: {  	[tilespmem:$0xBB20] =	vst @!p0 v1  }
0x392: {  	v1 =	vld @!p0 [tilespmem:s9+$0x30];
	_ =	sdelay $0x4  }
0x393: {  	v2 =	vshrl.u32 @!p0 v1, $0xE  }
0x394: {  	s8 =	sadd.s32 @!p0 $0x1, s8;
	v1 =	vand.u32 @!p0 $0x3FFF, v1;
	[tilespmem:$0xB930] =	vst @!p0 v2  }
0x395: {  	p1 =	sne.s32 @!p0 s8, $0x38;
	s10 =	simm.s32 @!p0 $0x9800;
	s9 =	simm.s32 @!p0 $0xB900;
	[tilespmem:$0xBB30] =	vst @!p0 v1  }
0x396: {  	[tilespmem:s10], [sflag:$0x3] =	stream.indirect.gather @!p0 [hbm4b:s14+s11], $0x80, s9, s11, $0xb8;
	[tilespmem:$0x1F780] =	vst v63  }
0x397: {  	p0 =	por p0, !p1  }
.Ltmp6:
0x398: {  	_ = 	snop;
	(pc) =	sbr.rel @!p0 .LBB2_6-.Ltmp6, $1  }
0x399: {  	_ =	sdelay $0x3  }
0x39a: {  	s8 =	simm.s32 $0x4  }
0x39b: {  	_ =	swait.ge [sflag:s8], $0x2000  }
0x39c: {  	[sflag:s8] =	ssyncset.done $0x0  }
0x39d: {  	[sflag:s8] =	ssyncadd.s32 $0xFFFFE000  }
0x39e: {  	_ =	swait.ge [sflag:s0], $0x2000  }
0x39f: {  	[sflag:s0] =	ssyncset.done $0x0  }
0x3a0: {  	[sflag:s0] =	ssyncadd.s32 $0xFFFFE000  }
0x3a1: {  	_ =	swait.ge [sflag:s2], $0x2000  }
0x3a2: {  	[sflag:s2] =	ssyncset.done $0x0  }
0x3a3: {  	[sflag:s2] =	ssyncadd.s32 $0xFFFFE000  }
0x3a4: {  	[bflag:$0x0] =	sbarrier.arrive $0xFFFF  }
0x3a5: {  	s8 =	simm.s32 $0x0;
	s9 =	rddreg [dreg:$0x7]  }
0x3a6: {  	[tilespmem:s19], [sflag:$0x7] =	stream.linear.gather [hbm4b:s9+s8], $0x280, $0x38;
	[tilespmem:$0x1F780] =	vst v63  }
0x3a7: {  	_ =	swait.ge [sflag:s16], $0x280  }
0x3a8: {  	[sflag:s16] =	ssyncset.done $0x0  }
0x3a9: {  	s10 =	simm.s32 $0xBE80;
	s31 =	rddreg [dreg:$0x8];
	[sflag:s16] =	ssyncadd.s32 $0xFFFFFD80  }
0x3aa: {  	[tilespmem:s10], [sflag:$0x7] =	stream.linear.gather [hbm4b:s31+s8], $0x80, $0x38;
	[tilespmem:$0x1F780] =	vst v63  }
0x3ab: {  	_ =	swait.ge [sflag:s16], $0x80  }
0x3ac: {  	[sflag:s16] =	ssyncset.done $0x0  }
0x3ad: {  	s9 =	simm.s32 $0x0;
	[sflag:s16] =	ssyncadd.s32 $0xFFFFFF80  }
.LBB2_14:
0x3ae: {  	s10 =	sshll.u32 s9, $0x4  }
0x3af: {  	s10 =	sadd.s32 s5, s10  }
0x3b0: {  	s11 =	sshll.u32 s10, $0x9  }
0x3b1: {  	s13 =	sadd.s32 $0x0, s8;
	s11 =	sshra.s32 s11, $0x2  }
0x3b2: {  	v1 =	vmov s13;
	s11 =	sadd.s32 s11, s3  }
0x3b3: {  	[tilespmem:s15], [sflag:$0x7] =	stream.linear.gather [spmem:s11], $0x800, $0x38;
	[tilespmem:$0x1F780] =	vst v63  }
0x3b4: {  	_ =	swait.ge [sflag:s16], $0x800  }
0x3b5: {  	[sflag:s16] =	ssyncset.done $0x0  }
0x3b6: {  	[sflag:s16] =	ssyncadd.s32 $0xFFFFF800  }
0x3b7: {  	s11 =	simm.s32 $0x5840;
	v1 =	vld.idx.msk [tilespmem:v1+s19+$0x0], $0xffff  }
0x3b8: {  	v2 =	vld [tilespmem:s11+$0xFFFFFFC0];
	_ =	sdelay $0x1  }
0x3b9: {  	v3 =	vld [tilespmem:$0xBE80];
	_ =	sdelay $0x2  }
0x3ba: {  	v2 =	vmul.f32 v2, v1;
	_ =	sdelay $0x1  }
0x3bb: {  	v2 =	vadd.f32 v3, v2  }
0x3bc: {  	v3 =	vld [tilespmem:s11+$0xFFFFFFD0]  }
0x3bd: {  	[tilespmem:s11+$0xFFFFFFC0] =	vst v2  }
0x3be: {  	v2 =	vld [tilespmem:$0xBE90];
	_ =	sdelay $0x2  }
0x3bf: {  	v3 =	vmul.f32 v3, v1;
	_ =	sdelay $0x1  }
0x3c0: {  	v2 =	vadd.f32 v2, v3  }
0x3c1: {  	v3 =	vld [tilespmem:s11+$0xFFFFFFE0]  }
0x3c2: {  	[tilespmem:s11+$0xFFFFFFD0] =	vst v2  }
0x3c3: {  	v2 =	vld [tilespmem:$0xBEA0];
	_ =	sdelay $0x2  }
0x3c4: {  	v3 =	vmul.f32 v3, v1;
	_ =	sdelay $0x1  }
0x3c5: {  	v2 =	vadd.f32 v2, v3  }
0x3c6: {  	v3 =	vld [tilespmem:s11+$0xFFFFFFF0]  }
0x3c7: {  	[tilespmem:s11+$0xFFFFFFE0] =	vst v2  }
0x3c8: {  	v2 =	vld [tilespmem:$0xBEB0];
	_ =	sdelay $0x2  }
0x3c9: {  	v3 =	vmul.f32 v3, v1;
	_ =	sdelay $0x1  }
0x3ca: {  	v2 =	vadd.f32 v2, v3  }
0x3cb: {  	v3 =	vld [tilespmem:s11+$0x0]  }
0x3cc: {  	[tilespmem:s11+$0xFFFFFFF0] =	vst v2  }
0x3cd: {  	v2 =	vld [tilespmem:$0xBEC0];
	_ =	sdelay $0x2  }
0x3ce: {  	v3 =	vmul.f32 v3, v1;
	_ =	sdelay $0x1  }
0x3cf: {  	v2 =	vadd.f32 v2, v3  }
0x3d0: {  	v3 =	vld [tilespmem:s11+$0x10]  }
0x3d1: {  	[tilespmem:s11+$0x0] =	vst v2  }
0x3d2: {  	v2 =	vld [tilespmem:$0xBED0];
	_ =	sdelay $0x2  }
0x3d3: {  	v3 =	vmul.f32 v3, v1;
	_ =	sdelay $0x1  }
0x3d4: {  	v2 =	vadd.f32 v2, v3  }
0x3d5: {  	v3 =	vld [tilespmem:s11+$0x20]  }
0x3d6: {  	[tilespmem:s11+$0x10] =	vst v2  }
0x3d7: {  	v2 =	vld [tilespmem:$0xBEE0];
	_ =	sdelay $0x2  }
0x3d8: {  	v3 =	vmul.f32 v3, v1;
	_ =	sdelay $0x1  }
0x3d9: {  	v2 =	vadd.f32 v2, v3  }
0x3da: {  	v3 =	vld [tilespmem:s11+$0x30]  }
0x3db: {  	[tilespmem:s11+$0x20] =	vst v2  }
0x3dc: {  	v2 =	vld [tilespmem:$0xBEF0];
	_ =	sdelay $0x1  }
0x3dd: {  	s31 =	sadd.s32 $0x1, s8  }
0x3de: {  	v3 =	vmul.f32 v3, v1;
	v1 =	vmov s31;
	_ =	sdelay $0x1  }
0x3df: {  	s13 =	simm.s32 $0x2;
	v2 =	vadd.f32 v2, v3  }
.LBB2_15:
0x3e0: {  	p0 =	sne.s32 s13, $0xF  }
0x3e1: {  	s31 =	smov.u32 s13;
	s13 =	sadd.s32 $0x1, s13;
	[tilespmem:s11+$0x30] =	vst v2;
	s11 =	sadd.s32 $0x80, s11  }
0x3e2: {  	v2 =	vld.idx.msk [tilespmem:v1+s19+$0x0], $0xffff  }
0x3e3: {  	v1 =	vld [tilespmem:s11+$0xFFFFFFC0];
	_ =	sdelay $0x1  }
0x3e4: {  	v3 =	vld [tilespmem:$0xBE80];
	_ =	sdelay $0x2  }
0x3e5: {  	v1 =	vmul.f32 v1, v2;
	_ =	sdelay $0x1  }
0x3e6: {  	v1 =	vadd.f32 v3, v1  }
0x3e7: {  	v3 =	vld [tilespmem:s11+$0xFFFFFFD0]  }
0x3e8: {  	[tilespmem:s11+$0xFFFFFFC0] =	vst v1  }
0x3e9: {  	v1 =	vld [tilespmem:$0xBE90];
	_ =	sdelay $0x2  }
0x3ea: {  	v3 =	vmul.f32 v3, v2;
	_ =	sdelay $0x1  }
0x3eb: {  	v1 =	vadd.f32 v1, v3  }
0x3ec: {  	v3 =	vld [tilespmem:s11+$0xFFFFFFE0]  }
0x3ed: {  	[tilespmem:s11+$0xFFFFFFD0] =	vst v1  }
0x3ee: {  	v1 =	vld [tilespmem:$0xBEA0];
	_ =	sdelay $0x2  }
0x3ef: {  	v3 =	vmul.f32 v3, v2;
	_ =	sdelay $0x1  }
0x3f0: {  	v1 =	vadd.f32 v1, v3  }
0x3f1: {  	v3 =	vld [tilespmem:s11+$0xFFFFFFF0]  }
0x3f2: {  	[tilespmem:s11+$0xFFFFFFE0] =	vst v1  }
0x3f3: {  	v1 =	vld [tilespmem:$0xBEB0];
	_ =	sdelay $0x2  }
0x3f4: {  	v3 =	vmul.f32 v3, v2;
	_ =	sdelay $0x1  }
0x3f5: {  	v1 =	vadd.f32 v1, v3  }
0x3f6: {  	v3 =	vld [tilespmem:s11+$0x0]  }
0x3f7: {  	[tilespmem:s11+$0xFFFFFFF0] =	vst v1  }
0x3f8: {  	v1 =	vld [tilespmem:$0xBEC0];
	_ =	sdelay $0x2  }
0x3f9: {  	v3 =	vmul.f32 v3, v2;
	_ =	sdelay $0x1  }
0x3fa: {  	v1 =	vadd.f32 v1, v3  }
0x3fb: {  	v3 =	vld [tilespmem:s11+$0x10]  }
0x3fc: {  	[tilespmem:s11+$0x0] =	vst v1  }
0x3fd: {  	v1 =	vld [tilespmem:$0xBED0];
	_ =	sdelay $0x2  }
0x3fe: {  	v3 =	vmul.f32 v3, v2;
	_ =	sdelay $0x1  }
0x3ff: {  	v1 =	vadd.f32 v1, v3  }
0x400: {  	v3 =	vld [tilespmem:s11+$0x20]  }
0x401: {  	[tilespmem:s11+$0x10] =	vst v1  }
0x402: {  	v1 =	vld [tilespmem:$0xBEE0];
	_ =	sdelay $0x2  }
0x403: {  	v3 =	vmul.f32 v3, v2;
	_ =	sdelay $0x1  }
0x404: {  	v1 =	vadd.f32 v1, v3  }
0x405: {  	v3 =	vld [tilespmem:s11+$0x30]  }
0x406: {  	[tilespmem:s11+$0x20] =	vst v1  }
0x407: {  	v4 =	vld [tilespmem:$0xBEF0]  }
.Ltmp7:
0x408: {  	(pc) =	sbr.rel @p0 .LBB2_15-.Ltmp7, $3  }
0x409: {  	s31 =	sadd.s32 s31, s8  }
0x40a: {  	v1 =	vmov s31;
	v2 =	vmul.f32 v3, v2;
	_ =	sdelay $0x1  }
0x40b: {  	v2 =	vadd.f32 v4, v2  }
0x40c: {  	_ =	sdelay $0x1  }
0x40d: {  	s31 =	sadd.s32 $0x80, s11  }
0x40e: {  	[tilespmem:s11+$0x30] =	vst v2;
	v2 =	vld [tilespmem:s31+$0xFFFFFFC0]  }
0x40f: {  	v1 =	vld.idx.msk [tilespmem:v1+s19+$0x0], $0xffff;
	_ =	sdelay $0x1  }
0x410: {  	v3 =	vld [tilespmem:$0xBE80];
	_ =	sdelay $0x2  }
0x411: {  	v2 =	vmul.f32 v2, v1;
	_ =	sdelay $0x1  }
0x412: {  	v2 =	vadd.f32 v3, v2  }
0x413: {  	v3 =	vld [tilespmem:s31+$0xFFFFFFD0]  }
0x414: {  	[tilespmem:s31+$0xFFFFFFC0] =	vst v2  }
0x415: {  	v2 =	vld [tilespmem:$0xBE90];
	_ =	sdelay $0x2  }
0x416: {  	v3 =	vmul.f32 v3, v1;
	_ =	sdelay $0x1  }
0x417: {  	v2 =	vadd.f32 v2, v3  }
0x418: {  	v3 =	vld [tilespmem:s31+$0xFFFFFFE0]  }
0x419: {  	[tilespmem:s31+$0xFFFFFFD0] =	vst v2  }
0x41a: {  	v2 =	vld [tilespmem:$0xBEA0];
	_ =	sdelay $0x2  }
0x41b: {  	v3 =	vmul.f32 v3, v1;
	_ =	sdelay $0x1  }
0x41c: {  	v2 =	vadd.f32 v2, v3  }
0x41d: {  	v3 =	vld [tilespmem:s31+$0xFFFFFFF0]  }
0x41e: {  	[tilespmem:s31+$0xFFFFFFE0] =	vst v2  }
0x41f: {  	v2 =	vld [tilespmem:$0xBEB0];
	_ =	sdelay $0x2  }
0x420: {  	v3 =	vmul.f32 v3, v1;
	_ =	sdelay $0x1  }
0x421: {  	v2 =	vadd.f32 v2, v3  }
0x422: {  	v3 =	vld [tilespmem:s31+$0x0]  }
0x423: {  	[tilespmem:s31+$0xFFFFFFF0] =	vst v2  }
0x424: {  	v2 =	vld [tilespmem:$0xBEC0];
	_ =	sdelay $0x2  }
0x425: {  	v3 =	vmul.f32 v3, v1;
	_ =	sdelay $0x1  }
0x426: {  	v2 =	vadd.f32 v2, v3  }
0x427: {  	v3 =	vld [tilespmem:s31+$0x10]  }
0x428: {  	[tilespmem:s31+$0x0] =	vst v2  }
0x429: {  	v2 =	vld [tilespmem:$0xBED0];
	_ =	sdelay $0x2  }
0x42a: {  	v3 =	vmul.f32 v3, v1;
	_ =	sdelay $0x1  }
0x42b: {  	v2 =	vadd.f32 v2, v3  }
0x42c: {  	v3 =	vld [tilespmem:s31+$0x20]  }
0x42d: {  	[tilespmem:s31+$0x10] =	vst v2  }
0x42e: {  	v2 =	vld [tilespmem:$0xBEE0];
	_ =	sdelay $0x2  }
0x42f: {  	v3 =	vmul.f32 v3, v1;
	_ =	sdelay $0x1  }
0x430: {  	v2 =	vadd.f32 v2, v3  }
0x431: {  	v3 =	vld [tilespmem:s31+$0x30]  }
0x432: {  	[tilespmem:s31+$0x20] =	vst v2  }
0x433: {  	v2 =	vld [tilespmem:$0xBEF0];
	_ =	sdelay $0x2  }
0x434: {  	v1 =	vmul.f32 v3, v1  }
0x435: {  	s10 =	sshll.u32 s10, $0x8  }
0x436: {  	s9 =	sadd.s32 $0x1, s9;
	s10 =	sor.u32 s12, s10;
	v1 =	vadd.f32 v2, v1  }
0x437: {  	p0 =	sne.s32 s9, s6;
	s10 =	sshrl.u32 s10, $0x3  }
.Ltmp8:
0x438: {  	s10 =	sadd.s32 s1, s10;
	[tilespmem:s31+$0x30] =	vst v1;
	(pc) =	sbr.rel @p0 .LBB2_14-.Ltmp8, $4  }
0x439: {  	[hbm4b:s10+s22] =	stream.strided.scatter [tilespmem:s15], [sflag:$0x7], $0x800, s20, s22, $0x38;
	[tilespmem:$0x1F780] =	vst v63  }
0x43a: {  	_ =	swait.ge [sflag:s16], $0x800  }
0x43b: {  	[sflag:s16] =	ssyncset.done $0x0  }
0x43c: {  	s8 =	sadd.s32 $0x10, s8;
	[sflag:s16] =	ssyncadd.s32 $0xFFFFF800  }
0x43d: {  	s4 =	sadd.s32 $0x1, s4;
	s8 =	rddreg [dreg:$0x9]  }
0x43e: {  	p0 =	sne.s32 s4, s8  }
.Ltmp9:
0x43f: {  	_ = 	snop;
	(pc) =	sbr.rel @p0 .LBB2_1-.Ltmp9, $1  }
0x440: {  	_ =	sdelay $0x3  }
0x441: {  	_ =	sfence.sel $0x180000  }
0x442: {  	[bflag:$0x0] =	sbarrier.arrive $0xFFFF  }
0x443: {  	_ =	strace $0x9000004A  }
0x444: {  	s0 =	stileid.u32;
	[bflag:$0x2] =	sbarrier.arrive $0xFFFF  }
0x445: {  	p0 =	sne.s32 s0, $0x0;
	s0 =	rddreg [dreg:$0x4]  }
0x446: {  	s0 =	sadd.s32 @!p0 $0x100000, s0  }
0x447: {  	[sflag:s0] =	ssyncadd.tile.s32 @!p0 $0x1;
	_ =	shalt  }
.Lfunc_end2:
_tile_overlayer_lowered:
.L_overlay_start_2:
0x448: {  	(tag) =	ssettag $0x2  }
0x449: {  	s0 =	rddreg [dreg:$0x0];
	s2 =	stileid.u32  }
0x44a: {  	s1 =	rddreg [dreg:$0x1];
	p0 =	sne.s32 s2, $0x0  }
0x44b: {  	s3 =	rddreg [dreg:$0x2];
	[bflag:$0x3] =	sbarrier.arrive $0xFFFF;
	s2 =	simm.s32 @!p0 $0x1C07  }
0x44c: {  	[timem:s3], [sflag:s2] =	dma.local @!p0 [hbm:s0], s1  }
0x44d: {  	s0 =	simm.s32 @!p0 $0x7  }
0x44e: {  	_ =	swait.ge @!p0 [sflag:s0], s1  }
0x44f: {  	s1 =	ssub.s32 @!p0 $0x0, s1;
	[sflag:s0] =	ssyncset.done @!p0 $0x0  }
0x450: {  	[sflag:s0] =	ssyncadd.s32 @!p0 s1  }
0x451: {  	[bflag:$0x3] =	sbarrier.arrive $0xFFFF  }
0x452: {  	_ =	shalt  }

</sc_bundles>
